<compile_context>
chip_gen: v7x
topology: tpu7x:2x2x1
jax: 0.10.2.dev20260603
libtpu: 0.0.44.dev20260713+nightly
codegen_flags: <defaults>
</compile_context>

<pallas_src>
import functools

import jax
import jax.numpy as jnp
from jax import lax
from jax.experimental import pallas as pl
from jax.experimental.pallas import tpu as pltpu
from jax.experimental.pallas import tpu_sc as plsc

EMB = 64
NC, NS, L = 2, 16, 16
NW = NC * NS


def _sc_gather4(user_ids, artist_ids, gmf_user, gmf_artist, mlp_user, mlp_artist):
    B = user_ids.shape[0]
    b_per_w = B // NW
    CH = b_per_w // 2
    mesh = plsc.VectorSubcoreMesh(core_axis_name="c", subcore_axis_name="s")

    @functools.partial(
        pl.kernel,
        out_type=[jax.ShapeDtypeStruct((B, EMB), jnp.float32)] * 4,
        mesh=mesh,
        scratch_types=[
            pltpu.VMEM((b_per_w,), jnp.int32),
            pltpu.VMEM((b_per_w,), jnp.int32),
            pltpu.VMEM((CH, EMB), jnp.float32),
            pltpu.VMEM((CH, EMB), jnp.float32),
            pltpu.SemaphoreType.DMA,
            pltpu.SemaphoreType.DMA,
        ],
    )
    def gather_kernel(uid, aid, gu, ga, mu, ma, o_gu, o_ga, o_mu, o_ma,
                      idx_u, idx_a, rows0, rows1, sem0, sem1):
        wid = lax.axis_index("s") * NC + lax.axis_index("c")
        base = wid * b_per_w

        def fire(task, buf):
            table, idx_v, _, chunk = task
            rows, sem = buf

            def lbody(g, carry):
                vec = idx_v[pl.ds(chunk * CH + g * L, L)]
                for k in range(L):
                    pltpu.async_copy(table.at[pl.ds(vec[k], 1)],
                                     rows.at[pl.ds(g * L + k, 1)], sem)
                return carry
            lax.fori_loop(0, CH // L, lbody, 0)

        def finish(task, buf):
            table, _, out, chunk = task
            rows, sem = buf
            pltpu.make_async_copy(table.at[pl.ds(0, CH)], rows, sem).wait()
            pltpu.sync_copy(rows, out.at[pl.ds(base + chunk * CH, CH)])

        pltpu.sync_copy(uid.at[pl.ds(base, b_per_w)], idx_u)
        pltpu.sync_copy(aid.at[pl.ds(base, b_per_w)], idx_a)

        tasks = [(t, iv, o, c)
                 for (t, iv, o) in ((gu, idx_u, o_gu), (ga, idx_a, o_ga),
                                    (mu, idx_u, o_mu), (ma, idx_a, o_ma))
                 for c in (0, 1)]
        bufs = [(rows0, sem0), (rows1, sem1)]
        for k, task in enumerate(tasks):
            if k >= 2:
                finish(tasks[k - 2], bufs[k % 2])
            fire(task, bufs[k % 2])
        finish(tasks[-2], bufs[0])
        finish(tasks[-1], bufs[1])

    return gather_kernel(user_ids, artist_ids, gmf_user, gmf_artist,
                         mlp_user, mlp_artist)


def _tc_mlp(gmf_u, gmf_a, mlp_u, mlp_a, W1, b1, W2, b2, W3, b3, Wf, bf):
    B = gmf_u.shape[0]
    BB = 2048
    w1u = W1[:, :EMB].T
    w1a = W1[:, EMB:].T
    w2t = W2.T
    w3t = W3.T
    wfg = Wf[:, :EMB]
    wfh = Wf[:, EMB:]
    b1r = b1.reshape(1, -1)
    b2r = b2.reshape(1, -1)
    b3r = b3.reshape(1, -1)
    bfr = bf.reshape(1, 1)

    def body(gu, ga, mu, ma, w1u_r, w1a_r, w2_r, w3_r, wfg_r, wfh_r,
             b1_r, b2_r, b3_r, bf_r, out_r):
        dot = functools.partial(jnp.dot, preferred_element_type=jnp.float32)
        h = jnp.maximum(dot(mu[...], w1u_r[...]) + dot(ma[...], w1a_r[...])
                        + b1_r[...], 0.0)
        h = jnp.maximum(dot(h, w2_r[...]) + b2_r[...], 0.0)
        h = jnp.maximum(dot(h, w3_r[...]) + b3_r[...], 0.0)
        g = jnp.sum(gu[...] * ga[...] * wfg_r[...], axis=1, keepdims=True)
        m = jnp.sum(h * wfh_r[...], axis=1, keepdims=True)
        out_r[...] = jax.nn.sigmoid(g + m + bf_r[...])

    full = lambda a: pl.BlockSpec(a.shape, lambda i: (0, 0))
    blk = pl.BlockSpec((BB, EMB), lambda i: (i, 0))
    out = pl.pallas_call(
        body,
        grid=(B // BB,),
        in_specs=[blk, blk, blk, blk,
                  full(w1u), full(w1a), full(w2t), full(w3t),
                  full(wfg), full(wfh), full(b1r), full(b2r), full(b3r),
                  full(bfr)],
        out_specs=pl.BlockSpec((BB, 1), lambda i: (i, 0)),
        out_shape=jax.ShapeDtypeStruct((B, 1), jnp.float32),
    )(gmf_u, gmf_a, mlp_u, mlp_a, w1u, w1a, w2t, w3t, wfg, wfh,
      b1r, b2r, b3r, bfr)
    return out[:, 0]


def kernel(user_ids, artist_ids, gmf_user, gmf_artist, mlp_user, mlp_artist,
           W1, b1, W2, b2, W3, b3, Wf, bf):
    gu, ga, mu, ma = _sc_gather4(user_ids, artist_ids, gmf_user, gmf_artist,
                                 mlp_user, mlp_artist)
    return _tc_mlp(gu, ga, mu, ma, W1, b1, W2, b2, W3, b3, Wf, bf)

# --- scband reference (transcript-rebuilt; emitter-appended) ---
"""Pipeline reference for scband-neural-cf-16423954940675 (READ-ONLY COPY).

The authoritative reference and input builder live on the scoring server;
editing this copy changes nothing except your own understanding.
"""

import jax, jax.numpy as jnp
import numpy as np

N_USERS = 1000000
N_ARTISTS = 100000
EMB = 64
HIDDEN = [128, 64, 32]
BATCH = 16384


def _xavier(key, out_dim, in_dim):
    limit = float(np.sqrt(6.0 / (in_dim + out_dim)))
    return jax.random.uniform(key, (out_dim, in_dim), minval=-limit, maxval=limit, dtype=jnp.float32)


def setup_inputs(seed: int = 0) -> dict:
    key = jax.random.key(seed)
    ks = jax.random.split(key, 12)
    user_ids = jax.random.randint(ks[0], (BATCH,), 0, N_USERS, dtype=jnp.int64 if jax.config.jax_enable_x64 else jnp.int32)
    artist_ids = jax.random.randint(ks[1], (BATCH,), 0, N_ARTISTS, dtype=jnp.int64 if jax.config.jax_enable_x64 else jnp.int32)
    gmf_user = (jax.random.normal(ks[2], (N_USERS, EMB), dtype=jnp.float32) * 0.01)
    gmf_artist = (jax.random.normal(ks[3], (N_ARTISTS, EMB), dtype=jnp.float32) * 0.01)
    mlp_user = (jax.random.normal(ks[4], (N_USERS, EMB), dtype=jnp.float32) * 0.01)
    mlp_artist = (jax.random.normal(ks[5], (N_ARTISTS, EMB), dtype=jnp.float32) * 0.01)
    W1 = _xavier(ks[6], HIDDEN[0], EMB * 2); b1 = jnp.zeros((HIDDEN[0],), jnp.float32)
    W2 = _xavier(ks[7], HIDDEN[1], HIDDEN[0]); b2 = jnp.zeros((HIDDEN[1],), jnp.float32)
    W3 = _xavier(ks[8], HIDDEN[2], HIDDEN[1]); b3 = jnp.zeros((HIDDEN[2],), jnp.float32)
    Wf = _xavier(ks[9], 1, EMB + HIDDEN[2]); bf = jnp.zeros((1,), jnp.float32)
    return {
        "user_ids": user_ids, "artist_ids": artist_ids,
        "gmf_user": gmf_user, "gmf_artist": gmf_artist,
        "mlp_user": mlp_user, "mlp_artist": mlp_artist,
        "W1": W1, "b1": b1, "W2": W2, "b2": b2, "W3": W3, "b3": b3,
        "Wf": Wf, "bf": bf,
    }


def reference(user_ids, artist_ids, gmf_user, gmf_artist, mlp_user, mlp_artist,
              W1, b1, W2, b2, W3, b3, Wf, bf):
    # GMF branch: elementwise product of embeddings
    gmf_u = jnp.take(gmf_user, user_ids, axis=0)
    gmf_a = jnp.take(gmf_artist, artist_ids, axis=0)
    gmf_out = gmf_u * gmf_a
    # MLP branch (dropout is identity at inference)
    mlp_u = jnp.take(mlp_user, user_ids, axis=0)
    mlp_a = jnp.take(mlp_artist, artist_ids, axis=0)
    h = jnp.concatenate([mlp_u, mlp_a], axis=1)
    h = jax.nn.relu(h @ W1.T + b1)
    h = jax.nn.relu(h @ W2.T + b2)
    h = jax.nn.relu(h @ W3.T + b3)
    combined = jnp.concatenate([gmf_out, h], axis=1)
    pred = jax.nn.sigmoid(combined @ Wf.T + bf)
    return jnp.squeeze(pred, axis=-1)

if __name__ == "__main__":
    import jax
    _d = setup_inputs()
    print(jax.jit(kernel)(*tuple(_d.values())))

</pallas_src>

<mosaic_0001>
#map = affine_map<(d0, d1) -> (0)>
#map1 = affine_map<(d0, d1) -> (0, 0)>
module attributes {stable_mosaic.version = 14 : i64} {
  func.func @gather_kernel(%arg0: i32, %arg1: i32, %arg2: memref<16384xi32, #tpu.memory_space<hbm>>, %arg3: memref<16384xi32, #tpu.memory_space<hbm>>, %arg4: memref<1000000x64xf32, #tpu.memory_space<hbm>>, %arg5: memref<100000x64xf32, #tpu.memory_space<hbm>>, %arg6: memref<1000000x64xf32, #tpu.memory_space<hbm>>, %arg7: memref<100000x64xf32, #tpu.memory_space<hbm>>, %arg8: memref<16384x64xf32, #tpu.memory_space<hbm>>, %arg9: memref<16384x64xf32, #tpu.memory_space<hbm>>, %arg10: memref<16384x64xf32, #tpu.memory_space<hbm>>, %arg11: memref<16384x64xf32, #tpu.memory_space<hbm>>, %arg12: memref<512xi32, #tpu.memory_space<vmem>>, %arg13: memref<512xi32, #tpu.memory_space<vmem>>, %arg14: memref<256x64xf32, #tpu.memory_space<vmem>>, %arg15: memref<256x64xf32, #tpu.memory_space<vmem>>, %arg16: memref<!tpu.dma_semaphore, #tpu.memory_space<semaphore_mem>>, %arg17: memref<!tpu.dma_semaphore, #tpu.memory_space<semaphore_mem>>) attributes {dimension_semantics = [#tpu.dimension_semantics<core_parallel>, #tpu.dimension_semantics<subcore_parallel>], iteration_bounds = array<i64: 2, 16>, scalar_prefetch = 0 : i64, scratch_operands = 6 : i64, tpu.core_type = #tpu.core_type<sc_vector_subcore>, window_params = [{transform_indices = #map}, {transform_indices = #map}, {transform_indices = #map1}, {transform_indices = #map1}, {transform_indices = #map1}, {transform_indices = #map1}, {transform_indices = #map1}, {transform_indices = #map1}, {transform_indices = #map1}, {transform_indices = #map1}]} {
    %mul3A = arith.constant 2 : i32
    %mul3A_0 = arith.muli %arg1, %mul3A : i32
    %add3A = arith.addi %mul3A_0, %arg0 : i32
    %mul3A_1 = arith.constant 512 : i32
    %mul3A_2 = arith.muli %add3A, %mul3A_1 : i32
    "tpu.region"() ({
      %run_scoped3A = tpu.sem_alloc : memref<!tpu.dma_semaphore, #tpu.memory_space<semaphore_mem>>
      %dma_start3A = tpu.memref_slice %arg2[%mul3A_2] : memref<16384xi32, #tpu.memory_space<hbm>> -> memref<512xi32, #tpu.memory_space<hbm>>
      %dma_start3A_113 = tpu.memref_slice %arg2[%mul3A_2] : memref<16384xi32, #tpu.memory_space<hbm>> -> memref<512xi32, #tpu.memory_space<hbm>>
      tpu.enqueue_dma source(%dma_start3A_113 : memref<512xi32, #tpu.memory_space<hbm>>) target(%arg12 : memref<512xi32, #tpu.memory_space<vmem>>) target_semaphore(%run_scoped3A : memref<!tpu.dma_semaphore, #tpu.memory_space<semaphore_mem>>)
      %dma_wait3A_114 = tpu.memref_slice %arg2[%mul3A_2] : memref<16384xi32, #tpu.memory_space<hbm>> -> memref<512xi32, #tpu.memory_space<hbm>>
      %dma_wait3A_115 = tpu.memref_slice %arg2[%mul3A_2] : memref<16384xi32, #tpu.memory_space<hbm>> -> memref<512xi32, #tpu.memory_space<hbm>>
      tpu.wait_dma2 semaphore(%run_scoped3A : memref<!tpu.dma_semaphore, #tpu.memory_space<semaphore_mem>>) src(%dma_wait3A_115 : memref<512xi32, #tpu.memory_space<hbm>>) dst(%arg12 : memref<512xi32, #tpu.memory_space<vmem>>)
      tpu.yield
    }) : () -> ()
    "tpu.region"() ({
      %run_scoped3A = tpu.sem_alloc : memref<!tpu.dma_semaphore, #tpu.memory_space<semaphore_mem>>
      %dma_start3A = tpu.memref_slice %arg3[%mul3A_2] : memref<16384xi32, #tpu.memory_space<hbm>> -> memref<512xi32, #tpu.memory_space<hbm>>
      %dma_start3A_113 = tpu.memref_slice %arg3[%mul3A_2] : memref<16384xi32, #tpu.memory_space<hbm>> -> memref<512xi32, #tpu.memory_space<hbm>>
      tpu.enqueue_dma source(%dma_start3A_113 : memref<512xi32, #tpu.memory_space<hbm>>) target(%arg13 : memref<512xi32, #tpu.memory_space<vmem>>) target_semaphore(%run_scoped3A : memref<!tpu.dma_semaphore, #tpu.memory_space<semaphore_mem>>)
      %dma_wait3A_114 = tpu.memref_slice %arg3[%mul3A_2] : memref<16384xi32, #tpu.memory_space<hbm>> -> memref<512xi32, #tpu.memory_space<hbm>>
      %dma_wait3A_115 = tpu.memref_slice %arg3[%mul3A_2] : memref<16384xi32, #tpu.memory_space<hbm>> -> memref<512xi32, #tpu.memory_space<hbm>>
      tpu.wait_dma2 semaphore(%run_scoped3A : memref<!tpu.dma_semaphore, #tpu.memory_space<semaphore_mem>>) src(%dma_wait3A_115 : memref<512xi32, #tpu.memory_space<hbm>>) dst(%arg13 : memref<512xi32, #tpu.memory_space<vmem>>)
      tpu.yield
    }) : () -> ()
    %scan3A = arith.constant 0 : i32
    %scan3A_3 = arith.constant 0 : i32
    %scan3A_4 = arith.constant 16 : i32
    %scan3A_5 = arith.addi %scan3A_3, %scan3A_4 : i32
    %scan3A_6 = arith.constant 1 : i32
    scf.for %scan3A_113 = %scan3A_3 to %scan3A_5 step %scan3A_6  : i32 {
      %mul3A_114 = arith.constant 16 : i32
      %mul3A_115 = arith.muli %scan3A_113, %mul3A_114 : i32
      %add3A_116 = arith.constant 0 : i32
      %add3A_117 = arith.addi %add3A_116, %mul3A_115 : i32
      %get3A = arith.index_cast %add3A_117 : i32 to index
      %get3A_118 = tpu.vector_load %arg12[%get3A] {strides = array<i32>} : memref<512xi32, #tpu.memory_space<vmem>>, vector<16xi32>,
      %get3A_119 = vector.shape_cast %get3A_118 : vector<16xi32> to vector<16xi32>
      %slice3A = vector.extract_strided_slice %get3A_119 {offsets = [0], sizes = [1], strides = [1]} : vector<16xi32> to vector<1xi32>
      %squeeze3A = vector.extract %slice3A[0] : i32 from vector<1xi32>
      %mul3A_120 = arith.constant 16 : i32
      %mul3A_121 = arith.muli %scan3A_113, %mul3A_120 : i32
      %add3A_122 = arith.constant 0 : i32
      %add3A_123 = arith.addi %mul3A_121, %add3A_122 : i32
      %dma_start3A = arith.constant 0 : i32
      %dma_start3A_124 = tpu.memref_slice %arg14[%add3A_123, %dma_start3A] : memref<256x64xf32, #tpu.memory_space<vmem>> -> memref<1x64xf32, #tpu.memory_space<vmem>>
      %dma_start3A_125 = arith.constant 0 : i32
      %dma_start3A_126 = tpu.memref_slice %arg4[%squeeze3A, %dma_start3A_125] : memref<1000000x64xf32, #tpu.memory_space<hbm>> -> memref<1x64xf32, #tpu.memory_space<hbm>>
      %dma_start3A_127 = arith.constant 0 : i32
      %dma_start3A_128 = tpu.memref_slice %arg14[%add3A_123, %dma_start3A_127] : memref<256x64xf32, #tpu.memory_space<vmem>> -> memref<1x64xf32, #tpu.memory_space<vmem>>
      %dma_start3A_129 = arith.constant 0 : i32
      %dma_start3A_130 = tpu.memref_slice %arg4[%squeeze3A, %dma_start3A_129] : memref<1000000x64xf32, #tpu.memory_space<hbm>> -> memref<1x64xf32, #tpu.memory_space<hbm>>
      tpu.enqueue_dma source(%dma_start3A_130 : memref<1x64xf32, #tpu.memory_space<hbm>>) target(%dma_start3A_128 : memref<1x64xf32, #tpu.memory_space<vmem>>) target_semaphore(%arg16 : memref<!tpu.dma_semaphore, #tpu.memory_space<semaphore_mem>>)
      %slice3A_131 = vector.extract_strided_slice %get3A_119 {offsets = [1], sizes = [1], strides = [1]} : vector<16xi32> to vector<1xi32>
      %squeeze3A_132 = vector.extract %slice3A_131[0] : i32 from vector<1xi32>
      %mul3A_133 = arith.constant 16 : i32
      %mul3A_134 = arith.muli %scan3A_113, %mul3A_133 : i32
      %add3A_135 = arith.constant 1 : i32
      %add3A_136 = arith.addi %mul3A_134, %add3A_135 : i32
      %dma_start3A_137 = arith.constant 0 : i32
      %dma_start3A_138 = tpu.memref_slice %arg14[%add3A_136, %dma_start3A_137] : memref<256x64xf32, #tpu.memory_space<vmem>> -> memref<1x64xf32, #tpu.memory_space<vmem>>
      %dma_start3A_139 = arith.constant 0 : i32
      %dma_start3A_140 = tpu.memref_slice %arg4[%squeeze3A_132, %dma_start3A_139] : memref<1000000x64xf32, #tpu.memory_space<hbm>> -> memref<1x64xf32, #tpu.memory_space<hbm>>
      %dma_start3A_141 = arith.constant 0 : i32
      %dma_start3A_142 = tpu.memref_slice %arg14[%add3A_136, %dma_start3A_141] : memref<256x64xf32, #tpu.memory_space<vmem>> -> memref<1x64xf32, #tpu.memory_space<vmem>>
      %dma_start3A_143 = arith.constant 0 : i32
      %dma_start3A_144 = tpu.memref_slice %arg4[%squeeze3A_132, %dma_start3A_143] : memref<1000000x64xf32, #tpu.memory_space<hbm>> -> memref<1x64xf32, #tpu.memory_space<hbm>>
      tpu.enqueue_dma source(%dma_start3A_144 : memref<1x64xf32, #tpu.memory_space<hbm>>) target(%dma_start3A_142 : memref<1x64xf32, #tpu.memory_space<vmem>>) target_semaphore(%arg16 : memref<!tpu.dma_semaphore, #tpu.memory_space<semaphore_mem>>)
      %slice3A_145 = vector.extract_strided_slice %get3A_119 {offsets = [2], sizes = [1], strides = [1]} : vector<16xi32> to vector<1xi32>
      %squeeze3A_146 = vector.extract %slice3A_145[0] : i32 from vector<1xi32>
      %mul3A_147 = arith.constant 16 : i32
      %mul3A_148 = arith.muli %scan3A_113, %mul3A_147 : i32
      %add3A_149 = arith.constant 2 : i32
      %add3A_150 = arith.addi %mul3A_148, %add3A_149 : i32
      %dma_start3A_151 = arith.constant 0 : i32
      %dma_start3A_152 = tpu.memref_slice %arg14[%add3A_150, %dma_start3A_151] : memref<256x64xf32, #tpu.memory_space<vmem>> -> memref<1x64xf32, #tpu.memory_space<vmem>>
      %dma_start3A_153 = arith.constant 0 : i32
      %dma_start3A_154 = tpu.memref_slice %arg4[%squeeze3A_146, %dma_start3A_153] : memref<1000000x64xf32, #tpu.memory_space<hbm>> -> memref<1x64xf32, #tpu.memory_space<hbm>>
      %dma_start3A_155 = arith.constant 0 : i32
      %dma_start3A_156 = tpu.memref_slice %arg14[%add3A_150, %dma_start3A_155] : memref<256x64xf32, #tpu.memory_space<vmem>> -> memref<1x64xf32, #tpu.memory_space<vmem>>
      %dma_start3A_157 = arith.constant 0 : i32
      %dma_start3A_158 = tpu.memref_slice %arg4[%squeeze3A_146, %dma_start3A_157] : memref<1000000x64xf32, #tpu.memory_space<hbm>> -> memref<1x64xf32, #tpu.memory_space<hbm>>
      tpu.enqueue_dma source(%dma_start3A_158 : memref<1x64xf32, #tpu.memory_space<hbm>>) target(%dma_start3A_156 : memref<1x64xf32, #tpu.memory_space<vmem>>) target_semaphore(%arg16 : memref<!tpu.dma_semaphore, #tpu.memory_space<semaphore_mem>>)
      %slice3A_159 = vector.extract_strided_slice %get3A_119 {offsets = [3], sizes = [1], strides = [1]} : vector<16xi32> to vector<1xi32>
      %squeeze3A_160 = vector.extract %slice3A_159[0] : i32 from vector<1xi32>
      %mul3A_161 = arith.constant 16 : i32
      %mul3A_162 = arith.muli %scan3A_113, %mul3A_161 : i32
      %add3A_163 = arith.constant 3 : i32
      %add3A_164 = arith.addi %mul3A_162, %add3A_163 : i32
      %dma_start3A_165 = arith.constant 0 : i32
      %dma_start3A_166 = tpu.memref_slice %arg14[%add3A_164, %dma_start3A_165] : memref<256x64xf32, #tpu.memory_space<vmem>> -> memref<1x64xf32, #tpu.memory_space<vmem>>
      %dma_start3A_167 = arith.constant 0 : i32
      %dma_start3A_168 = tpu.memref_slice %arg4[%squeeze3A_160, %dma_start3A_167] : memref<1000000x64xf32, #tpu.memory_space<hbm>> -> memref<1x64xf32, #tpu.memory_space<hbm>>
      %dma_start3A_169 = arith.constant 0 : i32
      %dma_start3A_170 = tpu.memref_slice %arg14[%add3A_164, %dma_start3A_169] : memref<256x64xf32, #tpu.memory_space<vmem>> -> memref<1x64xf32, #tpu.memory_space<vmem>>
      %dma_start3A_171 = arith.constant 0 : i32
      %dma_start3A_172 = tpu.memref_slice %arg4[%squeeze3A_160, %dma_start3A_171] : memref<1000000x64xf32, #tpu.memory_space<hbm>> -> memref<1x64xf32, #tpu.memory_space<hbm>>
      tpu.enqueue_dma source(%dma_start3A_172 : memref<1x64xf32, #tpu.memory_space<hbm>>) target(%dma_start3A_170 : memref<1x64xf32, #tpu.memory_space<vmem>>) target_semaphore(%arg16 : memref<!tpu.dma_semaphore, #tpu.memory_space<semaphore_mem>>)
      %slice3A_173 = vector.extract_strided_slice %get3A_119 {offsets = [4], sizes = [1], strides = [1]} : vector<16xi32> to vector<1xi32>
      %squeeze3A_174 = vector.extract %slice3A_173[0] : i32 from vector<1xi32>
      %mul3A_175 = arith.constant 16 : i32
      %mul3A_176 = arith.muli %scan3A_113, %mul3A_175 : i32
      %add3A_177 = arith.constant 4 : i32
      %add3A_178 = arith.addi %mul3A_176, %add3A_177 : i32
      %dma_start3A_179 = arith.constant 0 : i32
      %dma_start3A_180 = tpu.memref_slice %arg14[%add3A_178, %dma_start3A_179] : memref<256x64xf32, #tpu.memory_space<vmem>> -> memref<1x64xf32, #tpu.memory_space<vmem>>
      %dma_start3A_181 = arith.constant 0 : i32
      %dma_start3A_182 = tpu.memref_slice %arg4[%squeeze3A_174, %dma_start3A_181] : memref<1000000x64xf32, #tpu.memory_space<hbm>> -> memref<1x64xf32, #tpu.memory_space<hbm>>
      %dma_start3A_183 = arith.constant 0 : i32
      %dma_start3A_184 = tpu.memref_slice %arg14[%add3A_178, %dma_start3A_183] : memref<256x64xf32, #tpu.memory_space<vmem>> -> memref<1x64xf32, #tpu.memory_space<vmem>>
      %dma_start3A_185 = arith.constant 0 : i32
      %dma_start3A_186 = tpu.memref_slice %arg4[%squeeze3A_174, %dma_start3A_185] : memref<1000000x64xf32, #tpu.memory_space<hbm>> -> memref<1x64xf32, #tpu.memory_space<hbm>>
      tpu.enqueue_dma source(%dma_start3A_186 : memref<1x64xf32, #tpu.memory_space<hbm>>) target(%dma_start3A_184 : memref<1x64xf32, #tpu.memory_space<vmem>>) target_semaphore(%arg16 : memref<!tpu.dma_semaphore, #tpu.memory_space<semaphore_mem>>)
      %slice3A_187 = vector.extract_strided_slice %get3A_119 {offsets = [5], sizes = [1], strides = [1]} : vector<16xi32> to vector<1xi32>
      %squeeze3A_188 = vector.extract %slice3A_187[0] : i32 from vector<1xi32>
      %mul3A_189 = arith.constant 16 : i32
      %mul3A_190 = arith.muli %scan3A_113, %mul3A_189 : i32
      %add3A_191 = arith.constant 5 : i32
      %add3A_192 = arith.addi %mul3A_190, %add3A_191 : i32
      %dma_start3A_193 = arith.constant 0 : i32
      %dma_start3A_194 = tpu.memref_slice %arg14[%add3A_192, %dma_start3A_193] : memref<256x64xf32, #tpu.memory_space<vmem>> -> memref<1x64xf32, #tpu.memory_space<vmem>>
      %dma_start3A_195 = arith.constant 0 : i32
      %dma_start3A_196 = tpu.memref_slice %arg4[%squeeze3A_188, %dma_start3A_195] : memref<1000000x64xf32, #tpu.memory_space<hbm>> -> memref<1x64xf32, #tpu.memory_space<hbm>>
      %dma_start3A_197 = arith.constant 0 : i32
      %dma_start3A_198 = tpu.memref_slice %arg14[%add3A_192, %dma_start3A_197] : memref<256x64xf32, #tpu.memory_space<vmem>> -> memref<1x64xf32, #tpu.memory_space<vmem>>
      %dma_start3A_199 = arith.constant 0 : i32
      %dma_start3A_200 = tpu.memref_slice %arg4[%squeeze3A_188, %dma_start3A_199] : memref<1000000x64xf32, #tpu.memory_space<hbm>> -> memref<1x64xf32, #tpu.memory_space<hbm>>
      tpu.enqueue_dma source(%dma_start3A_200 : memref<1x64xf32, #tpu.memory_space<hbm>>) target(%dma_start3A_198 : memref<1x64xf32, #tpu.memory_space<vmem>>) target_semaphore(%arg16 : memref<!tpu.dma_semaphore, #tpu.memory_space<semaphore_mem>>)
      %slice3A_201 = vector.extract_strided_slice %get3A_119 {offsets = [6], sizes = [1], strides = [1]} : vector<16xi32> to vector<1xi32>
      %squeeze3A_202 = vector.extract %slice3A_201[0] : i32 from vector<1xi32>
      %mul3A_203 = arith.constant 16 : i32
      %mul3A_204 = arith.muli %scan3A_113, %mul3A_203 : i32
      %add3A_205 = arith.constant 6 : i32
      %add3A_206 = arith.addi %mul3A_204, %add3A_205 : i32
      %dma_start3A_207 = arith.constant 0 : i32
      %dma_start3A_208 = tpu.memref_slice %arg14[%add3A_206, %dma_start3A_207] : memref<256x64xf32, #tpu.memory_space<vmem>> -> memref<1x64xf32, #tpu.memory_space<vmem>>
      %dma_start3A_209 = arith.constant 0 : i32
      %dma_start3A_210 = tpu.memref_slice %arg4[%squeeze3A_202, %dma_start3A_209] : memref<1000000x64xf32, #tpu.memory_space<hbm>> -> memref<1x64xf32, #tpu.memory_space<hbm>>
      %dma_start3A_211 = arith.constant 0 : i32
      %dma_start3A_212 = tpu.memref_slice %arg14[%add3A_206, %dma_start3A_211] : memref<256x64xf32, #tpu.memory_space<vmem>> -> memref<1x64xf32, #tpu.memory_space<vmem>>
      %dma_start3A_213 = arith.constant 0 : i32
      %dma_start3A_214 = tpu.memref_slice %arg4[%squeeze3A_202, %dma_start3A_213] : memref<1000000x64xf32, #tpu.memory_space<hbm>> -> memref<1x64xf32, #tpu.memory_space<hbm>>
      tpu.enqueue_dma source(%dma_start3A_214 : memref<1x64xf32, #tpu.memory_space<hbm>>) target(%dma_start3A_212 : memref<1x64xf32, #tpu.memory_space<vmem>>) target_semaphore(%arg16 : memref<!tpu.dma_semaphore, #tpu.memory_space<semaphore_mem>>)
      %slice3A_215 = vector.extract_strided_slice %get3A_119 {offsets = [7], sizes = [1], strides = [1]} : vector<16xi32> to vector<1xi32>
      %squeeze3A_216 = vector.extract %slice3A_215[0] : i32 from vector<1xi32>
      %mul3A_217 = arith.constant 16 : i32
      %mul3A_218 = arith.muli %scan3A_113, %mul3A_217 : i32
      %add3A_219 = arith.constant 7 : i32
      %add3A_220 = arith.addi %mul3A_218, %add3A_219 : i32
      %dma_start3A_221 = arith.constant 0 : i32
      %dma_start3A_222 = tpu.memref_slice %arg14[%add3A_220, %dma_start3A_221] : memref<256x64xf32, #tpu.memory_space<vmem>> -> memref<1x64xf32, #tpu.memory_space<vmem>>
      %dma_start3A_223 = arith.constant 0 : i32
      %dma_start3A_224 = tpu.memref_slice %arg4[%squeeze3A_216, %dma_start3A_223] : memref<1000000x64xf32, #tpu.memory_space<hbm>> -> memref<1x64xf32, #tpu.memory_space<hbm>>
      %dma_start3A_225 = arith.constant 0 : i32
      %dma_start3A_226 = tpu.memref_slice %arg14[%add3A_220, %dma_start3A_225] : memref<256x64xf32, #tpu.memory_space<vmem>> -> memref<1x64xf32, #tpu.memory_space<vmem>>
      %dma_start3A_227 = arith.constant 0 : i32
      %dma_start3A_228 = tpu.memref_slice %arg4[%squeeze3A_216, %dma_start3A_227] : memref<1000000x64xf32, #tpu.memory_space<hbm>> -> memref<1x64xf32, #tpu.memory_space<hbm>>
      tpu.enqueue_dma source(%dma_start3A_228 : memref<1x64xf32, #tpu.memory_space<hbm>>) target(%dma_start3A_226 : memref<1x64xf32, #tpu.memory_space<vmem>>) target_semaphore(%arg16 : memref<!tpu.dma_semaphore, #tpu.memory_space<semaphore_mem>>)
      %slice3A_229 = vector.extract_strided_slice %get3A_119 {offsets = [8], sizes = [1], strides = [1]} : vector<16xi32> to vector<1xi32>
      %squeeze3A_230 = vector.extract %slice3A_229[0] : i32 from vector<1xi32>
      %mul3A_231 = arith.constant 16 : i32
      %mul3A_232 = arith.muli %scan3A_113, %mul3A_231 : i32
      %add3A_233 = arith.constant 8 : i32
      %add3A_234 = arith.addi %mul3A_232, %add3A_233 : i32
      %dma_start3A_235 = arith.constant 0 : i32
      %dma_start3A_236 = tpu.memref_slice %arg14[%add3A_234, %dma_start3A_235] : memref<256x64xf32, #tpu.memory_space<vmem>> -> memref<1x64xf32, #tpu.memory_space<vmem>>
      %dma_start3A_237 = arith.constant 0 : i32
      %dma_start3A_238 = tpu.memref_slice %arg4[%squeeze3A_230, %dma_start3A_237] : memref<1000000x64xf32, #tpu.memory_space<hbm>> -> memref<1x64xf32, #tpu.memory_space<hbm>>
      %dma_start3A_239 = arith.constant 0 : i32
      %dma_start3A_240 = tpu.memref_slice %arg14[%add3A_234, %dma_start3A_239] : memref<256x64xf32, #tpu.memory_space<vmem>> -> memref<1x64xf32, #tpu.memory_space<vmem>>
      %dma_start3A_241 = arith.constant 0 : i32
      %dma_start3A_242 = tpu.memref_slice %arg4[%squeeze3A_230, %dma_start3A_241] : memref<1000000x64xf32, #tpu.memory_space<hbm>> -> memref<1x64xf32, #tpu.memory_space<hbm>>
      tpu.enqueue_dma source(%dma_start3A_242 : memref<1x64xf32, #tpu.memory_space<hbm>>) target(%dma_start3A_240 : memref<1x64xf32, #tpu.memory_space<vmem>>) target_semaphore(%arg16 : memref<!tpu.dma_semaphore, #tpu.memory_space<semaphore_mem>>)
      %slice3A_243 = vector.extract_strided_slice %get3A_119 {offsets = [9], sizes = [1], strides = [1]} : vector<16xi32> to vector<1xi32>
      %squeeze3A_244 = vector.extract %slice3A_243[0] : i32 from vector<1xi32>
      %mul3A_245 = arith.constant 16 : i32
      %mul3A_246 = arith.muli %scan3A_113, %mul3A_245 : i32
      %add3A_247 = arith.constant 9 : i32
      %add3A_248 = arith.addi %mul3A_246, %add3A_247 : i32
      %dma_start3A_249 = arith.constant 0 : i32
      %dma_start3A_250 = tpu.memref_slice %arg14[%add3A_248, %dma_start3A_249] : memref<256x64xf32, #tpu.memory_space<vmem>> -> memref<1x64xf32, #tpu.memory_space<vmem>>
      %dma_start3A_251 = arith.constant 0 : i32
      %dma_start3A_252 = tpu.memref_slice %arg4[%squeeze3A_244, %dma_start3A_251] : memref<1000000x64xf32, #tpu.memory_space<hbm>> -> memref<1x64xf32, #tpu.memory_space<hbm>>
      %dma_start3A_253 = arith.constant 0 : i32
      %dma_start3A_254 = tpu.memref_slice %arg14[%add3A_248, %dma_start3A_253] : memref<256x64xf32, #tpu.memory_space<vmem>> -> memref<1x64xf32, #tpu.memory_space<vmem>>
      %dma_start3A_255 = arith.constant 0 : i32
      %dma_start3A_256 = tpu.memref_slice %arg4[%squeeze3A_244, %dma_start3A_255] : memref<1000000x64xf32, #tpu.memory_space<hbm>> -> memref<1x64xf32, #tpu.memory_space<hbm>>
      tpu.enqueue_dma source(%dma_start3A_256 : memref<1x64xf32, #tpu.memory_space<hbm>>) target(%dma_start3A_254 : memref<1x64xf32, #tpu.memory_space<vmem>>) target_semaphore(%arg16 : memref<!tpu.dma_semaphore, #tpu.memory_space<semaphore_mem>>)
      %slice3A_257 = vector.extract_strided_slice %get3A_119 {offsets = [10], sizes = [1], strides = [1]} : vector<16xi32> to vector<1xi32>
      %squeeze3A_258 = vector.extract %slice3A_257[0] : i32 from vector<1xi32>
      %mul3A_259 = arith.constant 16 : i32
      %mul3A_260 = arith.muli %scan3A_113, %mul3A_259 : i32
      %add3A_261 = arith.constant 10 : i32
      %add3A_262 = arith.addi %mul3A_260, %add3A_261 : i32
      %dma_start3A_263 = arith.constant 0 : i32
      %dma_start3A_264 = tpu.memref_slice %arg14[%add3A_262, %dma_start3A_263] : memref<256x64xf32, #tpu.memory_space<vmem>> -> memref<1x64xf32, #tpu.memory_space<vmem>>
      %dma_start3A_265 = arith.constant 0 : i32
      %dma_start3A_266 = tpu.memref_slice %arg4[%squeeze3A_258, %dma_start3A_265] : memref<1000000x64xf32, #tpu.memory_space<hbm>> -> memref<1x64xf32, #tpu.memory_space<hbm>>
      %dma_start3A_267 = arith.constant 0 : i32
      %dma_start3A_268 = tpu.memref_slice %arg14[%add3A_262, %dma_start3A_267] : memref<256x64xf32, #tpu.memory_space<vmem>> -> memref<1x64xf32, #tpu.memory_space<vmem>>
      %dma_start3A_269 = arith.constant 0 : i32
      %dma_start3A_270 = tpu.memref_slice %arg4[%squeeze3A_258, %dma_start3A_269] : memref<1000000x64xf32, #tpu.memory_space<hbm>> -> memref<1x64xf32, #tpu.memory_space<hbm>>
      tpu.enqueue_dma source(%dma_start3A_270 : memref<1x64xf32, #tpu.memory_space<hbm>>) target(%dma_start3A_268 : memref<1x64xf32, #tpu.memory_space<vmem>>) target_semaphore(%arg16 : memref<!tpu.dma_semaphore, #tpu.memory_space<semaphore_mem>>)
      %slice3A_271 = vector.extract_strided_slice %get3A_119 {offsets = [11], sizes = [1], strides = [1]} : vector<16xi32> to vector<1xi32>
      %squeeze3A_272 = vector.extract %slice3A_271[0] : i32 from vector<1xi32>
      %mul3A_273 = arith.constant 16 : i32
      %mul3A_274 = arith.muli %scan3A_113, %mul3A_273 : i32
      %add3A_275 = arith.constant 11 : i32
      %add3A_276 = arith.addi %mul3A_274, %add3A_275 : i32
      %dma_start3A_277 = arith.constant 0 : i32
      %dma_start3A_278 = tpu.memref_slice %arg14[%add3A_276, %dma_start3A_277] : memref<256x64xf32, #tpu.memory_space<vmem>> -> memref<1x64xf32, #tpu.memory_space<vmem>>
      %dma_start3A_279 = arith.constant 0 : i32
      %dma_start3A_280 = tpu.memref_slice %arg4[%squeeze3A_272, %dma_start3A_279] : memref<1000000x64xf32, #tpu.memory_space<hbm>> -> memref<1x64xf32, #tpu.memory_space<hbm>>
      %dma_start3A_281 = arith.constant 0 : i32
      %dma_start3A_282 = tpu.memref_slice %arg14[%add3A_276, %dma_start3A_281] : memref<256x64xf32, #tpu.memory_space<vmem>> -> memref<1x64xf32, #tpu.memory_space<vmem>>
      %dma_start3A_283 = arith.constant 0 : i32
      %dma_start3A_284 = tpu.memref_slice %arg4[%squeeze3A_272, %dma_start3A_283] : memref<1000000x64xf32, #tpu.memory_space<hbm>> -> memref<1x64xf32, #tpu.memory_space<hbm>>
      tpu.enqueue_dma source(%dma_start3A_284 : memref<1x64xf32, #tpu.memory_space<hbm>>) target(%dma_start3A_282 : memref<1x64xf32, #tpu.memory_space<vmem>>) target_semaphore(%arg16 : memref<!tpu.dma_semaphore, #tpu.memory_space<semaphore_mem>>)
      %slice3A_285 = vector.extract_strided_slice %get3A_119 {offsets = [12], sizes = [1], strides = [1]} : vector<16xi32> to vector<1xi32>
      %squeeze3A_286 = vector.extract %slice3A_285[0] : i32 from vector<1xi32>
      %mul3A_287 = arith.constant 16 : i32
      %mul3A_288 = arith.muli %scan3A_113, %mul3A_287 : i32
      %add3A_289 = arith.constant 12 : i32
      %add3A_290 = arith.addi %mul3A_288, %add3A_289 : i32
      %dma_start3A_291 = arith.constant 0 : i32
      %dma_start3A_292 = tpu.memref_slice %arg14[%add3A_290, %dma_start3A_291] : memref<256x64xf32, #tpu.memory_space<vmem>> -> memref<1x64xf32, #tpu.memory_space<vmem>>
      %dma_start3A_293 = arith.constant 0 : i32
      %dma_start3A_294 = tpu.memref_slice %arg4[%squeeze3A_286, %dma_start3A_293] : memref<1000000x64xf32, #tpu.memory_space<hbm>> -> memref<1x64xf32, #tpu.memory_space<hbm>>
      %dma_start3A_295 = arith.constant 0 : i32
      %dma_start3A_296 = tpu.memref_slice %arg14[%add3A_290, %dma_start3A_295] : memref<256x64xf32, #tpu.memory_space<vmem>> -> memref<1x64xf32, #tpu.memory_space<vmem>>
      %dma_start3A_297 = arith.constant 0 : i32
      %dma_start3A_298 = tpu.memref_slice %arg4[%squeeze3A_286, %dma_start3A_297] : memref<1000000x64xf32, #tpu.memory_space<hbm>> -> memref<1x64xf32, #tpu.memory_space<hbm>>
      tpu.enqueue_dma source(%dma_start3A_298 : memref<1x64xf32, #tpu.memory_space<hbm>>) target(%dma_start3A_296 : memref<1x64xf32, #tpu.memory_space<vmem>>) target_semaphore(%arg16 : memref<!tpu.dma_semaphore, #tpu.memory_space<semaphore_mem>>)
      %slice3A_299 = vector.extract_strided_slice %get3A_119 {offsets = [13], sizes = [1], strides = [1]} : vector<16xi32> to vector<1xi32>
      %squeeze3A_300 = vector.extract %slice3A_299[0] : i32 from vector<1xi32>
      %mul3A_301 = arith.constant 16 : i32
      %mul3A_302 = arith.muli %scan3A_113, %mul3A_301 : i32
      %add3A_303 = arith.constant 13 : i32
      %add3A_304 = arith.addi %mul3A_302, %add3A_303 : i32
      %dma_start3A_305 = arith.constant 0 : i32
      %dma_start3A_306 = tpu.memref_slice %arg14[%add3A_304, %dma_start3A_305] : memref<256x64xf32, #tpu.memory_space<vmem>> -> memref<1x64xf32, #tpu.memory_space<vmem>>
      %dma_start3A_307 = arith.constant 0 : i32
      %dma_start3A_308 = tpu.memref_slice %arg4[%squeeze3A_300, %dma_start3A_307] : memref<1000000x64xf32, #tpu.memory_space<hbm>> -> memref<1x64xf32, #tpu.memory_space<hbm>>
      %dma_start3A_309 = arith.constant 0 : i32
      %dma_start3A_310 = tpu.memref_slice %arg14[%add3A_304, %dma_start3A_309] : memref<256x64xf32, #tpu.memory_space<vmem>> -> memref<1x64xf32, #tpu.memory_space<vmem>>
      %dma_start3A_311 = arith.constant 0 : i32
      %dma_start3A_312 = tpu.memref_slice %arg4[%squeeze3A_300, %dma_start3A_311] : memref<1000000x64xf32, #tpu.memory_space<hbm>> -> memref<1x64xf32, #tpu.memory_space<hbm>>
      tpu.enqueue_dma source(%dma_start3A_312 : memref<1x64xf32, #tpu.memory_space<hbm>>) target(%dma_start3A_310 : memref<1x64xf32, #tpu.memory_space<vmem>>) target_semaphore(%arg16 : memref<!tpu.dma_semaphore, #tpu.memory_space<semaphore_mem>>)
      %slice3A_313 = vector.extract_strided_slice %get3A_119 {offsets = [14], sizes = [1], strides = [1]} : vector<16xi32> to vector<1xi32>
      %squeeze3A_314 = vector.extract %slice3A_313[0] : i32 from vector<1xi32>
      %mul3A_315 = arith.constant 16 : i32
      %mul3A_316 = arith.muli %scan3A_113, %mul3A_315 : i32
      %add3A_317 = arith.constant 14 : i32
      %add3A_318 = arith.addi %mul3A_316, %add3A_317 : i32
      %dma_start3A_319 = arith.constant 0 : i32
      %dma_start3A_320 = tpu.memref_slice %arg14[%add3A_318, %dma_start3A_319] : memref<256x64xf32, #tpu.memory_space<vmem>> -> memref<1x64xf32, #tpu.memory_space<vmem>>
      %dma_start3A_321 = arith.constant 0 : i32
      %dma_start3A_322 = tpu.memref_slice %arg4[%squeeze3A_314, %dma_start3A_321] : memref<1000000x64xf32, #tpu.memory_space<hbm>> -> memref<1x64xf32, #tpu.memory_space<hbm>>
      %dma_start3A_323 = arith.constant 0 : i32
      %dma_start3A_324 = tpu.memref_slice %arg14[%add3A_318, %dma_start3A_323] : memref<256x64xf32, #tpu.memory_space<vmem>> -> memref<1x64xf32, #tpu.memory_space<vmem>>
      %dma_start3A_325 = arith.constant 0 : i32
      %dma_start3A_326 = tpu.memref_slice %arg4[%squeeze3A_314, %dma_start3A_325] : memref<1000000x64xf32, #tpu.memory_space<hbm>> -> memref<1x64xf32, #tpu.memory_space<hbm>>
      tpu.enqueue_dma source(%dma_start3A_326 : memref<1x64xf32, #tpu.memory_space<hbm>>) target(%dma_start3A_324 : memref<1x64xf32, #tpu.memory_space<vmem>>) target_semaphore(%arg16 : memref<!tpu.dma_semaphore, #tpu.memory_space<semaphore_mem>>)
      %slice3A_327 = vector.extract_strided_slice %get3A_119 {offsets = [15], sizes = [1], strides = [1]} : vector<16xi32> to vector<1xi32>
      %squeeze3A_328 = vector.extract %slice3A_327[0] : i32 from vector<1xi32>
      %mul3A_329 = arith.constant 16 : i32
      %mul3A_330 = arith.muli %scan3A_113, %mul3A_329 : i32
      %add3A_331 = arith.constant 15 : i32
      %add3A_332 = arith.addi %mul3A_330, %add3A_331 : i32
      %dma_start3A_333 = arith.constant 0 : i32
      %dma_start3A_334 = tpu.memref_slice %arg14[%add3A_332, %dma_start3A_333] : memref<256x64xf32, #tpu.memory_space<vmem>> -> memref<1x64xf32, #tpu.memory_space<vmem>>
      %dma_start3A_335 = arith.constant 0 : i32
      %dma_start3A_336 = tpu.memref_slice %arg4[%squeeze3A_328, %dma_start3A_335] : memref<1000000x64xf32, #tpu.memory_space<hbm>> -> memref<1x64xf32, #tpu.memory_space<hbm>>
      %dma_start3A_337 = arith.constant 0 : i32
      %dma_start3A_338 = tpu.memref_slice %arg14[%add3A_332, %dma_start3A_337] : memref<256x64xf32, #tpu.memory_space<vmem>> -> memref<1x64xf32, #tpu.memory_space<vmem>>
      %dma_start3A_339 = arith.constant 0 : i32
      %dma_start3A_340 = tpu.memref_slice %arg4[%squeeze3A_328, %dma_start3A_339] : memref<1000000x64xf32, #tpu.memory_space<hbm>> -> memref<1x64xf32, #tpu.memory_space<hbm>>
      tpu.enqueue_dma source(%dma_start3A_340 : memref<1x64xf32, #tpu.memory_space<hbm>>) target(%dma_start3A_338 : memref<1x64xf32, #tpu.memory_space<vmem>>) target_semaphore(%arg16 : memref<!tpu.dma_semaphore, #tpu.memory_space<semaphore_mem>>)
    }
    %scan3A_7 = arith.constant 16 : i32
    %scan3A_8 = arith.constant 0 : i32
    %scan3A_9 = arith.constant 0 : i32
    %scan3A_10 = arith.constant 16 : i32
    %scan3A_11 = arith.addi %scan3A_9, %scan3A_10 : i32
    %scan3A_12 = arith.constant 1 : i32
    scf.for %scan3A_113 = %scan3A_9 to %scan3A_11 step %scan3A_12  : i32 {
      %mul3A_114 = arith.constant 16 : i32
      %mul3A_115 = arith.muli %scan3A_113, %mul3A_114 : i32
      %add3A_116 = arith.constant 256 : i32
      %add3A_117 = arith.addi %add3A_116, %mul3A_115 : i32
      %get3A = arith.index_cast %add3A_117 : i32 to index
      %get3A_118 = tpu.vector_load %arg12[%get3A] {strides = array<i32>} : memref<512xi32, #tpu.memory_space<vmem>>, vector<16xi32>,
      %get3A_119 = vector.shape_cast %get3A_118 : vector<16xi32> to vector<16xi32>
      %slice3A = vector.extract_strided_slice %get3A_119 {offsets = [0], sizes = [1], strides = [1]} : vector<16xi32> to vector<1xi32>
      %squeeze3A = vector.extract %slice3A[0] : i32 from vector<1xi32>
      %mul3A_120 = arith.constant 16 : i32
      %mul3A_121 = arith.muli %scan3A_113, %mul3A_120 : i32
      %add3A_122 = arith.constant 0 : i32
      %add3A_123 = arith.addi %mul3A_121, %add3A_122 : i32
      %dma_start3A = arith.constant 0 : i32
      %dma_start3A_124 = tpu.memref_slice %arg15[%add3A_123, %dma_start3A] : memref<256x64xf32, #tpu.memory_space<vmem>> -> memref<1x64xf32, #tpu.memory_space<vmem>>
      %dma_start3A_125 = arith.constant 0 : i32
      %dma_start3A_126 = tpu.memref_slice %arg4[%squeeze3A, %dma_start3A_125] : memref<1000000x64xf32, #tpu.memory_space<hbm>> -> memref<1x64xf32, #tpu.memory_space<hbm>>
      %dma_start3A_127 = arith.constant 0 : i32
      %dma_start3A_128 = tpu.memref_slice %arg15[%add3A_123, %dma_start3A_127] : memref<256x64xf32, #tpu.memory_space<vmem>> -> memref<1x64xf32, #tpu.memory_space<vmem>>
      %dma_start3A_129 = arith.constant 0 : i32
      %dma_start3A_130 = tpu.memref_slice %arg4[%squeeze3A, %dma_start3A_129] : memref<1000000x64xf32, #tpu.memory_space<hbm>> -> memref<1x64xf32, #tpu.memory_space<hbm>>
      tpu.enqueue_dma source(%dma_start3A_130 : memref<1x64xf32, #tpu.memory_space<hbm>>) target(%dma_start3A_128 : memref<1x64xf32, #tpu.memory_space<vmem>>) target_semaphore(%arg17 : memref<!tpu.dma_semaphore, #tpu.memory_space<semaphore_mem>>)
      %slice3A_131 = vector.extract_strided_slice %get3A_119 {offsets = [1], sizes = [1], strides = [1]} : vector<16xi32> to vector<1xi32>
      %squeeze3A_132 = vector.extract %slice3A_131[0] : i32 from vector<1xi32>
      %mul3A_133 = arith.constant 16 : i32
      %mul3A_134 = arith.muli %scan3A_113, %mul3A_133 : i32
      %add3A_135 = arith.constant 1 : i32
      %add3A_136 = arith.addi %mul3A_134, %add3A_135 : i32
      %dma_start3A_137 = arith.constant 0 : i32
      %dma_start3A_138 = tpu.memref_slice %arg15[%add3A_136, %dma_start3A_137] : memref<256x64xf32, #tpu.memory_space<vmem>> -> memref<1x64xf32, #tpu.memory_space<vmem>>
      %dma_start3A_139 = arith.constant 0 : i32
      %dma_start3A_140 = tpu.memref_slice %arg4[%squeeze3A_132, %dma_start3A_139] : memref<1000000x64xf32, #tpu.memory_space<hbm>> -> memref<1x64xf32, #tpu.memory_space<hbm>>
      %dma_start3A_141 = arith.constant 0 : i32
      %dma_start3A_142 = tpu.memref_slice %arg15[%add3A_136, %dma_start3A_141] : memref<256x64xf32, #tpu.memory_space<vmem>> -> memref<1x64xf32, #tpu.memory_space<vmem>>
      %dma_start3A_143 = arith.constant 0 : i32
      %dma_start3A_144 = tpu.memref_slice %arg4[%squeeze3A_132, %dma_start3A_143] : memref<1000000x64xf32, #tpu.memory_space<hbm>> -> memref<1x64xf32, #tpu.memory_space<hbm>>
      tpu.enqueue_dma source(%dma_start3A_144 : memref<1x64xf32, #tpu.memory_space<hbm>>) target(%dma_start3A_142 : memref<1x64xf32, #tpu.memory_space<vmem>>) target_semaphore(%arg17 : memref<!tpu.dma_semaphore, #tpu.memory_space<semaphore_mem>>)
      %slice3A_145 = vector.extract_strided_slice %get3A_119 {offsets = [2], sizes = [1], strides = [1]} : vector<16xi32> to vector<1xi32>
      %squeeze3A_146 = vector.extract %slice3A_145[0] : i32 from vector<1xi32>
      %mul3A_147 = arith.constant 16 : i32
      %mul3A_148 = arith.muli %scan3A_113, %mul3A_147 : i32
      %add3A_149 = arith.constant 2 : i32
      %add3A_150 = arith.addi %mul3A_148, %add3A_149 : i32
      %dma_start3A_151 = arith.constant 0 : i32
      %dma_start3A_152 = tpu.memref_slice %arg15[%add3A_150, %dma_start3A_151] : memref<256x64xf32, #tpu.memory_space<vmem>> -> memref<1x64xf32, #tpu.memory_space<vmem>>
      %dma_start3A_153 = arith.constant 0 : i32
      %dma_start3A_154 = tpu.memref_slice %arg4[%squeeze3A_146, %dma_start3A_153] : memref<1000000x64xf32, #tpu.memory_space<hbm>> -> memref<1x64xf32, #tpu.memory_space<hbm>>
      %dma_start3A_155 = arith.constant 0 : i32
      %dma_start3A_156 = tpu.memref_slice %arg15[%add3A_150, %dma_start3A_155] : memref<256x64xf32, #tpu.memory_space<vmem>> -> memref<1x64xf32, #tpu.memory_space<vmem>>
      %dma_start3A_157 = arith.constant 0 : i32
      %dma_start3A_158 = tpu.memref_slice %arg4[%squeeze3A_146, %dma_start3A_157] : memref<1000000x64xf32, #tpu.memory_space<hbm>> -> memref<1x64xf32, #tpu.memory_space<hbm>>
      tpu.enqueue_dma source(%dma_start3A_158 : memref<1x64xf32, #tpu.memory_space<hbm>>) target(%dma_start3A_156 : memref<1x64xf32, #tpu.memory_space<vmem>>) target_semaphore(%arg17 : memref<!tpu.dma_semaphore, #tpu.memory_space<semaphore_mem>>)
      %slice3A_159 = vector.extract_strided_slice %get3A_119 {offsets = [3], sizes = [1], strides = [1]} : vector<16xi32> to vector<1xi32>
      %squeeze3A_160 = vector.extract %slice3A_159[0] : i32 from vector<1xi32>
      %mul3A_161 = arith.constant 16 : i32
      %mul3A_162 = arith.muli %scan3A_113, %mul3A_161 : i32
      %add3A_163 = arith.constant 3 : i32
      %add3A_164 = arith.addi %mul3A_162, %add3A_163 : i32
      %dma_start3A_165 = arith.constant 0 : i32
      %dma_start3A_166 = tpu.memref_slice %arg15[%add3A_164, %dma_start3A_165] : memref<256x64xf32, #tpu.memory_space<vmem>> -> memref<1x64xf32, #tpu.memory_space<vmem>>
      %dma_start3A_167 = arith.constant 0 : i32
      %dma_start3A_168 = tpu.memref_slice %arg4[%squeeze3A_160, %dma_start3A_167] : memref<1000000x64xf32, #tpu.memory_space<hbm>> -> memref<1x64xf32, #tpu.memory_space<hbm>>
      %dma_start3A_169 = arith.constant 0 : i32
      %dma_start3A_170 = tpu.memref_slice %arg15[%add3A_164, %dma_start3A_169] : memref<256x64xf32, #tpu.memory_space<vmem>> -> memref<1x64xf32, #tpu.memory_space<vmem>>
      %dma_start3A_171 = arith.constant 0 : i32
      %dma_start3A_172 = tpu.memref_slice %arg4[%squeeze3A_160, %dma_start3A_171] : memref<1000000x64xf32, #tpu.memory_space<hbm>> -> memref<1x64xf32, #tpu.memory_space<hbm>>
      tpu.enqueue_dma source(%dma_start3A_172 : memref<1x64xf32, #tpu.memory_space<hbm>>) target(%dma_start3A_170 : memref<1x64xf32, #tpu.memory_space<vmem>>) target_semaphore(%arg17 : memref<!tpu.dma_semaphore, #tpu.memory_space<semaphore_mem>>)
      %slice3A_173 = vector.extract_strided_slice %get3A_119 {offsets = [4], sizes = [1], strides = [1]} : vector<16xi32> to vector<1xi32>
      %squeeze3A_174 = vector.extract %slice3A_173[0] : i32 from vector<1xi32>
      %mul3A_175 = arith.constant 16 : i32
      %mul3A_176 = arith.muli %scan3A_113, %mul3A_175 : i32
      %add3A_177 = arith.constant 4 : i32
      %add3A_178 = arith.addi %mul3A_176, %add3A_177 : i32
      %dma_start3A_179 = arith.constant 0 : i32
      %dma_start3A_180 = tpu.memref_slice %arg15[%add3A_178, %dma_start3A_179] : memref<256x64xf32, #tpu.memory_space<vmem>> -> memref<1x64xf32, #tpu.memory_space<vmem>>
      %dma_start3A_181 = arith.constant 0 : i32
      %dma_start3A_182 = tpu.memref_slice %arg4[%squeeze3A_174, %dma_start3A_181] : memref<1000000x64xf32, #tpu.memory_space<hbm>> -> memref<1x64xf32, #tpu.memory_space<hbm>>
      %dma_start3A_183 = arith.constant 0 : i32
      %dma_start3A_184 = tpu.memref_slice %arg15[%add3A_178, %dma_start3A_183] : memref<256x64xf32, #tpu.memory_space<vmem>> -> memref<1x64xf32, #tpu.memory_space<vmem>>
      %dma_start3A_185 = arith.constant 0 : i32
      %dma_start3A_186 = tpu.memref_slice %arg4[%squeeze3A_174, %dma_start3A_185] : memref<1000000x64xf32, #tpu.memory_space<hbm>> -> memref<1x64xf32, #tpu.memory_space<hbm>>
      tpu.enqueue_dma source(%dma_start3A_186 : memref<1x64xf32, #tpu.memory_space<hbm>>) target(%dma_start3A_184 : memref<1x64xf32, #tpu.memory_space<vmem>>) target_semaphore(%arg17 : memref<!tpu.dma_semaphore, #tpu.memory_space<semaphore_mem>>)
      %slice3A_187 = vector.extract_strided_slice %get3A_119 {offsets = [5], sizes = [1], strides = [1]} : vector<16xi32> to vector<1xi32>
      %squeeze3A_188 = vector.extract %slice3A_187[0] : i32 from vector<1xi32>
      %mul3A_189 = arith.constant 16 : i32
      %mul3A_190 = arith.muli %scan3A_113, %mul3A_189 : i32
      %add3A_191 = arith.constant 5 : i32
      %add3A_192 = arith.addi %mul3A_190, %add3A_191 : i32
      %dma_start3A_193 = arith.constant 0 : i32
      %dma_start3A_194 = tpu.memref_slice %arg15[%add3A_192, %dma_start3A_193] : memref<256x64xf32, #tpu.memory_space<vmem>> -> memref<1x64xf32, #tpu.memory_space<vmem>>
      %dma_start3A_195 = arith.constant 0 : i32
      %dma_start3A_196 = tpu.memref_slice %arg4[%squeeze3A_188, %dma_start3A_195] : memref<1000000x64xf32, #tpu.memory_space<hbm>> -> memref<1x64xf32, #tpu.memory_space<hbm>>
      %dma_start3A_197 = arith.constant 0 : i32
      %dma_start3A_198 = tpu.memref_slice %arg15[%add3A_192, %dma_start3A_197] : memref<256x64xf32, #tpu.memory_space<vmem>> -> memref<1x64xf32, #tpu.memory_space<vmem>>
      %dma_start3A_199 = arith.constant 0 : i32
      %dma_start3A_200 = tpu.memref_slice %arg4[%squeeze3A_188, %dma_start3A_199] : memref<1000000x64xf32, #tpu.memory_space<hbm>> -> memref<1x64xf32, #tpu.memory_space<hbm>>
      tpu.enqueue_dma source(%dma_start3A_200 : memref<1x64xf32, #tpu.memory_space<hbm>>) target(%dma_start3A_198 : memref<1x64xf32, #tpu.memory_space<vmem>>) target_semaphore(%arg17 : memref<!tpu.dma_semaphore, #tpu.memory_space<semaphore_mem>>)
      %slice3A_201 = vector.extract_strided_slice %get3A_119 {offsets = [6], sizes = [1], strides = [1]} : vector<16xi32> to vector<1xi32>
      %squeeze3A_202 = vector.extract %slice3A_201[0] : i32 from vector<1xi32>
      %mul3A_203 = arith.constant 16 : i32
      %mul3A_204 = arith.muli %scan3A_113, %mul3A_203 : i32
      %add3A_205 = arith.constant 6 : i32
      %add3A_206 = arith.addi %mul3A_204, %add3A_205 : i32
      %dma_start3A_207 = arith.constant 0 : i32
      %dma_start3A_208 = tpu.memref_slice %arg15[%add3A_206, %dma_start3A_207] : memref<256x64xf32, #tpu.memory_space<vmem>> -> memref<1x64xf32, #tpu.memory_space<vmem>>
      %dma_start3A_209 = arith.constant 0 : i32
      %dma_start3A_210 = tpu.memref_slice %arg4[%squeeze3A_202, %dma_start3A_209] : memref<1000000x64xf32, #tpu.memory_space<hbm>> -> memref<1x64xf32, #tpu.memory_space<hbm>>
      %dma_start3A_211 = arith.constant 0 : i32
      %dma_start3A_212 = tpu.memref_slice %arg15[%add3A_206, %dma_start3A_211] : memref<256x64xf32, #tpu.memory_space<vmem>> -> memref<1x64xf32, #tpu.memory_space<vmem>>
      %dma_start3A_213 = arith.constant 0 : i32
      %dma_start3A_214 = tpu.memref_slice %arg4[%squeeze3A_202, %dma_start3A_213] : memref<1000000x64xf32, #tpu.memory_space<hbm>> -> memref<1x64xf32, #tpu.memory_space<hbm>>
      tpu.enqueue_dma source(%dma_start3A_214 : memref<1x64xf32, #tpu.memory_space<hbm>>) target(%dma_start3A_212 : memref<1x64xf32, #tpu.memory_space<vmem>>) target_semaphore(%arg17 : memref<!tpu.dma_semaphore, #tpu.memory_space<semaphore_mem>>)
      %slice3A_215 = vector.extract_strided_slice %get3A_119 {offsets = [7], sizes = [1], strides = [1]} : vector<16xi32> to vector<1xi32>
      %squeeze3A_216 = vector.extract %slice3A_215[0] : i32 from vector<1xi32>
      %mul3A_217 = arith.constant 16 : i32
      %mul3A_218 = arith.muli %scan3A_113, %mul3A_217 : i32
      %add3A_219 = arith.constant 7 : i32
      %add3A_220 = arith.addi %mul3A_218, %add3A_219 : i32
      %dma_start3A_221 = arith.constant 0 : i32
      %dma_start3A_222 = tpu.memref_slice %arg15[%add3A_220, %dma_start3A_221] : memref<256x64xf32, #tpu.memory_space<vmem>> -> memref<1x64xf32, #tpu.memory_space<vmem>>
      %dma_start3A_223 = arith.constant 0 : i32
      %dma_start3A_224 = tpu.memref_slice %arg4[%squeeze3A_216, %dma_start3A_223] : memref<1000000x64xf32, #tpu.memory_space<hbm>> -> memref<1x64xf32, #tpu.memory_space<hbm>>
      %dma_start3A_225 = arith.constant 0 : i32
      %dma_start3A_226 = tpu.memref_slice %arg15[%add3A_220, %dma_start3A_225] : memref<256x64xf32, #tpu.memory_space<vmem>> -> memref<1x64xf32, #tpu.memory_space<vmem>>
      %dma_start3A_227 = arith.constant 0 : i32
      %dma_start3A_228 = tpu.memref_slice %arg4[%squeeze3A_216, %dma_start3A_227] : memref<1000000x64xf32, #tpu.memory_space<hbm>> -> memref<1x64xf32, #tpu.memory_space<hbm>>
      tpu.enqueue_dma source(%dma_start3A_228 : memref<1x64xf32, #tpu.memory_space<hbm>>) target(%dma_start3A_226 : memref<1x64xf32, #tpu.memory_space<vmem>>) target_semaphore(%arg17 : memref<!tpu.dma_semaphore, #tpu.memory_space<semaphore_mem>>)
      %slice3A_229 = vector.extract_strided_slice %get3A_119 {offsets = [8], sizes = [1], strides = [1]} : vector<16xi32> to vector<1xi32>
      %squeeze3A_230 = vector.extract %slice3A_229[0] : i32 from vector<1xi32>
      %mul3A_231 = arith.constant 16 : i32
      %mul3A_232 = arith.muli %scan3A_113, %mul3A_231 : i32
      %add3A_233 = arith.constant 8 : i32
      %add3A_234 = arith.addi %mul3A_232, %add3A_233 : i32
      %dma_start3A_235 = arith.constant 0 : i32
      %dma_start3A_236 = tpu.memref_slice %arg15[%add3A_234, %dma_start3A_235] : memref<256x64xf32, #tpu.memory_space<vmem>> -> memref<1x64xf32, #tpu.memory_space<vmem>>
      %dma_start3A_237 = arith.constant 0 : i32
      %dma_start3A_238 = tpu.memref_slice %arg4[%squeeze3A_230, %dma_start3A_237] : memref<1000000x64xf32, #tpu.memory_space<hbm>> -> memref<1x64xf32, #tpu.memory_space<hbm>>
      %dma_start3A_239 = arith.constant 0 : i32
      %dma_start3A_240 = tpu.memref_slice %arg15[%add3A_234, %dma_start3A_239] : memref<256x64xf32, #tpu.memory_space<vmem>> -> memref<1x64xf32, #tpu.memory_space<vmem>>
      %dma_start3A_241 = arith.constant 0 : i32
      %dma_start3A_242 = tpu.memref_slice %arg4[%squeeze3A_230, %dma_start3A_241] : memref<1000000x64xf32, #tpu.memory_space<hbm>> -> memref<1x64xf32, #tpu.memory_space<hbm>>
      tpu.enqueue_dma source(%dma_start3A_242 : memref<1x64xf32, #tpu.memory_space<hbm>>) target(%dma_start3A_240 : memref<1x64xf32, #tpu.memory_space<vmem>>) target_semaphore(%arg17 : memref<!tpu.dma_semaphore, #tpu.memory_space<semaphore_mem>>)
      %slice3A_243 = vector.extract_strided_slice %get3A_119 {offsets = [9], sizes = [1], strides = [1]} : vector<16xi32> to vector<1xi32>
      %squeeze3A_244 = vector.extract %slice3A_243[0] : i32 from vector<1xi32>
      %mul3A_245 = arith.constant 16 : i32
      %mul3A_246 = arith.muli %scan3A_113, %mul3A_245 : i32
      %add3A_247 = arith.constant 9 : i32
      %add3A_248 = arith.addi %mul3A_246, %add3A_247 : i32
      %dma_start3A_249 = arith.constant 0 : i32
      %dma_start3A_250 = tpu.memref_slice %arg15[%add3A_248, %dma_start3A_249] : memref<256x64xf32, #tpu.memory_space<vmem>> -> memref<1x64xf32, #tpu.memory_space<vmem>>
      %dma_start3A_251 = arith.constant 0 : i32
      %dma_start3A_252 = tpu.memref_slice %arg4[%squeeze3A_244, %dma_start3A_251] : memref<1000000x64xf32, #tpu.memory_space<hbm>> -> memref<1x64xf32, #tpu.memory_space<hbm>>
      %dma_start3A_253 = arith.constant 0 : i32
      %dma_start3A_254 = tpu.memref_slice %arg15[%add3A_248, %dma_start3A_253] : memref<256x64xf32, #tpu.memory_space<vmem>> -> memref<1x64xf32, #tpu.memory_space<vmem>>
      %dma_start3A_255 = arith.constant 0 : i32
      %dma_start3A_256 = tpu.memref_slice %arg4[%squeeze3A_244, %dma_start3A_255] : memref<1000000x64xf32, #tpu.memory_space<hbm>> -> memref<1x64xf32, #tpu.memory_space<hbm>>
      tpu.enqueue_dma source(%dma_start3A_256 : memref<1x64xf32, #tpu.memory_space<hbm>>) target(%dma_start3A_254 : memref<1x64xf32, #tpu.memory_space<vmem>>) target_semaphore(%arg17 : memref<!tpu.dma_semaphore, #tpu.memory_space<semaphore_mem>>)
      %slice3A_257 = vector.extract_strided_slice %get3A_119 {offsets = [10], sizes = [1], strides = [1]} : vector<16xi32> to vector<1xi32>
      %squeeze3A_258 = vector.extract %slice3A_257[0] : i32 from vector<1xi32>
      %mul3A_259 = arith.constant 16 : i32
      %mul3A_260 = arith.muli %scan3A_113, %mul3A_259 : i32
      %add3A_261 = arith.constant 10 : i32
      %add3A_262 = arith.addi %mul3A_260, %add3A_261 : i32
      %dma_start3A_263 = arith.constant 0 : i32
      %dma_start3A_264 = tpu.memref_slice %arg15[%add3A_262, %dma_start3A_263] : memref<256x64xf32, #tpu.memory_space<vmem>> -> memref<1x64xf32, #tpu.memory_space<vmem>>
      %dma_start3A_265 = arith.constant 0 : i32
      %dma_start3A_266 = tpu.memref_slice %arg4[%squeeze3A_258, %dma_start3A_265] : memref<1000000x64xf32, #tpu.memory_space<hbm>> -> memref<1x64xf32, #tpu.memory_space<hbm>>
      %dma_start3A_267 = arith.constant 0 : i32
      %dma_start3A_268 = tpu.memref_slice %arg15[%add3A_262, %dma_start3A_267] : memref<256x64xf32, #tpu.memory_space<vmem>> -> memref<1x64xf32, #tpu.memory_space<vmem>>
      %dma_start3A_269 = arith.constant 0 : i32
      %dma_start3A_270 = tpu.memref_slice %arg4[%squeeze3A_258, %dma_start3A_269] : memref<1000000x64xf32, #tpu.memory_space<hbm>> -> memref<1x64xf32, #tpu.memory_space<hbm>>
      tpu.enqueue_dma source(%dma_start3A_270 : memref<1x64xf32, #tpu.memory_space<hbm>>) target(%dma_start3A_268 : memref<1x64xf32, #tpu.memory_space<vmem>>) target_semaphore(%arg17 : memref<!tpu.dma_semaphore, #tpu.memory_space<semaphore_mem>>)
      %slice3A_271 = vector.extract_strided_slice %get3A_119 {offsets = [11], sizes = [1], strides = [1]} : vector<16xi32> to vector<1xi32>
      %squeeze3A_272 = vector.extract %slice3A_271[0] : i32 from vector<1xi32>
      %mul3A_273 = arith.constant 16 : i32
      %mul3A_274 = arith.muli %scan3A_113, %mul3A_273 : i32
      %add3A_275 = arith.constant 11 : i32
      %add3A_276 = arith.addi %mul3A_274, %add3A_275 : i32
      %dma_start3A_277 = arith.constant 0 : i32
      %dma_start3A_278 = tpu.memref_slice %arg15[%add3A_276, %dma_start3A_277] : memref<256x64xf32, #tpu.memory_space<vmem>> -> memref<1x64xf32, #tpu.memory_space<vmem>>
      %dma_start3A_279 = arith.constant 0 : i32
      %dma_start3A_280 = tpu.memref_slice %arg4[%squeeze3A_272, %dma_start3A_279] : memref<1000000x64xf32, #tpu.memory_space<hbm>> -> memref<1x64xf32, #tpu.memory_space<hbm>>
      %dma_start3A_281 = arith.constant 0 : i32
      %dma_start3A_282 = tpu.memref_slice %arg15[%add3A_276, %dma_start3A_281] : memref<256x64xf32, #tpu.memory_space<vmem>> -> memref<1x64xf32, #tpu.memory_space<vmem>>
      %dma_start3A_283 = arith.constant 0 : i32
      %dma_start3A_284 = tpu.memref_slice %arg4[%squeeze3A_272, %dma_start3A_283] : memref<1000000x64xf32, #tpu.memory_space<hbm>> -> memref<1x64xf32, #tpu.memory_space<hbm>>
      tpu.enqueue_dma source(%dma_start3A_284 : memref<1x64xf32, #tpu.memory_space<hbm>>) target(%dma_start3A_282 : memref<1x64xf32, #tpu.memory_space<vmem>>) target_semaphore(%arg17 : memref<!tpu.dma_semaphore, #tpu.memory_space<semaphore_mem>>)
      %slice3A_285 = vector.extract_strided_slice %get3A_119 {offsets = [12], sizes = [1], strides = [1]} : vector<16xi32> to vector<1xi32>
      %squeeze3A_286 = vector.extract %slice3A_285[0] : i32 from vector<1xi32>
      %mul3A_287 = arith.constant 16 : i32
      %mul3A_288 = arith.muli %scan3A_113, %mul3A_287 : i32
      %add3A_289 = arith.constant 12 : i32
      %add3A_290 = arith.addi %mul3A_288, %add3A_289 : i32
      %dma_start3A_291 = arith.constant 0 : i32
      %dma_start3A_292 = tpu.memref_slice %arg15[%add3A_290, %dma_start3A_291] : memref<256x64xf32, #tpu.memory_space<vmem>> -> memref<1x64xf32, #tpu.memory_space<vmem>>
      %dma_start3A_293 = arith.constant 0 : i32
      %dma_start3A_294 = tpu.memref_slice %arg4[%squeeze3A_286, %dma_start3A_293] : memref<1000000x64xf32, #tpu.memory_space<hbm>> -> memref<1x64xf32, #tpu.memory_space<hbm>>
      %dma_start3A_295 = arith.constant 0 : i32
      %dma_start3A_296 = tpu.memref_slice %arg15[%add3A_290, %dma_start3A_295] : memref<256x64xf32, #tpu.memory_space<vmem>> -> memref<1x64xf32, #tpu.memory_space<vmem>>
      %dma_start3A_297 = arith.constant 0 : i32
      %dma_start3A_298 = tpu.memref_slice %arg4[%squeeze3A_286, %dma_start3A_297] : memref<1000000x64xf32, #tpu.memory_space<hbm>> -> memref<1x64xf32, #tpu.memory_space<hbm>>
      tpu.enqueue_dma source(%dma_start3A_298 : memref<1x64xf32, #tpu.memory_space<hbm>>) target(%dma_start3A_296 : memref<1x64xf32, #tpu.memory_space<vmem>>) target_semaphore(%arg17 : memref<!tpu.dma_semaphore, #tpu.memory_space<semaphore_mem>>)
      %slice3A_299 = vector.extract_strided_slice %get3A_119 {offsets = [13], sizes = [1], strides = [1]} : vector<16xi32> to vector<1xi32>
      %squeeze3A_300 = vector.extract %slice3A_299[0] : i32 from vector<1xi32>
      %mul3A_301 = arith.constant 16 : i32
      %mul3A_302 = arith.muli %scan3A_113, %mul3A_301 : i32
      %add3A_303 = arith.constant 13 : i32
      %add3A_304 = arith.addi %mul3A_302, %add3A_303 : i32
      %dma_start3A_305 = arith.constant 0 : i32
      %dma_start3A_306 = tpu.memref_slice %arg15[%add3A_304, %dma_start3A_305] : memref<256x64xf32, #tpu.memory_space<vmem>> -> memref<1x64xf32, #tpu.memory_space<vmem>>
      %dma_start3A_307 = arith.constant 0 : i32
      %dma_start3A_308 = tpu.memref_slice %arg4[%squeeze3A_300, %dma_start3A_307] : memref<1000000x64xf32, #tpu.memory_space<hbm>> -> memref<1x64xf32, #tpu.memory_space<hbm>>
      %dma_start3A_309 = arith.constant 0 : i32
      %dma_start3A_310 = tpu.memref_slice %arg15[%add3A_304, %dma_start3A_309] : memref<256x64xf32, #tpu.memory_space<vmem>> -> memref<1x64xf32, #tpu.memory_space<vmem>>
      %dma_start3A_311 = arith.constant 0 : i32
      %dma_start3A_312 = tpu.memref_slice %arg4[%squeeze3A_300, %dma_start3A_311] : memref<1000000x64xf32, #tpu.memory_space<hbm>> -> memref<1x64xf32, #tpu.memory_space<hbm>>
      tpu.enqueue_dma source(%dma_start3A_312 : memref<1x64xf32, #tpu.memory_space<hbm>>) target(%dma_start3A_310 : memref<1x64xf32, #tpu.memory_space<vmem>>) target_semaphore(%arg17 : memref<!tpu.dma_semaphore, #tpu.memory_space<semaphore_mem>>)
      %slice3A_313 = vector.extract_strided_slice %get3A_119 {offsets = [14], sizes = [1], strides = [1]} : vector<16xi32> to vector<1xi32>
      %squeeze3A_314 = vector.extract %slice3A_313[0] : i32 from vector<1xi32>
      %mul3A_315 = arith.constant 16 : i32
      %mul3A_316 = arith.muli %scan3A_113, %mul3A_315 : i32
      %add3A_317 = arith.constant 14 : i32
      %add3A_318 = arith.addi %mul3A_316, %add3A_317 : i32
      %dma_start3A_319 = arith.constant 0 : i32
      %dma_start3A_320 = tpu.memref_slice %arg15[%add3A_318, %dma_start3A_319] : memref<256x64xf32, #tpu.memory_space<vmem>> -> memref<1x64xf32, #tpu.memory_space<vmem>>
      %dma_start3A_321 = arith.constant 0 : i32
      %dma_start3A_322 = tpu.memref_slice %arg4[%squeeze3A_314, %dma_start3A_321] : memref<1000000x64xf32, #tpu.memory_space<hbm>> -> memref<1x64xf32, #tpu.memory_space<hbm>>
      %dma_start3A_323 = arith.constant 0 : i32
      %dma_start3A_324 = tpu.memref_slice %arg15[%add3A_318, %dma_start3A_323] : memref<256x64xf32, #tpu.memory_space<vmem>> -> memref<1x64xf32, #tpu.memory_space<vmem>>
      %dma_start3A_325 = arith.constant 0 : i32
      %dma_start3A_326 = tpu.memref_slice %arg4[%squeeze3A_314, %dma_start3A_325] : memref<1000000x64xf32, #tpu.memory_space<hbm>> -> memref<1x64xf32, #tpu.memory_space<hbm>>
      tpu.enqueue_dma source(%dma_start3A_326 : memref<1x64xf32, #tpu.memory_space<hbm>>) target(%dma_start3A_324 : memref<1x64xf32, #tpu.memory_space<vmem>>) target_semaphore(%arg17 : memref<!tpu.dma_semaphore, #tpu.memory_space<semaphore_mem>>)
      %slice3A_327 = vector.extract_strided_slice %get3A_119 {offsets = [15], sizes = [1], strides = [1]} : vector<16xi32> to vector<1xi32>
      %squeeze3A_328 = vector.extract %slice3A_327[0] : i32 from vector<1xi32>
      %mul3A_329 = arith.constant 16 : i32
      %mul3A_330 = arith.muli %scan3A_113, %mul3A_329 : i32
      %add3A_331 = arith.constant 15 : i32
      %add3A_332 = arith.addi %mul3A_330, %add3A_331 : i32
      %dma_start3A_333 = arith.constant 0 : i32
      %dma_start3A_334 = tpu.memref_slice %arg15[%add3A_332, %dma_start3A_333] : memref<256x64xf32, #tpu.memory_space<vmem>> -> memref<1x64xf32, #tpu.memory_space<vmem>>
      %dma_start3A_335 = arith.constant 0 : i32
      %dma_start3A_336 = tpu.memref_slice %arg4[%squeeze3A_328, %dma_start3A_335] : memref<1000000x64xf32, #tpu.memory_space<hbm>> -> memref<1x64xf32, #tpu.memory_space<hbm>>
      %dma_start3A_337 = arith.constant 0 : i32
      %dma_start3A_338 = tpu.memref_slice %arg15[%add3A_332, %dma_start3A_337] : memref<256x64xf32, #tpu.memory_space<vmem>> -> memref<1x64xf32, #tpu.memory_space<vmem>>
      %dma_start3A_339 = arith.constant 0 : i32
      %dma_start3A_340 = tpu.memref_slice %arg4[%squeeze3A_328, %dma_start3A_339] : memref<1000000x64xf32, #tpu.memory_space<hbm>> -> memref<1x64xf32, #tpu.memory_space<hbm>>
      tpu.enqueue_dma source(%dma_start3A_340 : memref<1x64xf32, #tpu.memory_space<hbm>>) target(%dma_start3A_338 : memref<1x64xf32, #tpu.memory_space<vmem>>) target_semaphore(%arg17 : memref<!tpu.dma_semaphore, #tpu.memory_space<semaphore_mem>>)
    }
    %scan3A_13 = arith.constant 16 : i32
    %dma_wait3A = arith.constant 0 : i32
    %dma_wait3A_14 = arith.constant 0 : i32
    %dma_wait3A_15 = tpu.memref_slice %arg4[%dma_wait3A, %dma_wait3A_14] : memref<1000000x64xf32, #tpu.memory_space<hbm>> -> memref<256x64xf32, #tpu.memory_space<hbm>>
    %dma_wait3A_16 = arith.constant 0 : i32
    %dma_wait3A_17 = arith.constant 0 : i32
    %dma_wait3A_18 = tpu.memref_slice %arg4[%dma_wait3A_16, %dma_wait3A_17] : memref<1000000x64xf32, #tpu.memory_space<hbm>> -> memref<256x64xf32, #tpu.memory_space<hbm>>
    tpu.wait_dma2 semaphore(%arg16 : memref<!tpu.dma_semaphore, #tpu.memory_space<semaphore_mem>>) src(%dma_wait3A_18 : memref<256x64xf32, #tpu.memory_space<hbm>>) dst(%arg14 : memref<256x64xf32, #tpu.memory_space<vmem>>)
    %add3A_19 = arith.constant 0 : i32
    %add3A_20 = arith.addi %mul3A_2, %add3A_19 : i32
    "tpu.region"() ({
      %run_scoped3A = tpu.sem_alloc : memref<!tpu.dma_semaphore, #tpu.memory_space<semaphore_mem>>
      %dma_start3A = arith.constant 0 : i32
      %dma_start3A_113 = tpu.memref_slice %arg8[%add3A_20, %dma_start3A] : memref<16384x64xf32, #tpu.memory_space<hbm>> -> memref<256x64xf32, #tpu.memory_space<hbm>>
      %dma_start3A_114 = arith.constant 0 : i32
      %dma_start3A_115 = tpu.memref_slice %arg8[%add3A_20, %dma_start3A_114] : memref<16384x64xf32, #tpu.memory_space<hbm>> -> memref<256x64xf32, #tpu.memory_space<hbm>>
      tpu.enqueue_dma source(%arg14 : memref<256x64xf32, #tpu.memory_space<vmem>>) target(%dma_start3A_115 : memref<256x64xf32, #tpu.memory_space<hbm>>) target_semaphore(%run_scoped3A : memref<!tpu.dma_semaphore, #tpu.memory_space<semaphore_mem>>)
      %dma_wait3A_116 = arith.constant 0 : i32
      %dma_wait3A_117 = tpu.memref_slice %arg8[%add3A_20, %dma_wait3A_116] : memref<16384x64xf32, #tpu.memory_space<hbm>> -> memref<256x64xf32, #tpu.memory_space<hbm>>
      %dma_wait3A_118 = arith.constant 0 : i32
      %dma_wait3A_119 = tpu.memref_slice %arg8[%add3A_20, %dma_wait3A_118] : memref<16384x64xf32, #tpu.memory_space<hbm>> -> memref<256x64xf32, #tpu.memory_space<hbm>>
      tpu.wait_dma2 semaphore(%run_scoped3A : memref<!tpu.dma_semaphore, #tpu.memory_space<semaphore_mem>>) src(%arg14 : memref<256x64xf32, #tpu.memory_space<vmem>>) dst(%dma_wait3A_119 : memref<256x64xf32, #tpu.memory_space<hbm>>)
      tpu.yield
    }) : () -> ()
    %scan3A_21 = arith.constant 0 : i32
    %scan3A_22 = arith.constant 0 : i32
    %scan3A_23 = arith.constant 16 : i32
    %scan3A_24 = arith.addi %scan3A_22, %scan3A_23 : i32
    %scan3A_25 = arith.constant 1 : i32
    scf.for %scan3A_113 = %scan3A_22 to %scan3A_24 step %scan3A_25  : i32 {
      %mul3A_114 = arith.constant 16 : i32
      %mul3A_115 = arith.muli %scan3A_113, %mul3A_114 : i32
      %add3A_116 = arith.constant 0 : i32
      %add3A_117 = arith.addi %add3A_116, %mul3A_115 : i32
      %get3A = arith.index_cast %add3A_117 : i32 to index
      %get3A_118 = tpu.vector_load %arg13[%get3A] {strides = array<i32>} : memref<512xi32, #tpu.memory_space<vmem>>, vector<16xi32>,
      %get3A_119 = vector.shape_cast %get3A_118 : vector<16xi32> to vector<16xi32>
      %slice3A = vector.extract_strided_slice %get3A_119 {offsets = [0], sizes = [1], strides = [1]} : vector<16xi32> to vector<1xi32>
      %squeeze3A = vector.extract %slice3A[0] : i32 from vector<1xi32>
      %mul3A_120 = arith.constant 16 : i32
      %mul3A_121 = arith.muli %scan3A_113, %mul3A_120 : i32
      %add3A_122 = arith.constant 0 : i32
      %add3A_123 = arith.addi %mul3A_121, %add3A_122 : i32
      %dma_start3A = arith.constant 0 : i32
      %dma_start3A_124 = tpu.memref_slice %arg14[%add3A_123, %dma_start3A] : memref<256x64xf32, #tpu.memory_space<vmem>> -> memref<1x64xf32, #tpu.memory_space<vmem>>
      %dma_start3A_125 = arith.constant 0 : i32
      %dma_start3A_126 = tpu.memref_slice %arg5[%squeeze3A, %dma_start3A_125] : memref<100000x64xf32, #tpu.memory_space<hbm>> -> memref<1x64xf32, #tpu.memory_space<hbm>>
      %dma_start3A_127 = arith.constant 0 : i32
      %dma_start3A_128 = tpu.memref_slice %arg14[%add3A_123, %dma_start3A_127] : memref<256x64xf32, #tpu.memory_space<vmem>> -> memref<1x64xf32, #tpu.memory_space<vmem>>
      %dma_start3A_129 = arith.constant 0 : i32
      %dma_start3A_130 = tpu.memref_slice %arg5[%squeeze3A, %dma_start3A_129] : memref<100000x64xf32, #tpu.memory_space<hbm>> -> memref<1x64xf32, #tpu.memory_space<hbm>>
      tpu.enqueue_dma source(%dma_start3A_130 : memref<1x64xf32, #tpu.memory_space<hbm>>) target(%dma_start3A_128 : memref<1x64xf32, #tpu.memory_space<vmem>>) target_semaphore(%arg16 : memref<!tpu.dma_semaphore, #tpu.memory_space<semaphore_mem>>)
      %slice3A_131 = vector.extract_strided_slice %get3A_119 {offsets = [1], sizes = [1], strides = [1]} : vector<16xi32> to vector<1xi32>
      %squeeze3A_132 = vector.extract %slice3A_131[0] : i32 from vector<1xi32>
      %mul3A_133 = arith.constant 16 : i32
      %mul3A_134 = arith.muli %scan3A_113, %mul3A_133 : i32
      %add3A_135 = arith.constant 1 : i32
      %add3A_136 = arith.addi %mul3A_134, %add3A_135 : i32
      %dma_start3A_137 = arith.constant 0 : i32
      %dma_start3A_138 = tpu.memref_slice %arg14[%add3A_136, %dma_start3A_137] : memref<256x64xf32, #tpu.memory_space<vmem>> -> memref<1x64xf32, #tpu.memory_space<vmem>>
      %dma_start3A_139 = arith.constant 0 : i32
      %dma_start3A_140 = tpu.memref_slice %arg5[%squeeze3A_132, %dma_start3A_139] : memref<100000x64xf32, #tpu.memory_space<hbm>> -> memref<1x64xf32, #tpu.memory_space<hbm>>
      %dma_start3A_141 = arith.constant 0 : i32
      %dma_start3A_142 = tpu.memref_slice %arg14[%add3A_136, %dma_start3A_141] : memref<256x64xf32, #tpu.memory_space<vmem>> -> memref<1x64xf32, #tpu.memory_space<vmem>>
      %dma_start3A_143 = arith.constant 0 : i32
      %dma_start3A_144 = tpu.memref_slice %arg5[%squeeze3A_132, %dma_start3A_143] : memref<100000x64xf32, #tpu.memory_space<hbm>> -> memref<1x64xf32, #tpu.memory_space<hbm>>
      tpu.enqueue_dma source(%dma_start3A_144 : memref<1x64xf32, #tpu.memory_space<hbm>>) target(%dma_start3A_142 : memref<1x64xf32, #tpu.memory_space<vmem>>) target_semaphore(%arg16 : memref<!tpu.dma_semaphore, #tpu.memory_space<semaphore_mem>>)
      %slice3A_145 = vector.extract_strided_slice %get3A_119 {offsets = [2], sizes = [1], strides = [1]} : vector<16xi32> to vector<1xi32>
      %squeeze3A_146 = vector.extract %slice3A_145[0] : i32 from vector<1xi32>
      %mul3A_147 = arith.constant 16 : i32
      %mul3A_148 = arith.muli %scan3A_113, %mul3A_147 : i32
      %add3A_149 = arith.constant 2 : i32
      %add3A_150 = arith.addi %mul3A_148, %add3A_149 : i32
      %dma_start3A_151 = arith.constant 0 : i32
      %dma_start3A_152 = tpu.memref_slice %arg14[%add3A_150, %dma_start3A_151] : memref<256x64xf32, #tpu.memory_space<vmem>> -> memref<1x64xf32, #tpu.memory_space<vmem>>
      %dma_start3A_153 = arith.constant 0 : i32
      %dma_start3A_154 = tpu.memref_slice %arg5[%squeeze3A_146, %dma_start3A_153] : memref<100000x64xf32, #tpu.memory_space<hbm>> -> memref<1x64xf32, #tpu.memory_space<hbm>>
      %dma_start3A_155 = arith.constant 0 : i32
      %dma_start3A_156 = tpu.memref_slice %arg14[%add3A_150, %dma_start3A_155] : memref<256x64xf32, #tpu.memory_space<vmem>> -> memref<1x64xf32, #tpu.memory_space<vmem>>
      %dma_start3A_157 = arith.constant 0 : i32
      %dma_start3A_158 = tpu.memref_slice %arg5[%squeeze3A_146, %dma_start3A_157] : memref<100000x64xf32, #tpu.memory_space<hbm>> -> memref<1x64xf32, #tpu.memory_space<hbm>>
      tpu.enqueue_dma source(%dma_start3A_158 : memref<1x64xf32, #tpu.memory_space<hbm>>) target(%dma_start3A_156 : memref<1x64xf32, #tpu.memory_space<vmem>>) target_semaphore(%arg16 : memref<!tpu.dma_semaphore, #tpu.memory_space<semaphore_mem>>)
      %slice3A_159 = vector.extract_strided_slice %get3A_119 {offsets = [3], sizes = [1], strides = [1]} : vector<16xi32> to vector<1xi32>
      %squeeze3A_160 = vector.extract %slice3A_159[0] : i32 from vector<1xi32>
      %mul3A_161 = arith.constant 16 : i32
      %mul3A_162 = arith.muli %scan3A_113, %mul3A_161 : i32
      %add3A_163 = arith.constant 3 : i32
      %add3A_164 = arith.addi %mul3A_162, %add3A_163 : i32
      %dma_start3A_165 = arith.constant 0 : i32
      %dma_start3A_166 = tpu.memref_slice %arg14[%add3A_164, %dma_start3A_165] : memref<256x64xf32, #tpu.memory_space<vmem>> -> memref<1x64xf32, #tpu.memory_space<vmem>>
      %dma_start3A_167 = arith.constant 0 : i32
      %dma_start3A_168 = tpu.memref_slice %arg5[%squeeze3A_160, %dma_start3A_167] : memref<100000x64xf32, #tpu.memory_space<hbm>> -> memref<1x64xf32, #tpu.memory_space<hbm>>
      %dma_start3A_169 = arith.constant 0 : i32
      %dma_start3A_170 = tpu.memref_slice %arg14[%add3A_164, %dma_start3A_169] : memref<256x64xf32, #tpu.memory_space<vmem>> -> memref<1x64xf32, #tpu.memory_space<vmem>>
      %dma_start3A_171 = arith.constant 0 : i32
      %dma_start3A_172 = tpu.memref_slice %arg5[%squeeze3A_160, %dma_start3A_171] : memref<100000x64xf32, #tpu.memory_space<hbm>> -> memref<1x64xf32, #tpu.memory_space<hbm>>
      tpu.enqueue_dma source(%dma_start3A_172 : memref<1x64xf32, #tpu.memory_space<hbm>>) target(%dma_start3A_170 : memref<1x64xf32, #tpu.memory_space<vmem>>) target_semaphore(%arg16 : memref<!tpu.dma_semaphore, #tpu.memory_space<semaphore_mem>>)
      %slice3A_173 = vector.extract_strided_slice %get3A_119 {offsets = [4], sizes = [1], strides = [1]} : vector<16xi32> to vector<1xi32>
      %squeeze3A_174 = vector.extract %slice3A_173[0] : i32 from vector<1xi32>
      %mul3A_175 = arith.constant 16 : i32
      %mul3A_176 = arith.muli %scan3A_113, %mul3A_175 : i32
      %add3A_177 = arith.constant 4 : i32
      %add3A_178 = arith.addi %mul3A_176, %add3A_177 : i32
      %dma_start3A_179 = arith.constant 0 : i32
      %dma_start3A_180 = tpu.memref_slice %arg14[%add3A_178, %dma_start3A_179] : memref<256x64xf32, #tpu.memory_space<vmem>> -> memref<1x64xf32, #tpu.memory_space<vmem>>
      %dma_start3A_181 = arith.constant 0 : i32
      %dma_start3A_182 = tpu.memref_slice %arg5[%squeeze3A_174, %dma_start3A_181] : memref<100000x64xf32, #tpu.memory_space<hbm>> -> memref<1x64xf32, #tpu.memory_space<hbm>>
      %dma_start3A_183 = arith.constant 0 : i32
      %dma_start3A_184 = tpu.memref_slice %arg14[%add3A_178, %dma_start3A_183] : memref<256x64xf32, #tpu.memory_space<vmem>> -> memref<1x64xf32, #tpu.memory_space<vmem>>
      %dma_start3A_185 = arith.constant 0 : i32
      %dma_start3A_186 = tpu.memref_slice %arg5[%squeeze3A_174, %dma_start3A_185] : memref<100000x64xf32, #tpu.memory_space<hbm>> -> memref<1x64xf32, #tpu.memory_space<hbm>>
      tpu.enqueue_dma source(%dma_start3A_186 : memref<1x64xf32, #tpu.memory_space<hbm>>) target(%dma_start3A_184 : memref<1x64xf32, #tpu.memory_space<vmem>>) target_semaphore(%arg16 : memref<!tpu.dma_semaphore, #tpu.memory_space<semaphore_mem>>)
      %slice3A_187 = vector.extract_strided_slice %get3A_119 {offsets = [5], sizes = [1], strides = [1]} : vector<16xi32> to vector<1xi32>
      %squeeze3A_188 = vector.extract %slice3A_187[0] : i32 from vector<1xi32>
      %mul3A_189 = arith.constant 16 : i32
      %mul3A_190 = arith.muli %scan3A_113, %mul3A_189 : i32
      %add3A_191 = arith.constant 5 : i32
      %add3A_192 = arith.addi %mul3A_190, %add3A_191 : i32
      %dma_start3A_193 = arith.constant 0 : i32
      %dma_start3A_194 = tpu.memref_slice %arg14[%add3A_192, %dma_start3A_193] : memref<256x64xf32, #tpu.memory_space<vmem>> -> memref<1x64xf32, #tpu.memory_space<vmem>>
      %dma_start3A_195 = arith.constant 0 : i32
      %dma_start3A_196 = tpu.memref_slice %arg5[%squeeze3A_188, %dma_start3A_195] : memref<100000x64xf32, #tpu.memory_space<hbm>> -> memref<1x64xf32, #tpu.memory_space<hbm>>
      %dma_start3A_197 = arith.constant 0 : i32
      %dma_start3A_198 = tpu.memref_slice %arg14[%add3A_192, %dma_start3A_197] : memref<256x64xf32, #tpu.memory_space<vmem>> -> memref<1x64xf32, #tpu.memory_space<vmem>>
      %dma_start3A_199 = arith.constant 0 : i32
      %dma_start3A_200 = tpu.memref_slice %arg5[%squeeze3A_188, %dma_start3A_199] : memref<100000x64xf32, #tpu.memory_space<hbm>> -> memref<1x64xf32, #tpu.memory_space<hbm>>
      tpu.enqueue_dma source(%dma_start3A_200 : memref<1x64xf32, #tpu.memory_space<hbm>>) target(%dma_start3A_198 : memref<1x64xf32, #tpu.memory_space<vmem>>) target_semaphore(%arg16 : memref<!tpu.dma_semaphore, #tpu.memory_space<semaphore_mem>>)
      %slice3A_201 = vector.extract_strided_slice %get3A_119 {offsets = [6], sizes = [1], strides = [1]} : vector<16xi32> to vector<1xi32>
      %squeeze3A_202 = vector.extract %slice3A_201[0] : i32 from vector<1xi32>
      %mul3A_203 = arith.constant 16 : i32
      %mul3A_204 = arith.muli %scan3A_113, %mul3A_203 : i32
      %add3A_205 = arith.constant 6 : i32
      %add3A_206 = arith.addi %mul3A_204, %add3A_205 : i32
      %dma_start3A_207 = arith.constant 0 : i32
      %dma_start3A_208 = tpu.memref_slice %arg14[%add3A_206, %dma_start3A_207] : memref<256x64xf32, #tpu.memory_space<vmem>> -> memref<1x64xf32, #tpu.memory_space<vmem>>
      %dma_start3A_209 = arith.constant 0 : i32
      %dma_start3A_210 = tpu.memref_slice %arg5[%squeeze3A_202, %dma_start3A_209] : memref<100000x64xf32, #tpu.memory_space<hbm>> -> memref<1x64xf32, #tpu.memory_space<hbm>>
      %dma_start3A_211 = arith.constant 0 : i32
      %dma_start3A_212 = tpu.memref_slice %arg14[%add3A_206, %dma_start3A_211] : memref<256x64xf32, #tpu.memory_space<vmem>> -> memref<1x64xf32, #tpu.memory_space<vmem>>
      %dma_start3A_213 = arith.constant 0 : i32
      %dma_start3A_214 = tpu.memref_slice %arg5[%squeeze3A_202, %dma_start3A_213] : memref<100000x64xf32, #tpu.memory_space<hbm>> -> memref<1x64xf32, #tpu.memory_space<hbm>>
      tpu.enqueue_dma source(%dma_start3A_214 : memref<1x64xf32, #tpu.memory_space<hbm>>) target(%dma_start3A_212 : memref<1x64xf32, #tpu.memory_space<vmem>>) target_semaphore(%arg16 : memref<!tpu.dma_semaphore, #tpu.memory_space<semaphore_mem>>)
      %slice3A_215 = vector.extract_strided_slice %get3A_119 {offsets = [7], sizes = [1], strides = [1]} : vector<16xi32> to vector<1xi32>
      %squeeze3A_216 = vector.extract %slice3A_215[0] : i32 from vector<1xi32>
      %mul3A_217 = arith.constant 16 : i32
      %mul3A_218 = arith.muli %scan3A_113, %mul3A_217 : i32
      %add3A_219 = arith.constant 7 : i32
      %add3A_220 = arith.addi %mul3A_218, %add3A_219 : i32
      %dma_start3A_221 = arith.constant 0 : i32
      %dma_start3A_222 = tpu.memref_slice %arg14[%add3A_220, %dma_start3A_221] : memref<256x64xf32, #tpu.memory_space<vmem>> -> memref<1x64xf32, #tpu.memory_space<vmem>>
      %dma_start3A_223 = arith.constant 0 : i32
      %dma_start3A_224 = tpu.memref_slice %arg5[%squeeze3A_216, %dma_start3A_223] : memref<100000x64xf32, #tpu.memory_space<hbm>> -> memref<1x64xf32, #tpu.memory_space<hbm>>
      %dma_start3A_225 = arith.constant 0 : i32
      %dma_start3A_226 = tpu.memref_slice %arg14[%add3A_220, %dma_start3A_225] : memref<256x64xf32, #tpu.memory_space<vmem>> -> memref<1x64xf32, #tpu.memory_space<vmem>>
      %dma_start3A_227 = arith.constant 0 : i32
      %dma_start3A_228 = tpu.memref_slice %arg5[%squeeze3A_216, %dma_start3A_227] : memref<100000x64xf32, #tpu.memory_space<hbm>> -> memref<1x64xf32, #tpu.memory_space<hbm>>
      tpu.enqueue_dma source(%dma_start3A_228 : memref<1x64xf32, #tpu.memory_space<hbm>>) target(%dma_start3A_226 : memref<1x64xf32, #tpu.memory_space<vmem>>) target_semaphore(%arg16 : memref<!tpu.dma_semaphore, #tpu.memory_space<semaphore_mem>>)
      %slice3A_229 = vector.extract_strided_slice %get3A_119 {offsets = [8], sizes = [1], strides = [1]} : vector<16xi32> to vector<1xi32>
      %squeeze3A_230 = vector.extract %slice3A_229[0] : i32 from vector<1xi32>
      %mul3A_231 = arith.constant 16 : i32
      %mul3A_232 = arith.muli %scan3A_113, %mul3A_231 : i32
      %add3A_233 = arith.constant 8 : i32
      %add3A_234 = arith.addi %mul3A_232, %add3A_233 : i32
      %dma_start3A_235 = arith.constant 0 : i32
      %dma_start3A_236 = tpu.memref_slice %arg14[%add3A_234, %dma_start3A_235] : memref<256x64xf32, #tpu.memory_space<vmem>> -> memref<1x64xf32, #tpu.memory_space<vmem>>
      %dma_start3A_237 = arith.constant 0 : i32
      %dma_start3A_238 = tpu.memref_slice %arg5[%squeeze3A_230, %dma_start3A_237] : memref<100000x64xf32, #tpu.memory_space<hbm>> -> memref<1x64xf32, #tpu.memory_space<hbm>>
      %dma_start3A_239 = arith.constant 0 : i32
      %dma_start3A_240 = tpu.memref_slice %arg14[%add3A_234, %dma_start3A_239] : memref<256x64xf32, #tpu.memory_space<vmem>> -> memref<1x64xf32, #tpu.memory_space<vmem>>
      %dma_start3A_241 = arith.constant 0 : i32
      %dma_start3A_242 = tpu.memref_slice %arg5[%squeeze3A_230, %dma_start3A_241] : memref<100000x64xf32, #tpu.memory_space<hbm>> -> memref<1x64xf32, #tpu.memory_space<hbm>>
      tpu.enqueue_dma source(%dma_start3A_242 : memref<1x64xf32, #tpu.memory_space<hbm>>) target(%dma_start3A_240 : memref<1x64xf32, #tpu.memory_space<vmem>>) target_semaphore(%arg16 : memref<!tpu.dma_semaphore, #tpu.memory_space<semaphore_mem>>)
      %slice3A_243 = vector.extract_strided_slice %get3A_119 {offsets = [9], sizes = [1], strides = [1]} : vector<16xi32> to vector<1xi32>
      %squeeze3A_244 = vector.extract %slice3A_243[0] : i32 from vector<1xi32>
      %mul3A_245 = arith.constant 16 : i32
      %mul3A_246 = arith.muli %scan3A_113, %mul3A_245 : i32
      %add3A_247 = arith.constant 9 : i32
      %add3A_248 = arith.addi %mul3A_246, %add3A_247 : i32
      %dma_start3A_249 = arith.constant 0 : i32
      %dma_start3A_250 = tpu.memref_slice %arg14[%add3A_248, %dma_start3A_249] : memref<256x64xf32, #tpu.memory_space<vmem>> -> memref<1x64xf32, #tpu.memory_space<vmem>>
      %dma_start3A_251 = arith.constant 0 : i32
      %dma_start3A_252 = tpu.memref_slice %arg5[%squeeze3A_244, %dma_start3A_251] : memref<100000x64xf32, #tpu.memory_space<hbm>> -> memref<1x64xf32, #tpu.memory_space<hbm>>
      %dma_start3A_253 = arith.constant 0 : i32
      %dma_start3A_254 = tpu.memref_slice %arg14[%add3A_248, %dma_start3A_253] : memref<256x64xf32, #tpu.memory_space<vmem>> -> memref<1x64xf32, #tpu.memory_space<vmem>>
      %dma_start3A_255 = arith.constant 0 : i32
      %dma_start3A_256 = tpu.memref_slice %arg5[%squeeze3A_244, %dma_start3A_255] : memref<100000x64xf32, #tpu.memory_space<hbm>> -> memref<1x64xf32, #tpu.memory_space<hbm>>
      tpu.enqueue_dma source(%dma_start3A_256 : memref<1x64xf32, #tpu.memory_space<hbm>>) target(%dma_start3A_254 : memref<1x64xf32, #tpu.memory_space<vmem>>) target_semaphore(%arg16 : memref<!tpu.dma_semaphore, #tpu.memory_space<semaphore_mem>>)
      %slice3A_257 = vector.extract_strided_slice %get3A_119 {offsets = [10], sizes = [1], strides = [1]} : vector<16xi32> to vector<1xi32>
      %squeeze3A_258 = vector.extract %slice3A_257[0] : i32 from vector<1xi32>
      %mul3A_259 = arith.constant 16 : i32
      %mul3A_260 = arith.muli %scan3A_113, %mul3A_259 : i32
      %add3A_261 = arith.constant 10 : i32
      %add3A_262 = arith.addi %mul3A_260, %add3A_261 : i32
      %dma_start3A_263 = arith.constant 0 : i32
      %dma_start3A_264 = tpu.memref_slice %arg14[%add3A_262, %dma_start3A_263] : memref<256x64xf32, #tpu.memory_space<vmem>> -> memref<1x64xf32, #tpu.memory_space<vmem>>
      %dma_start3A_265 = arith.constant 0 : i32
      %dma_start3A_266 = tpu.memref_slice %arg5[%squeeze3A_258, %dma_start3A_265] : memref<100000x64xf32, #tpu.memory_space<hbm>> -> memref<1x64xf32, #tpu.memory_space<hbm>>
      %dma_start3A_267 = arith.constant 0 : i32
      %dma_start3A_268 = tpu.memref_slice %arg14[%add3A_262, %dma_start3A_267] : memref<256x64xf32, #tpu.memory_space<vmem>> -> memref<1x64xf32, #tpu.memory_space<vmem>>
      %dma_start3A_269 = arith.constant 0 : i32
      %dma_start3A_270 = tpu.memref_slice %arg5[%squeeze3A_258, %dma_start3A_269] : memref<100000x64xf32, #tpu.memory_space<hbm>> -> memref<1x64xf32, #tpu.memory_space<hbm>>
      tpu.enqueue_dma source(%dma_start3A_270 : memref<1x64xf32, #tpu.memory_space<hbm>>) target(%dma_start3A_268 : memref<1x64xf32, #tpu.memory_space<vmem>>) target_semaphore(%arg16 : memref<!tpu.dma_semaphore, #tpu.memory_space<semaphore_mem>>)
      %slice3A_271 = vector.extract_strided_slice %get3A_119 {offsets = [11], sizes = [1], strides = [1]} : vector<16xi32> to vector<1xi32>
      %squeeze3A_272 = vector.extract %slice3A_271[0] : i32 from vector<1xi32>
      %mul3A_273 = arith.constant 16 : i32
      %mul3A_274 = arith.muli %scan3A_113, %mul3A_273 : i32
      %add3A_275 = arith.constant 11 : i32
      %add3A_276 = arith.addi %mul3A_274, %add3A_275 : i32
      %dma_start3A_277 = arith.constant 0 : i32
      %dma_start3A_278 = tpu.memref_slice %arg14[%add3A_276, %dma_start3A_277] : memref<256x64xf32, #tpu.memory_space<vmem>> -> memref<1x64xf32, #tpu.memory_space<vmem>>
      %dma_start3A_279 = arith.constant 0 : i32
      %dma_start3A_280 = tpu.memref_slice %arg5[%squeeze3A_272, %dma_start3A_279] : memref<100000x64xf32, #tpu.memory_space<hbm>> -> memref<1x64xf32, #tpu.memory_space<hbm>>
      %dma_start3A_281 = arith.constant 0 : i32
      %dma_start3A_282 = tpu.memref_slice %arg14[%add3A_276, %dma_start3A_281] : memref<256x64xf32, #tpu.memory_space<vmem>> -> memref<1x64xf32, #tpu.memory_space<vmem>>
      %dma_start3A_283 = arith.constant 0 : i32
      %dma_start3A_284 = tpu.memref_slice %arg5[%squeeze3A_272, %dma_start3A_283] : memref<100000x64xf32, #tpu.memory_space<hbm>> -> memref<1x64xf32, #tpu.memory_space<hbm>>
      tpu.enqueue_dma source(%dma_start3A_284 : memref<1x64xf32, #tpu.memory_space<hbm>>) target(%dma_start3A_282 : memref<1x64xf32, #tpu.memory_space<vmem>>) target_semaphore(%arg16 : memref<!tpu.dma_semaphore, #tpu.memory_space<semaphore_mem>>)
      %slice3A_285 = vector.extract_strided_slice %get3A_119 {offsets = [12], sizes = [1], strides = [1]} : vector<16xi32> to vector<1xi32>
      %squeeze3A_286 = vector.extract %slice3A_285[0] : i32 from vector<1xi32>
      %mul3A_287 = arith.constant 16 : i32
      %mul3A_288 = arith.muli %scan3A_113, %mul3A_287 : i32
      %add3A_289 = arith.constant 12 : i32
      %add3A_290 = arith.addi %mul3A_288, %add3A_289 : i32
      %dma_start3A_291 = arith.constant 0 : i32
      %dma_start3A_292 = tpu.memref_slice %arg14[%add3A_290, %dma_start3A_291] : memref<256x64xf32, #tpu.memory_space<vmem>> -> memref<1x64xf32, #tpu.memory_space<vmem>>
      %dma_start3A_293 = arith.constant 0 : i32
      %dma_start3A_294 = tpu.memref_slice %arg5[%squeeze3A_286, %dma_start3A_293] : memref<100000x64xf32, #tpu.memory_space<hbm>> -> memref<1x64xf32, #tpu.memory_space<hbm>>
      %dma_start3A_295 = arith.constant 0 : i32
      %dma_start3A_296 = tpu.memref_slice %arg14[%add3A_290, %dma_start3A_295] : memref<256x64xf32, #tpu.memory_space<vmem>> -> memref<1x64xf32, #tpu.memory_space<vmem>>
      %dma_start3A_297 = arith.constant 0 : i32
      %dma_start3A_298 = tpu.memref_slice %arg5[%squeeze3A_286, %dma_start3A_297] : memref<100000x64xf32, #tpu.memory_space<hbm>> -> memref<1x64xf32, #tpu.memory_space<hbm>>
      tpu.enqueue_dma source(%dma_start3A_298 : memref<1x64xf32, #tpu.memory_space<hbm>>) target(%dma_start3A_296 : memref<1x64xf32, #tpu.memory_space<vmem>>) target_semaphore(%arg16 : memref<!tpu.dma_semaphore, #tpu.memory_space<semaphore_mem>>)
      %slice3A_299 = vector.extract_strided_slice %get3A_119 {offsets = [13], sizes = [1], strides = [1]} : vector<16xi32> to vector<1xi32>
      %squeeze3A_300 = vector.extract %slice3A_299[0] : i32 from vector<1xi32>
      %mul3A_301 = arith.constant 16 : i32
      %mul3A_302 = arith.muli %scan3A_113, %mul3A_301 : i32
      %add3A_303 = arith.constant 13 : i32
      %add3A_304 = arith.addi %mul3A_302, %add3A_303 : i32
      %dma_start3A_305 = arith.constant 0 : i32
      %dma_start3A_306 = tpu.memref_slice %arg14[%add3A_304, %dma_start3A_305] : memref<256x64xf32, #tpu.memory_space<vmem>> -> memref<1x64xf32, #tpu.memory_space<vmem>>
      %dma_start3A_307 = arith.constant 0 : i32
      %dma_start3A_308 = tpu.memref_slice %arg5[%squeeze3A_300, %dma_start3A_307] : memref<100000x64xf32, #tpu.memory_space<hbm>> -> memref<1x64xf32, #tpu.memory_space<hbm>>
      %dma_start3A_309 = arith.constant 0 : i32
      %dma_start3A_310 = tpu.memref_slice %arg14[%add3A_304, %dma_start3A_309] : memref<256x64xf32, #tpu.memory_space<vmem>> -> memref<1x64xf32, #tpu.memory_space<vmem>>
      %dma_start3A_311 = arith.constant 0 : i32
      %dma_start3A_312 = tpu.memref_slice %arg5[%squeeze3A_300, %dma_start3A_311] : memref<100000x64xf32, #tpu.memory_space<hbm>> -> memref<1x64xf32, #tpu.memory_space<hbm>>
      tpu.enqueue_dma source(%dma_start3A_312 : memref<1x64xf32, #tpu.memory_space<hbm>>) target(%dma_start3A_310 : memref<1x64xf32, #tpu.memory_space<vmem>>) target_semaphore(%arg16 : memref<!tpu.dma_semaphore, #tpu.memory_space<semaphore_mem>>)
      %slice3A_313 = vector.extract_strided_slice %get3A_119 {offsets = [14], sizes = [1], strides = [1]} : vector<16xi32> to vector<1xi32>
      %squeeze3A_314 = vector.extract %slice3A_313[0] : i32 from vector<1xi32>
      %mul3A_315 = arith.constant 16 : i32
      %mul3A_316 = arith.muli %scan3A_113, %mul3A_315 : i32
      %add3A_317 = arith.constant 14 : i32
      %add3A_318 = arith.addi %mul3A_316, %add3A_317 : i32
      %dma_start3A_319 = arith.constant 0 : i32
      %dma_start3A_320 = tpu.memref_slice %arg14[%add3A_318, %dma_start3A_319] : memref<256x64xf32, #tpu.memory_space<vmem>> -> memref<1x64xf32, #tpu.memory_space<vmem>>
      %dma_start3A_321 = arith.constant 0 : i32
      %dma_start3A_322 = tpu.memref_slice %arg5[%squeeze3A_314, %dma_start3A_321] : memref<100000x64xf32, #tpu.memory_space<hbm>> -> memref<1x64xf32, #tpu.memory_space<hbm>>
      %dma_start3A_323 = arith.constant 0 : i32
      %dma_start3A_324 = tpu.memref_slice %arg14[%add3A_318, %dma_start3A_323] : memref<256x64xf32, #tpu.memory_space<vmem>> -> memref<1x64xf32, #tpu.memory_space<vmem>>
      %dma_start3A_325 = arith.constant 0 : i32
      %dma_start3A_326 = tpu.memref_slice %arg5[%squeeze3A_314, %dma_start3A_325] : memref<100000x64xf32, #tpu.memory_space<hbm>> -> memref<1x64xf32, #tpu.memory_space<hbm>>
      tpu.enqueue_dma source(%dma_start3A_326 : memref<1x64xf32, #tpu.memory_space<hbm>>) target(%dma_start3A_324 : memref<1x64xf32, #tpu.memory_space<vmem>>) target_semaphore(%arg16 : memref<!tpu.dma_semaphore, #tpu.memory_space<semaphore_mem>>)
      %slice3A_327 = vector.extract_strided_slice %get3A_119 {offsets = [15], sizes = [1], strides = [1]} : vector<16xi32> to vector<1xi32>
      %squeeze3A_328 = vector.extract %slice3A_327[0] : i32 from vector<1xi32>
      %mul3A_329 = arith.constant 16 : i32
      %mul3A_330 = arith.muli %scan3A_113, %mul3A_329 : i32
      %add3A_331 = arith.constant 15 : i32
      %add3A_332 = arith.addi %mul3A_330, %add3A_331 : i32
      %dma_start3A_333 = arith.constant 0 : i32
      %dma_start3A_334 = tpu.memref_slice %arg14[%add3A_332, %dma_start3A_333] : memref<256x64xf32, #tpu.memory_space<vmem>> -> memref<1x64xf32, #tpu.memory_space<vmem>>
      %dma_start3A_335 = arith.constant 0 : i32
      %dma_start3A_336 = tpu.memref_slice %arg5[%squeeze3A_328, %dma_start3A_335] : memref<100000x64xf32, #tpu.memory_space<hbm>> -> memref<1x64xf32, #tpu.memory_space<hbm>>
      %dma_start3A_337 = arith.constant 0 : i32
      %dma_start3A_338 = tpu.memref_slice %arg14[%add3A_332, %dma_start3A_337] : memref<256x64xf32, #tpu.memory_space<vmem>> -> memref<1x64xf32, #tpu.memory_space<vmem>>
      %dma_start3A_339 = arith.constant 0 : i32
      %dma_start3A_340 = tpu.memref_slice %arg5[%squeeze3A_328, %dma_start3A_339] : memref<100000x64xf32, #tpu.memory_space<hbm>> -> memref<1x64xf32, #tpu.memory_space<hbm>>
      tpu.enqueue_dma source(%dma_start3A_340 : memref<1x64xf32, #tpu.memory_space<hbm>>) target(%dma_start3A_338 : memref<1x64xf32, #tpu.memory_space<vmem>>) target_semaphore(%arg16 : memref<!tpu.dma_semaphore, #tpu.memory_space<semaphore_mem>>)
    }
    %scan3A_26 = arith.constant 16 : i32
    %dma_wait3A_27 = arith.constant 0 : i32
    %dma_wait3A_28 = arith.constant 0 : i32
    %dma_wait3A_29 = tpu.memref_slice %arg4[%dma_wait3A_27, %dma_wait3A_28] : memref<1000000x64xf32, #tpu.memory_space<hbm>> -> memref<256x64xf32, #tpu.memory_space<hbm>>
    %dma_wait3A_30 = arith.constant 0 : i32
    %dma_wait3A_31 = arith.constant 0 : i32
    %dma_wait3A_32 = tpu.memref_slice %arg4[%dma_wait3A_30, %dma_wait3A_31] : memref<1000000x64xf32, #tpu.memory_space<hbm>> -> memref<256x64xf32, #tpu.memory_space<hbm>>
    tpu.wait_dma2 semaphore(%arg17 : memref<!tpu.dma_semaphore, #tpu.memory_space<semaphore_mem>>) src(%dma_wait3A_32 : memref<256x64xf32, #tpu.memory_space<hbm>>) dst(%arg15 : memref<256x64xf32, #tpu.memory_space<vmem>>)
    %add3A_33 = arith.constant 256 : i32
    %add3A_34 = arith.addi %mul3A_2, %add3A_33 : i32
    "tpu.region"() ({
      %run_scoped3A = tpu.sem_alloc : memref<!tpu.dma_semaphore, #tpu.memory_space<semaphore_mem>>
      %dma_start3A = arith.constant 0 : i32
      %dma_start3A_113 = tpu.memref_slice %arg8[%add3A_34, %dma_start3A] : memref<16384x64xf32, #tpu.memory_space<hbm>> -> memref<256x64xf32, #tpu.memory_space<hbm>>
      %dma_start3A_114 = arith.constant 0 : i32
      %dma_start3A_115 = tpu.memref_slice %arg8[%add3A_34, %dma_start3A_114] : memref<16384x64xf32, #tpu.memory_space<hbm>> -> memref<256x64xf32, #tpu.memory_space<hbm>>
      tpu.enqueue_dma source(%arg15 : memref<256x64xf32, #tpu.memory_space<vmem>>) target(%dma_start3A_115 : memref<256x64xf32, #tpu.memory_space<hbm>>) target_semaphore(%run_scoped3A : memref<!tpu.dma_semaphore, #tpu.memory_space<semaphore_mem>>)
      %dma_wait3A_116 = arith.constant 0 : i32
      %dma_wait3A_117 = tpu.memref_slice %arg8[%add3A_34, %dma_wait3A_116] : memref<16384x64xf32, #tpu.memory_space<hbm>> -> memref<256x64xf32, #tpu.memory_space<hbm>>
      %dma_wait3A_118 = arith.constant 0 : i32
      %dma_wait3A_119 = tpu.memref_slice %arg8[%add3A_34, %dma_wait3A_118] : memref<16384x64xf32, #tpu.memory_space<hbm>> -> memref<256x64xf32, #tpu.memory_space<hbm>>
      tpu.wait_dma2 semaphore(%run_scoped3A : memref<!tpu.dma_semaphore, #tpu.memory_space<semaphore_mem>>) src(%arg15 : memref<256x64xf32, #tpu.memory_space<vmem>>) dst(%dma_wait3A_119 : memref<256x64xf32, #tpu.memory_space<hbm>>)
      tpu.yield
    }) : () -> ()
    %scan3A_35 = arith.constant 0 : i32
    %scan3A_36 = arith.constant 0 : i32
    %scan3A_37 = arith.constant 16 : i32
    %scan3A_38 = arith.addi %scan3A_36, %scan3A_37 : i32
    %scan3A_39 = arith.constant 1 : i32
    scf.for %scan3A_113 = %scan3A_36 to %scan3A_38 step %scan3A_39  : i32 {
      %mul3A_114 = arith.constant 16 : i32
      %mul3A_115 = arith.muli %scan3A_113, %mul3A_114 : i32
      %add3A_116 = arith.constant 256 : i32
      %add3A_117 = arith.addi %add3A_116, %mul3A_115 : i32
      %get3A = arith.index_cast %add3A_117 : i32 to index
      %get3A_118 = tpu.vector_load %arg13[%get3A] {strides = array<i32>} : memref<512xi32, #tpu.memory_space<vmem>>, vector<16xi32>,
      %get3A_119 = vector.shape_cast %get3A_118 : vector<16xi32> to vector<16xi32>
      %slice3A = vector.extract_strided_slice %get3A_119 {offsets = [0], sizes = [1], strides = [1]} : vector<16xi32> to vector<1xi32>
      %squeeze3A = vector.extract %slice3A[0] : i32 from vector<1xi32>
      %mul3A_120 = arith.constant 16 : i32
      %mul3A_121 = arith.muli %scan3A_113, %mul3A_120 : i32
      %add3A_122 = arith.constant 0 : i32
      %add3A_123 = arith.addi %mul3A_121, %add3A_122 : i32
      %dma_start3A = arith.constant 0 : i32
      %dma_start3A_124 = tpu.memref_slice %arg15[%add3A_123, %dma_start3A] : memref<256x64xf32, #tpu.memory_space<vmem>> -> memref<1x64xf32, #tpu.memory_space<vmem>>
      %dma_start3A_125 = arith.constant 0 : i32
      %dma_start3A_126 = tpu.memref_slice %arg5[%squeeze3A, %dma_start3A_125] : memref<100000x64xf32, #tpu.memory_space<hbm>> -> memref<1x64xf32, #tpu.memory_space<hbm>>
      %dma_start3A_127 = arith.constant 0 : i32
      %dma_start3A_128 = tpu.memref_slice %arg15[%add3A_123, %dma_start3A_127] : memref<256x64xf32, #tpu.memory_space<vmem>> -> memref<1x64xf32, #tpu.memory_space<vmem>>
      %dma_start3A_129 = arith.constant 0 : i32
      %dma_start3A_130 = tpu.memref_slice %arg5[%squeeze3A, %dma_start3A_129] : memref<100000x64xf32, #tpu.memory_space<hbm>> -> memref<1x64xf32, #tpu.memory_space<hbm>>
      tpu.enqueue_dma source(%dma_start3A_130 : memref<1x64xf32, #tpu.memory_space<hbm>>) target(%dma_start3A_128 : memref<1x64xf32, #tpu.memory_space<vmem>>) target_semaphore(%arg17 : memref<!tpu.dma_semaphore, #tpu.memory_space<semaphore_mem>>)
      %slice3A_131 = vector.extract_strided_slice %get3A_119 {offsets = [1], sizes = [1], strides = [1]} : vector<16xi32> to vector<1xi32>
      %squeeze3A_132 = vector.extract %slice3A_131[0] : i32 from vector<1xi32>
      %mul3A_133 = arith.constant 16 : i32
      %mul3A_134 = arith.muli %scan3A_113, %mul3A_133 : i32
      %add3A_135 = arith.constant 1 : i32
      %add3A_136 = arith.addi %mul3A_134, %add3A_135 : i32
      %dma_start3A_137 = arith.constant 0 : i32
      %dma_start3A_138 = tpu.memref_slice %arg15[%add3A_136, %dma_start3A_137] : memref<256x64xf32, #tpu.memory_space<vmem>> -> memref<1x64xf32, #tpu.memory_space<vmem>>
      %dma_start3A_139 = arith.constant 0 : i32
      %dma_start3A_140 = tpu.memref_slice %arg5[%squeeze3A_132, %dma_start3A_139] : memref<100000x64xf32, #tpu.memory_space<hbm>> -> memref<1x64xf32, #tpu.memory_space<hbm>>
      %dma_start3A_141 = arith.constant 0 : i32
      %dma_start3A_142 = tpu.memref_slice %arg15[%add3A_136, %dma_start3A_141] : memref<256x64xf32, #tpu.memory_space<vmem>> -> memref<1x64xf32, #tpu.memory_space<vmem>>
      %dma_start3A_143 = arith.constant 0 : i32
      %dma_start3A_144 = tpu.memref_slice %arg5[%squeeze3A_132, %dma_start3A_143] : memref<100000x64xf32, #tpu.memory_space<hbm>> -> memref<1x64xf32, #tpu.memory_space<hbm>>
      tpu.enqueue_dma source(%dma_start3A_144 : memref<1x64xf32, #tpu.memory_space<hbm>>) target(%dma_start3A_142 : memref<1x64xf32, #tpu.memory_space<vmem>>) target_semaphore(%arg17 : memref<!tpu.dma_semaphore, #tpu.memory_space<semaphore_mem>>)
      %slice3A_145 = vector.extract_strided_slice %get3A_119 {offsets = [2], sizes = [1], strides = [1]} : vector<16xi32> to vector<1xi32>
      %squeeze3A_146 = vector.extract %slice3A_145[0] : i32 from vector<1xi32>
      %mul3A_147 = arith.constant 16 : i32
      %mul3A_148 = arith.muli %scan3A_113, %mul3A_147 : i32
      %add3A_149 = arith.constant 2 : i32
      %add3A_150 = arith.addi %mul3A_148, %add3A_149 : i32
      %dma_start3A_151 = arith.constant 0 : i32
      %dma_start3A_152 = tpu.memref_slice %arg15[%add3A_150, %dma_start3A_151] : memref<256x64xf32, #tpu.memory_space<vmem>> -> memref<1x64xf32, #tpu.memory_space<vmem>>
      %dma_start3A_153 = arith.constant 0 : i32
      %dma_start3A_154 = tpu.memref_slice %arg5[%squeeze3A_146, %dma_start3A_153] : memref<100000x64xf32, #tpu.memory_space<hbm>> -> memref<1x64xf32, #tpu.memory_space<hbm>>
      %dma_start3A_155 = arith.constant 0 : i32
      %dma_start3A_156 = tpu.memref_slice %arg15[%add3A_150, %dma_start3A_155] : memref<256x64xf32, #tpu.memory_space<vmem>> -> memref<1x64xf32, #tpu.memory_space<vmem>>
      %dma_start3A_157 = arith.constant 0 : i32
      %dma_start3A_158 = tpu.memref_slice %arg5[%squeeze3A_146, %dma_start3A_157] : memref<100000x64xf32, #tpu.memory_space<hbm>> -> memref<1x64xf32, #tpu.memory_space<hbm>>
      tpu.enqueue_dma source(%dma_start3A_158 : memref<1x64xf32, #tpu.memory_space<hbm>>) target(%dma_start3A_156 : memref<1x64xf32, #tpu.memory_space<vmem>>) target_semaphore(%arg17 : memref<!tpu.dma_semaphore, #tpu.memory_space<semaphore_mem>>)
      %slice3A_159 = vector.extract_strided_slice %get3A_119 {offsets = [3], sizes = [1], strides = [1]} : vector<16xi32> to vector<1xi32>
      %squeeze3A_160 = vector.extract %slice3A_159[0] : i32 from vector<1xi32>
      %mul3A_161 = arith.constant 16 : i32
      %mul3A_162 = arith.muli %scan3A_113, %mul3A_161 : i32
      %add3A_163 = arith.constant 3 : i32
      %add3A_164 = arith.addi %mul3A_162, %add3A_163 : i32
      %dma_start3A_165 = arith.constant 0 : i32
      %dma_start3A_166 = tpu.memref_slice %arg15[%add3A_164, %dma_start3A_165] : memref<256x64xf32, #tpu.memory_space<vmem>> -> memref<1x64xf32, #tpu.memory_space<vmem>>
      %dma_start3A_167 = arith.constant 0 : i32
      %dma_start3A_168 = tpu.memref_slice %arg5[%squeeze3A_160, %dma_start3A_167] : memref<100000x64xf32, #tpu.memory_space<hbm>> -> memref<1x64xf32, #tpu.memory_space<hbm>>
      %dma_start3A_169 = arith.constant 0 : i32
      %dma_start3A_170 = tpu.memref_slice %arg15[%add3A_164, %dma_start3A_169] : memref<256x64xf32, #tpu.memory_space<vmem>> -> memref<1x64xf32, #tpu.memory_space<vmem>>
      %dma_start3A_171 = arith.constant 0 : i32
      %dma_start3A_172 = tpu.memref_slice %arg5[%squeeze3A_160, %dma_start3A_171] : memref<100000x64xf32, #tpu.memory_space<hbm>> -> memref<1x64xf32, #tpu.memory_space<hbm>>
      tpu.enqueue_dma source(%dma_start3A_172 : memref<1x64xf32, #tpu.memory_space<hbm>>) target(%dma_start3A_170 : memref<1x64xf32, #tpu.memory_space<vmem>>) target_semaphore(%arg17 : memref<!tpu.dma_semaphore, #tpu.memory_space<semaphore_mem>>)
      %slice3A_173 = vector.extract_strided_slice %get3A_119 {offsets = [4], sizes = [1], strides = [1]} : vector<16xi32> to vector<1xi32>
      %squeeze3A_174 = vector.extract %slice3A_173[0] : i32 from vector<1xi32>
      %mul3A_175 = arith.constant 16 : i32
      %mul3A_176 = arith.muli %scan3A_113, %mul3A_175 : i32
      %add3A_177 = arith.constant 4 : i32
      %add3A_178 = arith.addi %mul3A_176, %add3A_177 : i32
      %dma_start3A_179 = arith.constant 0 : i32
      %dma_start3A_180 = tpu.memref_slice %arg15[%add3A_178, %dma_start3A_179] : memref<256x64xf32, #tpu.memory_space<vmem>> -> memref<1x64xf32, #tpu.memory_space<vmem>>
      %dma_start3A_181 = arith.constant 0 : i32
      %dma_start3A_182 = tpu.memref_slice %arg5[%squeeze3A_174, %dma_start3A_181] : memref<100000x64xf32, #tpu.memory_space<hbm>> -> memref<1x64xf32, #tpu.memory_space<hbm>>
      %dma_start3A_183 = arith.constant 0 : i32
      %dma_start3A_184 = tpu.memref_slice %arg15[%add3A_178, %dma_start3A_183] : memref<256x64xf32, #tpu.memory_space<vmem>> -> memref<1x64xf32, #tpu.memory_space<vmem>>
      %dma_start3A_185 = arith.constant 0 : i32
      %dma_start3A_186 = tpu.memref_slice %arg5[%squeeze3A_174, %dma_start3A_185] : memref<100000x64xf32, #tpu.memory_space<hbm>> -> memref<1x64xf32, #tpu.memory_space<hbm>>
      tpu.enqueue_dma source(%dma_start3A_186 : memref<1x64xf32, #tpu.memory_space<hbm>>) target(%dma_start3A_184 : memref<1x64xf32, #tpu.memory_space<vmem>>) target_semaphore(%arg17 : memref<!tpu.dma_semaphore, #tpu.memory_space<semaphore_mem>>)
      %slice3A_187 = vector.extract_strided_slice %get3A_119 {offsets = [5], sizes = [1], strides = [1]} : vector<16xi32> to vector<1xi32>
      %squeeze3A_188 = vector.extract %slice3A_187[0] : i32 from vector<1xi32>
      %mul3A_189 = arith.constant 16 : i32
      %mul3A_190 = arith.muli %scan3A_113, %mul3A_189 : i32
      %add3A_191 = arith.constant 5 : i32
      %add3A_192 = arith.addi %mul3A_190, %add3A_191 : i32
      %dma_start3A_193 = arith.constant 0 : i32
      %dma_start3A_194 = tpu.memref_slice %arg15[%add3A_192, %dma_start3A_193] : memref<256x64xf32, #tpu.memory_space<vmem>> -> memref<1x64xf32, #tpu.memory_space<vmem>>
      %dma_start3A_195 = arith.constant 0 : i32
      %dma_start3A_196 = tpu.memref_slice %arg5[%squeeze3A_188, %dma_start3A_195] : memref<100000x64xf32, #tpu.memory_space<hbm>> -> memref<1x64xf32, #tpu.memory_space<hbm>>
      %dma_start3A_197 = arith.constant 0 : i32
      %dma_start3A_198 = tpu.memref_slice %arg15[%add3A_192, %dma_start3A_197] : memref<256x64xf32, #tpu.memory_space<vmem>> -> memref<1x64xf32, #tpu.memory_space<vmem>>
      %dma_start3A_199 = arith.constant 0 : i32
      %dma_start3A_200 = tpu.memref_slice %arg5[%squeeze3A_188, %dma_start3A_199] : memref<100000x64xf32, #tpu.memory_space<hbm>> -> memref<1x64xf32, #tpu.memory_space<hbm>>
      tpu.enqueue_dma source(%dma_start3A_200 : memref<1x64xf32, #tpu.memory_space<hbm>>) target(%dma_start3A_198 : memref<1x64xf32, #tpu.memory_space<vmem>>) target_semaphore(%arg17 : memref<!tpu.dma_semaphore, #tpu.memory_space<semaphore_mem>>)
      %slice3A_201 = vector.extract_strided_slice %get3A_119 {offsets = [6], sizes = [1], strides = [1]} : vector<16xi32> to vector<1xi32>
      %squeeze3A_202 = vector.extract %slice3A_201[0] : i32 from vector<1xi32>
      %mul3A_203 = arith.constant 16 : i32
      %mul3A_204 = arith.muli %scan3A_113, %mul3A_203 : i32
      %add3A_205 = arith.constant 6 : i32
      %add3A_206 = arith.addi %mul3A_204, %add3A_205 : i32
      %dma_start3A_207 = arith.constant 0 : i32
      %dma_start3A_208 = tpu.memref_slice %arg15[%add3A_206, %dma_start3A_207] : memref<256x64xf32, #tpu.memory_space<vmem>> -> memref<1x64xf32, #tpu.memory_space<vmem>>
      %dma_start3A_209 = arith.constant 0 : i32
      %dma_start3A_210 = tpu.memref_slice %arg5[%squeeze3A_202, %dma_start3A_209] : memref<100000x64xf32, #tpu.memory_space<hbm>> -> memref<1x64xf32, #tpu.memory_space<hbm>>
      %dma_start3A_211 = arith.constant 0 : i32
      %dma_start3A_212 = tpu.memref_slice %arg15[%add3A_206, %dma_start3A_211] : memref<256x64xf32, #tpu.memory_space<vmem>> -> memref<1x64xf32, #tpu.memory_space<vmem>>
      %dma_start3A_213 = arith.constant 0 : i32
      %dma_start3A_214 = tpu.memref_slice %arg5[%squeeze3A_202, %dma_start3A_213] : memref<100000x64xf32, #tpu.memory_space<hbm>> -> memref<1x64xf32, #tpu.memory_space<hbm>>
      tpu.enqueue_dma source(%dma_start3A_214 : memref<1x64xf32, #tpu.memory_space<hbm>>) target(%dma_start3A_212 : memref<1x64xf32, #tpu.memory_space<vmem>>) target_semaphore(%arg17 : memref<!tpu.dma_semaphore, #tpu.memory_space<semaphore_mem>>)
      %slice3A_215 = vector.extract_strided_slice %get3A_119 {offsets = [7], sizes = [1], strides = [1]} : vector<16xi32> to vector<1xi32>
      %squeeze3A_216 = vector.extract %slice3A_215[0] : i32 from vector<1xi32>
      %mul3A_217 = arith.constant 16 : i32
      %mul3A_218 = arith.muli %scan3A_113, %mul3A_217 : i32
      %add3A_219 = arith.constant 7 : i32
      %add3A_220 = arith.addi %mul3A_218, %add3A_219 : i32
      %dma_start3A_221 = arith.constant 0 : i32
      %dma_start3A_222 = tpu.memref_slice %arg15[%add3A_220, %dma_start3A_221] : memref<256x64xf32, #tpu.memory_space<vmem>> -> memref<1x64xf32, #tpu.memory_space<vmem>>
      %dma_start3A_223 = arith.constant 0 : i32
      %dma_start3A_224 = tpu.memref_slice %arg5[%squeeze3A_216, %dma_start3A_223] : memref<100000x64xf32, #tpu.memory_space<hbm>> -> memref<1x64xf32, #tpu.memory_space<hbm>>
      %dma_start3A_225 = arith.constant 0 : i32
      %dma_start3A_226 = tpu.memref_slice %arg15[%add3A_220, %dma_start3A_225] : memref<256x64xf32, #tpu.memory_space<vmem>> -> memref<1x64xf32, #tpu.memory_space<vmem>>
      %dma_start3A_227 = arith.constant 0 : i32
      %dma_start3A_228 = tpu.memref_slice %arg5[%squeeze3A_216, %dma_start3A_227] : memref<100000x64xf32, #tpu.memory_space<hbm>> -> memref<1x64xf32, #tpu.memory_space<hbm>>
      tpu.enqueue_dma source(%dma_start3A_228 : memref<1x64xf32, #tpu.memory_space<hbm>>) target(%dma_start3A_226 : memref<1x64xf32, #tpu.memory_space<vmem>>) target_semaphore(%arg17 : memref<!tpu.dma_semaphore, #tpu.memory_space<semaphore_mem>>)
      %slice3A_229 = vector.extract_strided_slice %get3A_119 {offsets = [8], sizes = [1], strides = [1]} : vector<16xi32> to vector<1xi32>
      %squeeze3A_230 = vector.extract %slice3A_229[0] : i32 from vector<1xi32>
      %mul3A_231 = arith.constant 16 : i32
      %mul3A_232 = arith.muli %scan3A_113, %mul3A_231 : i32
      %add3A_233 = arith.constant 8 : i32
      %add3A_234 = arith.addi %mul3A_232, %add3A_233 : i32
      %dma_start3A_235 = arith.constant 0 : i32
      %dma_start3A_236 = tpu.memref_slice %arg15[%add3A_234, %dma_start3A_235] : memref<256x64xf32, #tpu.memory_space<vmem>> -> memref<1x64xf32, #tpu.memory_space<vmem>>
      %dma_start3A_237 = arith.constant 0 : i32
      %dma_start3A_238 = tpu.memref_slice %arg5[%squeeze3A_230, %dma_start3A_237] : memref<100000x64xf32, #tpu.memory_space<hbm>> -> memref<1x64xf32, #tpu.memory_space<hbm>>
      %dma_start3A_239 = arith.constant 0 : i32
      %dma_start3A_240 = tpu.memref_slice %arg15[%add3A_234, %dma_start3A_239] : memref<256x64xf32, #tpu.memory_space<vmem>> -> memref<1x64xf32, #tpu.memory_space<vmem>>
      %dma_start3A_241 = arith.constant 0 : i32
      %dma_start3A_242 = tpu.memref_slice %arg5[%squeeze3A_230, %dma_start3A_241] : memref<100000x64xf32, #tpu.memory_space<hbm>> -> memref<1x64xf32, #tpu.memory_space<hbm>>
      tpu.enqueue_dma source(%dma_start3A_242 : memref<1x64xf32, #tpu.memory_space<hbm>>) target(%dma_start3A_240 : memref<1x64xf32, #tpu.memory_space<vmem>>) target_semaphore(%arg17 : memref<!tpu.dma_semaphore, #tpu.memory_space<semaphore_mem>>)
      %slice3A_243 = vector.extract_strided_slice %get3A_119 {offsets = [9], sizes = [1], strides = [1]} : vector<16xi32> to vector<1xi32>
      %squeeze3A_244 = vector.extract %slice3A_243[0] : i32 from vector<1xi32>
      %mul3A_245 = arith.constant 16 : i32
      %mul3A_246 = arith.muli %scan3A_113, %mul3A_245 : i32
      %add3A_247 = arith.constant 9 : i32
      %add3A_248 = arith.addi %mul3A_246, %add3A_247 : i32
      %dma_start3A_249 = arith.constant 0 : i32
      %dma_start3A_250 = tpu.memref_slice %arg15[%add3A_248, %dma_start3A_249] : memref<256x64xf32, #tpu.memory_space<vmem>> -> memref<1x64xf32, #tpu.memory_space<vmem>>
      %dma_start3A_251 = arith.constant 0 : i32
      %dma_start3A_252 = tpu.memref_slice %arg5[%squeeze3A_244, %dma_start3A_251] : memref<100000x64xf32, #tpu.memory_space<hbm>> -> memref<1x64xf32, #tpu.memory_space<hbm>>
      %dma_start3A_253 = arith.constant 0 : i32
      %dma_start3A_254 = tpu.memref_slice %arg15[%add3A_248, %dma_start3A_253] : memref<256x64xf32, #tpu.memory_space<vmem>> -> memref<1x64xf32, #tpu.memory_space<vmem>>
      %dma_start3A_255 = arith.constant 0 : i32
      %dma_start3A_256 = tpu.memref_slice %arg5[%squeeze3A_244, %dma_start3A_255] : memref<100000x64xf32, #tpu.memory_space<hbm>> -> memref<1x64xf32, #tpu.memory_space<hbm>>
      tpu.enqueue_dma source(%dma_start3A_256 : memref<1x64xf32, #tpu.memory_space<hbm>>) target(%dma_start3A_254 : memref<1x64xf32, #tpu.memory_space<vmem>>) target_semaphore(%arg17 : memref<!tpu.dma_semaphore, #tpu.memory_space<semaphore_mem>>)
      %slice3A_257 = vector.extract_strided_slice %get3A_119 {offsets = [10], sizes = [1], strides = [1]} : vector<16xi32> to vector<1xi32>
      %squeeze3A_258 = vector.extract %slice3A_257[0] : i32 from vector<1xi32>
      %mul3A_259 = arith.constant 16 : i32
      %mul3A_260 = arith.muli %scan3A_113, %mul3A_259 : i32
      %add3A_261 = arith.constant 10 : i32
      %add3A_262 = arith.addi %mul3A_260, %add3A_261 : i32
      %dma_start3A_263 = arith.constant 0 : i32
      %dma_start3A_264 = tpu.memref_slice %arg15[%add3A_262, %dma_start3A_263] : memref<256x64xf32, #tpu.memory_space<vmem>> -> memref<1x64xf32, #tpu.memory_space<vmem>>
      %dma_start3A_265 = arith.constant 0 : i32
      %dma_start3A_266 = tpu.memref_slice %arg5[%squeeze3A_258, %dma_start3A_265] : memref<100000x64xf32, #tpu.memory_space<hbm>> -> memref<1x64xf32, #tpu.memory_space<hbm>>
      %dma_start3A_267 = arith.constant 0 : i32
      %dma_start3A_268 = tpu.memref_slice %arg15[%add3A_262, %dma_start3A_267] : memref<256x64xf32, #tpu.memory_space<vmem>> -> memref<1x64xf32, #tpu.memory_space<vmem>>
      %dma_start3A_269 = arith.constant 0 : i32
      %dma_start3A_270 = tpu.memref_slice %arg5[%squeeze3A_258, %dma_start3A_269] : memref<100000x64xf32, #tpu.memory_space<hbm>> -> memref<1x64xf32, #tpu.memory_space<hbm>>
      tpu.enqueue_dma source(%dma_start3A_270 : memref<1x64xf32, #tpu.memory_space<hbm>>) target(%dma_start3A_268 : memref<1x64xf32, #tpu.memory_space<vmem>>) target_semaphore(%arg17 : memref<!tpu.dma_semaphore, #tpu.memory_space<semaphore_mem>>)
      %slice3A_271 = vector.extract_strided_slice %get3A_119 {offsets = [11], sizes = [1], strides = [1]} : vector<16xi32> to vector<1xi32>
      %squeeze3A_272 = vector.extract %slice3A_271[0] : i32 from vector<1xi32>
      %mul3A_273 = arith.constant 16 : i32
      %mul3A_274 = arith.muli %scan3A_113, %mul3A_273 : i32
      %add3A_275 = arith.constant 11 : i32
      %add3A_276 = arith.addi %mul3A_274, %add3A_275 : i32
      %dma_start3A_277 = arith.constant 0 : i32
      %dma_start3A_278 = tpu.memref_slice %arg15[%add3A_276, %dma_start3A_277] : memref<256x64xf32, #tpu.memory_space<vmem>> -> memref<1x64xf32, #tpu.memory_space<vmem>>
      %dma_start3A_279 = arith.constant 0 : i32
      %dma_start3A_280 = tpu.memref_slice %arg5[%squeeze3A_272, %dma_start3A_279] : memref<100000x64xf32, #tpu.memory_space<hbm>> -> memref<1x64xf32, #tpu.memory_space<hbm>>
      %dma_start3A_281 = arith.constant 0 : i32
      %dma_start3A_282 = tpu.memref_slice %arg15[%add3A_276, %dma_start3A_281] : memref<256x64xf32, #tpu.memory_space<vmem>> -> memref<1x64xf32, #tpu.memory_space<vmem>>
      %dma_start3A_283 = arith.constant 0 : i32
      %dma_start3A_284 = tpu.memref_slice %arg5[%squeeze3A_272, %dma_start3A_283] : memref<100000x64xf32, #tpu.memory_space<hbm>> -> memref<1x64xf32, #tpu.memory_space<hbm>>
      tpu.enqueue_dma source(%dma_start3A_284 : memref<1x64xf32, #tpu.memory_space<hbm>>) target(%dma_start3A_282 : memref<1x64xf32, #tpu.memory_space<vmem>>) target_semaphore(%arg17 : memref<!tpu.dma_semaphore, #tpu.memory_space<semaphore_mem>>)
      %slice3A_285 = vector.extract_strided_slice %get3A_119 {offsets = [12], sizes = [1], strides = [1]} : vector<16xi32> to vector<1xi32>
      %squeeze3A_286 = vector.extract %slice3A_285[0] : i32 from vector<1xi32>
      %mul3A_287 = arith.constant 16 : i32
      %mul3A_288 = arith.muli %scan3A_113, %mul3A_287 : i32
      %add3A_289 = arith.constant 12 : i32
      %add3A_290 = arith.addi %mul3A_288, %add3A_289 : i32
      %dma_start3A_291 = arith.constant 0 : i32
      %dma_start3A_292 = tpu.memref_slice %arg15[%add3A_290, %dma_start3A_291] : memref<256x64xf32, #tpu.memory_space<vmem>> -> memref<1x64xf32, #tpu.memory_space<vmem>>
      %dma_start3A_293 = arith.constant 0 : i32
      %dma_start3A_294 = tpu.memref_slice %arg5[%squeeze3A_286, %dma_start3A_293] : memref<100000x64xf32, #tpu.memory_space<hbm>> -> memref<1x64xf32, #tpu.memory_space<hbm>>
      %dma_start3A_295 = arith.constant 0 : i32
      %dma_start3A_296 = tpu.memref_slice %arg15[%add3A_290, %dma_start3A_295] : memref<256x64xf32, #tpu.memory_space<vmem>> -> memref<1x64xf32, #tpu.memory_space<vmem>>
      %dma_start3A_297 = arith.constant 0 : i32
      %dma_start3A_298 = tpu.memref_slice %arg5[%squeeze3A_286, %dma_start3A_297] : memref<100000x64xf32, #tpu.memory_space<hbm>> -> memref<1x64xf32, #tpu.memory_space<hbm>>
      tpu.enqueue_dma source(%dma_start3A_298 : memref<1x64xf32, #tpu.memory_space<hbm>>) target(%dma_start3A_296 : memref<1x64xf32, #tpu.memory_space<vmem>>) target_semaphore(%arg17 : memref<!tpu.dma_semaphore, #tpu.memory_space<semaphore_mem>>)
      %slice3A_299 = vector.extract_strided_slice %get3A_119 {offsets = [13], sizes = [1], strides = [1]} : vector<16xi32> to vector<1xi32>
      %squeeze3A_300 = vector.extract %slice3A_299[0] : i32 from vector<1xi32>
      %mul3A_301 = arith.constant 16 : i32
      %mul3A_302 = arith.muli %scan3A_113, %mul3A_301 : i32
      %add3A_303 = arith.constant 13 : i32
      %add3A_304 = arith.addi %mul3A_302, %add3A_303 : i32
      %dma_start3A_305 = arith.constant 0 : i32
      %dma_start3A_306 = tpu.memref_slice %arg15[%add3A_304, %dma_start3A_305] : memref<256x64xf32, #tpu.memory_space<vmem>> -> memref<1x64xf32, #tpu.memory_space<vmem>>
      %dma_start3A_307 = arith.constant 0 : i32
      %dma_start3A_308 = tpu.memref_slice %arg5[%squeeze3A_300, %dma_start3A_307] : memref<100000x64xf32, #tpu.memory_space<hbm>> -> memref<1x64xf32, #tpu.memory_space<hbm>>
      %dma_start3A_309 = arith.constant 0 : i32
      %dma_start3A_310 = tpu.memref_slice %arg15[%add3A_304, %dma_start3A_309] : memref<256x64xf32, #tpu.memory_space<vmem>> -> memref<1x64xf32, #tpu.memory_space<vmem>>
      %dma_start3A_311 = arith.constant 0 : i32
      %dma_start3A_312 = tpu.memref_slice %arg5[%squeeze3A_300, %dma_start3A_311] : memref<100000x64xf32, #tpu.memory_space<hbm>> -> memref<1x64xf32, #tpu.memory_space<hbm>>
      tpu.enqueue_dma source(%dma_start3A_312 : memref<1x64xf32, #tpu.memory_space<hbm>>) target(%dma_start3A_310 : memref<1x64xf32, #tpu.memory_space<vmem>>) target_semaphore(%arg17 : memref<!tpu.dma_semaphore, #tpu.memory_space<semaphore_mem>>)
      %slice3A_313 = vector.extract_strided_slice %get3A_119 {offsets = [14], sizes = [1], strides = [1]} : vector<16xi32> to vector<1xi32>
      %squeeze3A_314 = vector.extract %slice3A_313[0] : i32 from vector<1xi32>
      %mul3A_315 = arith.constant 16 : i32
      %mul3A_316 = arith.muli %scan3A_113, %mul3A_315 : i32
      %add3A_317 = arith.constant 14 : i32
      %add3A_318 = arith.addi %mul3A_316, %add3A_317 : i32
      %dma_start3A_319 = arith.constant 0 : i32
      %dma_start3A_320 = tpu.memref_slice %arg15[%add3A_318, %dma_start3A_319] : memref<256x64xf32, #tpu.memory_space<vmem>> -> memref<1x64xf32, #tpu.memory_space<vmem>>
      %dma_start3A_321 = arith.constant 0 : i32
      %dma_start3A_322 = tpu.memref_slice %arg5[%squeeze3A_314, %dma_start3A_321] : memref<100000x64xf32, #tpu.memory_space<hbm>> -> memref<1x64xf32, #tpu.memory_space<hbm>>
      %dma_start3A_323 = arith.constant 0 : i32
      %dma_start3A_324 = tpu.memref_slice %arg15[%add3A_318, %dma_start3A_323] : memref<256x64xf32, #tpu.memory_space<vmem>> -> memref<1x64xf32, #tpu.memory_space<vmem>>
      %dma_start3A_325 = arith.constant 0 : i32
      %dma_start3A_326 = tpu.memref_slice %arg5[%squeeze3A_314, %dma_start3A_325] : memref<100000x64xf32, #tpu.memory_space<hbm>> -> memref<1x64xf32, #tpu.memory_space<hbm>>
      tpu.enqueue_dma source(%dma_start3A_326 : memref<1x64xf32, #tpu.memory_space<hbm>>) target(%dma_start3A_324 : memref<1x64xf32, #tpu.memory_space<vmem>>) target_semaphore(%arg17 : memref<!tpu.dma_semaphore, #tpu.memory_space<semaphore_mem>>)
      %slice3A_327 = vector.extract_strided_slice %get3A_119 {offsets = [15], sizes = [1], strides = [1]} : vector<16xi32> to vector<1xi32>
      %squeeze3A_328 = vector.extract %slice3A_327[0] : i32 from vector<1xi32>
      %mul3A_329 = arith.constant 16 : i32
      %mul3A_330 = arith.muli %scan3A_113, %mul3A_329 : i32
      %add3A_331 = arith.constant 15 : i32
      %add3A_332 = arith.addi %mul3A_330, %add3A_331 : i32
      %dma_start3A_333 = arith.constant 0 : i32
      %dma_start3A_334 = tpu.memref_slice %arg15[%add3A_332, %dma_start3A_333] : memref<256x64xf32, #tpu.memory_space<vmem>> -> memref<1x64xf32, #tpu.memory_space<vmem>>
      %dma_start3A_335 = arith.constant 0 : i32
      %dma_start3A_336 = tpu.memref_slice %arg5[%squeeze3A_328, %dma_start3A_335] : memref<100000x64xf32, #tpu.memory_space<hbm>> -> memref<1x64xf32, #tpu.memory_space<hbm>>
      %dma_start3A_337 = arith.constant 0 : i32
      %dma_start3A_338 = tpu.memref_slice %arg15[%add3A_332, %dma_start3A_337] : memref<256x64xf32, #tpu.memory_space<vmem>> -> memref<1x64xf32, #tpu.memory_space<vmem>>
      %dma_start3A_339 = arith.constant 0 : i32
      %dma_start3A_340 = tpu.memref_slice %arg5[%squeeze3A_328, %dma_start3A_339] : memref<100000x64xf32, #tpu.memory_space<hbm>> -> memref<1x64xf32, #tpu.memory_space<hbm>>
      tpu.enqueue_dma source(%dma_start3A_340 : memref<1x64xf32, #tpu.memory_space<hbm>>) target(%dma_start3A_338 : memref<1x64xf32, #tpu.memory_space<vmem>>) target_semaphore(%arg17 : memref<!tpu.dma_semaphore, #tpu.memory_space<semaphore_mem>>)
    }
    %scan3A_40 = arith.constant 16 : i32
    %dma_wait3A_41 = arith.constant 0 : i32
    %dma_wait3A_42 = arith.constant 0 : i32
    %dma_wait3A_43 = tpu.memref_slice %arg5[%dma_wait3A_41, %dma_wait3A_42] : memref<100000x64xf32, #tpu.memory_space<hbm>> -> memref<256x64xf32, #tpu.memory_space<hbm>>
    %dma_wait3A_44 = arith.constant 0 : i32
    %dma_wait3A_45 = arith.constant 0 : i32
    %dma_wait3A_46 = tpu.memref_slice %arg5[%dma_wait3A_44, %dma_wait3A_45] : memref<100000x64xf32, #tpu.memory_space<hbm>> -> memref<256x64xf32, #tpu.memory_space<hbm>>
    tpu.wait_dma2 semaphore(%arg16 : memref<!tpu.dma_semaphore, #tpu.memory_space<semaphore_mem>>) src(%dma_wait3A_46 : memref<256x64xf32, #tpu.memory_space<hbm>>) dst(%arg14 : memref<256x64xf32, #tpu.memory_space<vmem>>)
    %add3A_47 = arith.constant 0 : i32
    %add3A_48 = arith.addi %mul3A_2, %add3A_47 : i32
    "tpu.region"() ({
      %run_scoped3A = tpu.sem_alloc : memref<!tpu.dma_semaphore, #tpu.memory_space<semaphore_mem>>
      %dma_start3A = arith.constant 0 : i32
      %dma_start3A_113 = tpu.memref_slice %arg9[%add3A_48, %dma_start3A] : memref<16384x64xf32, #tpu.memory_space<hbm>> -> memref<256x64xf32, #tpu.memory_space<hbm>>
      %dma_start3A_114 = arith.constant 0 : i32
      %dma_start3A_115 = tpu.memref_slice %arg9[%add3A_48, %dma_start3A_114] : memref<16384x64xf32, #tpu.memory_space<hbm>> -> memref<256x64xf32, #tpu.memory_space<hbm>>
      tpu.enqueue_dma source(%arg14 : memref<256x64xf32, #tpu.memory_space<vmem>>) target(%dma_start3A_115 : memref<256x64xf32, #tpu.memory_space<hbm>>) target_semaphore(%run_scoped3A : memref<!tpu.dma_semaphore, #tpu.memory_space<semaphore_mem>>)
      %dma_wait3A_116 = arith.constant 0 : i32
      %dma_wait3A_117 = tpu.memref_slice %arg9[%add3A_48, %dma_wait3A_116] : memref<16384x64xf32, #tpu.memory_space<hbm>> -> memref<256x64xf32, #tpu.memory_space<hbm>>
      %dma_wait3A_118 = arith.constant 0 : i32
      %dma_wait3A_119 = tpu.memref_slice %arg9[%add3A_48, %dma_wait3A_118] : memref<16384x64xf32, #tpu.memory_space<hbm>> -> memref<256x64xf32, #tpu.memory_space<hbm>>
      tpu.wait_dma2 semaphore(%run_scoped3A : memref<!tpu.dma_semaphore, #tpu.memory_space<semaphore_mem>>) src(%arg14 : memref<256x64xf32, #tpu.memory_space<vmem>>) dst(%dma_wait3A_119 : memref<256x64xf32, #tpu.memory_space<hbm>>)
      tpu.yield
    }) : () -> ()
    %scan3A_49 = arith.constant 0 : i32
    %scan3A_50 = arith.constant 0 : i32
    %scan3A_51 = arith.constant 16 : i32
    %scan3A_52 = arith.addi %scan3A_50, %scan3A_51 : i32
    %scan3A_53 = arith.constant 1 : i32
    scf.for %scan3A_113 = %scan3A_50 to %scan3A_52 step %scan3A_53  : i32 {
      %mul3A_114 = arith.constant 16 : i32
      %mul3A_115 = arith.muli %scan3A_113, %mul3A_114 : i32
      %add3A_116 = arith.constant 0 : i32
      %add3A_117 = arith.addi %add3A_116, %mul3A_115 : i32
      %get3A = arith.index_cast %add3A_117 : i32 to index
      %get3A_118 = tpu.vector_load %arg12[%get3A] {strides = array<i32>} : memref<512xi32, #tpu.memory_space<vmem>>, vector<16xi32>,
      %get3A_119 = vector.shape_cast %get3A_118 : vector<16xi32> to vector<16xi32>
      %slice3A = vector.extract_strided_slice %get3A_119 {offsets = [0], sizes = [1], strides = [1]} : vector<16xi32> to vector<1xi32>
      %squeeze3A = vector.extract %slice3A[0] : i32 from vector<1xi32>
      %mul3A_120 = arith.constant 16 : i32
      %mul3A_121 = arith.muli %scan3A_113, %mul3A_120 : i32
      %add3A_122 = arith.constant 0 : i32
      %add3A_123 = arith.addi %mul3A_121, %add3A_122 : i32
      %dma_start3A = arith.constant 0 : i32
      %dma_start3A_124 = tpu.memref_slice %arg14[%add3A_123, %dma_start3A] : memref<256x64xf32, #tpu.memory_space<vmem>> -> memref<1x64xf32, #tpu.memory_space<vmem>>
      %dma_start3A_125 = arith.constant 0 : i32
      %dma_start3A_126 = tpu.memref_slice %arg6[%squeeze3A, %dma_start3A_125] : memref<1000000x64xf32, #tpu.memory_space<hbm>> -> memref<1x64xf32, #tpu.memory_space<hbm>>
      %dma_start3A_127 = arith.constant 0 : i32
      %dma_start3A_128 = tpu.memref_slice %arg14[%add3A_123, %dma_start3A_127] : memref<256x64xf32, #tpu.memory_space<vmem>> -> memref<1x64xf32, #tpu.memory_space<vmem>>
      %dma_start3A_129 = arith.constant 0 : i32
      %dma_start3A_130 = tpu.memref_slice %arg6[%squeeze3A, %dma_start3A_129] : memref<1000000x64xf32, #tpu.memory_space<hbm>> -> memref<1x64xf32, #tpu.memory_space<hbm>>
      tpu.enqueue_dma source(%dma_start3A_130 : memref<1x64xf32, #tpu.memory_space<hbm>>) target(%dma_start3A_128 : memref<1x64xf32, #tpu.memory_space<vmem>>) target_semaphore(%arg16 : memref<!tpu.dma_semaphore, #tpu.memory_space<semaphore_mem>>)
      %slice3A_131 = vector.extract_strided_slice %get3A_119 {offsets = [1], sizes = [1], strides = [1]} : vector<16xi32> to vector<1xi32>
      %squeeze3A_132 = vector.extract %slice3A_131[0] : i32 from vector<1xi32>
      %mul3A_133 = arith.constant 16 : i32
      %mul3A_134 = arith.muli %scan3A_113, %mul3A_133 : i32
      %add3A_135 = arith.constant 1 : i32
      %add3A_136 = arith.addi %mul3A_134, %add3A_135 : i32
      %dma_start3A_137 = arith.constant 0 : i32
      %dma_start3A_138 = tpu.memref_slice %arg14[%add3A_136, %dma_start3A_137] : memref<256x64xf32, #tpu.memory_space<vmem>> -> memref<1x64xf32, #tpu.memory_space<vmem>>
      %dma_start3A_139 = arith.constant 0 : i32
      %dma_start3A_140 = tpu.memref_slice %arg6[%squeeze3A_132, %dma_start3A_139] : memref<1000000x64xf32, #tpu.memory_space<hbm>> -> memref<1x64xf32, #tpu.memory_space<hbm>>
      %dma_start3A_141 = arith.constant 0 : i32
      %dma_start3A_142 = tpu.memref_slice %arg14[%add3A_136, %dma_start3A_141] : memref<256x64xf32, #tpu.memory_space<vmem>> -> memref<1x64xf32, #tpu.memory_space<vmem>>
      %dma_start3A_143 = arith.constant 0 : i32
      %dma_start3A_144 = tpu.memref_slice %arg6[%squeeze3A_132, %dma_start3A_143] : memref<1000000x64xf32, #tpu.memory_space<hbm>> -> memref<1x64xf32, #tpu.memory_space<hbm>>
      tpu.enqueue_dma source(%dma_start3A_144 : memref<1x64xf32, #tpu.memory_space<hbm>>) target(%dma_start3A_142 : memref<1x64xf32, #tpu.memory_space<vmem>>) target_semaphore(%arg16 : memref<!tpu.dma_semaphore, #tpu.memory_space<semaphore_mem>>)
      %slice3A_145 = vector.extract_strided_slice %get3A_119 {offsets = [2], sizes = [1], strides = [1]} : vector<16xi32> to vector<1xi32>
      %squeeze3A_146 = vector.extract %slice3A_145[0] : i32 from vector<1xi32>
      %mul3A_147 = arith.constant 16 : i32
      %mul3A_148 = arith.muli %scan3A_113, %mul3A_147 : i32
      %add3A_149 = arith.constant 2 : i32
      %add3A_150 = arith.addi %mul3A_148, %add3A_149 : i32
      %dma_start3A_151 = arith.constant 0 : i32
      %dma_start3A_152 = tpu.memref_slice %arg14[%add3A_150, %dma_start3A_151] : memref<256x64xf32, #tpu.memory_space<vmem>> -> memref<1x64xf32, #tpu.memory_space<vmem>>
      %dma_start3A_153 = arith.constant 0 : i32
      %dma_start3A_154 = tpu.memref_slice %arg6[%squeeze3A_146, %dma_start3A_153] : memref<1000000x64xf32, #tpu.memory_space<hbm>> -> memref<1x64xf32, #tpu.memory_space<hbm>>
      %dma_start3A_155 = arith.constant 0 : i32
      %dma_start3A_156 = tpu.memref_slice %arg14[%add3A_150, %dma_start3A_155] : memref<256x64xf32, #tpu.memory_space<vmem>> -> memref<1x64xf32, #tpu.memory_space<vmem>>
      %dma_start3A_157 = arith.constant 0 : i32
      %dma_start3A_158 = tpu.memref_slice %arg6[%squeeze3A_146, %dma_start3A_157] : memref<1000000x64xf32, #tpu.memory_space<hbm>> -> memref<1x64xf32, #tpu.memory_space<hbm>>
      tpu.enqueue_dma source(%dma_start3A_158 : memref<1x64xf32, #tpu.memory_space<hbm>>) target(%dma_start3A_156 : memref<1x64xf32, #tpu.memory_space<vmem>>) target_semaphore(%arg16 : memref<!tpu.dma_semaphore, #tpu.memory_space<semaphore_mem>>)
      %slice3A_159 = vector.extract_strided_slice %get3A_119 {offsets = [3], sizes = [1], strides = [1]} : vector<16xi32> to vector<1xi32>
      %squeeze3A_160 = vector.extract %slice3A_159[0] : i32 from vector<1xi32>
      %mul3A_161 = arith.constant 16 : i32
      %mul3A_162 = arith.muli %scan3A_113, %mul3A_161 : i32
      %add3A_163 = arith.constant 3 : i32
      %add3A_164 = arith.addi %mul3A_162, %add3A_163 : i32
      %dma_start3A_165 = arith.constant 0 : i32
      %dma_start3A_166 = tpu.memref_slice %arg14[%add3A_164, %dma_start3A_165] : memref<256x64xf32, #tpu.memory_space<vmem>> -> memref<1x64xf32, #tpu.memory_space<vmem>>
      %dma_start3A_167 = arith.constant 0 : i32
      %dma_start3A_168 = tpu.memref_slice %arg6[%squeeze3A_160, %dma_start3A_167] : memref<1000000x64xf32, #tpu.memory_space<hbm>> -> memref<1x64xf32, #tpu.memory_space<hbm>>
      %dma_start3A_169 = arith.constant 0 : i32
      %dma_start3A_170 = tpu.memref_slice %arg14[%add3A_164, %dma_start3A_169] : memref<256x64xf32, #tpu.memory_space<vmem>> -> memref<1x64xf32, #tpu.memory_space<vmem>>
      %dma_start3A_171 = arith.constant 0 : i32
      %dma_start3A_172 = tpu.memref_slice %arg6[%squeeze3A_160, %dma_start3A_171] : memref<1000000x64xf32, #tpu.memory_space<hbm>> -> memref<1x64xf32, #tpu.memory_space<hbm>>
      tpu.enqueue_dma source(%dma_start3A_172 : memref<1x64xf32, #tpu.memory_space<hbm>>) target(%dma_start3A_170 : memref<1x64xf32, #tpu.memory_space<vmem>>) target_semaphore(%arg16 : memref<!tpu.dma_semaphore, #tpu.memory_space<semaphore_mem>>)
      %slice3A_173 = vector.extract_strided_slice %get3A_119 {offsets = [4], sizes = [1], strides = [1]} : vector<16xi32> to vector<1xi32>
      %squeeze3A_174 = vector.extract %slice3A_173[0] : i32 from vector<1xi32>
      %mul3A_175 = arith.constant 16 : i32
      %mul3A_176 = arith.muli %scan3A_113, %mul3A_175 : i32
      %add3A_177 = arith.constant 4 : i32
      %add3A_178 = arith.addi %mul3A_176, %add3A_177 : i32
      %dma_start3A_179 = arith.constant 0 : i32
      %dma_start3A_180 = tpu.memref_slice %arg14[%add3A_178, %dma_start3A_179] : memref<256x64xf32, #tpu.memory_space<vmem>> -> memref<1x64xf32, #tpu.memory_space<vmem>>
      %dma_start3A_181 = arith.constant 0 : i32
      %dma_start3A_182 = tpu.memref_slice %arg6[%squeeze3A_174, %dma_start3A_181] : memref<1000000x64xf32, #tpu.memory_space<hbm>> -> memref<1x64xf32, #tpu.memory_space<hbm>>
      %dma_start3A_183 = arith.constant 0 : i32
      %dma_start3A_184 = tpu.memref_slice %arg14[%add3A_178, %dma_start3A_183] : memref<256x64xf32, #tpu.memory_space<vmem>> -> memref<1x64xf32, #tpu.memory_space<vmem>>
      %dma_start3A_185 = arith.constant 0 : i32
      %dma_start3A_186 = tpu.memref_slice %arg6[%squeeze3A_174, %dma_start3A_185] : memref<1000000x64xf32, #tpu.memory_space<hbm>> -> memref<1x64xf32, #tpu.memory_space<hbm>>
      tpu.enqueue_dma source(%dma_start3A_186 : memref<1x64xf32, #tpu.memory_space<hbm>>) target(%dma_start3A_184 : memref<1x64xf32, #tpu.memory_space<vmem>>) target_semaphore(%arg16 : memref<!tpu.dma_semaphore, #tpu.memory_space<semaphore_mem>>)
      %slice3A_187 = vector.extract_strided_slice %get3A_119 {offsets = [5], sizes = [1], strides = [1]} : vector<16xi32> to vector<1xi32>
      %squeeze3A_188 = vector.extract %slice3A_187[0] : i32 from vector<1xi32>
      %mul3A_189 = arith.constant 16 : i32
      %mul3A_190 = arith.muli %scan3A_113, %mul3A_189 : i32
      %add3A_191 = arith.constant 5 : i32
      %add3A_192 = arith.addi %mul3A_190, %add3A_191 : i32
      %dma_start3A_193 = arith.constant 0 : i32
      %dma_start3A_194 = tpu.memref_slice %arg14[%add3A_192, %dma_start3A_193] : memref<256x64xf32, #tpu.memory_space<vmem>> -> memref<1x64xf32, #tpu.memory_space<vmem>>
      %dma_start3A_195 = arith.constant 0 : i32
      %dma_start3A_196 = tpu.memref_slice %arg6[%squeeze3A_188, %dma_start3A_195] : memref<1000000x64xf32, #tpu.memory_space<hbm>> -> memref<1x64xf32, #tpu.memory_space<hbm>>
      %dma_start3A_197 = arith.constant 0 : i32
      %dma_start3A_198 = tpu.memref_slice %arg14[%add3A_192, %dma_start3A_197] : memref<256x64xf32, #tpu.memory_space<vmem>> -> memref<1x64xf32, #tpu.memory_space<vmem>>
      %dma_start3A_199 = arith.constant 0 : i32
      %dma_start3A_200 = tpu.memref_slice %arg6[%squeeze3A_188, %dma_start3A_199] : memref<1000000x64xf32, #tpu.memory_space<hbm>> -> memref<1x64xf32, #tpu.memory_space<hbm>>
      tpu.enqueue_dma source(%dma_start3A_200 : memref<1x64xf32, #tpu.memory_space<hbm>>) target(%dma_start3A_198 : memref<1x64xf32, #tpu.memory_space<vmem>>) target_semaphore(%arg16 : memref<!tpu.dma_semaphore, #tpu.memory_space<semaphore_mem>>)
      %slice3A_201 = vector.extract_strided_slice %get3A_119 {offsets = [6], sizes = [1], strides = [1]} : vector<16xi32> to vector<1xi32>
      %squeeze3A_202 = vector.extract %slice3A_201[0] : i32 from vector<1xi32>
      %mul3A_203 = arith.constant 16 : i32
      %mul3A_204 = arith.muli %scan3A_113, %mul3A_203 : i32
      %add3A_205 = arith.constant 6 : i32
      %add3A_206 = arith.addi %mul3A_204, %add3A_205 : i32
      %dma_start3A_207 = arith.constant 0 : i32
      %dma_start3A_208 = tpu.memref_slice %arg14[%add3A_206, %dma_start3A_207] : memref<256x64xf32, #tpu.memory_space<vmem>> -> memref<1x64xf32, #tpu.memory_space<vmem>>
      %dma_start3A_209 = arith.constant 0 : i32
      %dma_start3A_210 = tpu.memref_slice %arg6[%squeeze3A_202, %dma_start3A_209] : memref<1000000x64xf32, #tpu.memory_space<hbm>> -> memref<1x64xf32, #tpu.memory_space<hbm>>
      %dma_start3A_211 = arith.constant 0 : i32
      %dma_start3A_212 = tpu.memref_slice %arg14[%add3A_206, %dma_start3A_211] : memref<256x64xf32, #tpu.memory_space<vmem>> -> memref<1x64xf32, #tpu.memory_space<vmem>>
      %dma_start3A_213 = arith.constant 0 : i32
      %dma_start3A_214 = tpu.memref_slice %arg6[%squeeze3A_202, %dma_start3A_213] : memref<1000000x64xf32, #tpu.memory_space<hbm>> -> memref<1x64xf32, #tpu.memory_space<hbm>>
      tpu.enqueue_dma source(%dma_start3A_214 : memref<1x64xf32, #tpu.memory_space<hbm>>) target(%dma_start3A_212 : memref<1x64xf32, #tpu.memory_space<vmem>>) target_semaphore(%arg16 : memref<!tpu.dma_semaphore, #tpu.memory_space<semaphore_mem>>)
      %slice3A_215 = vector.extract_strided_slice %get3A_119 {offsets = [7], sizes = [1], strides = [1]} : vector<16xi32> to vector<1xi32>
      %squeeze3A_216 = vector.extract %slice3A_215[0] : i32 from vector<1xi32>
      %mul3A_217 = arith.constant 16 : i32
      %mul3A_218 = arith.muli %scan3A_113, %mul3A_217 : i32
      %add3A_219 = arith.constant 7 : i32
      %add3A_220 = arith.addi %mul3A_218, %add3A_219 : i32
      %dma_start3A_221 = arith.constant 0 : i32
      %dma_start3A_222 = tpu.memref_slice %arg14[%add3A_220, %dma_start3A_221] : memref<256x64xf32, #tpu.memory_space<vmem>> -> memref<1x64xf32, #tpu.memory_space<vmem>>
      %dma_start3A_223 = arith.constant 0 : i32
      %dma_start3A_224 = tpu.memref_slice %arg6[%squeeze3A_216, %dma_start3A_223] : memref<1000000x64xf32, #tpu.memory_space<hbm>> -> memref<1x64xf32, #tpu.memory_space<hbm>>
      %dma_start3A_225 = arith.constant 0 : i32
      %dma_start3A_226 = tpu.memref_slice %arg14[%add3A_220, %dma_start3A_225] : memref<256x64xf32, #tpu.memory_space<vmem>> -> memref<1x64xf32, #tpu.memory_space<vmem>>
      %dma_start3A_227 = arith.constant 0 : i32
      %dma_start3A_228 = tpu.memref_slice %arg6[%squeeze3A_216, %dma_start3A_227] : memref<1000000x64xf32, #tpu.memory_space<hbm>> -> memref<1x64xf32, #tpu.memory_space<hbm>>
      tpu.enqueue_dma source(%dma_start3A_228 : memref<1x64xf32, #tpu.memory_space<hbm>>) target(%dma_start3A_226 : memref<1x64xf32, #tpu.memory_space<vmem>>) target_semaphore(%arg16 : memref<!tpu.dma_semaphore, #tpu.memory_space<semaphore_mem>>)
      %slice3A_229 = vector.extract_strided_slice %get3A_119 {offsets = [8], sizes = [1], strides = [1]} : vector<16xi32> to vector<1xi32>
      %squeeze3A_230 = vector.extract %slice3A_229[0] : i32 from vector<1xi32>
      %mul3A_231 = arith.constant 16 : i32
      %mul3A_232 = arith.muli %scan3A_113, %mul3A_231 : i32
      %add3A_233 = arith.constant 8 : i32
      %add3A_234 = arith.addi %mul3A_232, %add3A_233 : i32
      %dma_start3A_235 = arith.constant 0 : i32
      %dma_start3A_236 = tpu.memref_slice %arg14[%add3A_234, %dma_start3A_235] : memref<256x64xf32, #tpu.memory_space<vmem>> -> memref<1x64xf32, #tpu.memory_space<vmem>>
      %dma_start3A_237 = arith.constant 0 : i32
      %dma_start3A_238 = tpu.memref_slice %arg6[%squeeze3A_230, %dma_start3A_237] : memref<1000000x64xf32, #tpu.memory_space<hbm>> -> memref<1x64xf32, #tpu.memory_space<hbm>>
      %dma_start3A_239 = arith.constant 0 : i32
      %dma_start3A_240 = tpu.memref_slice %arg14[%add3A_234, %dma_start3A_239] : memref<256x64xf32, #tpu.memory_space<vmem>> -> memref<1x64xf32, #tpu.memory_space<vmem>>
      %dma_start3A_241 = arith.constant 0 : i32
      %dma_start3A_242 = tpu.memref_slice %arg6[%squeeze3A_230, %dma_start3A_241] : memref<1000000x64xf32, #tpu.memory_space<hbm>> -> memref<1x64xf32, #tpu.memory_space<hbm>>
      tpu.enqueue_dma source(%dma_start3A_242 : memref<1x64xf32, #tpu.memory_space<hbm>>) target(%dma_start3A_240 : memref<1x64xf32, #tpu.memory_space<vmem>>) target_semaphore(%arg16 : memref<!tpu.dma_semaphore, #tpu.memory_space<semaphore_mem>>)
      %slice3A_243 = vector.extract_strided_slice %get3A_119 {offsets = [9], sizes = [1], strides = [1]} : vector<16xi32> to vector<1xi32>
      %squeeze3A_244 = vector.extract %slice3A_243[0] : i32 from vector<1xi32>
      %mul3A_245 = arith.constant 16 : i32
      %mul3A_246 = arith.muli %scan3A_113, %mul3A_245 : i32
      %add3A_247 = arith.constant 9 : i32
      %add3A_248 = arith.addi %mul3A_246, %add3A_247 : i32
      %dma_start3A_249 = arith.constant 0 : i32
      %dma_start3A_250 = tpu.memref_slice %arg14[%add3A_248, %dma_start3A_249] : memref<256x64xf32, #tpu.memory_space<vmem>> -> memref<1x64xf32, #tpu.memory_space<vmem>>
      %dma_start3A_251 = arith.constant 0 : i32
      %dma_start3A_252 = tpu.memref_slice %arg6[%squeeze3A_244, %dma_start3A_251] : memref<1000000x64xf32, #tpu.memory_space<hbm>> -> memref<1x64xf32, #tpu.memory_space<hbm>>
      %dma_start3A_253 = arith.constant 0 : i32
      %dma_start3A_254 = tpu.memref_slice %arg14[%add3A_248, %dma_start3A_253] : memref<256x64xf32, #tpu.memory_space<vmem>> -> memref<1x64xf32, #tpu.memory_space<vmem>>
      %dma_start3A_255 = arith.constant 0 : i32
      %dma_start3A_256 = tpu.memref_slice %arg6[%squeeze3A_244, %dma_start3A_255] : memref<1000000x64xf32, #tpu.memory_space<hbm>> -> memref<1x64xf32, #tpu.memory_space<hbm>>
      tpu.enqueue_dma source(%dma_start3A_256 : memref<1x64xf32, #tpu.memory_space<hbm>>) target(%dma_start3A_254 : memref<1x64xf32, #tpu.memory_space<vmem>>) target_semaphore(%arg16 : memref<!tpu.dma_semaphore, #tpu.memory_space<semaphore_mem>>)
      %slice3A_257 = vector.extract_strided_slice %get3A_119 {offsets = [10], sizes = [1], strides = [1]} : vector<16xi32> to vector<1xi32>
      %squeeze3A_258 = vector.extract %slice3A_257[0] : i32 from vector<1xi32>
      %mul3A_259 = arith.constant 16 : i32
      %mul3A_260 = arith.muli %scan3A_113, %mul3A_259 : i32
      %add3A_261 = arith.constant 10 : i32
      %add3A_262 = arith.addi %mul3A_260, %add3A_261 : i32
      %dma_start3A_263 = arith.constant 0 : i32
      %dma_start3A_264 = tpu.memref_slice %arg14[%add3A_262, %dma_start3A_263] : memref<256x64xf32, #tpu.memory_space<vmem>> -> memref<1x64xf32, #tpu.memory_space<vmem>>
      %dma_start3A_265 = arith.constant 0 : i32
      %dma_start3A_266 = tpu.memref_slice %arg6[%squeeze3A_258, %dma_start3A_265] : memref<1000000x64xf32, #tpu.memory_space<hbm>> -> memref<1x64xf32, #tpu.memory_space<hbm>>
      %dma_start3A_267 = arith.constant 0 : i32
      %dma_start3A_268 = tpu.memref_slice %arg14[%add3A_262, %dma_start3A_267] : memref<256x64xf32, #tpu.memory_space<vmem>> -> memref<1x64xf32, #tpu.memory_space<vmem>>
      %dma_start3A_269 = arith.constant 0 : i32
      %dma_start3A_270 = tpu.memref_slice %arg6[%squeeze3A_258, %dma_start3A_269] : memref<1000000x64xf32, #tpu.memory_space<hbm>> -> memref<1x64xf32, #tpu.memory_space<hbm>>
      tpu.enqueue_dma source(%dma_start3A_270 : memref<1x64xf32, #tpu.memory_space<hbm>>) target(%dma_start3A_268 : memref<1x64xf32, #tpu.memory_space<vmem>>) target_semaphore(%arg16 : memref<!tpu.dma_semaphore, #tpu.memory_space<semaphore_mem>>)
      %slice3A_271 = vector.extract_strided_slice %get3A_119 {offsets = [11], sizes = [1], strides = [1]} : vector<16xi32> to vector<1xi32>
      %squeeze3A_272 = vector.extract %slice3A_271[0] : i32 from vector<1xi32>
      %mul3A_273 = arith.constant 16 : i32
      %mul3A_274 = arith.muli %scan3A_113, %mul3A_273 : i32
      %add3A_275 = arith.constant 11 : i32
      %add3A_276 = arith.addi %mul3A_274, %add3A_275 : i32
      %dma_start3A_277 = arith.constant 0 : i32
      %dma_start3A_278 = tpu.memref_slice %arg14[%add3A_276, %dma_start3A_277] : memref<256x64xf32, #tpu.memory_space<vmem>> -> memref<1x64xf32, #tpu.memory_space<vmem>>
      %dma_start3A_279 = arith.constant 0 : i32
      %dma_start3A_280 = tpu.memref_slice %arg6[%squeeze3A_272, %dma_start3A_279] : memref<1000000x64xf32, #tpu.memory_space<hbm>> -> memref<1x64xf32, #tpu.memory_space<hbm>>
      %dma_start3A_281 = arith.constant 0 : i32
      %dma_start3A_282 = tpu.memref_slice %arg14[%add3A_276, %dma_start3A_281] : memref<256x64xf32, #tpu.memory_space<vmem>> -> memref<1x64xf32, #tpu.memory_space<vmem>>
      %dma_start3A_283 = arith.constant 0 : i32
      %dma_start3A_284 = tpu.memref_slice %arg6[%squeeze3A_272, %dma_start3A_283] : memref<1000000x64xf32, #tpu.memory_space<hbm>> -> memref<1x64xf32, #tpu.memory_space<hbm>>
      tpu.enqueue_dma source(%dma_start3A_284 : memref<1x64xf32, #tpu.memory_space<hbm>>) target(%dma_start3A_282 : memref<1x64xf32, #tpu.memory_space<vmem>>) target_semaphore(%arg16 : memref<!tpu.dma_semaphore, #tpu.memory_space<semaphore_mem>>)
      %slice3A_285 = vector.extract_strided_slice %get3A_119 {offsets = [12], sizes = [1], strides = [1]} : vector<16xi32> to vector<1xi32>
      %squeeze3A_286 = vector.extract %slice3A_285[0] : i32 from vector<1xi32>
      %mul3A_287 = arith.constant 16 : i32
      %mul3A_288 = arith.muli %scan3A_113, %mul3A_287 : i32
      %add3A_289 = arith.constant 12 : i32
      %add3A_290 = arith.addi %mul3A_288, %add3A_289 : i32
      %dma_start3A_291 = arith.constant 0 : i32
      %dma_start3A_292 = tpu.memref_slice %arg14[%add3A_290, %dma_start3A_291] : memref<256x64xf32, #tpu.memory_space<vmem>> -> memref<1x64xf32, #tpu.memory_space<vmem>>
      %dma_start3A_293 = arith.constant 0 : i32
      %dma_start3A_294 = tpu.memref_slice %arg6[%squeeze3A_286, %dma_start3A_293] : memref<1000000x64xf32, #tpu.memory_space<hbm>> -> memref<1x64xf32, #tpu.memory_space<hbm>>
      %dma_start3A_295 = arith.constant 0 : i32
      %dma_start3A_296 = tpu.memref_slice %arg14[%add3A_290, %dma_start3A_295] : memref<256x64xf32, #tpu.memory_space<vmem>> -> memref<1x64xf32, #tpu.memory_space<vmem>>
      %dma_start3A_297 = arith.constant 0 : i32
      %dma_start3A_298 = tpu.memref_slice %arg6[%squeeze3A_286, %dma_start3A_297] : memref<1000000x64xf32, #tpu.memory_space<hbm>> -> memref<1x64xf32, #tpu.memory_space<hbm>>
      tpu.enqueue_dma source(%dma_start3A_298 : memref<1x64xf32, #tpu.memory_space<hbm>>) target(%dma_start3A_296 : memref<1x64xf32, #tpu.memory_space<vmem>>) target_semaphore(%arg16 : memref<!tpu.dma_semaphore, #tpu.memory_space<semaphore_mem>>)
      %slice3A_299 = vector.extract_strided_slice %get3A_119 {offsets = [13], sizes = [1], strides = [1]} : vector<16xi32> to vector<1xi32>
      %squeeze3A_300 = vector.extract %slice3A_299[0] : i32 from vector<1xi32>
      %mul3A_301 = arith.constant 16 : i32
      %mul3A_302 = arith.muli %scan3A_113, %mul3A_301 : i32
      %add3A_303 = arith.constant 13 : i32
      %add3A_304 = arith.addi %mul3A_302, %add3A_303 : i32
      %dma_start3A_305 = arith.constant 0 : i32
      %dma_start3A_306 = tpu.memref_slice %arg14[%add3A_304, %dma_start3A_305] : memref<256x64xf32, #tpu.memory_space<vmem>> -> memref<1x64xf32, #tpu.memory_space<vmem>>
      %dma_start3A_307 = arith.constant 0 : i32
      %dma_start3A_308 = tpu.memref_slice %arg6[%squeeze3A_300, %dma_start3A_307] : memref<1000000x64xf32, #tpu.memory_space<hbm>> -> memref<1x64xf32, #tpu.memory_space<hbm>>
      %dma_start3A_309 = arith.constant 0 : i32
      %dma_start3A_310 = tpu.memref_slice %arg14[%add3A_304, %dma_start3A_309] : memref<256x64xf32, #tpu.memory_space<vmem>> -> memref<1x64xf32, #tpu.memory_space<vmem>>
      %dma_start3A_311 = arith.constant 0 : i32
      %dma_start3A_312 = tpu.memref_slice %arg6[%squeeze3A_300, %dma_start3A_311] : memref<1000000x64xf32, #tpu.memory_space<hbm>> -> memref<1x64xf32, #tpu.memory_space<hbm>>
      tpu.enqueue_dma source(%dma_start3A_312 : memref<1x64xf32, #tpu.memory_space<hbm>>) target(%dma_start3A_310 : memref<1x64xf32, #tpu.memory_space<vmem>>) target_semaphore(%arg16 : memref<!tpu.dma_semaphore, #tpu.memory_space<semaphore_mem>>)
      %slice3A_313 = vector.extract_strided_slice %get3A_119 {offsets = [14], sizes = [1], strides = [1]} : vector<16xi32> to vector<1xi32>
      %squeeze3A_314 = vector.extract %slice3A_313[0] : i32 from vector<1xi32>
      %mul3A_315 = arith.constant 16 : i32
      %mul3A_316 = arith.muli %scan3A_113, %mul3A_315 : i32
      %add3A_317 = arith.constant 14 : i32
      %add3A_318 = arith.addi %mul3A_316, %add3A_317 : i32
      %dma_start3A_319 = arith.constant 0 : i32
      %dma_start3A_320 = tpu.memref_slice %arg14[%add3A_318, %dma_start3A_319] : memref<256x64xf32, #tpu.memory_space<vmem>> -> memref<1x64xf32, #tpu.memory_space<vmem>>
      %dma_start3A_321 = arith.constant 0 : i32
      %dma_start3A_322 = tpu.memref_slice %arg6[%squeeze3A_314, %dma_start3A_321] : memref<1000000x64xf32, #tpu.memory_space<hbm>> -> memref<1x64xf32, #tpu.memory_space<hbm>>
      %dma_start3A_323 = arith.constant 0 : i32
      %dma_start3A_324 = tpu.memref_slice %arg14[%add3A_318, %dma_start3A_323] : memref<256x64xf32, #tpu.memory_space<vmem>> -> memref<1x64xf32, #tpu.memory_space<vmem>>
      %dma_start3A_325 = arith.constant 0 : i32
      %dma_start3A_326 = tpu.memref_slice %arg6[%squeeze3A_314, %dma_start3A_325] : memref<1000000x64xf32, #tpu.memory_space<hbm>> -> memref<1x64xf32, #tpu.memory_space<hbm>>
      tpu.enqueue_dma source(%dma_start3A_326 : memref<1x64xf32, #tpu.memory_space<hbm>>) target(%dma_start3A_324 : memref<1x64xf32, #tpu.memory_space<vmem>>) target_semaphore(%arg16 : memref<!tpu.dma_semaphore, #tpu.memory_space<semaphore_mem>>)
      %slice3A_327 = vector.extract_strided_slice %get3A_119 {offsets = [15], sizes = [1], strides = [1]} : vector<16xi32> to vector<1xi32>
      %squeeze3A_328 = vector.extract %slice3A_327[0] : i32 from vector<1xi32>
      %mul3A_329 = arith.constant 16 : i32
      %mul3A_330 = arith.muli %scan3A_113, %mul3A_329 : i32
      %add3A_331 = arith.constant 15 : i32
      %add3A_332 = arith.addi %mul3A_330, %add3A_331 : i32
      %dma_start3A_333 = arith.constant 0 : i32
      %dma_start3A_334 = tpu.memref_slice %arg14[%add3A_332, %dma_start3A_333] : memref<256x64xf32, #tpu.memory_space<vmem>> -> memref<1x64xf32, #tpu.memory_space<vmem>>
      %dma_start3A_335 = arith.constant 0 : i32
      %dma_start3A_336 = tpu.memref_slice %arg6[%squeeze3A_328, %dma_start3A_335] : memref<1000000x64xf32, #tpu.memory_space<hbm>> -> memref<1x64xf32, #tpu.memory_space<hbm>>
      %dma_start3A_337 = arith.constant 0 : i32
      %dma_start3A_338 = tpu.memref_slice %arg14[%add3A_332, %dma_start3A_337] : memref<256x64xf32, #tpu.memory_space<vmem>> -> memref<1x64xf32, #tpu.memory_space<vmem>>
      %dma_start3A_339 = arith.constant 0 : i32
      %dma_start3A_340 = tpu.memref_slice %arg6[%squeeze3A_328, %dma_start3A_339] : memref<1000000x64xf32, #tpu.memory_space<hbm>> -> memref<1x64xf32, #tpu.memory_space<hbm>>
      tpu.enqueue_dma source(%dma_start3A_340 : memref<1x64xf32, #tpu.memory_space<hbm>>) target(%dma_start3A_338 : memref<1x64xf32, #tpu.memory_space<vmem>>) target_semaphore(%arg16 : memref<!tpu.dma_semaphore, #tpu.memory_space<semaphore_mem>>)
    }
    %scan3A_54 = arith.constant 16 : i32
    %dma_wait3A_55 = arith.constant 0 : i32
    %dma_wait3A_56 = arith.constant 0 : i32
    %dma_wait3A_57 = tpu.memref_slice %arg5[%dma_wait3A_55, %dma_wait3A_56] : memref<100000x64xf32, #tpu.memory_space<hbm>> -> memref<256x64xf32, #tpu.memory_space<hbm>>
    %dma_wait3A_58 = arith.constant 0 : i32
    %dma_wait3A_59 = arith.constant 0 : i32
    %dma_wait3A_60 = tpu.memref_slice %arg5[%dma_wait3A_58, %dma_wait3A_59] : memref<100000x64xf32, #tpu.memory_space<hbm>> -> memref<256x64xf32, #tpu.memory_space<hbm>>
    tpu.wait_dma2 semaphore(%arg17 : memref<!tpu.dma_semaphore, #tpu.memory_space<semaphore_mem>>) src(%dma_wait3A_60 : memref<256x64xf32, #tpu.memory_space<hbm>>) dst(%arg15 : memref<256x64xf32, #tpu.memory_space<vmem>>)
    %add3A_61 = arith.constant 256 : i32
    %add3A_62 = arith.addi %mul3A_2, %add3A_61 : i32
    "tpu.region"() ({
      %run_scoped3A = tpu.sem_alloc : memref<!tpu.dma_semaphore, #tpu.memory_space<semaphore_mem>>
      %dma_start3A = arith.constant 0 : i32
      %dma_start3A_113 = tpu.memref_slice %arg9[%add3A_62, %dma_start3A] : memref<16384x64xf32, #tpu.memory_space<hbm>> -> memref<256x64xf32, #tpu.memory_space<hbm>>
      %dma_start3A_114 = arith.constant 0 : i32
      %dma_start3A_115 = tpu.memref_slice %arg9[%add3A_62, %dma_start3A_114] : memref<16384x64xf32, #tpu.memory_space<hbm>> -> memref<256x64xf32, #tpu.memory_space<hbm>>
      tpu.enqueue_dma source(%arg15 : memref<256x64xf32, #tpu.memory_space<vmem>>) target(%dma_start3A_115 : memref<256x64xf32, #tpu.memory_space<hbm>>) target_semaphore(%run_scoped3A : memref<!tpu.dma_semaphore, #tpu.memory_space<semaphore_mem>>)
      %dma_wait3A_116 = arith.constant 0 : i32
      %dma_wait3A_117 = tpu.memref_slice %arg9[%add3A_62, %dma_wait3A_116] : memref<16384x64xf32, #tpu.memory_space<hbm>> -> memref<256x64xf32, #tpu.memory_space<hbm>>
      %dma_wait3A_118 = arith.constant 0 : i32
      %dma_wait3A_119 = tpu.memref_slice %arg9[%add3A_62, %dma_wait3A_118] : memref<16384x64xf32, #tpu.memory_space<hbm>> -> memref<256x64xf32, #tpu.memory_space<hbm>>
      tpu.wait_dma2 semaphore(%run_scoped3A : memref<!tpu.dma_semaphore, #tpu.memory_space<semaphore_mem>>) src(%arg15 : memref<256x64xf32, #tpu.memory_space<vmem>>) dst(%dma_wait3A_119 : memref<256x64xf32, #tpu.memory_space<hbm>>)
      tpu.yield
    }) : () -> ()
    %scan3A_63 = arith.constant 0 : i32
    %scan3A_64 = arith.constant 0 : i32
    %scan3A_65 = arith.constant 16 : i32
    %scan3A_66 = arith.addi %scan3A_64, %scan3A_65 : i32
    %scan3A_67 = arith.constant 1 : i32
    scf.for %scan3A_113 = %scan3A_64 to %scan3A_66 step %scan3A_67  : i32 {
      %mul3A_114 = arith.constant 16 : i32
      %mul3A_115 = arith.muli %scan3A_113, %mul3A_114 : i32
      %add3A_116 = arith.constant 256 : i32
      %add3A_117 = arith.addi %add3A_116, %mul3A_115 : i32
      %get3A = arith.index_cast %add3A_117 : i32 to index
      %get3A_118 = tpu.vector_load %arg12[%get3A] {strides = array<i32>} : memref<512xi32, #tpu.memory_space<vmem>>, vector<16xi32>,
      %get3A_119 = vector.shape_cast %get3A_118 : vector<16xi32> to vector<16xi32>
      %slice3A = vector.extract_strided_slice %get3A_119 {offsets = [0], sizes = [1], strides = [1]} : vector<16xi32> to vector<1xi32>
      %squeeze3A = vector.extract %slice3A[0] : i32 from vector<1xi32>
      %mul3A_120 = arith.constant 16 : i32
      %mul3A_121 = arith.muli %scan3A_113, %mul3A_120 : i32
      %add3A_122 = arith.constant 0 : i32
      %add3A_123 = arith.addi %mul3A_121, %add3A_122 : i32
      %dma_start3A = arith.constant 0 : i32
      %dma_start3A_124 = tpu.memref_slice %arg15[%add3A_123, %dma_start3A] : memref<256x64xf32, #tpu.memory_space<vmem>> -> memref<1x64xf32, #tpu.memory_space<vmem>>
      %dma_start3A_125 = arith.constant 0 : i32
      %dma_start3A_126 = tpu.memref_slice %arg6[%squeeze3A, %dma_start3A_125] : memref<1000000x64xf32, #tpu.memory_space<hbm>> -> memref<1x64xf32, #tpu.memory_space<hbm>>
      %dma_start3A_127 = arith.constant 0 : i32
      %dma_start3A_128 = tpu.memref_slice %arg15[%add3A_123, %dma_start3A_127] : memref<256x64xf32, #tpu.memory_space<vmem>> -> memref<1x64xf32, #tpu.memory_space<vmem>>
      %dma_start3A_129 = arith.constant 0 : i32
      %dma_start3A_130 = tpu.memref_slice %arg6[%squeeze3A, %dma_start3A_129] : memref<1000000x64xf32, #tpu.memory_space<hbm>> -> memref<1x64xf32, #tpu.memory_space<hbm>>
      tpu.enqueue_dma source(%dma_start3A_130 : memref<1x64xf32, #tpu.memory_space<hbm>>) target(%dma_start3A_128 : memref<1x64xf32, #tpu.memory_space<vmem>>) target_semaphore(%arg17 : memref<!tpu.dma_semaphore, #tpu.memory_space<semaphore_mem>>)
      %slice3A_131 = vector.extract_strided_slice %get3A_119 {offsets = [1], sizes = [1], strides = [1]} : vector<16xi32> to vector<1xi32>
      %squeeze3A_132 = vector.extract %slice3A_131[0] : i32 from vector<1xi32>
      %mul3A_133 = arith.constant 16 : i32
      %mul3A_134 = arith.muli %scan3A_113, %mul3A_133 : i32
      %add3A_135 = arith.constant 1 : i32
      %add3A_136 = arith.addi %mul3A_134, %add3A_135 : i32
      %dma_start3A_137 = arith.constant 0 : i32
      %dma_start3A_138 = tpu.memref_slice %arg15[%add3A_136, %dma_start3A_137] : memref<256x64xf32, #tpu.memory_space<vmem>> -> memref<1x64xf32, #tpu.memory_space<vmem>>
      %dma_start3A_139 = arith.constant 0 : i32
      %dma_start3A_140 = tpu.memref_slice %arg6[%squeeze3A_132, %dma_start3A_139] : memref<1000000x64xf32, #tpu.memory_space<hbm>> -> memref<1x64xf32, #tpu.memory_space<hbm>>
      %dma_start3A_141 = arith.constant 0 : i32
      %dma_start3A_142 = tpu.memref_slice %arg15[%add3A_136, %dma_start3A_141] : memref<256x64xf32, #tpu.memory_space<vmem>> -> memref<1x64xf32, #tpu.memory_space<vmem>>
      %dma_start3A_143 = arith.constant 0 : i32
      %dma_start3A_144 = tpu.memref_slice %arg6[%squeeze3A_132, %dma_start3A_143] : memref<1000000x64xf32, #tpu.memory_space<hbm>> -> memref<1x64xf32, #tpu.memory_space<hbm>>
      tpu.enqueue_dma source(%dma_start3A_144 : memref<1x64xf32, #tpu.memory_space<hbm>>) target(%dma_start3A_142 : memref<1x64xf32, #tpu.memory_space<vmem>>) target_semaphore(%arg17 : memref<!tpu.dma_semaphore, #tpu.memory_space<semaphore_mem>>)
      %slice3A_145 = vector.extract_strided_slice %get3A_119 {offsets = [2], sizes = [1], strides = [1]} : vector<16xi32> to vector<1xi32>
      %squeeze3A_146 = vector.extract %slice3A_145[0] : i32 from vector<1xi32>
      %mul3A_147 = arith.constant 16 : i32
      %mul3A_148 = arith.muli %scan3A_113, %mul3A_147 : i32
      %add3A_149 = arith.constant 2 : i32
      %add3A_150 = arith.addi %mul3A_148, %add3A_149 : i32
      %dma_start3A_151 = arith.constant 0 : i32
      %dma_start3A_152 = tpu.memref_slice %arg15[%add3A_150, %dma_start3A_151] : memref<256x64xf32, #tpu.memory_space<vmem>> -> memref<1x64xf32, #tpu.memory_space<vmem>>
      %dma_start3A_153 = arith.constant 0 : i32
      %dma_start3A_154 = tpu.memref_slice %arg6[%squeeze3A_146, %dma_start3A_153] : memref<1000000x64xf32, #tpu.memory_space<hbm>> -> memref<1x64xf32, #tpu.memory_space<hbm>>
      %dma_start3A_155 = arith.constant 0 : i32
      %dma_start3A_156 = tpu.memref_slice %arg15[%add3A_150, %dma_start3A_155] : memref<256x64xf32, #tpu.memory_space<vmem>> -> memref<1x64xf32, #tpu.memory_space<vmem>>
      %dma_start3A_157 = arith.constant 0 : i32
      %dma_start3A_158 = tpu.memref_slice %arg6[%squeeze3A_146, %dma_start3A_157] : memref<1000000x64xf32, #tpu.memory_space<hbm>> -> memref<1x64xf32, #tpu.memory_space<hbm>>
      tpu.enqueue_dma source(%dma_start3A_158 : memref<1x64xf32, #tpu.memory_space<hbm>>) target(%dma_start3A_156 : memref<1x64xf32, #tpu.memory_space<vmem>>) target_semaphore(%arg17 : memref<!tpu.dma_semaphore, #tpu.memory_space<semaphore_mem>>)
      %slice3A_159 = vector.extract_strided_slice %get3A_119 {offsets = [3], sizes = [1], strides = [1]} : vector<16xi32> to vector<1xi32>
      %squeeze3A_160 = vector.extract %slice3A_159[0] : i32 from vector<1xi32>
      %mul3A_161 = arith.constant 16 : i32
      %mul3A_162 = arith.muli %scan3A_113, %mul3A_161 : i32
      %add3A_163 = arith.constant 3 : i32
      %add3A_164 = arith.addi %mul3A_162, %add3A_163 : i32
      %dma_start3A_165 = arith.constant 0 : i32
      %dma_start3A_166 = tpu.memref_slice %arg15[%add3A_164, %dma_start3A_165] : memref<256x64xf32, #tpu.memory_space<vmem>> -> memref<1x64xf32, #tpu.memory_space<vmem>>
      %dma_start3A_167 = arith.constant 0 : i32
      %dma_start3A_168 = tpu.memref_slice %arg6[%squeeze3A_160, %dma_start3A_167] : memref<1000000x64xf32, #tpu.memory_space<hbm>> -> memref<1x64xf32, #tpu.memory_space<hbm>>
      %dma_start3A_169 = arith.constant 0 : i32
      %dma_start3A_170 = tpu.memref_slice %arg15[%add3A_164, %dma_start3A_169] : memref<256x64xf32, #tpu.memory_space<vmem>> -> memref<1x64xf32, #tpu.memory_space<vmem>>
      %dma_start3A_171 = arith.constant 0 : i32
      %dma_start3A_172 = tpu.memref_slice %arg6[%squeeze3A_160, %dma_start3A_171] : memref<1000000x64xf32, #tpu.memory_space<hbm>> -> memref<1x64xf32, #tpu.memory_space<hbm>>
      tpu.enqueue_dma source(%dma_start3A_172 : memref<1x64xf32, #tpu.memory_space<hbm>>) target(%dma_start3A_170 : memref<1x64xf32, #tpu.memory_space<vmem>>) target_semaphore(%arg17 : memref<!tpu.dma_semaphore, #tpu.memory_space<semaphore_mem>>)
      %slice3A_173 = vector.extract_strided_slice %get3A_119 {offsets = [4], sizes = [1], strides = [1]} : vector<16xi32> to vector<1xi32>
      %squeeze3A_174 = vector.extract %slice3A_173[0] : i32 from vector<1xi32>
      %mul3A_175 = arith.constant 16 : i32
      %mul3A_176 = arith.muli %scan3A_113, %mul3A_175 : i32
      %add3A_177 = arith.constant 4 : i32
      %add3A_178 = arith.addi %mul3A_176, %add3A_177 : i32
      %dma_start3A_179 = arith.constant 0 : i32
      %dma_start3A_180 = tpu.memref_slice %arg15[%add3A_178, %dma_start3A_179] : memref<256x64xf32, #tpu.memory_space<vmem>> -> memref<1x64xf32, #tpu.memory_space<vmem>>
      %dma_start3A_181 = arith.constant 0 : i32
      %dma_start3A_182 = tpu.memref_slice %arg6[%squeeze3A_174, %dma_start3A_181] : memref<1000000x64xf32, #tpu.memory_space<hbm>> -> memref<1x64xf32, #tpu.memory_space<hbm>>
      %dma_start3A_183 = arith.constant 0 : i32
      %dma_start3A_184 = tpu.memref_slice %arg15[%add3A_178, %dma_start3A_183] : memref<256x64xf32, #tpu.memory_space<vmem>> -> memref<1x64xf32, #tpu.memory_space<vmem>>
      %dma_start3A_185 = arith.constant 0 : i32
      %dma_start3A_186 = tpu.memref_slice %arg6[%squeeze3A_174, %dma_start3A_185] : memref<1000000x64xf32, #tpu.memory_space<hbm>> -> memref<1x64xf32, #tpu.memory_space<hbm>>
      tpu.enqueue_dma source(%dma_start3A_186 : memref<1x64xf32, #tpu.memory_space<hbm>>) target(%dma_start3A_184 : memref<1x64xf32, #tpu.memory_space<vmem>>) target_semaphore(%arg17 : memref<!tpu.dma_semaphore, #tpu.memory_space<semaphore_mem>>)
      %slice3A_187 = vector.extract_strided_slice %get3A_119 {offsets = [5], sizes = [1], strides = [1]} : vector<16xi32> to vector<1xi32>
      %squeeze3A_188 = vector.extract %slice3A_187[0] : i32 from vector<1xi32>
      %mul3A_189 = arith.constant 16 : i32
      %mul3A_190 = arith.muli %scan3A_113, %mul3A_189 : i32
      %add3A_191 = arith.constant 5 : i32
      %add3A_192 = arith.addi %mul3A_190, %add3A_191 : i32
      %dma_start3A_193 = arith.constant 0 : i32
      %dma_start3A_194 = tpu.memref_slice %arg15[%add3A_192, %dma_start3A_193] : memref<256x64xf32, #tpu.memory_space<vmem>> -> memref<1x64xf32, #tpu.memory_space<vmem>>
      %dma_start3A_195 = arith.constant 0 : i32
      %dma_start3A_196 = tpu.memref_slice %arg6[%squeeze3A_188, %dma_start3A_195] : memref<1000000x64xf32, #tpu.memory_space<hbm>> -> memref<1x64xf32, #tpu.memory_space<hbm>>
      %dma_start3A_197 = arith.constant 0 : i32
      %dma_start3A_198 = tpu.memref_slice %arg15[%add3A_192, %dma_start3A_197] : memref<256x64xf32, #tpu.memory_space<vmem>> -> memref<1x64xf32, #tpu.memory_space<vmem>>
      %dma_start3A_199 = arith.constant 0 : i32
      %dma_start3A_200 = tpu.memref_slice %arg6[%squeeze3A_188, %dma_start3A_199] : memref<1000000x64xf32, #tpu.memory_space<hbm>> -> memref<1x64xf32, #tpu.memory_space<hbm>>
      tpu.enqueue_dma source(%dma_start3A_200 : memref<1x64xf32, #tpu.memory_space<hbm>>) target(%dma_start3A_198 : memref<1x64xf32, #tpu.memory_space<vmem>>) target_semaphore(%arg17 : memref<!tpu.dma_semaphore, #tpu.memory_space<semaphore_mem>>)
      %slice3A_201 = vector.extract_strided_slice %get3A_119 {offsets = [6], sizes = [1], strides = [1]} : vector<16xi32> to vector<1xi32>
      %squeeze3A_202 = vector.extract %slice3A_201[0] : i32 from vector<1xi32>
      %mul3A_203 = arith.constant 16 : i32
      %mul3A_204 = arith.muli %scan3A_113, %mul3A_203 : i32
      %add3A_205 = arith.constant 6 : i32
      %add3A_206 = arith.addi %mul3A_204, %add3A_205 : i32
      %dma_start3A_207 = arith.constant 0 : i32
      %dma_start3A_208 = tpu.memref_slice %arg15[%add3A_206, %dma_start3A_207] : memref<256x64xf32, #tpu.memory_space<vmem>> -> memref<1x64xf32, #tpu.memory_space<vmem>>
      %dma_start3A_209 = arith.constant 0 : i32
      %dma_start3A_210 = tpu.memref_slice %arg6[%squeeze3A_202, %dma_start3A_209] : memref<1000000x64xf32, #tpu.memory_space<hbm>> -> memref<1x64xf32, #tpu.memory_space<hbm>>
      %dma_start3A_211 = arith.constant 0 : i32
      %dma_start3A_212 = tpu.memref_slice %arg15[%add3A_206, %dma_start3A_211] : memref<256x64xf32, #tpu.memory_space<vmem>> -> memref<1x64xf32, #tpu.memory_space<vmem>>
      %dma_start3A_213 = arith.constant 0 : i32
      %dma_start3A_214 = tpu.memref_slice %arg6[%squeeze3A_202, %dma_start3A_213] : memref<1000000x64xf32, #tpu.memory_space<hbm>> -> memref<1x64xf32, #tpu.memory_space<hbm>>
      tpu.enqueue_dma source(%dma_start3A_214 : memref<1x64xf32, #tpu.memory_space<hbm>>) target(%dma_start3A_212 : memref<1x64xf32, #tpu.memory_space<vmem>>) target_semaphore(%arg17 : memref<!tpu.dma_semaphore, #tpu.memory_space<semaphore_mem>>)
      %slice3A_215 = vector.extract_strided_slice %get3A_119 {offsets = [7], sizes = [1], strides = [1]} : vector<16xi32> to vector<1xi32>
      %squeeze3A_216 = vector.extract %slice3A_215[0] : i32 from vector<1xi32>
      %mul3A_217 = arith.constant 16 : i32
      %mul3A_218 = arith.muli %scan3A_113, %mul3A_217 : i32
      %add3A_219 = arith.constant 7 : i32
      %add3A_220 = arith.addi %mul3A_218, %add3A_219 : i32
      %dma_start3A_221 = arith.constant 0 : i32
      %dma_start3A_222 = tpu.memref_slice %arg15[%add3A_220, %dma_start3A_221] : memref<256x64xf32, #tpu.memory_space<vmem>> -> memref<1x64xf32, #tpu.memory_space<vmem>>
      %dma_start3A_223 = arith.constant 0 : i32
      %dma_start3A_224 = tpu.memref_slice %arg6[%squeeze3A_216, %dma_start3A_223] : memref<1000000x64xf32, #tpu.memory_space<hbm>> -> memref<1x64xf32, #tpu.memory_space<hbm>>
      %dma_start3A_225 = arith.constant 0 : i32
      %dma_start3A_226 = tpu.memref_slice %arg15[%add3A_220, %dma_start3A_225] : memref<256x64xf32, #tpu.memory_space<vmem>> -> memref<1x64xf32, #tpu.memory_space<vmem>>
      %dma_start3A_227 = arith.constant 0 : i32
      %dma_start3A_228 = tpu.memref_slice %arg6[%squeeze3A_216, %dma_start3A_227] : memref<1000000x64xf32, #tpu.memory_space<hbm>> -> memref<1x64xf32, #tpu.memory_space<hbm>>
      tpu.enqueue_dma source(%dma_start3A_228 : memref<1x64xf32, #tpu.memory_space<hbm>>) target(%dma_start3A_226 : memref<1x64xf32, #tpu.memory_space<vmem>>) target_semaphore(%arg17 : memref<!tpu.dma_semaphore, #tpu.memory_space<semaphore_mem>>)
      %slice3A_229 = vector.extract_strided_slice %get3A_119 {offsets = [8], sizes = [1], strides = [1]} : vector<16xi32> to vector<1xi32>
      %squeeze3A_230 = vector.extract %slice3A_229[0] : i32 from vector<1xi32>
      %mul3A_231 = arith.constant 16 : i32
      %mul3A_232 = arith.muli %scan3A_113, %mul3A_231 : i32
      %add3A_233 = arith.constant 8 : i32
      %add3A_234 = arith.addi %mul3A_232, %add3A_233 : i32
      %dma_start3A_235 = arith.constant 0 : i32
      %dma_start3A_236 = tpu.memref_slice %arg15[%add3A_234, %dma_start3A_235] : memref<256x64xf32, #tpu.memory_space<vmem>> -> memref<1x64xf32, #tpu.memory_space<vmem>>
      %dma_start3A_237 = arith.constant 0 : i32
      %dma_start3A_238 = tpu.memref_slice %arg6[%squeeze3A_230, %dma_start3A_237] : memref<1000000x64xf32, #tpu.memory_space<hbm>> -> memref<1x64xf32, #tpu.memory_space<hbm>>
      %dma_start3A_239 = arith.constant 0 : i32
      %dma_start3A_240 = tpu.memref_slice %arg15[%add3A_234, %dma_start3A_239] : memref<256x64xf32, #tpu.memory_space<vmem>> -> memref<1x64xf32, #tpu.memory_space<vmem>>
      %dma_start3A_241 = arith.constant 0 : i32
      %dma_start3A_242 = tpu.memref_slice %arg6[%squeeze3A_230, %dma_start3A_241] : memref<1000000x64xf32, #tpu.memory_space<hbm>> -> memref<1x64xf32, #tpu.memory_space<hbm>>
      tpu.enqueue_dma source(%dma_start3A_242 : memref<1x64xf32, #tpu.memory_space<hbm>>) target(%dma_start3A_240 : memref<1x64xf32, #tpu.memory_space<vmem>>) target_semaphore(%arg17 : memref<!tpu.dma_semaphore, #tpu.memory_space<semaphore_mem>>)
      %slice3A_243 = vector.extract_strided_slice %get3A_119 {offsets = [9], sizes = [1], strides = [1]} : vector<16xi32> to vector<1xi32>
      %squeeze3A_244 = vector.extract %slice3A_243[0] : i32 from vector<1xi32>
      %mul3A_245 = arith.constant 16 : i32
      %mul3A_246 = arith.muli %scan3A_113, %mul3A_245 : i32
      %add3A_247 = arith.constant 9 : i32
      %add3A_248 = arith.addi %mul3A_246, %add3A_247 : i32
      %dma_start3A_249 = arith.constant 0 : i32
      %dma_start3A_250 = tpu.memref_slice %arg15[%add3A_248, %dma_start3A_249] : memref<256x64xf32, #tpu.memory_space<vmem>> -> memref<1x64xf32, #tpu.memory_space<vmem>>
      %dma_start3A_251 = arith.constant 0 : i32
      %dma_start3A_252 = tpu.memref_slice %arg6[%squeeze3A_244, %dma_start3A_251] : memref<1000000x64xf32, #tpu.memory_space<hbm>> -> memref<1x64xf32, #tpu.memory_space<hbm>>
      %dma_start3A_253 = arith.constant 0 : i32
      %dma_start3A_254 = tpu.memref_slice %arg15[%add3A_248, %dma_start3A_253] : memref<256x64xf32, #tpu.memory_space<vmem>> -> memref<1x64xf32, #tpu.memory_space<vmem>>
      %dma_start3A_255 = arith.constant 0 : i32
      %dma_start3A_256 = tpu.memref_slice %arg6[%squeeze3A_244, %dma_start3A_255] : memref<1000000x64xf32, #tpu.memory_space<hbm>> -> memref<1x64xf32, #tpu.memory_space<hbm>>
      tpu.enqueue_dma source(%dma_start3A_256 : memref<1x64xf32, #tpu.memory_space<hbm>>) target(%dma_start3A_254 : memref<1x64xf32, #tpu.memory_space<vmem>>) target_semaphore(%arg17 : memref<!tpu.dma_semaphore, #tpu.memory_space<semaphore_mem>>)
      %slice3A_257 = vector.extract_strided_slice %get3A_119 {offsets = [10], sizes = [1], strides = [1]} : vector<16xi32> to vector<1xi32>
      %squeeze3A_258 = vector.extract %slice3A_257[0] : i32 from vector<1xi32>
      %mul3A_259 = arith.constant 16 : i32
      %mul3A_260 = arith.muli %scan3A_113, %mul3A_259 : i32
      %add3A_261 = arith.constant 10 : i32
      %add3A_262 = arith.addi %mul3A_260, %add3A_261 : i32
      %dma_start3A_263 = arith.constant 0 : i32
      %dma_start3A_264 = tpu.memref_slice %arg15[%add3A_262, %dma_start3A_263] : memref<256x64xf32, #tpu.memory_space<vmem>> -> memref<1x64xf32, #tpu.memory_space<vmem>>
      %dma_start3A_265 = arith.constant 0 : i32
      %dma_start3A_266 = tpu.memref_slice %arg6[%squeeze3A_258, %dma_start3A_265] : memref<1000000x64xf32, #tpu.memory_space<hbm>> -> memref<1x64xf32, #tpu.memory_space<hbm>>
      %dma_start3A_267 = arith.constant 0 : i32
      %dma_start3A_268 = tpu.memref_slice %arg15[%add3A_262, %dma_start3A_267] : memref<256x64xf32, #tpu.memory_space<vmem>> -> memref<1x64xf32, #tpu.memory_space<vmem>>
      %dma_start3A_269 = arith.constant 0 : i32
      %dma_start3A_270 = tpu.memref_slice %arg6[%squeeze3A_258, %dma_start3A_269] : memref<1000000x64xf32, #tpu.memory_space<hbm>> -> memref<1x64xf32, #tpu.memory_space<hbm>>
      tpu.enqueue_dma source(%dma_start3A_270 : memref<1x64xf32, #tpu.memory_space<hbm>>) target(%dma_start3A_268 : memref<1x64xf32, #tpu.memory_space<vmem>>) target_semaphore(%arg17 : memref<!tpu.dma_semaphore, #tpu.memory_space<semaphore_mem>>)
      %slice3A_271 = vector.extract_strided_slice %get3A_119 {offsets = [11], sizes = [1], strides = [1]} : vector<16xi32> to vector<1xi32>
      %squeeze3A_272 = vector.extract %slice3A_271[0] : i32 from vector<1xi32>
      %mul3A_273 = arith.constant 16 : i32
      %mul3A_274 = arith.muli %scan3A_113, %mul3A_273 : i32
      %add3A_275 = arith.constant 11 : i32
      %add3A_276 = arith.addi %mul3A_274, %add3A_275 : i32
      %dma_start3A_277 = arith.constant 0 : i32
      %dma_start3A_278 = tpu.memref_slice %arg15[%add3A_276, %dma_start3A_277] : memref<256x64xf32, #tpu.memory_space<vmem>> -> memref<1x64xf32, #tpu.memory_space<vmem>>
      %dma_start3A_279 = arith.constant 0 : i32
      %dma_start3A_280 = tpu.memref_slice %arg6[%squeeze3A_272, %dma_start3A_279] : memref<1000000x64xf32, #tpu.memory_space<hbm>> -> memref<1x64xf32, #tpu.memory_space<hbm>>
      %dma_start3A_281 = arith.constant 0 : i32
      %dma_start3A_282 = tpu.memref_slice %arg15[%add3A_276, %dma_start3A_281] : memref<256x64xf32, #tpu.memory_space<vmem>> -> memref<1x64xf32, #tpu.memory_space<vmem>>
      %dma_start3A_283 = arith.constant 0 : i32
      %dma_start3A_284 = tpu.memref_slice %arg6[%squeeze3A_272, %dma_start3A_283] : memref<1000000x64xf32, #tpu.memory_space<hbm>> -> memref<1x64xf32, #tpu.memory_space<hbm>>
      tpu.enqueue_dma source(%dma_start3A_284 : memref<1x64xf32, #tpu.memory_space<hbm>>) target(%dma_start3A_282 : memref<1x64xf32, #tpu.memory_space<vmem>>) target_semaphore(%arg17 : memref<!tpu.dma_semaphore, #tpu.memory_space<semaphore_mem>>)
      %slice3A_285 = vector.extract_strided_slice %get3A_119 {offsets = [12], sizes = [1], strides = [1]} : vector<16xi32> to vector<1xi32>
      %squeeze3A_286 = vector.extract %slice3A_285[0] : i32 from vector<1xi32>
      %mul3A_287 = arith.constant 16 : i32
      %mul3A_288 = arith.muli %scan3A_113, %mul3A_287 : i32
      %add3A_289 = arith.constant 12 : i32
      %add3A_290 = arith.addi %mul3A_288, %add3A_289 : i32
      %dma_start3A_291 = arith.constant 0 : i32
      %dma_start3A_292 = tpu.memref_slice %arg15[%add3A_290, %dma_start3A_291] : memref<256x64xf32, #tpu.memory_space<vmem>> -> memref<1x64xf32, #tpu.memory_space<vmem>>
      %dma_start3A_293 = arith.constant 0 : i32
      %dma_start3A_294 = tpu.memref_slice %arg6[%squeeze3A_286, %dma_start3A_293] : memref<1000000x64xf32, #tpu.memory_space<hbm>> -> memref<1x64xf32, #tpu.memory_space<hbm>>
      %dma_start3A_295 = arith.constant 0 : i32
      %dma_start3A_296 = tpu.memref_slice %arg15[%add3A_290, %dma_start3A_295] : memref<256x64xf32, #tpu.memory_space<vmem>> -> memref<1x64xf32, #tpu.memory_space<vmem>>
      %dma_start3A_297 = arith.constant 0 : i32
      %dma_start3A_298 = tpu.memref_slice %arg6[%squeeze3A_286, %dma_start3A_297] : memref<1000000x64xf32, #tpu.memory_space<hbm>> -> memref<1x64xf32, #tpu.memory_space<hbm>>
      tpu.enqueue_dma source(%dma_start3A_298 : memref<1x64xf32, #tpu.memory_space<hbm>>) target(%dma_start3A_296 : memref<1x64xf32, #tpu.memory_space<vmem>>) target_semaphore(%arg17 : memref<!tpu.dma_semaphore, #tpu.memory_space<semaphore_mem>>)
      %slice3A_299 = vector.extract_strided_slice %get3A_119 {offsets = [13], sizes = [1], strides = [1]} : vector<16xi32> to vector<1xi32>
      %squeeze3A_300 = vector.extract %slice3A_299[0] : i32 from vector<1xi32>
      %mul3A_301 = arith.constant 16 : i32
      %mul3A_302 = arith.muli %scan3A_113, %mul3A_301 : i32
      %add3A_303 = arith.constant 13 : i32
      %add3A_304 = arith.addi %mul3A_302, %add3A_303 : i32
      %dma_start3A_305 = arith.constant 0 : i32
      %dma_start3A_306 = tpu.memref_slice %arg15[%add3A_304, %dma_start3A_305] : memref<256x64xf32, #tpu.memory_space<vmem>> -> memref<1x64xf32, #tpu.memory_space<vmem>>
      %dma_start3A_307 = arith.constant 0 : i32
      %dma_start3A_308 = tpu.memref_slice %arg6[%squeeze3A_300, %dma_start3A_307] : memref<1000000x64xf32, #tpu.memory_space<hbm>> -> memref<1x64xf32, #tpu.memory_space<hbm>>
      %dma_start3A_309 = arith.constant 0 : i32
      %dma_start3A_310 = tpu.memref_slice %arg15[%add3A_304, %dma_start3A_309] : memref<256x64xf32, #tpu.memory_space<vmem>> -> memref<1x64xf32, #tpu.memory_space<vmem>>
      %dma_start3A_311 = arith.constant 0 : i32
      %dma_start3A_312 = tpu.memref_slice %arg6[%squeeze3A_300, %dma_start3A_311] : memref<1000000x64xf32, #tpu.memory_space<hbm>> -> memref<1x64xf32, #tpu.memory_space<hbm>>
      tpu.enqueue_dma source(%dma_start3A_312 : memref<1x64xf32, #tpu.memory_space<hbm>>) target(%dma_start3A_310 : memref<1x64xf32, #tpu.memory_space<vmem>>) target_semaphore(%arg17 : memref<!tpu.dma_semaphore, #tpu.memory_space<semaphore_mem>>)
      %slice3A_313 = vector.extract_strided_slice %get3A_119 {offsets = [14], sizes = [1], strides = [1]} : vector<16xi32> to vector<1xi32>
      %squeeze3A_314 = vector.extract %slice3A_313[0] : i32 from vector<1xi32>
      %mul3A_315 = arith.constant 16 : i32
      %mul3A_316 = arith.muli %scan3A_113, %mul3A_315 : i32
      %add3A_317 = arith.constant 14 : i32
      %add3A_318 = arith.addi %mul3A_316, %add3A_317 : i32
      %dma_start3A_319 = arith.constant 0 : i32
      %dma_start3A_320 = tpu.memref_slice %arg15[%add3A_318, %dma_start3A_319] : memref<256x64xf32, #tpu.memory_space<vmem>> -> memref<1x64xf32, #tpu.memory_space<vmem>>
      %dma_start3A_321 = arith.constant 0 : i32
      %dma_start3A_322 = tpu.memref_slice %arg6[%squeeze3A_314, %dma_start3A_321] : memref<1000000x64xf32, #tpu.memory_space<hbm>> -> memref<1x64xf32, #tpu.memory_space<hbm>>
      %dma_start3A_323 = arith.constant 0 : i32
      %dma_start3A_324 = tpu.memref_slice %arg15[%add3A_318, %dma_start3A_323] : memref<256x64xf32, #tpu.memory_space<vmem>> -> memref<1x64xf32, #tpu.memory_space<vmem>>
      %dma_start3A_325 = arith.constant 0 : i32
      %dma_start3A_326 = tpu.memref_slice %arg6[%squeeze3A_314, %dma_start3A_325] : memref<1000000x64xf32, #tpu.memory_space<hbm>> -> memref<1x64xf32, #tpu.memory_space<hbm>>
      tpu.enqueue_dma source(%dma_start3A_326 : memref<1x64xf32, #tpu.memory_space<hbm>>) target(%dma_start3A_324 : memref<1x64xf32, #tpu.memory_space<vmem>>) target_semaphore(%arg17 : memref<!tpu.dma_semaphore, #tpu.memory_space<semaphore_mem>>)
      %slice3A_327 = vector.extract_strided_slice %get3A_119 {offsets = [15], sizes = [1], strides = [1]} : vector<16xi32> to vector<1xi32>
      %squeeze3A_328 = vector.extract %slice3A_327[0] : i32 from vector<1xi32>
      %mul3A_329 = arith.constant 16 : i32
      %mul3A_330 = arith.muli %scan3A_113, %mul3A_329 : i32
      %add3A_331 = arith.constant 15 : i32
      %add3A_332 = arith.addi %mul3A_330, %add3A_331 : i32
      %dma_start3A_333 = arith.constant 0 : i32
      %dma_start3A_334 = tpu.memref_slice %arg15[%add3A_332, %dma_start3A_333] : memref<256x64xf32, #tpu.memory_space<vmem>> -> memref<1x64xf32, #tpu.memory_space<vmem>>
      %dma_start3A_335 = arith.constant 0 : i32
      %dma_start3A_336 = tpu.memref_slice %arg6[%squeeze3A_328, %dma_start3A_335] : memref<1000000x64xf32, #tpu.memory_space<hbm>> -> memref<1x64xf32, #tpu.memory_space<hbm>>
      %dma_start3A_337 = arith.constant 0 : i32
      %dma_start3A_338 = tpu.memref_slice %arg15[%add3A_332, %dma_start3A_337] : memref<256x64xf32, #tpu.memory_space<vmem>> -> memref<1x64xf32, #tpu.memory_space<vmem>>
      %dma_start3A_339 = arith.constant 0 : i32
      %dma_start3A_340 = tpu.memref_slice %arg6[%squeeze3A_328, %dma_start3A_339] : memref<1000000x64xf32, #tpu.memory_space<hbm>> -> memref<1x64xf32, #tpu.memory_space<hbm>>
      tpu.enqueue_dma source(%dma_start3A_340 : memref<1x64xf32, #tpu.memory_space<hbm>>) target(%dma_start3A_338 : memref<1x64xf32, #tpu.memory_space<vmem>>) target_semaphore(%arg17 : memref<!tpu.dma_semaphore, #tpu.memory_space<semaphore_mem>>)
    }
    %scan3A_68 = arith.constant 16 : i32
    %dma_wait3A_69 = arith.constant 0 : i32
    %dma_wait3A_70 = arith.constant 0 : i32
    %dma_wait3A_71 = tpu.memref_slice %arg6[%dma_wait3A_69, %dma_wait3A_70] : memref<1000000x64xf32, #tpu.memory_space<hbm>> -> memref<256x64xf32, #tpu.memory_space<hbm>>
    %dma_wait3A_72 = arith.constant 0 : i32
    %dma_wait3A_73 = arith.constant 0 : i32
    %dma_wait3A_74 = tpu.memref_slice %arg6[%dma_wait3A_72, %dma_wait3A_73] : memref<1000000x64xf32, #tpu.memory_space<hbm>> -> memref<256x64xf32, #tpu.memory_space<hbm>>
    tpu.wait_dma2 semaphore(%arg16 : memref<!tpu.dma_semaphore, #tpu.memory_space<semaphore_mem>>) src(%dma_wait3A_74 : memref<256x64xf32, #tpu.memory_space<hbm>>) dst(%arg14 : memref<256x64xf32, #tpu.memory_space<vmem>>)
    %add3A_75 = arith.constant 0 : i32
    %add3A_76 = arith.addi %mul3A_2, %add3A_75 : i32
    "tpu.region"() ({
      %run_scoped3A = tpu.sem_alloc : memref<!tpu.dma_semaphore, #tpu.memory_space<semaphore_mem>>
      %dma_start3A = arith.constant 0 : i32
      %dma_start3A_113 = tpu.memref_slice %arg10[%add3A_76, %dma_start3A] : memref<16384x64xf32, #tpu.memory_space<hbm>> -> memref<256x64xf32, #tpu.memory_space<hbm>>
      %dma_start3A_114 = arith.constant 0 : i32
      %dma_start3A_115 = tpu.memref_slice %arg10[%add3A_76, %dma_start3A_114] : memref<16384x64xf32, #tpu.memory_space<hbm>> -> memref<256x64xf32, #tpu.memory_space<hbm>>
      tpu.enqueue_dma source(%arg14 : memref<256x64xf32, #tpu.memory_space<vmem>>) target(%dma_start3A_115 : memref<256x64xf32, #tpu.memory_space<hbm>>) target_semaphore(%run_scoped3A : memref<!tpu.dma_semaphore, #tpu.memory_space<semaphore_mem>>)
      %dma_wait3A_116 = arith.constant 0 : i32
      %dma_wait3A_117 = tpu.memref_slice %arg10[%add3A_76, %dma_wait3A_116] : memref<16384x64xf32, #tpu.memory_space<hbm>> -> memref<256x64xf32, #tpu.memory_space<hbm>>
      %dma_wait3A_118 = arith.constant 0 : i32
      %dma_wait3A_119 = tpu.memref_slice %arg10[%add3A_76, %dma_wait3A_118] : memref<16384x64xf32, #tpu.memory_space<hbm>> -> memref<256x64xf32, #tpu.memory_space<hbm>>
      tpu.wait_dma2 semaphore(%run_scoped3A : memref<!tpu.dma_semaphore, #tpu.memory_space<semaphore_mem>>) src(%arg14 : memref<256x64xf32, #tpu.memory_space<vmem>>) dst(%dma_wait3A_119 : memref<256x64xf32, #tpu.memory_space<hbm>>)
      tpu.yield
    }) : () -> ()
    %scan3A_77 = arith.constant 0 : i32
    %scan3A_78 = arith.constant 0 : i32
    %scan3A_79 = arith.constant 16 : i32
    %scan3A_80 = arith.addi %scan3A_78, %scan3A_79 : i32
    %scan3A_81 = arith.constant 1 : i32
    scf.for %scan3A_113 = %scan3A_78 to %scan3A_80 step %scan3A_81  : i32 {
      %mul3A_114 = arith.constant 16 : i32
      %mul3A_115 = arith.muli %scan3A_113, %mul3A_114 : i32
      %add3A_116 = arith.constant 0 : i32
      %add3A_117 = arith.addi %add3A_116, %mul3A_115 : i32
      %get3A = arith.index_cast %add3A_117 : i32 to index
      %get3A_118 = tpu.vector_load %arg13[%get3A] {strides = array<i32>} : memref<512xi32, #tpu.memory_space<vmem>>, vector<16xi32>,
      %get3A_119 = vector.shape_cast %get3A_118 : vector<16xi32> to vector<16xi32>
      %slice3A = vector.extract_strided_slice %get3A_119 {offsets = [0], sizes = [1], strides = [1]} : vector<16xi32> to vector<1xi32>
      %squeeze3A = vector.extract %slice3A[0] : i32 from vector<1xi32>
      %mul3A_120 = arith.constant 16 : i32
      %mul3A_121 = arith.muli %scan3A_113, %mul3A_120 : i32
      %add3A_122 = arith.constant 0 : i32
      %add3A_123 = arith.addi %mul3A_121, %add3A_122 : i32
      %dma_start3A = arith.constant 0 : i32
      %dma_start3A_124 = tpu.memref_slice %arg14[%add3A_123, %dma_start3A] : memref<256x64xf32, #tpu.memory_space<vmem>> -> memref<1x64xf32, #tpu.memory_space<vmem>>
      %dma_start3A_125 = arith.constant 0 : i32
      %dma_start3A_126 = tpu.memref_slice %arg7[%squeeze3A, %dma_start3A_125] : memref<100000x64xf32, #tpu.memory_space<hbm>> -> memref<1x64xf32, #tpu.memory_space<hbm>>
      %dma_start3A_127 = arith.constant 0 : i32
      %dma_start3A_128 = tpu.memref_slice %arg14[%add3A_123, %dma_start3A_127] : memref<256x64xf32, #tpu.memory_space<vmem>> -> memref<1x64xf32, #tpu.memory_space<vmem>>
      %dma_start3A_129 = arith.constant 0 : i32
      %dma_start3A_130 = tpu.memref_slice %arg7[%squeeze3A, %dma_start3A_129] : memref<100000x64xf32, #tpu.memory_space<hbm>> -> memref<1x64xf32, #tpu.memory_space<hbm>>
      tpu.enqueue_dma source(%dma_start3A_130 : memref<1x64xf32, #tpu.memory_space<hbm>>) target(%dma_start3A_128 : memref<1x64xf32, #tpu.memory_space<vmem>>) target_semaphore(%arg16 : memref<!tpu.dma_semaphore, #tpu.memory_space<semaphore_mem>>)
      %slice3A_131 = vector.extract_strided_slice %get3A_119 {offsets = [1], sizes = [1], strides = [1]} : vector<16xi32> to vector<1xi32>
      %squeeze3A_132 = vector.extract %slice3A_131[0] : i32 from vector<1xi32>
      %mul3A_133 = arith.constant 16 : i32
      %mul3A_134 = arith.muli %scan3A_113, %mul3A_133 : i32
      %add3A_135 = arith.constant 1 : i32
      %add3A_136 = arith.addi %mul3A_134, %add3A_135 : i32
      %dma_start3A_137 = arith.constant 0 : i32
      %dma_start3A_138 = tpu.memref_slice %arg14[%add3A_136, %dma_start3A_137] : memref<256x64xf32, #tpu.memory_space<vmem>> -> memref<1x64xf32, #tpu.memory_space<vmem>>
      %dma_start3A_139 = arith.constant 0 : i32
      %dma_start3A_140 = tpu.memref_slice %arg7[%squeeze3A_132, %dma_start3A_139] : memref<100000x64xf32, #tpu.memory_space<hbm>> -> memref<1x64xf32, #tpu.memory_space<hbm>>
      %dma_start3A_141 = arith.constant 0 : i32
      %dma_start3A_142 = tpu.memref_slice %arg14[%add3A_136, %dma_start3A_141] : memref<256x64xf32, #tpu.memory_space<vmem>> -> memref<1x64xf32, #tpu.memory_space<vmem>>
      %dma_start3A_143 = arith.constant 0 : i32
      %dma_start3A_144 = tpu.memref_slice %arg7[%squeeze3A_132, %dma_start3A_143] : memref<100000x64xf32, #tpu.memory_space<hbm>> -> memref<1x64xf32, #tpu.memory_space<hbm>>
      tpu.enqueue_dma source(%dma_start3A_144 : memref<1x64xf32, #tpu.memory_space<hbm>>) target(%dma_start3A_142 : memref<1x64xf32, #tpu.memory_space<vmem>>) target_semaphore(%arg16 : memref<!tpu.dma_semaphore, #tpu.memory_space<semaphore_mem>>)
      %slice3A_145 = vector.extract_strided_slice %get3A_119 {offsets = [2], sizes = [1], strides = [1]} : vector<16xi32> to vector<1xi32>
      %squeeze3A_146 = vector.extract %slice3A_145[0] : i32 from vector<1xi32>
      %mul3A_147 = arith.constant 16 : i32
      %mul3A_148 = arith.muli %scan3A_113, %mul3A_147 : i32
      %add3A_149 = arith.constant 2 : i32
      %add3A_150 = arith.addi %mul3A_148, %add3A_149 : i32
      %dma_start3A_151 = arith.constant 0 : i32
      %dma_start3A_152 = tpu.memref_slice %arg14[%add3A_150, %dma_start3A_151] : memref<256x64xf32, #tpu.memory_space<vmem>> -> memref<1x64xf32, #tpu.memory_space<vmem>>
      %dma_start3A_153 = arith.constant 0 : i32
      %dma_start3A_154 = tpu.memref_slice %arg7[%squeeze3A_146, %dma_start3A_153] : memref<100000x64xf32, #tpu.memory_space<hbm>> -> memref<1x64xf32, #tpu.memory_space<hbm>>
      %dma_start3A_155 = arith.constant 0 : i32
      %dma_start3A_156 = tpu.memref_slice %arg14[%add3A_150, %dma_start3A_155] : memref<256x64xf32, #tpu.memory_space<vmem>> -> memref<1x64xf32, #tpu.memory_space<vmem>>
      %dma_start3A_157 = arith.constant 0 : i32
      %dma_start3A_158 = tpu.memref_slice %arg7[%squeeze3A_146, %dma_start3A_157] : memref<100000x64xf32, #tpu.memory_space<hbm>> -> memref<1x64xf32, #tpu.memory_space<hbm>>
      tpu.enqueue_dma source(%dma_start3A_158 : memref<1x64xf32, #tpu.memory_space<hbm>>) target(%dma_start3A_156 : memref<1x64xf32, #tpu.memory_space<vmem>>) target_semaphore(%arg16 : memref<!tpu.dma_semaphore, #tpu.memory_space<semaphore_mem>>)
      %slice3A_159 = vector.extract_strided_slice %get3A_119 {offsets = [3], sizes = [1], strides = [1]} : vector<16xi32> to vector<1xi32>
      %squeeze3A_160 = vector.extract %slice3A_159[0] : i32 from vector<1xi32>
      %mul3A_161 = arith.constant 16 : i32
      %mul3A_162 = arith.muli %scan3A_113, %mul3A_161 : i32
      %add3A_163 = arith.constant 3 : i32
      %add3A_164 = arith.addi %mul3A_162, %add3A_163 : i32
      %dma_start3A_165 = arith.constant 0 : i32
      %dma_start3A_166 = tpu.memref_slice %arg14[%add3A_164, %dma_start3A_165] : memref<256x64xf32, #tpu.memory_space<vmem>> -> memref<1x64xf32, #tpu.memory_space<vmem>>
      %dma_start3A_167 = arith.constant 0 : i32
      %dma_start3A_168 = tpu.memref_slice %arg7[%squeeze3A_160, %dma_start3A_167] : memref<100000x64xf32, #tpu.memory_space<hbm>> -> memref<1x64xf32, #tpu.memory_space<hbm>>
      %dma_start3A_169 = arith.constant 0 : i32
      %dma_start3A_170 = tpu.memref_slice %arg14[%add3A_164, %dma_start3A_169] : memref<256x64xf32, #tpu.memory_space<vmem>> -> memref<1x64xf32, #tpu.memory_space<vmem>>
      %dma_start3A_171 = arith.constant 0 : i32
      %dma_start3A_172 = tpu.memref_slice %arg7[%squeeze3A_160, %dma_start3A_171] : memref<100000x64xf32, #tpu.memory_space<hbm>> -> memref<1x64xf32, #tpu.memory_space<hbm>>
      tpu.enqueue_dma source(%dma_start3A_172 : memref<1x64xf32, #tpu.memory_space<hbm>>) target(%dma_start3A_170 : memref<1x64xf32, #tpu.memory_space<vmem>>) target_semaphore(%arg16 : memref<!tpu.dma_semaphore, #tpu.memory_space<semaphore_mem>>)
      %slice3A_173 = vector.extract_strided_slice %get3A_119 {offsets = [4], sizes = [1], strides = [1]} : vector<16xi32> to vector<1xi32>
      %squeeze3A_174 = vector.extract %slice3A_173[0] : i32 from vector<1xi32>
      %mul3A_175 = arith.constant 16 : i32
      %mul3A_176 = arith.muli %scan3A_113, %mul3A_175 : i32
      %add3A_177 = arith.constant 4 : i32
      %add3A_178 = arith.addi %mul3A_176, %add3A_177 : i32
      %dma_start3A_179 = arith.constant 0 : i32
      %dma_start3A_180 = tpu.memref_slice %arg14[%add3A_178, %dma_start3A_179] : memref<256x64xf32, #tpu.memory_space<vmem>> -> memref<1x64xf32, #tpu.memory_space<vmem>>
      %dma_start3A_181 = arith.constant 0 : i32
      %dma_start3A_182 = tpu.memref_slice %arg7[%squeeze3A_174, %dma_start3A_181] : memref<100000x64xf32, #tpu.memory_space<hbm>> -> memref<1x64xf32, #tpu.memory_space<hbm>>
      %dma_start3A_183 = arith.constant 0 : i32
      %dma_start3A_184 = tpu.memref_slice %arg14[%add3A_178, %dma_start3A_183] : memref<256x64xf32, #tpu.memory_space<vmem>> -> memref<1x64xf32, #tpu.memory_space<vmem>>
      %dma_start3A_185 = arith.constant 0 : i32
      %dma_start3A_186 = tpu.memref_slice %arg7[%squeeze3A_174, %dma_start3A_185] : memref<100000x64xf32, #tpu.memory_space<hbm>> -> memref<1x64xf32, #tpu.memory_space<hbm>>
      tpu.enqueue_dma source(%dma_start3A_186 : memref<1x64xf32, #tpu.memory_space<hbm>>) target(%dma_start3A_184 : memref<1x64xf32, #tpu.memory_space<vmem>>) target_semaphore(%arg16 : memref<!tpu.dma_semaphore, #tpu.memory_space<semaphore_mem>>)
      %slice3A_187 = vector.extract_strided_slice %get3A_119 {offsets = [5], sizes = [1], strides = [1]} : vector<16xi32> to vector<1xi32>
      %squeeze3A_188 = vector.extract %slice3A_187[0] : i32 from vector<1xi32>
      %mul3A_189 = arith.constant 16 : i32
      %mul3A_190 = arith.muli %scan3A_113, %mul3A_189 : i32
      %add3A_191 = arith.constant 5 : i32
      %add3A_192 = arith.addi %mul3A_190, %add3A_191 : i32
      %dma_start3A_193 = arith.constant 0 : i32
      %dma_start3A_194 = tpu.memref_slice %arg14[%add3A_192, %dma_start3A_193] : memref<256x64xf32, #tpu.memory_space<vmem>> -> memref<1x64xf32, #tpu.memory_space<vmem>>
      %dma_start3A_195 = arith.constant 0 : i32
      %dma_start3A_196 = tpu.memref_slice %arg7[%squeeze3A_188, %dma_start3A_195] : memref<100000x64xf32, #tpu.memory_space<hbm>> -> memref<1x64xf32, #tpu.memory_space<hbm>>
      %dma_start3A_197 = arith.constant 0 : i32
      %dma_start3A_198 = tpu.memref_slice %arg14[%add3A_192, %dma_start3A_197] : memref<256x64xf32, #tpu.memory_space<vmem>> -> memref<1x64xf32, #tpu.memory_space<vmem>>
      %dma_start3A_199 = arith.constant 0 : i32
      %dma_start3A_200 = tpu.memref_slice %arg7[%squeeze3A_188, %dma_start3A_199] : memref<100000x64xf32, #tpu.memory_space<hbm>> -> memref<1x64xf32, #tpu.memory_space<hbm>>
      tpu.enqueue_dma source(%dma_start3A_200 : memref<1x64xf32, #tpu.memory_space<hbm>>) target(%dma_start3A_198 : memref<1x64xf32, #tpu.memory_space<vmem>>) target_semaphore(%arg16 : memref<!tpu.dma_semaphore, #tpu.memory_space<semaphore_mem>>)
      %slice3A_201 = vector.extract_strided_slice %get3A_119 {offsets = [6], sizes = [1], strides = [1]} : vector<16xi32> to vector<1xi32>
      %squeeze3A_202 = vector.extract %slice3A_201[0] : i32 from vector<1xi32>
      %mul3A_203 = arith.constant 16 : i32
      %mul3A_204 = arith.muli %scan3A_113, %mul3A_203 : i32
      %add3A_205 = arith.constant 6 : i32
      %add3A_206 = arith.addi %mul3A_204, %add3A_205 : i32
      %dma_start3A_207 = arith.constant 0 : i32
      %dma_start3A_208 = tpu.memref_slice %arg14[%add3A_206, %dma_start3A_207] : memref<256x64xf32, #tpu.memory_space<vmem>> -> memref<1x64xf32, #tpu.memory_space<vmem>>
      %dma_start3A_209 = arith.constant 0 : i32
      %dma_start3A_210 = tpu.memref_slice %arg7[%squeeze3A_202, %dma_start3A_209] : memref<100000x64xf32, #tpu.memory_space<hbm>> -> memref<1x64xf32, #tpu.memory_space<hbm>>
      %dma_start3A_211 = arith.constant 0 : i32
      %dma_start3A_212 = tpu.memref_slice %arg14[%add3A_206, %dma_start3A_211] : memref<256x64xf32, #tpu.memory_space<vmem>> -> memref<1x64xf32, #tpu.memory_space<vmem>>
      %dma_start3A_213 = arith.constant 0 : i32
      %dma_start3A_214 = tpu.memref_slice %arg7[%squeeze3A_202, %dma_start3A_213] : memref<100000x64xf32, #tpu.memory_space<hbm>> -> memref<1x64xf32, #tpu.memory_space<hbm>>
      tpu.enqueue_dma source(%dma_start3A_214 : memref<1x64xf32, #tpu.memory_space<hbm>>) target(%dma_start3A_212 : memref<1x64xf32, #tpu.memory_space<vmem>>) target_semaphore(%arg16 : memref<!tpu.dma_semaphore, #tpu.memory_space<semaphore_mem>>)
      %slice3A_215 = vector.extract_strided_slice %get3A_119 {offsets = [7], sizes = [1], strides = [1]} : vector<16xi32> to vector<1xi32>
      %squeeze3A_216 = vector.extract %slice3A_215[0] : i32 from vector<1xi32>
      %mul3A_217 = arith.constant 16 : i32
      %mul3A_218 = arith.muli %scan3A_113, %mul3A_217 : i32
      %add3A_219 = arith.constant 7 : i32
      %add3A_220 = arith.addi %mul3A_218, %add3A_219 : i32
      %dma_start3A_221 = arith.constant 0 : i32
      %dma_start3A_222 = tpu.memref_slice %arg14[%add3A_220, %dma_start3A_221] : memref<256x64xf32, #tpu.memory_space<vmem>> -> memref<1x64xf32, #tpu.memory_space<vmem>>
      %dma_start3A_223 = arith.constant 0 : i32
      %dma_start3A_224 = tpu.memref_slice %arg7[%squeeze3A_216, %dma_start3A_223] : memref<100000x64xf32, #tpu.memory_space<hbm>> -> memref<1x64xf32, #tpu.memory_space<hbm>>
      %dma_start3A_225 = arith.constant 0 : i32
      %dma_start3A_226 = tpu.memref_slice %arg14[%add3A_220, %dma_start3A_225] : memref<256x64xf32, #tpu.memory_space<vmem>> -> memref<1x64xf32, #tpu.memory_space<vmem>>
      %dma_start3A_227 = arith.constant 0 : i32
      %dma_start3A_228 = tpu.memref_slice %arg7[%squeeze3A_216, %dma_start3A_227] : memref<100000x64xf32, #tpu.memory_space<hbm>> -> memref<1x64xf32, #tpu.memory_space<hbm>>
      tpu.enqueue_dma source(%dma_start3A_228 : memref<1x64xf32, #tpu.memory_space<hbm>>) target(%dma_start3A_226 : memref<1x64xf32, #tpu.memory_space<vmem>>) target_semaphore(%arg16 : memref<!tpu.dma_semaphore, #tpu.memory_space<semaphore_mem>>)
      %slice3A_229 = vector.extract_strided_slice %get3A_119 {offsets = [8], sizes = [1], strides = [1]} : vector<16xi32> to vector<1xi32>
      %squeeze3A_230 = vector.extract %slice3A_229[0] : i32 from vector<1xi32>
      %mul3A_231 = arith.constant 16 : i32
      %mul3A_232 = arith.muli %scan3A_113, %mul3A_231 : i32
      %add3A_233 = arith.constant 8 : i32
      %add3A_234 = arith.addi %mul3A_232, %add3A_233 : i32
      %dma_start3A_235 = arith.constant 0 : i32
      %dma_start3A_236 = tpu.memref_slice %arg14[%add3A_234, %dma_start3A_235] : memref<256x64xf32, #tpu.memory_space<vmem>> -> memref<1x64xf32, #tpu.memory_space<vmem>>
      %dma_start3A_237 = arith.constant 0 : i32
      %dma_start3A_238 = tpu.memref_slice %arg7[%squeeze3A_230, %dma_start3A_237] : memref<100000x64xf32, #tpu.memory_space<hbm>> -> memref<1x64xf32, #tpu.memory_space<hbm>>
      %dma_start3A_239 = arith.constant 0 : i32
      %dma_start3A_240 = tpu.memref_slice %arg14[%add3A_234, %dma_start3A_239] : memref<256x64xf32, #tpu.memory_space<vmem>> -> memref<1x64xf32, #tpu.memory_space<vmem>>
      %dma_start3A_241 = arith.constant 0 : i32
      %dma_start3A_242 = tpu.memref_slice %arg7[%squeeze3A_230, %dma_start3A_241] : memref<100000x64xf32, #tpu.memory_space<hbm>> -> memref<1x64xf32, #tpu.memory_space<hbm>>
      tpu.enqueue_dma source(%dma_start3A_242 : memref<1x64xf32, #tpu.memory_space<hbm>>) target(%dma_start3A_240 : memref<1x64xf32, #tpu.memory_space<vmem>>) target_semaphore(%arg16 : memref<!tpu.dma_semaphore, #tpu.memory_space<semaphore_mem>>)
      %slice3A_243 = vector.extract_strided_slice %get3A_119 {offsets = [9], sizes = [1], strides = [1]} : vector<16xi32> to vector<1xi32>
      %squeeze3A_244 = vector.extract %slice3A_243[0] : i32 from vector<1xi32>
      %mul3A_245 = arith.constant 16 : i32
      %mul3A_246 = arith.muli %scan3A_113, %mul3A_245 : i32
      %add3A_247 = arith.constant 9 : i32
      %add3A_248 = arith.addi %mul3A_246, %add3A_247 : i32
      %dma_start3A_249 = arith.constant 0 : i32
      %dma_start3A_250 = tpu.memref_slice %arg14[%add3A_248, %dma_start3A_249] : memref<256x64xf32, #tpu.memory_space<vmem>> -> memref<1x64xf32, #tpu.memory_space<vmem>>
      %dma_start3A_251 = arith.constant 0 : i32
      %dma_start3A_252 = tpu.memref_slice %arg7[%squeeze3A_244, %dma_start3A_251] : memref<100000x64xf32, #tpu.memory_space<hbm>> -> memref<1x64xf32, #tpu.memory_space<hbm>>
      %dma_start3A_253 = arith.constant 0 : i32
      %dma_start3A_254 = tpu.memref_slice %arg14[%add3A_248, %dma_start3A_253] : memref<256x64xf32, #tpu.memory_space<vmem>> -> memref<1x64xf32, #tpu.memory_space<vmem>>
      %dma_start3A_255 = arith.constant 0 : i32
      %dma_start3A_256 = tpu.memref_slice %arg7[%squeeze3A_244, %dma_start3A_255] : memref<100000x64xf32, #tpu.memory_space<hbm>> -> memref<1x64xf32, #tpu.memory_space<hbm>>
      tpu.enqueue_dma source(%dma_start3A_256 : memref<1x64xf32, #tpu.memory_space<hbm>>) target(%dma_start3A_254 : memref<1x64xf32, #tpu.memory_space<vmem>>) target_semaphore(%arg16 : memref<!tpu.dma_semaphore, #tpu.memory_space<semaphore_mem>>)
      %slice3A_257 = vector.extract_strided_slice %get3A_119 {offsets = [10], sizes = [1], strides = [1]} : vector<16xi32> to vector<1xi32>
      %squeeze3A_258 = vector.extract %slice3A_257[0] : i32 from vector<1xi32>
      %mul3A_259 = arith.constant 16 : i32
      %mul3A_260 = arith.muli %scan3A_113, %mul3A_259 : i32
      %add3A_261 = arith.constant 10 : i32
      %add3A_262 = arith.addi %mul3A_260, %add3A_261 : i32
      %dma_start3A_263 = arith.constant 0 : i32
      %dma_start3A_264 = tpu.memref_slice %arg14[%add3A_262, %dma_start3A_263] : memref<256x64xf32, #tpu.memory_space<vmem>> -> memref<1x64xf32, #tpu.memory_space<vmem>>
      %dma_start3A_265 = arith.constant 0 : i32
      %dma_start3A_266 = tpu.memref_slice %arg7[%squeeze3A_258, %dma_start3A_265] : memref<100000x64xf32, #tpu.memory_space<hbm>> -> memref<1x64xf32, #tpu.memory_space<hbm>>
      %dma_start3A_267 = arith.constant 0 : i32
      %dma_start3A_268 = tpu.memref_slice %arg14[%add3A_262, %dma_start3A_267] : memref<256x64xf32, #tpu.memory_space<vmem>> -> memref<1x64xf32, #tpu.memory_space<vmem>>
      %dma_start3A_269 = arith.constant 0 : i32
      %dma_start3A_270 = tpu.memref_slice %arg7[%squeeze3A_258, %dma_start3A_269] : memref<100000x64xf32, #tpu.memory_space<hbm>> -> memref<1x64xf32, #tpu.memory_space<hbm>>
      tpu.enqueue_dma source(%dma_start3A_270 : memref<1x64xf32, #tpu.memory_space<hbm>>) target(%dma_start3A_268 : memref<1x64xf32, #tpu.memory_space<vmem>>) target_semaphore(%arg16 : memref<!tpu.dma_semaphore, #tpu.memory_space<semaphore_mem>>)
      %slice3A_271 = vector.extract_strided_slice %get3A_119 {offsets = [11], sizes = [1], strides = [1]} : vector<16xi32> to vector<1xi32>
      %squeeze3A_272 = vector.extract %slice3A_271[0] : i32 from vector<1xi32>
      %mul3A_273 = arith.constant 16 : i32
      %mul3A_274 = arith.muli %scan3A_113, %mul3A_273 : i32
      %add3A_275 = arith.constant 11 : i32
      %add3A_276 = arith.addi %mul3A_274, %add3A_275 : i32
      %dma_start3A_277 = arith.constant 0 : i32
      %dma_start3A_278 = tpu.memref_slice %arg14[%add3A_276, %dma_start3A_277] : memref<256x64xf32, #tpu.memory_space<vmem>> -> memref<1x64xf32, #tpu.memory_space<vmem>>
      %dma_start3A_279 = arith.constant 0 : i32
      %dma_start3A_280 = tpu.memref_slice %arg7[%squeeze3A_272, %dma_start3A_279] : memref<100000x64xf32, #tpu.memory_space<hbm>> -> memref<1x64xf32, #tpu.memory_space<hbm>>
      %dma_start3A_281 = arith.constant 0 : i32
      %dma_start3A_282 = tpu.memref_slice %arg14[%add3A_276, %dma_start3A_281] : memref<256x64xf32, #tpu.memory_space<vmem>> -> memref<1x64xf32, #tpu.memory_space<vmem>>
      %dma_start3A_283 = arith.constant 0 : i32
      %dma_start3A_284 = tpu.memref_slice %arg7[%squeeze3A_272, %dma_start3A_283] : memref<100000x64xf32, #tpu.memory_space<hbm>> -> memref<1x64xf32, #tpu.memory_space<hbm>>
      tpu.enqueue_dma source(%dma_start3A_284 : memref<1x64xf32, #tpu.memory_space<hbm>>) target(%dma_start3A_282 : memref<1x64xf32, #tpu.memory_space<vmem>>) target_semaphore(%arg16 : memref<!tpu.dma_semaphore, #tpu.memory_space<semaphore_mem>>)
      %slice3A_285 = vector.extract_strided_slice %get3A_119 {offsets = [12], sizes = [1], strides = [1]} : vector<16xi32> to vector<1xi32>
      %squeeze3A_286 = vector.extract %slice3A_285[0] : i32 from vector<1xi32>
      %mul3A_287 = arith.constant 16 : i32
      %mul3A_288 = arith.muli %scan3A_113, %mul3A_287 : i32
      %add3A_289 = arith.constant 12 : i32
      %add3A_290 = arith.addi %mul3A_288, %add3A_289 : i32
      %dma_start3A_291 = arith.constant 0 : i32
      %dma_start3A_292 = tpu.memref_slice %arg14[%add3A_290, %dma_start3A_291] : memref<256x64xf32, #tpu.memory_space<vmem>> -> memref<1x64xf32, #tpu.memory_space<vmem>>
      %dma_start3A_293 = arith.constant 0 : i32
      %dma_start3A_294 = tpu.memref_slice %arg7[%squeeze3A_286, %dma_start3A_293] : memref<100000x64xf32, #tpu.memory_space<hbm>> -> memref<1x64xf32, #tpu.memory_space<hbm>>
      %dma_start3A_295 = arith.constant 0 : i32
      %dma_start3A_296 = tpu.memref_slice %arg14[%add3A_290, %dma_start3A_295] : memref<256x64xf32, #tpu.memory_space<vmem>> -> memref<1x64xf32, #tpu.memory_space<vmem>>
      %dma_start3A_297 = arith.constant 0 : i32
      %dma_start3A_298 = tpu.memref_slice %arg7[%squeeze3A_286, %dma_start3A_297] : memref<100000x64xf32, #tpu.memory_space<hbm>> -> memref<1x64xf32, #tpu.memory_space<hbm>>
      tpu.enqueue_dma source(%dma_start3A_298 : memref<1x64xf32, #tpu.memory_space<hbm>>) target(%dma_start3A_296 : memref<1x64xf32, #tpu.memory_space<vmem>>) target_semaphore(%arg16 : memref<!tpu.dma_semaphore, #tpu.memory_space<semaphore_mem>>)
      %slice3A_299 = vector.extract_strided_slice %get3A_119 {offsets = [13], sizes = [1], strides = [1]} : vector<16xi32> to vector<1xi32>
      %squeeze3A_300 = vector.extract %slice3A_299[0] : i32 from vector<1xi32>
      %mul3A_301 = arith.constant 16 : i32
      %mul3A_302 = arith.muli %scan3A_113, %mul3A_301 : i32
      %add3A_303 = arith.constant 13 : i32
      %add3A_304 = arith.addi %mul3A_302, %add3A_303 : i32
      %dma_start3A_305 = arith.constant 0 : i32
      %dma_start3A_306 = tpu.memref_slice %arg14[%add3A_304, %dma_start3A_305] : memref<256x64xf32, #tpu.memory_space<vmem>> -> memref<1x64xf32, #tpu.memory_space<vmem>>
      %dma_start3A_307 = arith.constant 0 : i32
      %dma_start3A_308 = tpu.memref_slice %arg7[%squeeze3A_300, %dma_start3A_307] : memref<100000x64xf32, #tpu.memory_space<hbm>> -> memref<1x64xf32, #tpu.memory_space<hbm>>
      %dma_start3A_309 = arith.constant 0 : i32
      %dma_start3A_310 = tpu.memref_slice %arg14[%add3A_304, %dma_start3A_309] : memref<256x64xf32, #tpu.memory_space<vmem>> -> memref<1x64xf32, #tpu.memory_space<vmem>>
      %dma_start3A_311 = arith.constant 0 : i32
      %dma_start3A_312 = tpu.memref_slice %arg7[%squeeze3A_300, %dma_start3A_311] : memref<100000x64xf32, #tpu.memory_space<hbm>> -> memref<1x64xf32, #tpu.memory_space<hbm>>
      tpu.enqueue_dma source(%dma_start3A_312 : memref<1x64xf32, #tpu.memory_space<hbm>>) target(%dma_start3A_310 : memref<1x64xf32, #tpu.memory_space<vmem>>) target_semaphore(%arg16 : memref<!tpu.dma_semaphore, #tpu.memory_space<semaphore_mem>>)
      %slice3A_313 = vector.extract_strided_slice %get3A_119 {offsets = [14], sizes = [1], strides = [1]} : vector<16xi32> to vector<1xi32>
      %squeeze3A_314 = vector.extract %slice3A_313[0] : i32 from vector<1xi32>
      %mul3A_315 = arith.constant 16 : i32
      %mul3A_316 = arith.muli %scan3A_113, %mul3A_315 : i32
      %add3A_317 = arith.constant 14 : i32
      %add3A_318 = arith.addi %mul3A_316, %add3A_317 : i32
      %dma_start3A_319 = arith.constant 0 : i32
      %dma_start3A_320 = tpu.memref_slice %arg14[%add3A_318, %dma_start3A_319] : memref<256x64xf32, #tpu.memory_space<vmem>> -> memref<1x64xf32, #tpu.memory_space<vmem>>
      %dma_start3A_321 = arith.constant 0 : i32
      %dma_start3A_322 = tpu.memref_slice %arg7[%squeeze3A_314, %dma_start3A_321] : memref<100000x64xf32, #tpu.memory_space<hbm>> -> memref<1x64xf32, #tpu.memory_space<hbm>>
      %dma_start3A_323 = arith.constant 0 : i32
      %dma_start3A_324 = tpu.memref_slice %arg14[%add3A_318, %dma_start3A_323] : memref<256x64xf32, #tpu.memory_space<vmem>> -> memref<1x64xf32, #tpu.memory_space<vmem>>
      %dma_start3A_325 = arith.constant 0 : i32
      %dma_start3A_326 = tpu.memref_slice %arg7[%squeeze3A_314, %dma_start3A_325] : memref<100000x64xf32, #tpu.memory_space<hbm>> -> memref<1x64xf32, #tpu.memory_space<hbm>>
      tpu.enqueue_dma source(%dma_start3A_326 : memref<1x64xf32, #tpu.memory_space<hbm>>) target(%dma_start3A_324 : memref<1x64xf32, #tpu.memory_space<vmem>>) target_semaphore(%arg16 : memref<!tpu.dma_semaphore, #tpu.memory_space<semaphore_mem>>)
      %slice3A_327 = vector.extract_strided_slice %get3A_119 {offsets = [15], sizes = [1], strides = [1]} : vector<16xi32> to vector<1xi32>
      %squeeze3A_328 = vector.extract %slice3A_327[0] : i32 from vector<1xi32>
      %mul3A_329 = arith.constant 16 : i32
      %mul3A_330 = arith.muli %scan3A_113, %mul3A_329 : i32
      %add3A_331 = arith.constant 15 : i32
      %add3A_332 = arith.addi %mul3A_330, %add3A_331 : i32
      %dma_start3A_333 = arith.constant 0 : i32
      %dma_start3A_334 = tpu.memref_slice %arg14[%add3A_332, %dma_start3A_333] : memref<256x64xf32, #tpu.memory_space<vmem>> -> memref<1x64xf32, #tpu.memory_space<vmem>>
      %dma_start3A_335 = arith.constant 0 : i32
      %dma_start3A_336 = tpu.memref_slice %arg7[%squeeze3A_328, %dma_start3A_335] : memref<100000x64xf32, #tpu.memory_space<hbm>> -> memref<1x64xf32, #tpu.memory_space<hbm>>
      %dma_start3A_337 = arith.constant 0 : i32
      %dma_start3A_338 = tpu.memref_slice %arg14[%add3A_332, %dma_start3A_337] : memref<256x64xf32, #tpu.memory_space<vmem>> -> memref<1x64xf32, #tpu.memory_space<vmem>>
      %dma_start3A_339 = arith.constant 0 : i32
      %dma_start3A_340 = tpu.memref_slice %arg7[%squeeze3A_328, %dma_start3A_339] : memref<100000x64xf32, #tpu.memory_space<hbm>> -> memref<1x64xf32, #tpu.memory_space<hbm>>
      tpu.enqueue_dma source(%dma_start3A_340 : memref<1x64xf32, #tpu.memory_space<hbm>>) target(%dma_start3A_338 : memref<1x64xf32, #tpu.memory_space<vmem>>) target_semaphore(%arg16 : memref<!tpu.dma_semaphore, #tpu.memory_space<semaphore_mem>>)
    }
    %scan3A_82 = arith.constant 16 : i32
    %dma_wait3A_83 = arith.constant 0 : i32
    %dma_wait3A_84 = arith.constant 0 : i32
    %dma_wait3A_85 = tpu.memref_slice %arg6[%dma_wait3A_83, %dma_wait3A_84] : memref<1000000x64xf32, #tpu.memory_space<hbm>> -> memref<256x64xf32, #tpu.memory_space<hbm>>
    %dma_wait3A_86 = arith.constant 0 : i32
    %dma_wait3A_87 = arith.constant 0 : i32
    %dma_wait3A_88 = tpu.memref_slice %arg6[%dma_wait3A_86, %dma_wait3A_87] : memref<1000000x64xf32, #tpu.memory_space<hbm>> -> memref<256x64xf32, #tpu.memory_space<hbm>>
    tpu.wait_dma2 semaphore(%arg17 : memref<!tpu.dma_semaphore, #tpu.memory_space<semaphore_mem>>) src(%dma_wait3A_88 : memref<256x64xf32, #tpu.memory_space<hbm>>) dst(%arg15 : memref<256x64xf32, #tpu.memory_space<vmem>>)
    %add3A_89 = arith.constant 256 : i32
    %add3A_90 = arith.addi %mul3A_2, %add3A_89 : i32
    "tpu.region"() ({
      %run_scoped3A = tpu.sem_alloc : memref<!tpu.dma_semaphore, #tpu.memory_space<semaphore_mem>>
      %dma_start3A = arith.constant 0 : i32
      %dma_start3A_113 = tpu.memref_slice %arg10[%add3A_90, %dma_start3A] : memref<16384x64xf32, #tpu.memory_space<hbm>> -> memref<256x64xf32, #tpu.memory_space<hbm>>
      %dma_start3A_114 = arith.constant 0 : i32
      %dma_start3A_115 = tpu.memref_slice %arg10[%add3A_90, %dma_start3A_114] : memref<16384x64xf32, #tpu.memory_space<hbm>> -> memref<256x64xf32, #tpu.memory_space<hbm>>
      tpu.enqueue_dma source(%arg15 : memref<256x64xf32, #tpu.memory_space<vmem>>) target(%dma_start3A_115 : memref<256x64xf32, #tpu.memory_space<hbm>>) target_semaphore(%run_scoped3A : memref<!tpu.dma_semaphore, #tpu.memory_space<semaphore_mem>>)
      %dma_wait3A_116 = arith.constant 0 : i32
      %dma_wait3A_117 = tpu.memref_slice %arg10[%add3A_90, %dma_wait3A_116] : memref<16384x64xf32, #tpu.memory_space<hbm>> -> memref<256x64xf32, #tpu.memory_space<hbm>>
      %dma_wait3A_118 = arith.constant 0 : i32
      %dma_wait3A_119 = tpu.memref_slice %arg10[%add3A_90, %dma_wait3A_118] : memref<16384x64xf32, #tpu.memory_space<hbm>> -> memref<256x64xf32, #tpu.memory_space<hbm>>
      tpu.wait_dma2 semaphore(%run_scoped3A : memref<!tpu.dma_semaphore, #tpu.memory_space<semaphore_mem>>) src(%arg15 : memref<256x64xf32, #tpu.memory_space<vmem>>) dst(%dma_wait3A_119 : memref<256x64xf32, #tpu.memory_space<hbm>>)
      tpu.yield
    }) : () -> ()
    %scan3A_91 = arith.constant 0 : i32
    %scan3A_92 = arith.constant 0 : i32
    %scan3A_93 = arith.constant 16 : i32
    %scan3A_94 = arith.addi %scan3A_92, %scan3A_93 : i32
    %scan3A_95 = arith.constant 1 : i32
    scf.for %scan3A_113 = %scan3A_92 to %scan3A_94 step %scan3A_95  : i32 {
      %mul3A_114 = arith.constant 16 : i32
      %mul3A_115 = arith.muli %scan3A_113, %mul3A_114 : i32
      %add3A_116 = arith.constant 256 : i32
      %add3A_117 = arith.addi %add3A_116, %mul3A_115 : i32
      %get3A = arith.index_cast %add3A_117 : i32 to index
      %get3A_118 = tpu.vector_load %arg13[%get3A] {strides = array<i32>} : memref<512xi32, #tpu.memory_space<vmem>>, vector<16xi32>,
      %get3A_119 = vector.shape_cast %get3A_118 : vector<16xi32> to vector<16xi32>
      %slice3A = vector.extract_strided_slice %get3A_119 {offsets = [0], sizes = [1], strides = [1]} : vector<16xi32> to vector<1xi32>
      %squeeze3A = vector.extract %slice3A[0] : i32 from vector<1xi32>
      %mul3A_120 = arith.constant 16 : i32
      %mul3A_121 = arith.muli %scan3A_113, %mul3A_120 : i32
      %add3A_122 = arith.constant 0 : i32
      %add3A_123 = arith.addi %mul3A_121, %add3A_122 : i32
      %dma_start3A = arith.constant 0 : i32
      %dma_start3A_124 = tpu.memref_slice %arg15[%add3A_123, %dma_start3A] : memref<256x64xf32, #tpu.memory_space<vmem>> -> memref<1x64xf32, #tpu.memory_space<vmem>>
      %dma_start3A_125 = arith.constant 0 : i32
      %dma_start3A_126 = tpu.memref_slice %arg7[%squeeze3A, %dma_start3A_125] : memref<100000x64xf32, #tpu.memory_space<hbm>> -> memref<1x64xf32, #tpu.memory_space<hbm>>
      %dma_start3A_127 = arith.constant 0 : i32
      %dma_start3A_128 = tpu.memref_slice %arg15[%add3A_123, %dma_start3A_127] : memref<256x64xf32, #tpu.memory_space<vmem>> -> memref<1x64xf32, #tpu.memory_space<vmem>>
      %dma_start3A_129 = arith.constant 0 : i32
      %dma_start3A_130 = tpu.memref_slice %arg7[%squeeze3A, %dma_start3A_129] : memref<100000x64xf32, #tpu.memory_space<hbm>> -> memref<1x64xf32, #tpu.memory_space<hbm>>
      tpu.enqueue_dma source(%dma_start3A_130 : memref<1x64xf32, #tpu.memory_space<hbm>>) target(%dma_start3A_128 : memref<1x64xf32, #tpu.memory_space<vmem>>) target_semaphore(%arg17 : memref<!tpu.dma_semaphore, #tpu.memory_space<semaphore_mem>>)
      %slice3A_131 = vector.extract_strided_slice %get3A_119 {offsets = [1], sizes = [1], strides = [1]} : vector<16xi32> to vector<1xi32>
      %squeeze3A_132 = vector.extract %slice3A_131[0] : i32 from vector<1xi32>
      %mul3A_133 = arith.constant 16 : i32
      %mul3A_134 = arith.muli %scan3A_113, %mul3A_133 : i32
      %add3A_135 = arith.constant 1 : i32
      %add3A_136 = arith.addi %mul3A_134, %add3A_135 : i32
      %dma_start3A_137 = arith.constant 0 : i32
      %dma_start3A_138 = tpu.memref_slice %arg15[%add3A_136, %dma_start3A_137] : memref<256x64xf32, #tpu.memory_space<vmem>> -> memref<1x64xf32, #tpu.memory_space<vmem>>
      %dma_start3A_139 = arith.constant 0 : i32
      %dma_start3A_140 = tpu.memref_slice %arg7[%squeeze3A_132, %dma_start3A_139] : memref<100000x64xf32, #tpu.memory_space<hbm>> -> memref<1x64xf32, #tpu.memory_space<hbm>>
      %dma_start3A_141 = arith.constant 0 : i32
      %dma_start3A_142 = tpu.memref_slice %arg15[%add3A_136, %dma_start3A_141] : memref<256x64xf32, #tpu.memory_space<vmem>> -> memref<1x64xf32, #tpu.memory_space<vmem>>
      %dma_start3A_143 = arith.constant 0 : i32
      %dma_start3A_144 = tpu.memref_slice %arg7[%squeeze3A_132, %dma_start3A_143] : memref<100000x64xf32, #tpu.memory_space<hbm>> -> memref<1x64xf32, #tpu.memory_space<hbm>>
      tpu.enqueue_dma source(%dma_start3A_144 : memref<1x64xf32, #tpu.memory_space<hbm>>) target(%dma_start3A_142 : memref<1x64xf32, #tpu.memory_space<vmem>>) target_semaphore(%arg17 : memref<!tpu.dma_semaphore, #tpu.memory_space<semaphore_mem>>)
      %slice3A_145 = vector.extract_strided_slice %get3A_119 {offsets = [2], sizes = [1], strides = [1]} : vector<16xi32> to vector<1xi32>
      %squeeze3A_146 = vector.extract %slice3A_145[0] : i32 from vector<1xi32>
      %mul3A_147 = arith.constant 16 : i32
      %mul3A_148 = arith.muli %scan3A_113, %mul3A_147 : i32
      %add3A_149 = arith.constant 2 : i32
      %add3A_150 = arith.addi %mul3A_148, %add3A_149 : i32
      %dma_start3A_151 = arith.constant 0 : i32
      %dma_start3A_152 = tpu.memref_slice %arg15[%add3A_150, %dma_start3A_151] : memref<256x64xf32, #tpu.memory_space<vmem>> -> memref<1x64xf32, #tpu.memory_space<vmem>>
      %dma_start3A_153 = arith.constant 0 : i32
      %dma_start3A_154 = tpu.memref_slice %arg7[%squeeze3A_146, %dma_start3A_153] : memref<100000x64xf32, #tpu.memory_space<hbm>> -> memref<1x64xf32, #tpu.memory_space<hbm>>
      %dma_start3A_155 = arith.constant 0 : i32
      %dma_start3A_156 = tpu.memref_slice %arg15[%add3A_150, %dma_start3A_155] : memref<256x64xf32, #tpu.memory_space<vmem>> -> memref<1x64xf32, #tpu.memory_space<vmem>>
      %dma_start3A_157 = arith.constant 0 : i32
      %dma_start3A_158 = tpu.memref_slice %arg7[%squeeze3A_146, %dma_start3A_157] : memref<100000x64xf32, #tpu.memory_space<hbm>> -> memref<1x64xf32, #tpu.memory_space<hbm>>
      tpu.enqueue_dma source(%dma_start3A_158 : memref<1x64xf32, #tpu.memory_space<hbm>>) target(%dma_start3A_156 : memref<1x64xf32, #tpu.memory_space<vmem>>) target_semaphore(%arg17 : memref<!tpu.dma_semaphore, #tpu.memory_space<semaphore_mem>>)
      %slice3A_159 = vector.extract_strided_slice %get3A_119 {offsets = [3], sizes = [1], strides = [1]} : vector<16xi32> to vector<1xi32>
      %squeeze3A_160 = vector.extract %slice3A_159[0] : i32 from vector<1xi32>
      %mul3A_161 = arith.constant 16 : i32
      %mul3A_162 = arith.muli %scan3A_113, %mul3A_161 : i32
      %add3A_163 = arith.constant 3 : i32
      %add3A_164 = arith.addi %mul3A_162, %add3A_163 : i32
      %dma_start3A_165 = arith.constant 0 : i32
      %dma_start3A_166 = tpu.memref_slice %arg15[%add3A_164, %dma_start3A_165] : memref<256x64xf32, #tpu.memory_space<vmem>> -> memref<1x64xf32, #tpu.memory_space<vmem>>
      %dma_start3A_167 = arith.constant 0 : i32
      %dma_start3A_168 = tpu.memref_slice %arg7[%squeeze3A_160, %dma_start3A_167] : memref<100000x64xf32, #tpu.memory_space<hbm>> -> memref<1x64xf32, #tpu.memory_space<hbm>>
      %dma_start3A_169 = arith.constant 0 : i32
      %dma_start3A_170 = tpu.memref_slice %arg15[%add3A_164, %dma_start3A_169] : memref<256x64xf32, #tpu.memory_space<vmem>> -> memref<1x64xf32, #tpu.memory_space<vmem>>
      %dma_start3A_171 = arith.constant 0 : i32
      %dma_start3A_172 = tpu.memref_slice %arg7[%squeeze3A_160, %dma_start3A_171] : memref<100000x64xf32, #tpu.memory_space<hbm>> -> memref<1x64xf32, #tpu.memory_space<hbm>>
      tpu.enqueue_dma source(%dma_start3A_172 : memref<1x64xf32, #tpu.memory_space<hbm>>) target(%dma_start3A_170 : memref<1x64xf32, #tpu.memory_space<vmem>>) target_semaphore(%arg17 : memref<!tpu.dma_semaphore, #tpu.memory_space<semaphore_mem>>)
      %slice3A_173 = vector.extract_strided_slice %get3A_119 {offsets = [4], sizes = [1], strides = [1]} : vector<16xi32> to vector<1xi32>
      %squeeze3A_174 = vector.extract %slice3A_173[0] : i32 from vector<1xi32>
      %mul3A_175 = arith.constant 16 : i32
      %mul3A_176 = arith.muli %scan3A_113, %mul3A_175 : i32
      %add3A_177 = arith.constant 4 : i32
      %add3A_178 = arith.addi %mul3A_176, %add3A_177 : i32
      %dma_start3A_179 = arith.constant 0 : i32
      %dma_start3A_180 = tpu.memref_slice %arg15[%add3A_178, %dma_start3A_179] : memref<256x64xf32, #tpu.memory_space<vmem>> -> memref<1x64xf32, #tpu.memory_space<vmem>>
      %dma_start3A_181 = arith.constant 0 : i32
      %dma_start3A_182 = tpu.memref_slice %arg7[%squeeze3A_174, %dma_start3A_181] : memref<100000x64xf32, #tpu.memory_space<hbm>> -> memref<1x64xf32, #tpu.memory_space<hbm>>
      %dma_start3A_183 = arith.constant 0 : i32
      %dma_start3A_184 = tpu.memref_slice %arg15[%add3A_178, %dma_start3A_183] : memref<256x64xf32, #tpu.memory_space<vmem>> -> memref<1x64xf32, #tpu.memory_space<vmem>>
      %dma_start3A_185 = arith.constant 0 : i32
      %dma_start3A_186 = tpu.memref_slice %arg7[%squeeze3A_174, %dma_start3A_185] : memref<100000x64xf32, #tpu.memory_space<hbm>> -> memref<1x64xf32, #tpu.memory_space<hbm>>
      tpu.enqueue_dma source(%dma_start3A_186 : memref<1x64xf32, #tpu.memory_space<hbm>>) target(%dma_start3A_184 : memref<1x64xf32, #tpu.memory_space<vmem>>) target_semaphore(%arg17 : memref<!tpu.dma_semaphore, #tpu.memory_space<semaphore_mem>>)
      %slice3A_187 = vector.extract_strided_slice %get3A_119 {offsets = [5], sizes = [1], strides = [1]} : vector<16xi32> to vector<1xi32>
      %squeeze3A_188 = vector.extract %slice3A_187[0] : i32 from vector<1xi32>
      %mul3A_189 = arith.constant 16 : i32
      %mul3A_190 = arith.muli %scan3A_113, %mul3A_189 : i32
      %add3A_191 = arith.constant 5 : i32
      %add3A_192 = arith.addi %mul3A_190, %add3A_191 : i32
      %dma_start3A_193 = arith.constant 0 : i32
      %dma_start3A_194 = tpu.memref_slice %arg15[%add3A_192, %dma_start3A_193] : memref<256x64xf32, #tpu.memory_space<vmem>> -> memref<1x64xf32, #tpu.memory_space<vmem>>
      %dma_start3A_195 = arith.constant 0 : i32
      %dma_start3A_196 = tpu.memref_slice %arg7[%squeeze3A_188, %dma_start3A_195] : memref<100000x64xf32, #tpu.memory_space<hbm>> -> memref<1x64xf32, #tpu.memory_space<hbm>>
      %dma_start3A_197 = arith.constant 0 : i32
      %dma_start3A_198 = tpu.memref_slice %arg15[%add3A_192, %dma_start3A_197] : memref<256x64xf32, #tpu.memory_space<vmem>> -> memref<1x64xf32, #tpu.memory_space<vmem>>
      %dma_start3A_199 = arith.constant 0 : i32
      %dma_start3A_200 = tpu.memref_slice %arg7[%squeeze3A_188, %dma_start3A_199] : memref<100000x64xf32, #tpu.memory_space<hbm>> -> memref<1x64xf32, #tpu.memory_space<hbm>>
      tpu.enqueue_dma source(%dma_start3A_200 : memref<1x64xf32, #tpu.memory_space<hbm>>) target(%dma_start3A_198 : memref<1x64xf32, #tpu.memory_space<vmem>>) target_semaphore(%arg17 : memref<!tpu.dma_semaphore, #tpu.memory_space<semaphore_mem>>)
      %slice3A_201 = vector.extract_strided_slice %get3A_119 {offsets = [6], sizes = [1], strides = [1]} : vector<16xi32> to vector<1xi32>
      %squeeze3A_202 = vector.extract %slice3A_201[0] : i32 from vector<1xi32>
      %mul3A_203 = arith.constant 16 : i32
      %mul3A_204 = arith.muli %scan3A_113, %mul3A_203 : i32
      %add3A_205 = arith.constant 6 : i32
      %add3A_206 = arith.addi %mul3A_204, %add3A_205 : i32
      %dma_start3A_207 = arith.constant 0 : i32
      %dma_start3A_208 = tpu.memref_slice %arg15[%add3A_206, %dma_start3A_207] : memref<256x64xf32, #tpu.memory_space<vmem>> -> memref<1x64xf32, #tpu.memory_space<vmem>>
      %dma_start3A_209 = arith.constant 0 : i32
      %dma_start3A_210 = tpu.memref_slice %arg7[%squeeze3A_202, %dma_start3A_209] : memref<100000x64xf32, #tpu.memory_space<hbm>> -> memref<1x64xf32, #tpu.memory_space<hbm>>
      %dma_start3A_211 = arith.constant 0 : i32
      %dma_start3A_212 = tpu.memref_slice %arg15[%add3A_206, %dma_start3A_211] : memref<256x64xf32, #tpu.memory_space<vmem>> -> memref<1x64xf32, #tpu.memory_space<vmem>>
      %dma_start3A_213 = arith.constant 0 : i32
      %dma_start3A_214 = tpu.memref_slice %arg7[%squeeze3A_202, %dma_start3A_213] : memref<100000x64xf32, #tpu.memory_space<hbm>> -> memref<1x64xf32, #tpu.memory_space<hbm>>
      tpu.enqueue_dma source(%dma_start3A_214 : memref<1x64xf32, #tpu.memory_space<hbm>>) target(%dma_start3A_212 : memref<1x64xf32, #tpu.memory_space<vmem>>) target_semaphore(%arg17 : memref<!tpu.dma_semaphore, #tpu.memory_space<semaphore_mem>>)
      %slice3A_215 = vector.extract_strided_slice %get3A_119 {offsets = [7], sizes = [1], strides = [1]} : vector<16xi32> to vector<1xi32>
      %squeeze3A_216 = vector.extract %slice3A_215[0] : i32 from vector<1xi32>
      %mul3A_217 = arith.constant 16 : i32
      %mul3A_218 = arith.muli %scan3A_113, %mul3A_217 : i32
      %add3A_219 = arith.constant 7 : i32
      %add3A_220 = arith.addi %mul3A_218, %add3A_219 : i32
      %dma_start3A_221 = arith.constant 0 : i32
      %dma_start3A_222 = tpu.memref_slice %arg15[%add3A_220, %dma_start3A_221] : memref<256x64xf32, #tpu.memory_space<vmem>> -> memref<1x64xf32, #tpu.memory_space<vmem>>
      %dma_start3A_223 = arith.constant 0 : i32
      %dma_start3A_224 = tpu.memref_slice %arg7[%squeeze3A_216, %dma_start3A_223] : memref<100000x64xf32, #tpu.memory_space<hbm>> -> memref<1x64xf32, #tpu.memory_space<hbm>>
      %dma_start3A_225 = arith.constant 0 : i32
      %dma_start3A_226 = tpu.memref_slice %arg15[%add3A_220, %dma_start3A_225] : memref<256x64xf32, #tpu.memory_space<vmem>> -> memref<1x64xf32, #tpu.memory_space<vmem>>
      %dma_start3A_227 = arith.constant 0 : i32
      %dma_start3A_228 = tpu.memref_slice %arg7[%squeeze3A_216, %dma_start3A_227] : memref<100000x64xf32, #tpu.memory_space<hbm>> -> memref<1x64xf32, #tpu.memory_space<hbm>>
      tpu.enqueue_dma source(%dma_start3A_228 : memref<1x64xf32, #tpu.memory_space<hbm>>) target(%dma_start3A_226 : memref<1x64xf32, #tpu.memory_space<vmem>>) target_semaphore(%arg17 : memref<!tpu.dma_semaphore, #tpu.memory_space<semaphore_mem>>)
      %slice3A_229 = vector.extract_strided_slice %get3A_119 {offsets = [8], sizes = [1], strides = [1]} : vector<16xi32> to vector<1xi32>
      %squeeze3A_230 = vector.extract %slice3A_229[0] : i32 from vector<1xi32>
      %mul3A_231 = arith.constant 16 : i32
      %mul3A_232 = arith.muli %scan3A_113, %mul3A_231 : i32
      %add3A_233 = arith.constant 8 : i32
      %add3A_234 = arith.addi %mul3A_232, %add3A_233 : i32
      %dma_start3A_235 = arith.constant 0 : i32
      %dma_start3A_236 = tpu.memref_slice %arg15[%add3A_234, %dma_start3A_235] : memref<256x64xf32, #tpu.memory_space<vmem>> -> memref<1x64xf32, #tpu.memory_space<vmem>>
      %dma_start3A_237 = arith.constant 0 : i32
      %dma_start3A_238 = tpu.memref_slice %arg7[%squeeze3A_230, %dma_start3A_237] : memref<100000x64xf32, #tpu.memory_space<hbm>> -> memref<1x64xf32, #tpu.memory_space<hbm>>
      %dma_start3A_239 = arith.constant 0 : i32
      %dma_start3A_240 = tpu.memref_slice %arg15[%add3A_234, %dma_start3A_239] : memref<256x64xf32, #tpu.memory_space<vmem>> -> memref<1x64xf32, #tpu.memory_space<vmem>>
      %dma_start3A_241 = arith.constant 0 : i32
      %dma_start3A_242 = tpu.memref_slice %arg7[%squeeze3A_230, %dma_start3A_241] : memref<100000x64xf32, #tpu.memory_space<hbm>> -> memref<1x64xf32, #tpu.memory_space<hbm>>
      tpu.enqueue_dma source(%dma_start3A_242 : memref<1x64xf32, #tpu.memory_space<hbm>>) target(%dma_start3A_240 : memref<1x64xf32, #tpu.memory_space<vmem>>) target_semaphore(%arg17 : memref<!tpu.dma_semaphore, #tpu.memory_space<semaphore_mem>>)
      %slice3A_243 = vector.extract_strided_slice %get3A_119 {offsets = [9], sizes = [1], strides = [1]} : vector<16xi32> to vector<1xi32>
      %squeeze3A_244 = vector.extract %slice3A_243[0] : i32 from vector<1xi32>
      %mul3A_245 = arith.constant 16 : i32
      %mul3A_246 = arith.muli %scan3A_113, %mul3A_245 : i32
      %add3A_247 = arith.constant 9 : i32
      %add3A_248 = arith.addi %mul3A_246, %add3A_247 : i32
      %dma_start3A_249 = arith.constant 0 : i32
      %dma_start3A_250 = tpu.memref_slice %arg15[%add3A_248, %dma_start3A_249] : memref<256x64xf32, #tpu.memory_space<vmem>> -> memref<1x64xf32, #tpu.memory_space<vmem>>
      %dma_start3A_251 = arith.constant 0 : i32
      %dma_start3A_252 = tpu.memref_slice %arg7[%squeeze3A_244, %dma_start3A_251] : memref<100000x64xf32, #tpu.memory_space<hbm>> -> memref<1x64xf32, #tpu.memory_space<hbm>>
      %dma_start3A_253 = arith.constant 0 : i32
      %dma_start3A_254 = tpu.memref_slice %arg15[%add3A_248, %dma_start3A_253] : memref<256x64xf32, #tpu.memory_space<vmem>> -> memref<1x64xf32, #tpu.memory_space<vmem>>
      %dma_start3A_255 = arith.constant 0 : i32
      %dma_start3A_256 = tpu.memref_slice %arg7[%squeeze3A_244, %dma_start3A_255] : memref<100000x64xf32, #tpu.memory_space<hbm>> -> memref<1x64xf32, #tpu.memory_space<hbm>>
      tpu.enqueue_dma source(%dma_start3A_256 : memref<1x64xf32, #tpu.memory_space<hbm>>) target(%dma_start3A_254 : memref<1x64xf32, #tpu.memory_space<vmem>>) target_semaphore(%arg17 : memref<!tpu.dma_semaphore, #tpu.memory_space<semaphore_mem>>)
      %slice3A_257 = vector.extract_strided_slice %get3A_119 {offsets = [10], sizes = [1], strides = [1]} : vector<16xi32> to vector<1xi32>
      %squeeze3A_258 = vector.extract %slice3A_257[0] : i32 from vector<1xi32>
      %mul3A_259 = arith.constant 16 : i32
      %mul3A_260 = arith.muli %scan3A_113, %mul3A_259 : i32
      %add3A_261 = arith.constant 10 : i32
      %add3A_262 = arith.addi %mul3A_260, %add3A_261 : i32
      %dma_start3A_263 = arith.constant 0 : i32
      %dma_start3A_264 = tpu.memref_slice %arg15[%add3A_262, %dma_start3A_263] : memref<256x64xf32, #tpu.memory_space<vmem>> -> memref<1x64xf32, #tpu.memory_space<vmem>>
      %dma_start3A_265 = arith.constant 0 : i32
      %dma_start3A_266 = tpu.memref_slice %arg7[%squeeze3A_258, %dma_start3A_265] : memref<100000x64xf32, #tpu.memory_space<hbm>> -> memref<1x64xf32, #tpu.memory_space<hbm>>
      %dma_start3A_267 = arith.constant 0 : i32
      %dma_start3A_268 = tpu.memref_slice %arg15[%add3A_262, %dma_start3A_267] : memref<256x64xf32, #tpu.memory_space<vmem>> -> memref<1x64xf32, #tpu.memory_space<vmem>>
      %dma_start3A_269 = arith.constant 0 : i32
      %dma_start3A_270 = tpu.memref_slice %arg7[%squeeze3A_258, %dma_start3A_269] : memref<100000x64xf32, #tpu.memory_space<hbm>> -> memref<1x64xf32, #tpu.memory_space<hbm>>
      tpu.enqueue_dma source(%dma_start3A_270 : memref<1x64xf32, #tpu.memory_space<hbm>>) target(%dma_start3A_268 : memref<1x64xf32, #tpu.memory_space<vmem>>) target_semaphore(%arg17 : memref<!tpu.dma_semaphore, #tpu.memory_space<semaphore_mem>>)
      %slice3A_271 = vector.extract_strided_slice %get3A_119 {offsets = [11], sizes = [1], strides = [1]} : vector<16xi32> to vector<1xi32>
      %squeeze3A_272 = vector.extract %slice3A_271[0] : i32 from vector<1xi32>
      %mul3A_273 = arith.constant 16 : i32
      %mul3A_274 = arith.muli %scan3A_113, %mul3A_273 : i32
      %add3A_275 = arith.constant 11 : i32
      %add3A_276 = arith.addi %mul3A_274, %add3A_275 : i32
      %dma_start3A_277 = arith.constant 0 : i32
      %dma_start3A_278 = tpu.memref_slice %arg15[%add3A_276, %dma_start3A_277] : memref<256x64xf32, #tpu.memory_space<vmem>> -> memref<1x64xf32, #tpu.memory_space<vmem>>
      %dma_start3A_279 = arith.constant 0 : i32
      %dma_start3A_280 = tpu.memref_slice %arg7[%squeeze3A_272, %dma_start3A_279] : memref<100000x64xf32, #tpu.memory_space<hbm>> -> memref<1x64xf32, #tpu.memory_space<hbm>>
      %dma_start3A_281 = arith.constant 0 : i32
      %dma_start3A_282 = tpu.memref_slice %arg15[%add3A_276, %dma_start3A_281] : memref<256x64xf32, #tpu.memory_space<vmem>> -> memref<1x64xf32, #tpu.memory_space<vmem>>
      %dma_start3A_283 = arith.constant 0 : i32
      %dma_start3A_284 = tpu.memref_slice %arg7[%squeeze3A_272, %dma_start3A_283] : memref<100000x64xf32, #tpu.memory_space<hbm>> -> memref<1x64xf32, #tpu.memory_space<hbm>>
      tpu.enqueue_dma source(%dma_start3A_284 : memref<1x64xf32, #tpu.memory_space<hbm>>) target(%dma_start3A_282 : memref<1x64xf32, #tpu.memory_space<vmem>>) target_semaphore(%arg17 : memref<!tpu.dma_semaphore, #tpu.memory_space<semaphore_mem>>)
      %slice3A_285 = vector.extract_strided_slice %get3A_119 {offsets = [12], sizes = [1], strides = [1]} : vector<16xi32> to vector<1xi32>
      %squeeze3A_286 = vector.extract %slice3A_285[0] : i32 from vector<1xi32>
      %mul3A_287 = arith.constant 16 : i32
      %mul3A_288 = arith.muli %scan3A_113, %mul3A_287 : i32
      %add3A_289 = arith.constant 12 : i32
      %add3A_290 = arith.addi %mul3A_288, %add3A_289 : i32
      %dma_start3A_291 = arith.constant 0 : i32
      %dma_start3A_292 = tpu.memref_slice %arg15[%add3A_290, %dma_start3A_291] : memref<256x64xf32, #tpu.memory_space<vmem>> -> memref<1x64xf32, #tpu.memory_space<vmem>>
      %dma_start3A_293 = arith.constant 0 : i32
      %dma_start3A_294 = tpu.memref_slice %arg7[%squeeze3A_286, %dma_start3A_293] : memref<100000x64xf32, #tpu.memory_space<hbm>> -> memref<1x64xf32, #tpu.memory_space<hbm>>
      %dma_start3A_295 = arith.constant 0 : i32
      %dma_start3A_296 = tpu.memref_slice %arg15[%add3A_290, %dma_start3A_295] : memref<256x64xf32, #tpu.memory_space<vmem>> -> memref<1x64xf32, #tpu.memory_space<vmem>>
      %dma_start3A_297 = arith.constant 0 : i32
      %dma_start3A_298 = tpu.memref_slice %arg7[%squeeze3A_286, %dma_start3A_297] : memref<100000x64xf32, #tpu.memory_space<hbm>> -> memref<1x64xf32, #tpu.memory_space<hbm>>
      tpu.enqueue_dma source(%dma_start3A_298 : memref<1x64xf32, #tpu.memory_space<hbm>>) target(%dma_start3A_296 : memref<1x64xf32, #tpu.memory_space<vmem>>) target_semaphore(%arg17 : memref<!tpu.dma_semaphore, #tpu.memory_space<semaphore_mem>>)
      %slice3A_299 = vector.extract_strided_slice %get3A_119 {offsets = [13], sizes = [1], strides = [1]} : vector<16xi32> to vector<1xi32>
      %squeeze3A_300 = vector.extract %slice3A_299[0] : i32 from vector<1xi32>
      %mul3A_301 = arith.constant 16 : i32
      %mul3A_302 = arith.muli %scan3A_113, %mul3A_301 : i32
      %add3A_303 = arith.constant 13 : i32
      %add3A_304 = arith.addi %mul3A_302, %add3A_303 : i32
      %dma_start3A_305 = arith.constant 0 : i32
      %dma_start3A_306 = tpu.memref_slice %arg15[%add3A_304, %dma_start3A_305] : memref<256x64xf32, #tpu.memory_space<vmem>> -> memref<1x64xf32, #tpu.memory_space<vmem>>
      %dma_start3A_307 = arith.constant 0 : i32
      %dma_start3A_308 = tpu.memref_slice %arg7[%squeeze3A_300, %dma_start3A_307] : memref<100000x64xf32, #tpu.memory_space<hbm>> -> memref<1x64xf32, #tpu.memory_space<hbm>>
      %dma_start3A_309 = arith.constant 0 : i32
      %dma_start3A_310 = tpu.memref_slice %arg15[%add3A_304, %dma_start3A_309] : memref<256x64xf32, #tpu.memory_space<vmem>> -> memref<1x64xf32, #tpu.memory_space<vmem>>
      %dma_start3A_311 = arith.constant 0 : i32
      %dma_start3A_312 = tpu.memref_slice %arg7[%squeeze3A_300, %dma_start3A_311] : memref<100000x64xf32, #tpu.memory_space<hbm>> -> memref<1x64xf32, #tpu.memory_space<hbm>>
      tpu.enqueue_dma source(%dma_start3A_312 : memref<1x64xf32, #tpu.memory_space<hbm>>) target(%dma_start3A_310 : memref<1x64xf32, #tpu.memory_space<vmem>>) target_semaphore(%arg17 : memref<!tpu.dma_semaphore, #tpu.memory_space<semaphore_mem>>)
      %slice3A_313 = vector.extract_strided_slice %get3A_119 {offsets = [14], sizes = [1], strides = [1]} : vector<16xi32> to vector<1xi32>
      %squeeze3A_314 = vector.extract %slice3A_313[0] : i32 from vector<1xi32>
      %mul3A_315 = arith.constant 16 : i32
      %mul3A_316 = arith.muli %scan3A_113, %mul3A_315 : i32
      %add3A_317 = arith.constant 14 : i32
      %add3A_318 = arith.addi %mul3A_316, %add3A_317 : i32
      %dma_start3A_319 = arith.constant 0 : i32
      %dma_start3A_320 = tpu.memref_slice %arg15[%add3A_318, %dma_start3A_319] : memref<256x64xf32, #tpu.memory_space<vmem>> -> memref<1x64xf32, #tpu.memory_space<vmem>>
      %dma_start3A_321 = arith.constant 0 : i32
      %dma_start3A_322 = tpu.memref_slice %arg7[%squeeze3A_314, %dma_start3A_321] : memref<100000x64xf32, #tpu.memory_space<hbm>> -> memref<1x64xf32, #tpu.memory_space<hbm>>
      %dma_start3A_323 = arith.constant 0 : i32
      %dma_start3A_324 = tpu.memref_slice %arg15[%add3A_318, %dma_start3A_323] : memref<256x64xf32, #tpu.memory_space<vmem>> -> memref<1x64xf32, #tpu.memory_space<vmem>>
      %dma_start3A_325 = arith.constant 0 : i32
      %dma_start3A_326 = tpu.memref_slice %arg7[%squeeze3A_314, %dma_start3A_325] : memref<100000x64xf32, #tpu.memory_space<hbm>> -> memref<1x64xf32, #tpu.memory_space<hbm>>
      tpu.enqueue_dma source(%dma_start3A_326 : memref<1x64xf32, #tpu.memory_space<hbm>>) target(%dma_start3A_324 : memref<1x64xf32, #tpu.memory_space<vmem>>) target_semaphore(%arg17 : memref<!tpu.dma_semaphore, #tpu.memory_space<semaphore_mem>>)
      %slice3A_327 = vector.extract_strided_slice %get3A_119 {offsets = [15], sizes = [1], strides = [1]} : vector<16xi32> to vector<1xi32>
      %squeeze3A_328 = vector.extract %slice3A_327[0] : i32 from vector<1xi32>
      %mul3A_329 = arith.constant 16 : i32
      %mul3A_330 = arith.muli %scan3A_113, %mul3A_329 : i32
      %add3A_331 = arith.constant 15 : i32
      %add3A_332 = arith.addi %mul3A_330, %add3A_331 : i32
      %dma_start3A_333 = arith.constant 0 : i32
      %dma_start3A_334 = tpu.memref_slice %arg15[%add3A_332, %dma_start3A_333] : memref<256x64xf32, #tpu.memory_space<vmem>> -> memref<1x64xf32, #tpu.memory_space<vmem>>
      %dma_start3A_335 = arith.constant 0 : i32
      %dma_start3A_336 = tpu.memref_slice %arg7[%squeeze3A_328, %dma_start3A_335] : memref<100000x64xf32, #tpu.memory_space<hbm>> -> memref<1x64xf32, #tpu.memory_space<hbm>>
      %dma_start3A_337 = arith.constant 0 : i32
      %dma_start3A_338 = tpu.memref_slice %arg15[%add3A_332, %dma_start3A_337] : memref<256x64xf32, #tpu.memory_space<vmem>> -> memref<1x64xf32, #tpu.memory_space<vmem>>
      %dma_start3A_339 = arith.constant 0 : i32
      %dma_start3A_340 = tpu.memref_slice %arg7[%squeeze3A_328, %dma_start3A_339] : memref<100000x64xf32, #tpu.memory_space<hbm>> -> memref<1x64xf32, #tpu.memory_space<hbm>>
      tpu.enqueue_dma source(%dma_start3A_340 : memref<1x64xf32, #tpu.memory_space<hbm>>) target(%dma_start3A_338 : memref<1x64xf32, #tpu.memory_space<vmem>>) target_semaphore(%arg17 : memref<!tpu.dma_semaphore, #tpu.memory_space<semaphore_mem>>)
    }
    %scan3A_96 = arith.constant 16 : i32
    %dma_wait3A_97 = arith.constant 0 : i32
    %dma_wait3A_98 = arith.constant 0 : i32
    %dma_wait3A_99 = tpu.memref_slice %arg7[%dma_wait3A_97, %dma_wait3A_98] : memref<100000x64xf32, #tpu.memory_space<hbm>> -> memref<256x64xf32, #tpu.memory_space<hbm>>
    %dma_wait3A_100 = arith.constant 0 : i32
    %dma_wait3A_101 = arith.constant 0 : i32
    %dma_wait3A_102 = tpu.memref_slice %arg7[%dma_wait3A_100, %dma_wait3A_101] : memref<100000x64xf32, #tpu.memory_space<hbm>> -> memref<256x64xf32, #tpu.memory_space<hbm>>
    tpu.wait_dma2 semaphore(%arg16 : memref<!tpu.dma_semaphore, #tpu.memory_space<semaphore_mem>>) src(%dma_wait3A_102 : memref<256x64xf32, #tpu.memory_space<hbm>>) dst(%arg14 : memref<256x64xf32, #tpu.memory_space<vmem>>)
    %add3A_103 = arith.constant 0 : i32
    %add3A_104 = arith.addi %mul3A_2, %add3A_103 : i32
    "tpu.region"() ({
      %run_scoped3A = tpu.sem_alloc : memref<!tpu.dma_semaphore, #tpu.memory_space<semaphore_mem>>
      %dma_start3A = arith.constant 0 : i32
      %dma_start3A_113 = tpu.memref_slice %arg11[%add3A_104, %dma_start3A] : memref<16384x64xf32, #tpu.memory_space<hbm>> -> memref<256x64xf32, #tpu.memory_space<hbm>>
      %dma_start3A_114 = arith.constant 0 : i32
      %dma_start3A_115 = tpu.memref_slice %arg11[%add3A_104, %dma_start3A_114] : memref<16384x64xf32, #tpu.memory_space<hbm>> -> memref<256x64xf32, #tpu.memory_space<hbm>>
      tpu.enqueue_dma source(%arg14 : memref<256x64xf32, #tpu.memory_space<vmem>>) target(%dma_start3A_115 : memref<256x64xf32, #tpu.memory_space<hbm>>) target_semaphore(%run_scoped3A : memref<!tpu.dma_semaphore, #tpu.memory_space<semaphore_mem>>)
      %dma_wait3A_116 = arith.constant 0 : i32
      %dma_wait3A_117 = tpu.memref_slice %arg11[%add3A_104, %dma_wait3A_116] : memref<16384x64xf32, #tpu.memory_space<hbm>> -> memref<256x64xf32, #tpu.memory_space<hbm>>
      %dma_wait3A_118 = arith.constant 0 : i32
      %dma_wait3A_119 = tpu.memref_slice %arg11[%add3A_104, %dma_wait3A_118] : memref<16384x64xf32, #tpu.memory_space<hbm>> -> memref<256x64xf32, #tpu.memory_space<hbm>>
      tpu.wait_dma2 semaphore(%run_scoped3A : memref<!tpu.dma_semaphore, #tpu.memory_space<semaphore_mem>>) src(%arg14 : memref<256x64xf32, #tpu.memory_space<vmem>>) dst(%dma_wait3A_119 : memref<256x64xf32, #tpu.memory_space<hbm>>)
      tpu.yield
    }) : () -> ()
    %dma_wait3A_105 = arith.constant 0 : i32
    %dma_wait3A_106 = arith.constant 0 : i32
    %dma_wait3A_107 = tpu.memref_slice %arg7[%dma_wait3A_105, %dma_wait3A_106] : memref<100000x64xf32, #tpu.memory_space<hbm>> -> memref<256x64xf32, #tpu.memory_space<hbm>>
    %dma_wait3A_108 = arith.constant 0 : i32
    %dma_wait3A_109 = arith.constant 0 : i32
    %dma_wait3A_110 = tpu.memref_slice %arg7[%dma_wait3A_108, %dma_wait3A_109] : memref<100000x64xf32, #tpu.memory_space<hbm>> -> memref<256x64xf32, #tpu.memory_space<hbm>>
    tpu.wait_dma2 semaphore(%arg17 : memref<!tpu.dma_semaphore, #tpu.memory_space<semaphore_mem>>) src(%dma_wait3A_110 : memref<256x64xf32, #tpu.memory_space<hbm>>) dst(%arg15 : memref<256x64xf32, #tpu.memory_space<vmem>>)
    %add3A_111 = arith.constant 256 : i32
    %add3A_112 = arith.addi %mul3A_2, %add3A_111 : i32
    "tpu.region"() ({
      %run_scoped3A = tpu.sem_alloc : memref<!tpu.dma_semaphore, #tpu.memory_space<semaphore_mem>>
      %dma_start3A = arith.constant 0 : i32
      %dma_start3A_113 = tpu.memref_slice %arg11[%add3A_112, %dma_start3A] : memref<16384x64xf32, #tpu.memory_space<hbm>> -> memref<256x64xf32, #tpu.memory_space<hbm>>
      %dma_start3A_114 = arith.constant 0 : i32
      %dma_start3A_115 = tpu.memref_slice %arg11[%add3A_112, %dma_start3A_114] : memref<16384x64xf32, #tpu.memory_space<hbm>> -> memref<256x64xf32, #tpu.memory_space<hbm>>
      tpu.enqueue_dma source(%arg15 : memref<256x64xf32, #tpu.memory_space<vmem>>) target(%dma_start3A_115 : memref<256x64xf32, #tpu.memory_space<hbm>>) target_semaphore(%run_scoped3A : memref<!tpu.dma_semaphore, #tpu.memory_space<semaphore_mem>>)
      %dma_wait3A_116 = arith.constant 0 : i32
      %dma_wait3A_117 = tpu.memref_slice %arg11[%add3A_112, %dma_wait3A_116] : memref<16384x64xf32, #tpu.memory_space<hbm>> -> memref<256x64xf32, #tpu.memory_space<hbm>>
      %dma_wait3A_118 = arith.constant 0 : i32
      %dma_wait3A_119 = tpu.memref_slice %arg11[%add3A_112, %dma_wait3A_118] : memref<16384x64xf32, #tpu.memory_space<hbm>> -> memref<256x64xf32, #tpu.memory_space<hbm>>
      tpu.wait_dma2 semaphore(%run_scoped3A : memref<!tpu.dma_semaphore, #tpu.memory_space<semaphore_mem>>) src(%arg15 : memref<256x64xf32, #tpu.memory_space<vmem>>) dst(%dma_wait3A_119 : memref<256x64xf32, #tpu.memory_space<hbm>>)
      tpu.yield
    }) : () -> ()
    return
  }
}

module attributes {stable_mosaic.version = 14 : i64} {
  func.func @body(%arg0: i32, %arg1: memref<2048x64xf32, #tpu.memory_space<vmem>>, %arg2: memref<2048x64xf32, #tpu.memory_space<vmem>>, %arg3: memref<2048x64xf32, #tpu.memory_space<vmem>>, %arg4: memref<2048x64xf32, #tpu.memory_space<vmem>>, %arg5: memref<64x128xf32, #tpu.memory_space<vmem>>, %arg6: memref<64x128xf32, #tpu.memory_space<vmem>>, %arg7: memref<128x64xf32, #tpu.memory_space<vmem>>, %arg8: memref<64x32xf32, #tpu.memory_space<vmem>>, %arg9: memref<1x64xf32, #tpu.memory_space<vmem>>, %arg10: memref<1x32xf32, #tpu.memory_space<vmem>>, %arg11: memref<1x128xf32, #tpu.memory_space<vmem>>, %arg12: memref<1x64xf32, #tpu.memory_space<vmem>>, %arg13: memref<1x32xf32, #tpu.memory_space<vmem>>, %arg14: memref<1x1xf32, #tpu.memory_space<vmem>>, %arg15: memref<2048x1xf32, #tpu.memory_space<vmem>>) attributes {dimension_semantics = [#tpu.dimension_semantics<arbitrary>], iteration_bounds = array<i64: 8>, scalar_prefetch = 0 : i64, scratch_operands = 0 : i64, tpu.core_type = #tpu.core_type<tc>, window_params = [{transform_indices = @transform_0, window_bounds = array<i64: 2048, 64>}, {transform_indices = @transform_1, window_bounds = array<i64: 2048, 64>}, {transform_indices = @transform_2, window_bounds = array<i64: 2048, 64>}, {transform_indices = @transform_3, window_bounds = array<i64: 2048, 64>}, {pipeline_mode = #tpu.pipeline_mode<synchronous>, transform_indices = @transform_4, window_bounds = array<i64: 64, 128>}, {pipeline_mode = #tpu.pipeline_mode<synchronous>, transform_indices = @transform_5, window_bounds = array<i64: 64, 128>}, {pipeline_mode = #tpu.pipeline_mode<synchronous>, transform_indices = @transform_6, window_bounds = array<i64: 128, 64>}, {pipeline_mode = #tpu.pipeline_mode<synchronous>, transform_indices = @transform_7, window_bounds = array<i64: 64, 32>}, {pipeline_mode = #tpu.pipeline_mode<synchronous>, transform_indices = @transform_8, window_bounds = array<i64: 1, 64>}, {pipeline_mode = #tpu.pipeline_mode<synchronous>, transform_indices = @transform_9, window_bounds = array<i64: 1, 32>}, {pipeline_mode = #tpu.pipeline_mode<synchronous>, transform_indices = @transform_10, window_bounds = array<i64: 1, 128>}, {pipeline_mode = #tpu.pipeline_mode<synchronous>, transform_indices = @transform_11, window_bounds = array<i64: 1, 64>}, {pipeline_mode = #tpu.pipeline_mode<synchronous>, transform_indices = @transform_12, window_bounds = array<i64: 1, 32>}, {pipeline_mode = #tpu.pipeline_mode<synchronous>, transform_indices = @transform_13, window_bounds = array<i64: 1, 1>}, {transform_indices = @transform_14, window_bounds = array<i64: 2048, 1>}]} {
    %get3A = arith.constant 0 : index
    %get3A_0 = arith.constant 0 : index
    %get3A_1 = vector.load %arg3[%get3A, %get3A_0] : memref<2048x64xf32, #tpu.memory_space<vmem>>, vector<2048x64xf32>
    %get3A_2 = arith.constant 0 : index
    %get3A_3 = arith.constant 0 : index
    %get3A_4 = vector.load %arg5[%get3A_2, %get3A_3] : memref<64x128xf32, #tpu.memory_space<vmem>>, vector<64x128xf32>
    %dot_general3A = arith.constant dense<0.000000e+00> : vector<2048x128xf32>
    %dot_general3A_5 = tpu.matmul %get3A_1, %get3A_4, %dot_general3A {dimension_numbers = #tpu.dot_dimension_numbers<[1], [0], [0], [1], [0, 0, 1, 1], [], []>, transpose_lhs_hint = false} : vector<2048x64xf32>, vector<64x128xf32>, vector<2048x128xf32> -> vector<2048x128xf32>
    %get3A_6 = arith.constant 0 : index
    %get3A_7 = arith.constant 0 : index
    %get3A_8 = vector.load %arg4[%get3A_6, %get3A_7] : memref<2048x64xf32, #tpu.memory_space<vmem>>, vector<2048x64xf32>
    %get3A_9 = arith.constant 0 : index
    %get3A_10 = arith.constant 0 : index
    %get3A_11 = vector.load %arg6[%get3A_9, %get3A_10] : memref<64x128xf32, #tpu.memory_space<vmem>>, vector<64x128xf32>
    %dot_general3A_12 = arith.constant dense<0.000000e+00> : vector<2048x128xf32>
    %dot_general3A_13 = tpu.matmul %get3A_8, %get3A_11, %dot_general3A_12 {dimension_numbers = #tpu.dot_dimension_numbers<[1], [0], [0], [1], [0, 0, 1, 1], [], []>, transpose_lhs_hint = false} : vector<2048x64xf32>, vector<64x128xf32>, vector<2048x128xf32> -> vector<2048x128xf32>
    %add3A = arith.addf %dot_general3A_5, %dot_general3A_13 : vector<2048x128xf32>
    %get3A_14 = arith.constant 0 : index
    %get3A_15 = arith.constant 0 : index
    %get3A_16 = vector.load %arg11[%get3A_14, %get3A_15] : memref<1x128xf32, #tpu.memory_space<vmem>>, vector<1x128xf32>
    %add3A_17 = vector.broadcast %get3A_16 : vector<1x128xf32> to vector<2048x128xf32>
    %add3A_18 = arith.addf %add3A, %add3A_17 : vector<2048x128xf32>
    %max3A = arith.constant 0.000000e+00 : f32
    %max3A_19 = vector.broadcast %max3A : f32 to vector<2048x128xf32>
    %max3A_20 = arith.maximumf %add3A_18, %max3A_19 : vector<2048x128xf32>
    %get3A_21 = arith.constant 0 : index
    %get3A_22 = arith.constant 0 : index
    %get3A_23 = vector.load %arg7[%get3A_21, %get3A_22] : memref<128x64xf32, #tpu.memory_space<vmem>>, vector<128x64xf32>
    %dot_general3A_24 = arith.constant dense<0.000000e+00> : vector<2048x64xf32>
    %dot_general3A_25 = tpu.matmul %max3A_20, %get3A_23, %dot_general3A_24 {dimension_numbers = #tpu.dot_dimension_numbers<[1], [0], [0], [1], [0, 0, 1, 1], [], []>, transpose_lhs_hint = false} : vector<2048x128xf32>, vector<128x64xf32>, vector<2048x64xf32> -> vector<2048x64xf32>
    %get3A_26 = arith.constant 0 : index
    %get3A_27 = arith.constant 0 : index
    %get3A_28 = vector.load %arg12[%get3A_26, %get3A_27] : memref<1x64xf32, #tpu.memory_space<vmem>>, vector<1x64xf32>
    %add3A_29 = vector.broadcast %get3A_28 : vector<1x64xf32> to vector<2048x64xf32>
    %add3A_30 = arith.addf %dot_general3A_25, %add3A_29 : vector<2048x64xf32>
    %max3A_31 = arith.constant 0.000000e+00 : f32
    %max3A_32 = vector.broadcast %max3A_31 : f32 to vector<2048x64xf32>
    %max3A_33 = arith.maximumf %add3A_30, %max3A_32 : vector<2048x64xf32>
    %get3A_34 = arith.constant 0 : index
    %get3A_35 = arith.constant 0 : index
    %get3A_36 = vector.load %arg8[%get3A_34, %get3A_35] : memref<64x32xf32, #tpu.memory_space<vmem>>, vector<64x32xf32>
    %dot_general3A_37 = arith.constant dense<0.000000e+00> : vector<2048x32xf32>
    %dot_general3A_38 = tpu.matmul %max3A_33, %get3A_36, %dot_general3A_37 {dimension_numbers = #tpu.dot_dimension_numbers<[1], [0], [0], [1], [0, 0, 1, 1], [], []>, transpose_lhs_hint = false} : vector<2048x64xf32>, vector<64x32xf32>, vector<2048x32xf32> -> vector<2048x32xf32>
    %get3A_39 = arith.constant 0 : index
    %get3A_40 = arith.constant 0 : index
    %get3A_41 = vector.load %arg13[%get3A_39, %get3A_40] : memref<1x32xf32, #tpu.memory_space<vmem>>, vector<1x32xf32>
    %add3A_42 = vector.broadcast %get3A_41 : vector<1x32xf32> to vector<2048x32xf32>
    %add3A_43 = arith.addf %dot_general3A_38, %add3A_42 : vector<2048x32xf32>
    %max3A_44 = arith.constant 0.000000e+00 : f32
    %max3A_45 = vector.broadcast %max3A_44 : f32 to vector<2048x32xf32>
    %max3A_46 = arith.maximumf %add3A_43, %max3A_45 : vector<2048x32xf32>
    %get3A_47 = arith.constant 0 : index
    %get3A_48 = arith.constant 0 : index
    %get3A_49 = vector.load %arg1[%get3A_47, %get3A_48] : memref<2048x64xf32, #tpu.memory_space<vmem>>, vector<2048x64xf32>
    %get3A_50 = arith.constant 0 : index
    %get3A_51 = arith.constant 0 : index
    %get3A_52 = vector.load %arg2[%get3A_50, %get3A_51] : memref<2048x64xf32, #tpu.memory_space<vmem>>, vector<2048x64xf32>
    %mul3A = arith.mulf %get3A_49, %get3A_52 : vector<2048x64xf32>
    %get3A_53 = arith.constant 0 : index
    %get3A_54 = arith.constant 0 : index
    %get3A_55 = vector.load %arg9[%get3A_53, %get3A_54] : memref<1x64xf32, #tpu.memory_space<vmem>>, vector<1x64xf32>
    %mul3A_56 = vector.broadcast %get3A_55 : vector<1x64xf32> to vector<2048x64xf32>
    %mul3A_57 = arith.mulf %mul3A, %mul3A_56 : vector<2048x64xf32>
    %reduce_sum3A = arith.constant dense<0.000000e+00> : vector<2048xf32>
    %reduce_sum3A_58 = vector.multi_reduction <add>, %mul3A_57, %reduce_sum3A [1] : vector<2048x64xf32> to vector<2048xf32>
    %broadcast_in_dim3A = vector.shape_cast %reduce_sum3A_58 : vector<2048xf32> to vector<2048x1xf32>
    %get3A_59 = arith.constant 0 : index
    %get3A_60 = arith.constant 0 : index
    %get3A_61 = vector.load %arg10[%get3A_59, %get3A_60] : memref<1x32xf32, #tpu.memory_space<vmem>>, vector<1x32xf32>
    %mul3A_62 = vector.broadcast %get3A_61 : vector<1x32xf32> to vector<2048x32xf32>
    %mul3A_63 = arith.mulf %max3A_46, %mul3A_62 : vector<2048x32xf32>
    %reduce_sum3A_64 = arith.constant dense<0.000000e+00> : vector<2048xf32>
    %reduce_sum3A_65 = vector.multi_reduction <add>, %mul3A_63, %reduce_sum3A_64 [1] : vector<2048x32xf32> to vector<2048xf32>
    %broadcast_in_dim3A_66 = vector.shape_cast %reduce_sum3A_65 : vector<2048xf32> to vector<2048x1xf32>
    %add3A_67 = arith.addf %broadcast_in_dim3A, %broadcast_in_dim3A_66 : vector<2048x1xf32>
    %get3A_68 = arith.constant 0 : index
    %get3A_69 = arith.constant 0 : index
    %get3A_70 = vector.load %arg14[%get3A_68, %get3A_69] : memref<1x1xf32, #tpu.memory_space<vmem>>, vector<1x1xf32>
    %add3A_71 = vector.broadcast %get3A_70 : vector<1x1xf32> to vector<2048x1xf32>
    %add3A_72 = arith.addf %add3A_67, %add3A_71 : vector<2048x1xf32>
    %logistic3A = arith.negf %add3A_72 : vector<2048x1xf32>
    %logistic3A_73 = math.exp %logistic3A : vector<2048x1xf32>
    %logistic3A_74 = arith.constant 1.000000e+00 : f32
    %logistic3A_75 = vector.broadcast %logistic3A_74 : f32 to vector<2048x1xf32>
    %logistic3A_76 = arith.addf %logistic3A_75, %logistic3A_73 : vector<2048x1xf32>
    %logistic3A_77 = arith.divf %logistic3A_75, %logistic3A_76 : vector<2048x1xf32>
    %swap3A = arith.constant 0 : index
    %swap3A_78 = arith.constant 0 : index
    %swap3A_79 = vector.load %arg15[%swap3A, %swap3A_78] : memref<2048x1xf32, #tpu.memory_space<vmem>>, vector<2048x1xf32>
    tpu.vector_store %arg15[%swap3A, %swap3A_78], %logistic3A_77 {strides = array<i32>} : memref<2048x1xf32, #tpu.memory_space<vmem>>, vector<2048x1xf32>,
    return
  }
  func.func @transform_0(%arg0: i32) -> (i32, i32) {
    %c0_i32 = arith.constant 0 : i32
    %c0_i32_0 = arith.constant 0 : i32
    return %arg0, %c0_i32 : i32, i32
  }
  func.func @transform_1(%arg0: i32) -> (i32, i32) {
    %c0_i32 = arith.constant 0 : i32
    %c0_i32_0 = arith.constant 0 : i32
    return %arg0, %c0_i32 : i32, i32
  }
  func.func @transform_2(%arg0: i32) -> (i32, i32) {
    %c0_i32 = arith.constant 0 : i32
    %c0_i32_0 = arith.constant 0 : i32
    return %arg0, %c0_i32 : i32, i32
  }
  func.func @transform_3(%arg0: i32) -> (i32, i32) {
    %c0_i32 = arith.constant 0 : i32
    %c0_i32_0 = arith.constant 0 : i32
    return %arg0, %c0_i32 : i32, i32
  }
  func.func @transform_4(%arg0: i32) -> (i32, i32) {
    %c0_i32 = arith.constant 0 : i32
    %c0_i32_0 = arith.constant 0 : i32
    %c0_i32_1 = arith.constant 0 : i32
    return %c0_i32, %c0_i32_0 : i32, i32
  }
  func.func @transform_5(%arg0: i32) -> (i32, i32) {
    %c0_i32 = arith.constant 0 : i32
    %c0_i32_0 = arith.constant 0 : i32
    %c0_i32_1 = arith.constant 0 : i32
    return %c0_i32, %c0_i32_0 : i32, i32
  }
  func.func @transform_6(%arg0: i32) -> (i32, i32) {
    %c0_i32 = arith.constant 0 : i32
    %c0_i32_0 = arith.constant 0 : i32
    %c0_i32_1 = arith.constant 0 : i32
    return %c0_i32, %c0_i32_0 : i32, i32
  }
  func.func @transform_7(%arg0: i32) -> (i32, i32) {
    %c0_i32 = arith.constant 0 : i32
    %c0_i32_0 = arith.constant 0 : i32
    %c0_i32_1 = arith.constant 0 : i32
    return %c0_i32, %c0_i32_0 : i32, i32
  }
  func.func @transform_8(%arg0: i32) -> (i32, i32) {
    %c0_i32 = arith.constant 0 : i32
    %c0_i32_0 = arith.constant 0 : i32
    %c0_i32_1 = arith.constant 0 : i32
    return %c0_i32, %c0_i32_0 : i32, i32
  }
  func.func @transform_9(%arg0: i32) -> (i32, i32) {
    %c0_i32 = arith.constant 0 : i32
    %c0_i32_0 = arith.constant 0 : i32
    %c0_i32_1 = arith.constant 0 : i32
    return %c0_i32, %c0_i32_0 : i32, i32
  }
  func.func @transform_10(%arg0: i32) -> (i32, i32) {
    %c0_i32 = arith.constant 0 : i32
    %c0_i32_0 = arith.constant 0 : i32
    %c0_i32_1 = arith.constant 0 : i32
    return %c0_i32, %c0_i32_0 : i32, i32
  }
  func.func @transform_11(%arg0: i32) -> (i32, i32) {
    %c0_i32 = arith.constant 0 : i32
    %c0_i32_0 = arith.constant 0 : i32
    %c0_i32_1 = arith.constant 0 : i32
    return %c0_i32, %c0_i32_0 : i32, i32
  }
  func.func @transform_12(%arg0: i32) -> (i32, i32) {
    %c0_i32 = arith.constant 0 : i32
    %c0_i32_0 = arith.constant 0 : i32
    %c0_i32_1 = arith.constant 0 : i32
    return %c0_i32, %c0_i32_0 : i32, i32
  }
  func.func @transform_13(%arg0: i32) -> (i32, i32) {
    %c0_i32 = arith.constant 0 : i32
    %c0_i32_0 = arith.constant 0 : i32
    %c0_i32_1 = arith.constant 0 : i32
    return %c0_i32, %c0_i32_0 : i32, i32
  }
  func.func @transform_14(%arg0: i32) -> (i32, i32) {
    %c0_i32 = arith.constant 0 : i32
    %c0_i32_0 = arith.constant 0 : i32
    return %arg0, %c0_i32 : i32, i32
  }
}

</mosaic_0001>

<sc_bundles>
// kernel: kernel.4.cloned.1.call-start
scs
__scs_entry_jumppad:
0x0: {  	(pc) =	sbr.rel $0x88, $3  }
0x1: {  	(tag) =	ssettag $0x0;
	lr =	simm.s32 $0x1  }
0x2: {  	[smem:$0x3F93] =	sst lr;
	_ =	strace $0xD0000000  }
0x3: {  	_ = 	snop  }
0x4: {  	_ = 	snop  }
0x5: {  	_ = 	snop  }
0x6: {  	_ = 	snop  }
0x7: {  	_ = 	snop  }
__scs_overlays_trampoline_lowered:
0x8: {  	[smem:$0x3FA2] =	sst s0  }
0x9: {  	[smem:$0x3FA3] =	sst s1  }
0xa: {  	[smem:$0x3FA4] =	sst s2  }
0xb: {  	[smem:$0x3FA5] =	sst s3  }
0xc: {  	[smem:$0x3FA6] =	sst s4  }
0xd: {  	[smem:$0x3FA7] =	sst s5  }
0xe: {  	[smem:$0x3FA8] =	sst s6  }
0xf: {  	[smem:$0x3FA9] =	sst s7  }
0x10: {  	[smem:$0x3FAA] =	sst s8  }
0x11: {  	[smem:$0x3FAB] =	sst s9;
	s0 =	simm.s32 @!p0 $0x0  }
0x12: {  	s1 =	sld [smem:$0x3F91];
	s0 =	simm.s32 @p0 $0x1  }
0x13: {  	[smem:$0x3FAC] =	sst s0;
	s0 =	simm.s32 @!p1 $0x0  }
0x14: {  	s2 =	sld [smem:$0x3F90];
	s0 =	simm.s32 @p1 $0x1  }
0x15: {  	[smem:$0x3FAD] =	sst s0;
	s0 =	simm.s32 @!p2 $0x0  }
0x16: {  	s3 =	sld [smem:$0x3FDB];
	s0 =	simm.s32 @p2 $0x1  }
0x17: {  	s4 =	simm.s32 $0x1BF5;
	[smem:$0x3FAF] =	sst s0  }
0x18: {  	s0 =	sld [smem:$0x3F92];
	_ =	swait.ge [sflag:s4], $0x0  }
0x19: {  	s7 =	sld [smem:$0x3F93]  }
0x1a: {  	s8 =	sadd.s32 $0xFFFFE003, lr  }
0x1b: {  	s9 =	sadd.s32 $0xFFFFFEF7, lr;
	s5 =	simm.s32 $0xFFFFFFFF;
	p2 =	slt.u32 s8, $0xFFFFF086  }
0x1c: {  	p1 =	slt.u32 s9, $0xF7A;
	s5 =	simm.s32 @!p2 $0x0  }
0x1d: {  	s5 =	simm.s32 @p1 $0x1;
	p0 =	seq.s32 s7, s2  }
0x1e: {  	s7 =	smul.u32 @!p0 $0xF7A, s2;
	p2 =	seq.s32 @!p0 s5, $0x0  }
0x1f: {  	s9 =	smul.u32 $0xF7A, s1;
	s8 =	simm.s32 @!p0 $0x1BF5;
	p2 =	por !p2, p0  }
0x20: {  	[sflag:s8] =	ssyncset.s32 @!p0 $0xFFFFF086;
	s6 =	sadd.s32 @!p0 s3, s7;
	s7 =	simm.s32 @!p0 $0x108  }
0x21: {  	s3 =	sadd.s32 s3, s9;
	s6 =	sadd.s32 @!p0 $0x88, s6;
	s7 =	simm.s32 @p2 $0x1082  }
0x22: {  	[simem:s7], [sflag:s8] =	dma.local @!p0 [hbm:s6], $0xF7A  }
0x23: {  	s9 =	sor.u32 $0xD0000000, s2;
	s6 =	simm.s32 $0x108;
	_ =	swait.ge @!p0 [sflag:s8], $0x0  }
0x24: {  	s3 =	sadd.s32 $0x88, s3;
	s6 =	simm.s32 @!p1 $0x1082;
	[sflag:s4] =	ssyncset.s32 $0xFFFFF086  }
0x25: {  	[simem:s6], [sflag:s4] =	dma.local [hbm:s3], $0xF7A  }
0x26: {  	[smem:$0x3F93] =	sst s1;
	(tag) =	ssettag s2;
	_ =	strace s9  }
0x27: {  	s1 =	sld [smem:$0x3FA3]  }
0x28: {  	s2 =	sld [smem:$0x3FA4]  }
0x29: {  	s4 =	sld [smem:$0x3FA6]  }
0x2a: {  	p0 =	seq.s32 s5, $0x0;
	s5 =	sld [smem:$0x3FA7]  }
0x2b: {  	s6 =	sld [smem:$0x3FA8]  }
0x2c: {  	s7 =	sld [smem:$0x3FA9]  }
0x2d: {  	s3 =	simm.s32 $0x108;
	s8 =	sld [smem:$0x3FAA]  }
0x2e: {  	s3 =	simm.s32 @!p0 $0x1082;
	s9 =	sld [smem:$0x3FAB]  }
0x2f: {  	lr =	sadd.s32 s0, s3;
	s0 =	sld [smem:$0x3FA2]  }
0x30: {  	s3 =	sld [smem:$0x3FA5]  }
0x31: {  	[smem:$0x3FAE] =	sst s10  }
0x32: {  	s10 =	sld [smem:$0x3FAC];
	_ =	sdelay $0x3  }
0x33: {  	p0 =	seq.s32 s10, $0x1;
	s10 =	sld [smem:$0x3FAE];
	_ =	sdelay $0x3  }
0x34: {  	[smem:$0x3FAE] =	sst s10  }
0x35: {  	s10 =	sld [smem:$0x3FAD];
	_ =	sdelay $0x3  }
0x36: {  	p1 =	seq.s32 s10, $0x1;
	s10 =	sld [smem:$0x3FAE];
	_ =	sdelay $0x3  }
0x37: {  	[smem:$0x3FAE] =	sst s10  }
0x38: {  	s10 =	sld [smem:$0x3FAF]  }
0x39: {  	_ = 	snop;
	(pc) =	sbr.ind lr, $3  }
0x3a: {  	_ = 	snop  }
0x3b: {  	_ = 	snop  }
0x3c: {  	p2 =	seq.s32 s10, $0x1;
	s10 =	sld [smem:$0x3FAE]  }
0x3d: {  	_ =	shalt  }
0x3e: {  	_ =	shalt  }
0x3f: {  	_ =	shalt  }
0x40: {  	_ =	shalt  }
0x41: {  	_ =	shalt  }
0x42: {  	_ =	shalt  }
0x43: {  	_ =	shalt  }
0x44: {  	_ =	shalt  }
0x45: {  	_ =	shalt  }
0x46: {  	_ =	shalt  }
0x47: {  	_ =	shalt  }
0x48: {  	_ =	shalt  }
0x49: {  	_ =	shalt  }
0x4a: {  	_ =	shalt  }
0x4b: {  	_ =	shalt  }
0x4c: {  	_ =	shalt  }
0x4d: {  	_ =	shalt  }
0x4e: {  	_ =	shalt  }
0x4f: {  	_ =	shalt  }
0x50: {  	_ =	shalt  }
0x51: {  	_ =	shalt  }
0x52: {  	_ =	shalt  }
0x53: {  	_ =	shalt  }
0x54: {  	_ =	shalt  }
0x55: {  	_ =	shalt  }
0x56: {  	_ =	shalt  }
0x57: {  	_ =	shalt  }
0x58: {  	_ =	shalt  }
0x59: {  	_ =	shalt  }
0x5a: {  	_ =	shalt  }
0x5b: {  	_ =	shalt  }
0x5c: {  	_ =	shalt  }
0x5d: {  	_ =	shalt  }
0x5e: {  	_ =	shalt  }
0x5f: {  	_ =	shalt  }
0x60: {  	_ =	shalt  }
0x61: {  	_ =	shalt  }
0x62: {  	_ =	shalt  }
0x63: {  	_ =	shalt  }
0x64: {  	_ =	shalt  }
0x65: {  	_ =	shalt  }
0x66: {  	_ =	shalt  }
0x67: {  	_ =	shalt  }
0x68: {  	_ =	shalt  }
0x69: {  	_ =	shalt  }
0x6a: {  	_ =	shalt  }
0x6b: {  	_ =	shalt  }
0x6c: {  	_ =	shalt  }
0x6d: {  	_ =	shalt  }
0x6e: {  	_ =	shalt  }
0x6f: {  	_ =	shalt  }
0x70: {  	_ =	shalt  }
0x71: {  	_ =	shalt  }
0x72: {  	_ =	shalt  }
0x73: {  	_ =	shalt  }
0x74: {  	_ =	shalt  }
0x75: {  	_ =	shalt  }
0x76: {  	_ =	shalt  }
0x77: {  	_ =	shalt  }
0x78: {  	_ =	shalt  }
0x79: {  	_ =	shalt  }
0x7a: {  	_ =	shalt  }
0x7b: {  	_ =	shalt  }
0x7c: {  	_ =	shalt  }
0x7d: {  	_ =	shalt  }
0x7e: {  	_ =	shalt  }
0x7f: {  	_ =	shalt  }
0x80: {  	_ =	shalt  }
0x81: {  	_ =	shalt  }
0x82: {  	_ =	shalt  }
0x83: {  	_ =	shalt  }
0x84: {  	_ =	shalt  }
0x85: {  	_ =	shalt  }
0x86: {  	_ =	shalt  }
0x87: {  	_ =	shalt  }
.Lfunc_end0:
.L_simem_size_0:
called_computation_lowered:
.L_overlay_start_0:
0x88: {  	s2 =	sld [smem:$0x3FD9]  }
0x89: {  	s3 =	sld [smem:$0x3FFE];
	_ =	sdelay $0x1  }
0x8a: {  	s1 =	srdreg.scid  }
0x8b: {  	s0 =	sand.u32 $0x1, s1  }
0x8c: {  	s17 =	sshll.u32 s0, $0xA;
	s2 =	sadd.s32 s3, s2  }
0x8d: {  	s2 =	sadd.s32 s2, s17  }
0x8e: {  	[smem:$0x3FBA] =	sst s2  }
0x8f: {  	_ = 	snop  }
0x90: {  	s2 =	sld [smem:$0x3FC9]  }
0x91: {  	s18 =	sld [smem:$0x3FC8];
	(tm) =	ssettm $0x1  }
0x92: {  	s4 =	sld [smem:$0x3FFB];
	_ =	sdelay $0x3  }
0x93: {  	_ =	strace s4  }
0x94: {  	s4 =	sld [smem:$0x3FFC];
	_ =	sdelay $0x3  }
0x95: {  	_ =	strace s4  }
0x96: {  	s4 =	sld [smem:$0x3FFD];
	_ =	sdelay $0x3  }
0x97: {  	_ =	strace s4  }
0x98: {  	_ =	strace $0x8FFFFFFF  }
0x99: {  	s19 =	sld [smem:$0x3FDB];
	_ =	sdelay $0x1  }
0x9a: {  	s5 =	simm.s32 $_scs_section_size  }
0x9b: {  	s6 =	simm.s32 $_size__tile_overlayer_lowered;
	s7 =	simm.s32 $_tile_overlayer_lowered  }
0x9c: {  	s22 =	simm.s32 $0x1BFF;
	s21 =	sshll.u32 s7, $0x1;
	s4 =	sadd.s32 s5, s19  }
0x9d: {  	s8 =	simm.s32 $0x0;
	s20 =	sshll.u32 s6, $0x1;
	s6 =	sadd.s32 s21, s4  }
0x9e: {  	[timem:s8], [sflag:s22] =	dma.local [hbm:s6], s20  }
0x9f: {  	_ =	swait.ge [sflag:s22], s20  }
0xa0: {  	s5 =	ssub.s32 $0x0, s20;
	[sflag:s22] =	ssyncset.done $0x0  }
0xa1: {  	[sflag:s22] =	ssyncadd.s32 s5;
	_ =	sdelay $0x1  }
0xa2: {  	s23 =	simm.s32 $0x1B8B  }
0xa3: {  	_ =	swait.ge [sflag:s23], $0x1  }
0xa4: {  	[sflag:s23] =	ssyncset.done $0x0  }
0xa5: {  	s25 =	simm.s32 $0x1B8E;
	s24 =	sld [smem:$0x3FFE];
	[sflag:s23] =	ssyncadd.s32 $0xFFFFFFFF  }
0xa6: {  	s26 =	simm.s32 $execute0_lowered;
	[smem:$0x3FD2] =	sst s25  }
0xa7: {  	s6 =	sshll.u32 s26, $0x1;
	_ =	strace $0x80000046;
	[dreg:$0x1] =	wrdreg $0xFFFFFFFF  }
0xa8: {  	s28 =	simm.s32 $_size_execute0_lowered;
	s4 =	sadd.s32 s4, s6;
	[dreg:$0x0] =	wrdreg $0x0  }
0xa9: {  	s6 =	sshll.u32 s28, $0x1;
	[dreg:$0x2] =	wrdreg s4  }
0xaa: {  	[dreg:$0x3] =	wrdreg s6  }
0xab: {  	[dreg:$0x4] =	wrdreg $0xC0  }
0xac: {  	_ =	task [dreg:s8], $0x5FFFF  }
0xad: {  	[dreg:$0x1] =	wrdreg $0xFFFFFFFF  }
0xae: {  	[dreg:$0x0] =	wrdreg $0x60  }
0xaf: {  	[dreg:$0x2] =	wrdreg s2  }
0xb0: {  	[dreg:$0x3] =	wrdreg s18  }
0xb1: {  	[dreg:$0x4] =	wrdreg s24  }
0xb2: {  	[dreg:$0x5] =	wrdreg $0x9  }
0xb3: {  	_ =	task.clear_ibuf [dreg:s8], $0x6FFFF;
	_ =	strace $0x90000046  }
0xb4: {  	s29 =	simm.s32 $0x9;
	_ =	strace $0x80000048  }
0xb5: {  	_ =	swait.ge [sflag:s29], $0x1  }
0xb6: {  	[sflag:s29] =	ssyncadd.s32 $0xFFFFFFFF  }
0xb7: {  	_ =	strace $0x90000048  }
0xb8: {  	_ =	sfence  }
0xb9: {  	s30 =	sld [smem:$0x0];
	_ =	sdelay $0x2  }
0xba: {  	s31 =	sshll.u32 s1, $0xD;
	s1 =	sshrl.u32 s1, $0x2  }
0xbb: {  	s3 =	sand.u32 $0x4000, s31;
	s1 =	sadd.s32 s1, s30  }
0xbc: {  	s0 =	sor.u32 s3, s0;
	s1 =	sshll.u32 s1, $0x11  }
0xbd: {  	s0 =	sor.u32 s1, s0  }
0xbe: {  	s0 =	sadd.s32 $0x8F2B, s0  }
0xbf: {  	[sflag:s0] =	ssyncadd.remote.s32 $0x1  }
0xc0: {  	_ =	sfence.sel $0xFFFF  }
0xc1: {  	[dreg:$0x0] =	wrdreg $0xFFFFFFFF;
	(pc) =	sbr.abs _section_cstart, $3  }
0xc2: {  	[dreg:$0x1] =	wrdreg $0xFFFFFFFF  }
0xc3: {  	_ =	task.clear_ibuf [dreg:s8], $0x2FFFF;
	_ =	strace $0x9FFFFFFF  }
0xc4: {  	(tm) =	ssettm $0x7FFFFFFF  }
0xc5: {  	_ =	shalt  }
tec
execute0_lowered:
.L_overlay_start_1:
0x0: {  	(tag) =	ssettag $0x1  }
0x1: {  	s0 =	rddreg [dreg:$0x0]  }
0x2: {  	s4 =	rddreg [dreg:$0x1]  }
0x3: {  	s7 =	rddreg [dreg:$0x2];
	s1 =	simm.s32 $0x0;
	s8 =	srdreg.scid  }
0x4: {  	s11 =	stileid.u32;
	s18 =	simm.s32 $0x3;
	s8 =	sand.u32 $0x1, s8  }
0x5: {  	[smem:$0x7FF] =	sst s1;
	s11 =	sshll.u32 s11, $0xA;
	s12 =	sshll.u32 s8, $0x9  }
0x6: {  	s2 =	sadd.s32 $0xF43C00, s7;
	s3 =	sadd.s32 $0x200CA00, s7;
	s11 =	sor.u32 s12, s11  }
0x7: {  	s9 =	sadd.s32 $0x2193400, s7;
	s10 =	sadd.s32 $0x21D3400, s7;
	s13 =	sshrl.u32 s11, $0x3  }
0x8: {  	s14 =	sadd.s32 $0x2213400, s7;
	_ =	strace $0x80000047;
	s0 =	sadd.s32 s0, s13  }
0x9: {  	s22 =	sshll.u32 s11, $0x4;
	s4 =	sadd.s32 s4, s13;
	[dreg:$0x4] =	wrdreg s0  }
0xa: {  	s8 =	ssub.s32 $0x2, s8;
	s23 =	sadd.s32 s9, s22;
	[dreg:$0x5] =	wrdreg s4  }
0xb: {  	s21 =	sshrl.u32 s8, $0x1;
	s25 =	sadd.s32 s10, s22;
	[dreg:$0x6] =	wrdreg s23  }
0xc: {  	s8 =	ssub.s32 s8, s21;
	s28 =	sadd.s32 s14, s22;
	[dreg:$0x8] =	wrdreg s25  }
0xd: {  	s24 =	sor.u32 $0x1000, s22;
	s31 =	smax.u32 s8, $0x1;
	[dreg:$0xa] =	wrdreg s28  }
0xe: {  	s5 =	sadd.s32 $0x1800, s7;
	s9 =	sadd.s32 s9, s24;
	[dreg:$0xe] =	wrdreg s31  }
0xf: {  	s6 =	sadd.s32 $0x1E86000, s7;
	s26 =	sadd.s32 s10, s24;
	[dreg:$0x7] =	wrdreg s9  }
0x10: {  	s7 =	sadd.s32 $0x2253400, s7;
	s29 =	sadd.s32 s14, s24;
	[dreg:$0x9] =	wrdreg s26  }
0x11: {  	s20 =	simm.s32 $0x1;
	s0 =	sadd.s32 s7, s22;
	[dreg:$0xb] =	wrdreg s29  }
0x12: {  	s30 =	sadd.s32 s7, s24;
	s22 =	simm.s32 $0x2;
	[dreg:$0xc] =	wrdreg s0  }
0x13: {  	s23 =	simm.s32 $0x8400;
	s24 =	simm.s32 $0x0;
	[dreg:$0xd] =	wrdreg s30  }
.LBB2_1:
0x14: {  	s0 =	rddreg [dreg:$0x4]  }
0x15: {  	[tilespmem:s1], [sflag:$0x3] =	stream.linear.gather [hbm4b:s0+s1], $0x200, $0x38;
	[tilespmem:$0x10400] =	vst v63  }
0x16: {  	_ =	swait.ge [sflag:s18], $0x200  }
0x17: {  	[sflag:s18] =	ssyncset.done $0x0  }
0x18: {  	s4 =	simm.s32 $0x200;
	s31 =	rddreg [dreg:$0x5];
	[sflag:s18] =	ssyncadd.s32 $0xFFFFFE00  }
0x19: {  	[tilespmem:s4], [sflag:$0x3] =	stream.linear.gather [hbm4b:s31+s1], $0x200, $0x38;
	[tilespmem:$0x10400] =	vst v63  }
0x1a: {  	_ =	swait.ge [sflag:s18], $0x200  }
0x1b: {  	[sflag:s18] =	ssyncset.done $0x0  }
0x1c: {  	[sflag:s18] =	ssyncadd.s32 $0xFFFFFE00  }
0x1d: {  	v0 =	vld [tilespmem:s1+$0x0];
	_ =	sdelay $0x4  }
0x1e: {  	v0 =	vshll.u32 v0, $0x4  }
0x1f: {  	(v2sf) =	vpush v0, $0x0  }
0x20: {  	(v2sf) =	vpush v0, $0x1  }
0x21: {  	(v2sf) =	vpush v0, $0x2;
	_ =	sdelay $0x1  }
0x22: {  	(v2sf) =	vpush v0, $0x4;
	_ =	sdelay $0x1  }
0x23: {  	(v2sf) =	vpush v0, $0x3  }
0x24: {  	(v2sf) =	vpush v0, $0x5  }
0x25: {  	s28 =	simm.s32 $0x2000;
	s26 =	simm.s32 $0x0;
	s29 =	simm.s32 $0x0;
	(v2sf) =	vpush v0, $0x6  }
.LBB2_2:
0x26: {  	p0 =	sne.s32 s28, $0x1E000  }
0x27: {  	s11 =	sadd.s32 $0x480, s26;
	s4 =	sadd.s32 $0x980, s26;
	s30 =	smov.u32 s28  }
0x28: {  	s28 =	sadd.s32 $0x2000, s28;
	s8 =	sadd.s32 $0x780, s26;
	s31 =	sadd.s32 $0xA00, s26;
	(v2sf) =	vpush v0, $0x7  }
0x29: {  	s10 =	sadd.s32 $0x680, s26;
	s19 =	sadd.s32 $0x800, s26;
	s0 =	sadd.s32 $0xA80, s26  }
0x2a: {  	s12 =	sadd.s32 $0x400, s26;
	s13 =	sadd.s32 $0x600, s26;
	(v2sf) =	vpush v0, $0x8  }
0x2b: {  	s25 =	simm.s32 $0x0;
	s14 =	sadd.s32 $0x700, s26;
	s29 =	sadd.s32 $0x10, s29  }
0x2c: {  	s15 =	sadd.s32 $0x500, s26;
	s7 =	sadd.s32 $0x900, s26;
	s9 =	spop (v2sf);
	(v2sf) =	vpush v0, $0x9  }
0x2d: {  	s16 =	sand.u32 $0x1FFFFFF0, s9;
	s9 =	sadd.s32 $0x880, s26;
	s17 =	spop (v2sf)  }
0x2e: {  	s16 =	sadd.s32 s2, s16;
	s17 =	sand.u32 $0x1FFFFFF0, s17;
	s21 =	spop (v2sf);
	(v2sf) =	vpush v0, $0xA  }
0x2f: {  	[tilespmem:s12], [sflag:$0x1] =	stream.linear.gather [hbm4b:s16+s25], $0x80, $0x38;
	[tilespmem:$0x10400] =	vst v63  }
0x30: {  	s12 =	sadd.s32 s2, s17;
	s16 =	sadd.s32 $0x580, s26;
	s17 =	spop (v2sf);
	(v2sf) =	vpush v0, $0xB  }
0x31: {  	[tilespmem:s11], [sflag:$0x1] =	stream.linear.gather [hbm4b:s12+s25], $0x80, $0x38;
	[tilespmem:$0x10400] =	vst v63  }
0x32: {  	s11 =	sand.u32 $0x1FFFFFF0, s21;
	s12 =	sand.u32 $0x1FFFFFF0, s17;
	s17 =	spop (v2sf);
	(v2sf) =	vpush v0, $0xC  }
0x33: {  	s11 =	sadd.s32 s2, s11;
	s17 =	sand.u32 $0x1FFFFFF0, s17;
	s21 =	spop (v2sf)  }
0x34: {  	[tilespmem:s15], [sflag:$0x1] =	stream.linear.gather [hbm4b:s11+s25], $0x80, $0x38;
	(v2sf) =	vpush v0, $0xD;
	[tilespmem:$0x10400] =	vst v63  }
0x35: {  	s11 =	sadd.s32 s2, s17;
	s15 =	sand.u32 $0x1FFFFFF0, s21;
	s17 =	spop (v2sf)  }
0x36: {  	[tilespmem:s16], [sflag:$0x1] =	stream.linear.gather [hbm4b:s11+s25], $0x80, $0x38;
	(v2sf) =	vpush v0, $0xE;
	[tilespmem:$0x10400] =	vst v63  }
0x37: {  	s11 =	sadd.s32 s2, s12;
	s12 =	sand.u32 $0x1FFFFFF0, s17;
	s16 =	spop (v2sf)  }
0x38: {  	[tilespmem:s13], [sflag:$0x1] =	stream.linear.gather [hbm4b:s11+s25], $0x80, $0x38;
	(v2sf) =	vpush v0, $0xF;
	[tilespmem:$0x10400] =	vst v63  }
0x39: {  	s11 =	sadd.s32 s2, s15;
	s13 =	sand.u32 $0x1FFFFFF0, s16;
	s15 =	spop (v2sf)  }
0x3a: {  	[tilespmem:s10], [sflag:$0x1] =	stream.linear.gather [hbm4b:s11+s25], $0x80, $0x38;
	[tilespmem:$0x10400] =	vst v63  }
0x3b: {  	s10 =	sadd.s32 s2, s12;
	s11 =	sand.u32 $0x1FFFFFF0, s15;
	s12 =	spop (v2sf)  }
0x3c: {  	[tilespmem:s14], [sflag:$0x1] =	stream.linear.gather [hbm4b:s10+s25], $0x80, $0x38;
	[tilespmem:$0x10400] =	vst v63  }
0x3d: {  	s10 =	sadd.s32 s2, s13;
	s12 =	sand.u32 $0x1FFFFFF0, s12;
	s13 =	spop (v2sf)  }
0x3e: {  	[tilespmem:s8], [sflag:$0x1] =	stream.linear.gather [hbm4b:s10+s25], $0x80, $0x38;
	[tilespmem:$0x10400] =	vst v63  }
0x3f: {  	s8 =	sadd.s32 s2, s11;
	s10 =	sand.u32 $0x1FFFFFF0, s13;
	s11 =	spop (v2sf)  }
0x40: {  	[tilespmem:s19], [sflag:$0x1] =	stream.linear.gather [hbm4b:s8+s25], $0x80, $0x38;
	[tilespmem:$0x10400] =	vst v63  }
0x41: {  	s8 =	sadd.s32 s2, s12;
	s11 =	sand.u32 $0x1FFFFFF0, s11;
	s12 =	spop (v2sf)  }
0x42: {  	[tilespmem:s9], [sflag:$0x1] =	stream.linear.gather [hbm4b:s8+s25], $0x80, $0x38;
	[tilespmem:$0x10400] =	vst v63  }
0x43: {  	s8 =	sadd.s32 s2, s10;
	s9 =	sand.u32 $0x1FFFFFF0, s12;
	s10 =	spop (v2sf)  }
0x44: {  	[tilespmem:s7], [sflag:$0x1] =	stream.linear.gather [hbm4b:s8+s25], $0x80, $0x38;
	[tilespmem:$0x10400] =	vst v63  }
0x45: {  	s7 =	sadd.s32 s2, s11;
	s8 =	sand.u32 $0x1FFFFFF0, s10;
	s10 =	spop (v2sf)  }
0x46: {  	[tilespmem:s4], [sflag:$0x1] =	stream.linear.gather [hbm4b:s7+s25], $0x80, $0x38;
	[tilespmem:$0x10400] =	vst v63  }
0x47: {  	s4 =	sadd.s32 s2, s9;
	s7 =	sand.u32 $0x1FFFFFF0, s10;
	s9 =	spop (v2sf)  }
0x48: {  	[tilespmem:s31], [sflag:$0x1] =	stream.linear.gather [hbm4b:s4+s25], $0x80, $0x38;
	[tilespmem:$0x10400] =	vst v63  }
0x49: {  	s4 =	sadd.s32 s2, s8;
	s8 =	sand.u32 $0x1FFFFFF0, s9  }
0x4a: {  	[tilespmem:s0], [sflag:$0x1] =	stream.linear.gather [hbm4b:s4+s25], $0x80, $0x38;
	[tilespmem:$0x10400] =	vst v63  }
0x4b: {  	s0 =	sadd.s32 $0xB00, s26;
	s4 =	sadd.s32 s2, s7  }
0x4c: {  	[tilespmem:s0], [sflag:$0x1] =	stream.linear.gather [hbm4b:s4+s25], $0x80, $0x38;
	[tilespmem:$0x10400] =	vst v63  }
0x4d: {  	s0 =	sadd.s32 $0xB80, s26;
	s4 =	sadd.s32 s2, s8  }
0x4e: {  	[tilespmem:s0], [sflag:$0x1] =	stream.linear.gather [hbm4b:s4+s25], $0x80, $0x38;
	[tilespmem:$0x10400] =	vst v63  }
0x4f: {  	v0 =	vld [tilespmem:s29+$0x0];
	_ =	sdelay $0x4  }
0x50: {  	v0 =	vshll.u32 v0, $0x4  }
0x51: {  	(v2sf) =	vpush v0, $0x0  }
0x52: {  	(v2sf) =	vpush v0, $0x1  }
0x53: {  	(v2sf) =	vpush v0, $0x2;
	_ =	sdelay $0x1  }
0x54: {  	(v2sf) =	vpush v0, $0x4  }
.Ltmp0:
0x55: {  	(pc) =	sbr.rel @p0 .LBB2_2-.Ltmp0, $3  }
0x56: {  	(v2sf) =	vpush v0, $0x3  }
0x57: {  	(v2sf) =	vpush v0, $0x5;
	_ =	sdelay $0x1  }
0x58: {  	s26 =	sshra.s32 s30, $0x2;
	(v2sf) =	vpush v0, $0x6  }
0x59: {  	_ =	sdelay $0x1  }
0x5a: {  	s8 =	sadd.s32 $0x480, s26;
	s7 =	sadd.s32 $0x980, s26  }
0x5b: {  	s9 =	sadd.s32 $0x780, s26;
	s0 =	sadd.s32 $0xA00, s26;
	(v2sf) =	vpush v0, $0x7;
	s10 =	sadd.s32 $0x680, s26  }
0x5c: {  	s11 =	sadd.s32 $0x800, s26;
	s4 =	sadd.s32 $0xA80, s26;
	s12 =	sadd.s32 $0x400, s26  }
0x5d: {  	s13 =	sadd.s32 $0x600, s26;
	s14 =	sadd.s32 $0x700, s26;
	(v2sf) =	vpush v0, $0x8;
	s15 =	spop (v2sf)  }
0x5e: {  	s16 =	sadd.s32 $0x500, s26;
	s15 =	sand.u32 $0x1FFFFFF0, s15;
	s17 =	spop (v2sf)  }
0x5f: {  	(v2sf) =	vpush v0, $0x9;
	s15 =	sadd.s32 s2, s15;
	s17 =	sand.u32 $0x1FFFFFF0, s17;
	s19 =	spop (v2sf)  }
0x60: {  	[tilespmem:s12], [sflag:$0x1] =	stream.linear.gather [hbm4b:s15+s25], $0x80, $0x38;
	[tilespmem:$0x10400] =	vst v63  }
0x61: {  	s21 =	sadd.s32 $0x580, s26;
	(v2sf) =	vpush v0, $0xA;
	s30 =	sadd.s32 s2, s17;
	s31 =	spop (v2sf)  }
0x62: {  	[tilespmem:s8], [sflag:$0x1] =	stream.linear.gather [hbm4b:s30+s25], $0x80, $0x38;
	[tilespmem:$0x10400] =	vst v63  }
0x63: {  	s12 =	sadd.s32 $0x900, s26;
	s19 =	sand.u32 $0x1FFFFFF0, s19;
	(v2sf) =	vpush v0, $0xB;
	s29 =	spop (v2sf)  }
0x64: {  	s15 =	sadd.s32 s2, s19;
	s8 =	sadd.s32 $0x880, s26;
	s19 =	sand.u32 $0x1FFFFFF0, s29  }
0x65: {  	(v2sf) =	vpush v0, $0xC;
	[tilespmem:s16], [sflag:$0x1] =	stream.linear.gather [hbm4b:s15+s25], $0x80, $0x38;
	[tilespmem:$0x10400] =	vst v63  }
0x66: {  	s30 =	sand.u32 $0x1FFFFFF0, s31;
	s31 =	spop (v2sf);
	s19 =	sadd.s32 s2, s19  }
0x67: {  	(v2sf) =	vpush v0, $0xD;
	[tilespmem:s21], [sflag:$0x1] =	stream.linear.gather [hbm4b:s19+s25], $0x80, $0x38;
	[tilespmem:$0x10400] =	vst v63  }
0x68: {  	s15 =	sadd.s32 s2, s30;
	s16 =	sand.u32 $0x1FFFFFF0, s31;
	s29 =	spop (v2sf)  }
0x69: {  	(v2sf) =	vpush v0, $0xE;
	[tilespmem:s13], [sflag:$0x1] =	stream.linear.gather [hbm4b:s15+s25], $0x80, $0x38;
	[tilespmem:$0x10400] =	vst v63  }
0x6a: {  	s16 =	sadd.s32 s2, s16;
	s30 =	sand.u32 $0x1FFFFFF0, s29;
	s31 =	spop (v2sf)  }
0x6b: {  	(v2sf) =	vpush v0, $0xF;
	[tilespmem:s10], [sflag:$0x1] =	stream.linear.gather [hbm4b:s16+s25], $0x80, $0x38;
	[tilespmem:$0x10400] =	vst v63  }
0x6c: {  	s17 =	spop (v2sf);
	s13 =	sadd.s32 s2, s30;
	s16 =	sand.u32 $0x1FFFFFF0, s31  }
0x6d: {  	[tilespmem:s14], [sflag:$0x1] =	stream.linear.gather [hbm4b:s13+s25], $0x80, $0x38;
	[tilespmem:$0x10400] =	vst v63  }
0x6e: {  	s19 =	sand.u32 $0x1FFFFFF0, s17;
	s10 =	sadd.s32 s2, s16;
	s21 =	spop (v2sf)  }
0x6f: {  	[tilespmem:s9], [sflag:$0x1] =	stream.linear.gather [hbm4b:s10+s25], $0x80, $0x38;
	[tilespmem:$0x10400] =	vst v63  }
0x70: {  	s13 =	sadd.s32 s2, s19;
	s29 =	sand.u32 $0x1FFFFFF0, s21;
	s30 =	spop (v2sf)  }
0x71: {  	[tilespmem:s11], [sflag:$0x1] =	stream.linear.gather [hbm4b:s13+s25], $0x80, $0x38;
	[tilespmem:$0x10400] =	vst v63  }
0x72: {  	s10 =	sand.u32 $0x1FFFFFF0, s30;
	s9 =	sadd.s32 s2, s29;
	s31 =	spop (v2sf)  }
0x73: {  	[tilespmem:s8], [sflag:$0x1] =	stream.linear.gather [hbm4b:s9+s25], $0x80, $0x38;
	[tilespmem:$0x10400] =	vst v63  }
0x74: {  	s10 =	sadd.s32 s2, s10;
	s11 =	sand.u32 $0x1FFFFFF0, s31;
	s13 =	spop (v2sf)  }
0x75: {  	[tilespmem:s12], [sflag:$0x1] =	stream.linear.gather [hbm4b:s10+s25], $0x80, $0x38;
	[tilespmem:$0x10400] =	vst v63  }
0x76: {  	s8 =	sadd.s32 s2, s11;
	s9 =	sand.u32 $0x1FFFFFF0, s13;
	s14 =	spop (v2sf)  }
0x77: {  	[tilespmem:s7], [sflag:$0x1] =	stream.linear.gather [hbm4b:s8+s25], $0x80, $0x38;
	[tilespmem:$0x10400] =	vst v63  }
0x78: {  	s15 =	sand.u32 $0x1FFFFFF0, s14;
	s9 =	sadd.s32 s2, s9;
	s16 =	spop (v2sf)  }
0x79: {  	[tilespmem:s0], [sflag:$0x1] =	stream.linear.gather [hbm4b:s9+s25], $0x80, $0x38;
	[tilespmem:$0x10400] =	vst v63  }
0x7a: {  	s17 =	sand.u32 $0x1FFFFFF0, s16;
	s19 =	spop (v2sf);
	s7 =	sadd.s32 s2, s15  }
0x7b: {  	[tilespmem:s4], [sflag:$0x1] =	stream.linear.gather [hbm4b:s7+s25], $0x80, $0x38;
	[tilespmem:$0x10400] =	vst v63  }
0x7c: {  	s29 =	sadd.s32 $0xB00, s26;
	s21 =	sand.u32 $0x1FFFFFF0, s19;
	s0 =	sadd.s32 s2, s17  }
0x7d: {  	[tilespmem:s29], [sflag:$0x1] =	stream.linear.gather [hbm4b:s0+s25], $0x80, $0x38;
	[tilespmem:$0x10400] =	vst v63  }
0x7e: {  	s30 =	sadd.s32 $0xB80, s26;
	s31 =	sand.u32 $0xF0, s25;
	s4 =	sadd.s32 s2, s21  }
0x7f: {  	[tilespmem:s30], [sflag:$0x1] =	stream.linear.gather [hbm4b:s4+s25], $0x80, $0x38;
	[tilespmem:$0x10400] =	vst v63  }
0x80: {  	v0 =	vld [tilespmem:s31+$0x100];
	_ =	sdelay $0x4  }
0x81: {  	v0 =	vshll.u32 v0, $0x4  }
0x82: {  	(v2sf) =	vpush v0, $0x0  }
0x83: {  	(v2sf) =	vpush v0, $0x2  }
0x84: {  	(v2sf) =	vpush v0, $0x1;
	_ =	sdelay $0x1  }
0x85: {  	(v2sf) =	vpush v0, $0x3  }
0x86: {  	(v2sf) =	vpush v0, $0x4;
	_ =	sdelay $0x2  }
0x87: {  	s28 =	simm.s32 $0x10;
	s26 =	simm.s32 $0x2000  }
.LBB2_4:
0x88: {  	p0 =	sne.s32 s26, $0x1E000;
	(v2sf) =	vpush v0, $0x5;
	s0 =	smov.u32 s26;
	s26 =	sadd.s32 $0x2000, s26  }
0x89: {  	s29 =	sshra.s32 s25, $0x2;
	s25 =	smov.u32 s0  }
0x8a: {  	s10 =	sadd.s32 $0x8480, s29;
	(v2sf) =	vpush v0, $0x6  }
0x8b: {  	s11 =	sadd.s32 $0x8400, s29  }
0x8c: {  	s30 =	sadd.s32 $0x8980, s29;
	s4 =	sadd.s32 $0x8A00, s29;
	s0 =	sadd.s32 $0x8A80, s29;
	(v2sf) =	vpush v0, $0x7  }
0x8d: {  	s8 =	sadd.s32 $0x8800, s29;
	s7 =	sadd.s32 $0x8880, s29;
	s31 =	sadd.s32 $0x8900, s29  }
0x8e: {  	s12 =	sadd.s32 $0x8700, s29;
	s9 =	sadd.s32 $0x8780, s29;
	s13 =	spop (v2sf);
	(v2sf) =	vpush v0, $0x8  }
0x8f: {  	s14 =	sadd.s32 $0x8500, s29;
	s13 =	sand.u32 $0x1FFFFFF0, s13;
	s15 =	spop (v2sf)  }
0x90: {  	s16 =	sadd.s32 $0x8680, s29;
	s13 =	sadd.s32 s2, s13;
	s17 =	spop (v2sf);
	(v2sf) =	vpush v0, $0x9  }
0x91: {  	[tilespmem:s11], [sflag:$0x2] =	stream.linear.gather [hbm4b:s13+s1], $0x80, $0x38;
	[tilespmem:$0x10400] =	vst v63  }
0x92: {  	s11 =	sand.u32 $0x1FFFFFF0, s17;
	s13 =	sand.u32 $0x1FFFFFF0, s15;
	s15 =	spop (v2sf);
	(v2sf) =	vpush v0, $0xA  }
0x93: {  	s17 =	sadd.s32 $0x8600, s29;
	s11 =	sadd.s32 s2, s11;
	s19 =	spop (v2sf)  }
0x94: {  	[tilespmem:s10], [sflag:$0x2] =	stream.linear.gather [hbm4b:s11+s1], $0x80, $0x38;
	(v2sf) =	vpush v0, $0xB;
	[tilespmem:$0x10400] =	vst v63  }
0x95: {  	s10 =	sadd.s32 s2, s13;
	s11 =	sand.u32 $0x1FFFFFF0, s15;
	s13 =	sand.u32 $0x1FFFFFF0, s19  }
0x96: {  	[tilespmem:s14], [sflag:$0x2] =	stream.linear.gather [hbm4b:s10+s1], $0x80, $0x38;
	(v2sf) =	vpush v0, $0xC;
	[tilespmem:$0x10400] =	vst v63  }
0x97: {  	s11 =	sadd.s32 s2, s11;
	s10 =	sadd.s32 $0x8580, s29;
	s14 =	spop (v2sf)  }
0x98: {  	[tilespmem:s10], [sflag:$0x2] =	stream.linear.gather [hbm4b:s11+s1], $0x80, $0x38;
	(v2sf) =	vpush v0, $0xD;
	[tilespmem:$0x10400] =	vst v63  }
0x99: {  	s10 =	sadd.s32 s2, s13;
	s11 =	sand.u32 $0x1FFFFFF0, s14;
	s13 =	spop (v2sf)  }
0x9a: {  	[tilespmem:s17], [sflag:$0x2] =	stream.linear.gather [hbm4b:s10+s1], $0x80, $0x38;
	(v2sf) =	vpush v0, $0xE;
	[tilespmem:$0x10400] =	vst v63  }
0x9b: {  	s10 =	sadd.s32 s2, s11;
	s11 =	sand.u32 $0x1FFFFFF0, s13;
	s13 =	spop (v2sf)  }
0x9c: {  	[tilespmem:s16], [sflag:$0x2] =	stream.linear.gather [hbm4b:s10+s1], $0x80, $0x38;
	(v2sf) =	vpush v0, $0xF;
	[tilespmem:$0x10400] =	vst v63  }
0x9d: {  	s10 =	sadd.s32 s2, s11;
	s11 =	sand.u32 $0x1FFFFFF0, s13;
	s13 =	spop (v2sf)  }
0x9e: {  	[tilespmem:s12], [sflag:$0x2] =	stream.linear.gather [hbm4b:s10+s1], $0x80, $0x38;
	[tilespmem:$0x10400] =	vst v63  }
0x9f: {  	s10 =	sadd.s32 s2, s11;
	s11 =	sand.u32 $0x1FFFFFF0, s13;
	s12 =	spop (v2sf)  }
0xa0: {  	[tilespmem:s9], [sflag:$0x2] =	stream.linear.gather [hbm4b:s10+s1], $0x80, $0x38;
	[tilespmem:$0x10400] =	vst v63  }
0xa1: {  	s9 =	sadd.s32 s2, s11;
	s10 =	sand.u32 $0x1FFFFFF0, s12;
	s11 =	spop (v2sf)  }
0xa2: {  	[tilespmem:s8], [sflag:$0x2] =	stream.linear.gather [hbm4b:s9+s1], $0x80, $0x38;
	[tilespmem:$0x10400] =	vst v63  }
0xa3: {  	s8 =	sadd.s32 s2, s10;
	s9 =	sand.u32 $0x1FFFFFF0, s11;
	s10 =	spop (v2sf)  }
0xa4: {  	[tilespmem:s7], [sflag:$0x2] =	stream.linear.gather [hbm4b:s8+s1], $0x80, $0x38;
	[tilespmem:$0x10400] =	vst v63  }
0xa5: {  	s7 =	sadd.s32 s2, s9;
	s8 =	sand.u32 $0x1FFFFFF0, s10;
	s9 =	spop (v2sf)  }
0xa6: {  	[tilespmem:s31], [sflag:$0x2] =	stream.linear.gather [hbm4b:s7+s1], $0x80, $0x38;
	[tilespmem:$0x10400] =	vst v63  }
0xa7: {  	s7 =	sadd.s32 s2, s8;
	s8 =	sand.u32 $0x1FFFFFF0, s9;
	s9 =	spop (v2sf)  }
0xa8: {  	[tilespmem:s30], [sflag:$0x2] =	stream.linear.gather [hbm4b:s7+s1], $0x80, $0x38;
	[tilespmem:$0x10400] =	vst v63  }
0xa9: {  	s7 =	sadd.s32 s2, s8;
	s8 =	sand.u32 $0x1FFFFFF0, s9;
	s9 =	spop (v2sf)  }
0xaa: {  	[tilespmem:s4], [sflag:$0x2] =	stream.linear.gather [hbm4b:s7+s1], $0x80, $0x38;
	[tilespmem:$0x10400] =	vst v63  }
0xab: {  	s4 =	sadd.s32 s2, s8;
	s7 =	sand.u32 $0x1FFFFFF0, s9;
	s8 =	spop (v2sf)  }
0xac: {  	[tilespmem:s0], [sflag:$0x2] =	stream.linear.gather [hbm4b:s4+s1], $0x80, $0x38;
	[tilespmem:$0x10400] =	vst v63  }
0xad: {  	s0 =	sadd.s32 $0x8B00, s29;
	s4 =	sadd.s32 s2, s7;
	s7 =	sand.u32 $0x1FFFFFF0, s8  }
0xae: {  	[tilespmem:s0], [sflag:$0x2] =	stream.linear.gather [hbm4b:s4+s1], $0x80, $0x38;
	[tilespmem:$0x10400] =	vst v63  }
0xaf: {  	s7 =	sadd.s32 s2, s7;
	s0 =	sand.u32 $0xF0, s28;
	s4 =	sadd.s32 $0x8B80, s29  }
0xb0: {  	[tilespmem:s4], [sflag:$0x2] =	stream.linear.gather [hbm4b:s7+s1], $0x80, $0x38;
	[tilespmem:$0x10400] =	vst v63  }
0xb1: {  	v0 =	vld [tilespmem:s0+$0x100];
	_ =	sdelay $0x4  }
0xb2: {  	v0 =	vshll.u32 v0, $0x4  }
0xb3: {  	(v2sf) =	vpush v0, $0x0  }
0xb4: {  	(v2sf) =	vpush v0, $0x2  }
0xb5: {  	(v2sf) =	vpush v0, $0x1;
	_ =	sdelay $0x1  }
.Ltmp1:
0xb6: {  	(v2sf) =	vpush v0, $0x3;
	(pc) =	sbr.rel @p0 .LBB2_4-.Ltmp1, $2  }
0xb7: {  	(v2sf) =	vpush v0, $0x4;
	_ =	sdelay $0x2  }
0xb8: {  	s28 =	sadd.s32 $0x10, s28  }
0xb9: {  	(v2sf) =	vpush v0, $0x5;
	_ =	sdelay $0x1  }
0xba: {  	s0 =	sshra.s32 s25, $0x2;
	(v2sf) =	vpush v0, $0x6  }
0xbb: {  	s9 =	sadd.s32 $0x8480, s0;
	s10 =	sadd.s32 $0x8400, s0  }
0xbc: {  	s8 =	sadd.s32 $0x8980, s0;
	s7 =	sadd.s32 $0x8A00, s0;
	s4 =	sadd.s32 $0x8A80, s0;
	(v2sf) =	vpush v0, $0x7  }
0xbd: {  	s11 =	sadd.s32 $0x8800, s0;
	s12 =	sadd.s32 $0x8880, s0;
	s13 =	sadd.s32 $0x8900, s0  }
0xbe: {  	s14 =	sadd.s32 $0x8700, s0;
	s15 =	sadd.s32 $0x8780, s0;
	s16 =	spop (v2sf);
	(v2sf) =	vpush v0, $0x8  }
0xbf: {  	s17 =	sadd.s32 $0x8500, s0;
	s16 =	sand.u32 $0x1FFFFFF0, s16;
	s19 =	spop (v2sf)  }
0xc0: {  	s21 =	sadd.s32 $0x8680, s0;
	s16 =	sadd.s32 s2, s16;
	s26 =	spop (v2sf);
	(v2sf) =	vpush v0, $0x9  }
0xc1: {  	[tilespmem:s10], [sflag:$0x2] =	stream.linear.gather [hbm4b:s16+s1], $0x80, $0x38;
	[tilespmem:$0x10400] =	vst v63  }
0xc2: {  	s25 =	sadd.s32 $0x8600, s0;
	s29 =	sand.u32 $0x1FFFFFF0, s26;
	s31 =	spop (v2sf);
	(v2sf) =	vpush v0, $0xA  }
0xc3: {  	s30 =	sand.u32 $0x1FFFFFF0, s19;
	s10 =	sadd.s32 s2, s29;
	s26 =	spop (v2sf)  }
0xc4: {  	[tilespmem:s9], [sflag:$0x2] =	stream.linear.gather [hbm4b:s10+s1], $0x80, $0x38;
	(v2sf) =	vpush v0, $0xB;
	[tilespmem:$0x10400] =	vst v63  }
0xc5: {  	s19 =	sadd.s32 $0x8580, s0;
	s29 =	sadd.s32 s2, s30;
	s30 =	sand.u32 $0x1FFFFFF0, s31  }
0xc6: {  	(v2sf) =	vpush v0, $0xC;
	[tilespmem:s17], [sflag:$0x2] =	stream.linear.gather [hbm4b:s29+s1], $0x80, $0x38;
	[tilespmem:$0x10400] =	vst v63  }
0xc7: {  	s31 =	sand.u32 $0x1FFFFFF0, s26;
	s10 =	sadd.s32 s2, s30;
	s26 =	spop (v2sf)  }
0xc8: {  	[tilespmem:s19], [sflag:$0x2] =	stream.linear.gather [hbm4b:s10+s1], $0x80, $0x38;
	(v2sf) =	vpush v0, $0xD;
	[tilespmem:$0x10400] =	vst v63  }
0xc9: {  	s29 =	sadd.s32 s2, s31;
	s30 =	sand.u32 $0x1FFFFFF0, s26;
	s31 =	spop (v2sf)  }
0xca: {  	(v2sf) =	vpush v0, $0xE;
	[tilespmem:s25], [sflag:$0x2] =	stream.linear.gather [hbm4b:s29+s1], $0x80, $0x38;
	[tilespmem:$0x10400] =	vst v63  }
0xcb: {  	s10 =	sadd.s32 s2, s30;
	s17 =	sand.u32 $0x1FFFFFF0, s31;
	s19 =	spop (v2sf)  }
0xcc: {  	(v2sf) =	vpush v0, $0xF;
	[tilespmem:s21], [sflag:$0x2] =	stream.linear.gather [hbm4b:s10+s1], $0x80, $0x38;
	[tilespmem:$0x10400] =	vst v63  }
0xcd: {  	s25 =	sand.u32 $0x1FFFFFF0, s19;
	s21 =	sadd.s32 s2, s17;
	s26 =	spop (v2sf)  }
0xce: {  	[tilespmem:s14], [sflag:$0x2] =	stream.linear.gather [hbm4b:s21+s1], $0x80, $0x38;
	[tilespmem:$0x10400] =	vst v63  }
0xcf: {  	s29 =	sadd.s32 s2, s25;
	s30 =	sand.u32 $0x1FFFFFF0, s26;
	s31 =	spop (v2sf)  }
0xd0: {  	[tilespmem:s15], [sflag:$0x2] =	stream.linear.gather [hbm4b:s29+s1], $0x80, $0x38;
	[tilespmem:$0x10400] =	vst v63  }
0xd1: {  	s10 =	sadd.s32 s2, s30;
	s14 =	sand.u32 $0x1FFFFFF0, s31;
	s15 =	spop (v2sf)  }
0xd2: {  	[tilespmem:s11], [sflag:$0x2] =	stream.linear.gather [hbm4b:s10+s1], $0x80, $0x38;
	[tilespmem:$0x10400] =	vst v63  }
0xd3: {  	s16 =	sadd.s32 s2, s14;
	s17 =	sand.u32 $0x1FFFFFF0, s15;
	s19 =	spop (v2sf)  }
0xd4: {  	[tilespmem:s12], [sflag:$0x2] =	stream.linear.gather [hbm4b:s16+s1], $0x80, $0x38;
	[tilespmem:$0x10400] =	vst v63  }
0xd5: {  	s21 =	sadd.s32 s2, s17;
	s25 =	sand.u32 $0x1FFFFFF0, s19;
	s26 =	spop (v2sf)  }
0xd6: {  	[tilespmem:s13], [sflag:$0x2] =	stream.linear.gather [hbm4b:s21+s1], $0x80, $0x38;
	[tilespmem:$0x10400] =	vst v63  }
0xd7: {  	s29 =	sadd.s32 s2, s25;
	s30 =	sand.u32 $0x1FFFFFF0, s26;
	s31 =	spop (v2sf)  }
0xd8: {  	[tilespmem:s8], [sflag:$0x2] =	stream.linear.gather [hbm4b:s29+s1], $0x80, $0x38;
	[tilespmem:$0x10400] =	vst v63  }
0xd9: {  	s12 =	sadd.s32 s2, s30;
	s13 =	sand.u32 $0x1FFFFFF0, s31;
	s14 =	spop (v2sf)  }
0xda: {  	[tilespmem:s7], [sflag:$0x2] =	stream.linear.gather [hbm4b:s12+s1], $0x80, $0x38;
	[tilespmem:$0x10400] =	vst v63  }
0xdb: {  	s15 =	sadd.s32 s2, s13;
	s16 =	sand.u32 $0x1FFFFFF0, s14;
	s17 =	spop (v2sf)  }
0xdc: {  	[tilespmem:s4], [sflag:$0x2] =	stream.linear.gather [hbm4b:s15+s1], $0x80, $0x38;
	[tilespmem:$0x10400] =	vst v63  }
0xdd: {  	s19 =	sadd.s32 $0x8B00, s0;
	s21 =	sadd.s32 s2, s16;
	s25 =	sand.u32 $0x1FFFFFF0, s17  }
0xde: {  	[tilespmem:s19], [sflag:$0x2] =	stream.linear.gather [hbm4b:s21+s1], $0x80, $0x38;
	[tilespmem:$0x10400] =	vst v63  }
0xdf: {  	s0 =	sadd.s32 $0x8B80, s0;
	s26 =	sadd.s32 s2, s25  }
0xe0: {  	[tilespmem:s0], [sflag:$0x2] =	stream.linear.gather [hbm4b:s26+s1], $0x80, $0x38;
	[tilespmem:$0x10400] =	vst v63  }
0xe1: {  	_ =	swait.ge [sflag:s20], $0x8000  }
0xe2: {  	s29 =	simm.s32 $0x0;
	[sflag:s20] =	ssyncset.done $0x0  }
0xe3: {  	s31 =	simm.s32 $0x400;
	s30 =	rddreg [dreg:$0x6];
	[sflag:s20] =	ssyncadd.s32 $0xFFFF8000  }
0xe4: {  	[hbm4b:s30+s29] =	stream.linear.scatter [tilespmem:s31], [sflag:$0x3], $0x8000, $0x38;
	[tilespmem:$0x10400] =	vst v63  }
0xe5: {  	_ =	swait.ge [sflag:s18], $0x8000  }
0xe6: {  	[sflag:s18] =	ssyncset.done $0x0  }
0xe7: {  	s26 =	simm.s32 $0x200;
	[sflag:s18] =	ssyncadd.s32 $0xFFFF8000  }
0xe8: {  	v0 =	vld [tilespmem:s26+$0x0];
	_ =	sdelay $0x4  }
0xe9: {  	v0 =	vshll.u32 v0, $0x4  }
0xea: {  	(v2sf) =	vpush v0, $0x0  }
0xeb: {  	(v2sf) =	vpush v0, $0x1  }
0xec: {  	(v2sf) =	vpush v0, $0x2;
	_ =	sdelay $0x1  }
0xed: {  	(v2sf) =	vpush v0, $0x4;
	_ =	sdelay $0x1  }
0xee: {  	(v2sf) =	vpush v0, $0x3  }
0xef: {  	(v2sf) =	vpush v0, $0x5  }
0xf0: {  	s28 =	simm.s32 $0x2000;
	s25 =	simm.s32 $0x0;
	(v2sf) =	vpush v0, $0x6  }
.LBB2_6:
0xf1: {  	p0 =	sne.s32 s28, $0x1E000  }
0xf2: {  	s11 =	sadd.s32 $0x480, s25;
	s30 =	sadd.s32 $0x980, s25;
	s29 =	smov.u32 s28  }
0xf3: {  	s28 =	sadd.s32 $0x2000, s28;
	s19 =	sadd.s32 $0x780, s25;
	s0 =	sadd.s32 $0xA00, s25;
	(v2sf) =	vpush v0, $0x7  }
0xf4: {  	s10 =	sadd.s32 $0x680, s25;
	s8 =	sadd.s32 $0x800, s25;
	s4 =	sadd.s32 $0xA80, s25  }
0xf5: {  	s12 =	sadd.s32 $0x400, s25;
	s13 =	sadd.s32 $0x600, s25;
	(v2sf) =	vpush v0, $0x8  }
0xf6: {  	s14 =	sadd.s32 $0x700, s25;
	s26 =	sadd.s32 $0x10, s26  }
0xf7: {  	s15 =	sadd.s32 $0x500, s25;
	s7 =	sadd.s32 $0x900, s25;
	s9 =	spop (v2sf);
	(v2sf) =	vpush v0, $0x9  }
0xf8: {  	s16 =	sand.u32 $0x1FFFFFF0, s9;
	s9 =	sadd.s32 $0x880, s25;
	s17 =	spop (v2sf)  }
0xf9: {  	s16 =	sadd.s32 s3, s16;
	s17 =	sand.u32 $0x1FFFFFF0, s17;
	s21 =	spop (v2sf);
	(v2sf) =	vpush v0, $0xA  }
0xfa: {  	[tilespmem:s12], [sflag:$0x1] =	stream.linear.gather [hbm4b:s16+s1], $0x80, $0x38;
	[tilespmem:$0x10400] =	vst v63  }
0xfb: {  	s12 =	sadd.s32 s3, s17;
	s16 =	sadd.s32 $0x580, s25;
	s17 =	spop (v2sf);
	(v2sf) =	vpush v0, $0xB  }
0xfc: {  	[tilespmem:s11], [sflag:$0x1] =	stream.linear.gather [hbm4b:s12+s1], $0x80, $0x38;
	[tilespmem:$0x10400] =	vst v63  }
0xfd: {  	s11 =	sand.u32 $0x1FFFFFF0, s21;
	s12 =	sand.u32 $0x1FFFFFF0, s17;
	s17 =	spop (v2sf);
	(v2sf) =	vpush v0, $0xC  }
0xfe: {  	s11 =	sadd.s32 s3, s11;
	s17 =	sand.u32 $0x1FFFFFF0, s17;
	s21 =	spop (v2sf)  }
0xff: {  	[tilespmem:s15], [sflag:$0x1] =	stream.linear.gather [hbm4b:s11+s1], $0x80, $0x38;
	(v2sf) =	vpush v0, $0xD;
	[tilespmem:$0x10400] =	vst v63  }
0x100: {  	s11 =	sadd.s32 s3, s17;
	s15 =	sand.u32 $0x1FFFFFF0, s21;
	s17 =	spop (v2sf)  }
0x101: {  	[tilespmem:s16], [sflag:$0x1] =	stream.linear.gather [hbm4b:s11+s1], $0x80, $0x38;
	(v2sf) =	vpush v0, $0xE;
	[tilespmem:$0x10400] =	vst v63  }
0x102: {  	s11 =	sadd.s32 s3, s12;
	s12 =	sand.u32 $0x1FFFFFF0, s17;
	s16 =	spop (v2sf)  }
0x103: {  	[tilespmem:s13], [sflag:$0x1] =	stream.linear.gather [hbm4b:s11+s1], $0x80, $0x38;
	(v2sf) =	vpush v0, $0xF;
	[tilespmem:$0x10400] =	vst v63  }
0x104: {  	s11 =	sadd.s32 s3, s15;
	s13 =	sand.u32 $0x1FFFFFF0, s16;
	s15 =	spop (v2sf)  }
0x105: {  	[tilespmem:s10], [sflag:$0x1] =	stream.linear.gather [hbm4b:s11+s1], $0x80, $0x38;
	[tilespmem:$0x10400] =	vst v63  }
0x106: {  	s10 =	sadd.s32 s3, s12;
	s11 =	sand.u32 $0x1FFFFFF0, s15;
	s12 =	spop (v2sf)  }
0x107: {  	[tilespmem:s14], [sflag:$0x1] =	stream.linear.gather [hbm4b:s10+s1], $0x80, $0x38;
	[tilespmem:$0x10400] =	vst v63  }
0x108: {  	s10 =	sadd.s32 s3, s13;
	s12 =	sand.u32 $0x1FFFFFF0, s12;
	s13 =	spop (v2sf)  }
0x109: {  	[tilespmem:s19], [sflag:$0x1] =	stream.linear.gather [hbm4b:s10+s1], $0x80, $0x38;
	[tilespmem:$0x10400] =	vst v63  }
0x10a: {  	s10 =	sadd.s32 s3, s11;
	s11 =	sand.u32 $0x1FFFFFF0, s13;
	s13 =	spop (v2sf)  }
0x10b: {  	[tilespmem:s8], [sflag:$0x1] =	stream.linear.gather [hbm4b:s10+s1], $0x80, $0x38;
	[tilespmem:$0x10400] =	vst v63  }
0x10c: {  	s8 =	sadd.s32 s3, s12;
	s10 =	sand.u32 $0x1FFFFFF0, s13;
	s12 =	spop (v2sf)  }
0x10d: {  	[tilespmem:s9], [sflag:$0x1] =	stream.linear.gather [hbm4b:s8+s1], $0x80, $0x38;
	[tilespmem:$0x10400] =	vst v63  }
0x10e: {  	s8 =	sadd.s32 s3, s11;
	s9 =	sand.u32 $0x1FFFFFF0, s12;
	s11 =	spop (v2sf)  }
0x10f: {  	[tilespmem:s7], [sflag:$0x1] =	stream.linear.gather [hbm4b:s8+s1], $0x80, $0x38;
	[tilespmem:$0x10400] =	vst v63  }
0x110: {  	s7 =	sadd.s32 s3, s10;
	s8 =	sand.u32 $0x1FFFFFF0, s11;
	s10 =	spop (v2sf)  }
0x111: {  	[tilespmem:s30], [sflag:$0x1] =	stream.linear.gather [hbm4b:s7+s1], $0x80, $0x38;
	[tilespmem:$0x10400] =	vst v63  }
0x112: {  	s7 =	sadd.s32 s3, s9;
	s9 =	sand.u32 $0x1FFFFFF0, s10;
	s10 =	spop (v2sf)  }
0x113: {  	[tilespmem:s0], [sflag:$0x1] =	stream.linear.gather [hbm4b:s7+s1], $0x80, $0x38;
	[tilespmem:$0x10400] =	vst v63  }
0x114: {  	s0 =	sadd.s32 s3, s8;
	s7 =	sand.u32 $0x1FFFFFF0, s10  }
0x115: {  	[tilespmem:s4], [sflag:$0x1] =	stream.linear.gather [hbm4b:s0+s1], $0x80, $0x38;
	[tilespmem:$0x10400] =	vst v63  }
0x116: {  	s0 =	sadd.s32 $0xB00, s25;
	s4 =	sadd.s32 s3, s9  }
0x117: {  	[tilespmem:s0], [sflag:$0x1] =	stream.linear.gather [hbm4b:s4+s1], $0x80, $0x38;
	[tilespmem:$0x10400] =	vst v63  }
0x118: {  	s0 =	sadd.s32 $0xB80, s25;
	s4 =	sadd.s32 s3, s7  }
0x119: {  	[tilespmem:s0], [sflag:$0x1] =	stream.linear.gather [hbm4b:s4+s1], $0x80, $0x38;
	[tilespmem:$0x10400] =	vst v63  }
0x11a: {  	v0 =	vld [tilespmem:s26+$0x0];
	_ =	sdelay $0x4  }
0x11b: {  	v0 =	vshll.u32 v0, $0x4  }
0x11c: {  	(v2sf) =	vpush v0, $0x0  }
0x11d: {  	(v2sf) =	vpush v0, $0x1  }
0x11e: {  	(v2sf) =	vpush v0, $0x2;
	_ =	sdelay $0x1  }
0x11f: {  	(v2sf) =	vpush v0, $0x4  }
.Ltmp2:
0x120: {  	(pc) =	sbr.rel @p0 .LBB2_6-.Ltmp2, $3  }
0x121: {  	(v2sf) =	vpush v0, $0x3  }
0x122: {  	(v2sf) =	vpush v0, $0x5;
	_ =	sdelay $0x1  }
0x123: {  	s25 =	sshra.s32 s29, $0x2;
	(v2sf) =	vpush v0, $0x6  }
0x124: {  	_ =	sdelay $0x1  }
0x125: {  	s8 =	sadd.s32 $0x480, s25;
	s7 =	sadd.s32 $0x980, s25  }
0x126: {  	s9 =	sadd.s32 $0x780, s25;
	s0 =	sadd.s32 $0xA00, s25;
	(v2sf) =	vpush v0, $0x7;
	s10 =	sadd.s32 $0x680, s25  }
0x127: {  	s11 =	sadd.s32 $0x800, s25;
	s4 =	sadd.s32 $0xA80, s25;
	s12 =	sadd.s32 $0x400, s25  }
0x128: {  	s13 =	sadd.s32 $0x600, s25;
	s14 =	sadd.s32 $0x700, s25;
	(v2sf) =	vpush v0, $0x8;
	s15 =	spop (v2sf)  }
0x129: {  	s16 =	sadd.s32 $0x500, s25;
	s15 =	sand.u32 $0x1FFFFFF0, s15;
	s17 =	spop (v2sf)  }
0x12a: {  	(v2sf) =	vpush v0, $0x9;
	s15 =	sadd.s32 s3, s15;
	s17 =	sand.u32 $0x1FFFFFF0, s17;
	s19 =	spop (v2sf)  }
0x12b: {  	[tilespmem:s12], [sflag:$0x1] =	stream.linear.gather [hbm4b:s15+s1], $0x80, $0x38;
	[tilespmem:$0x10400] =	vst v63  }
0x12c: {  	s21 =	sadd.s32 $0x580, s25;
	(v2sf) =	vpush v0, $0xA;
	s30 =	sadd.s32 s3, s17;
	s31 =	spop (v2sf)  }
0x12d: {  	[tilespmem:s8], [sflag:$0x1] =	stream.linear.gather [hbm4b:s30+s1], $0x80, $0x38;
	[tilespmem:$0x10400] =	vst v63  }
0x12e: {  	s12 =	sadd.s32 $0x900, s25;
	s26 =	sand.u32 $0x1FFFFFF0, s19;
	(v2sf) =	vpush v0, $0xB;
	s29 =	spop (v2sf)  }
0x12f: {  	s15 =	sadd.s32 s3, s26;
	s8 =	sadd.s32 $0x880, s25;
	s19 =	sand.u32 $0x1FFFFFF0, s29  }
0x130: {  	(v2sf) =	vpush v0, $0xC;
	[tilespmem:s16], [sflag:$0x1] =	stream.linear.gather [hbm4b:s15+s1], $0x80, $0x38;
	[tilespmem:$0x10400] =	vst v63  }
0x131: {  	s30 =	sand.u32 $0x1FFFFFF0, s31;
	s31 =	spop (v2sf);
	s26 =	sadd.s32 s3, s19  }
0x132: {  	(v2sf) =	vpush v0, $0xD;
	[tilespmem:s21], [sflag:$0x1] =	stream.linear.gather [hbm4b:s26+s1], $0x80, $0x38;
	[tilespmem:$0x10400] =	vst v63  }
0x133: {  	s15 =	sadd.s32 s3, s30;
	s16 =	sand.u32 $0x1FFFFFF0, s31;
	s29 =	spop (v2sf)  }
0x134: {  	(v2sf) =	vpush v0, $0xE;
	[tilespmem:s13], [sflag:$0x1] =	stream.linear.gather [hbm4b:s15+s1], $0x80, $0x38;
	[tilespmem:$0x10400] =	vst v63  }
0x135: {  	s16 =	sadd.s32 s3, s16;
	s30 =	sand.u32 $0x1FFFFFF0, s29;
	s31 =	spop (v2sf)  }
0x136: {  	(v2sf) =	vpush v0, $0xF;
	[tilespmem:s10], [sflag:$0x1] =	stream.linear.gather [hbm4b:s16+s1], $0x80, $0x38;
	[tilespmem:$0x10400] =	vst v63  }
0x137: {  	s17 =	sand.u32 $0x1FFFFFF0, s31;
	s19 =	spop (v2sf);
	s13 =	sadd.s32 s3, s30  }
0x138: {  	[tilespmem:s14], [sflag:$0x1] =	stream.linear.gather [hbm4b:s13+s1], $0x80, $0x38;
	[tilespmem:$0x10400] =	vst v63  }
0x139: {  	s21 =	sand.u32 $0x1FFFFFF0, s19;
	s10 =	sadd.s32 s3, s17;
	s26 =	spop (v2sf)  }
0x13a: {  	[tilespmem:s9], [sflag:$0x1] =	stream.linear.gather [hbm4b:s10+s1], $0x80, $0x38;
	[tilespmem:$0x10400] =	vst v63  }
0x13b: {  	s13 =	sadd.s32 s3, s21;
	s29 =	sand.u32 $0x1FFFFFF0, s26;
	s30 =	spop (v2sf)  }
0x13c: {  	[tilespmem:s11], [sflag:$0x1] =	stream.linear.gather [hbm4b:s13+s1], $0x80, $0x38;
	[tilespmem:$0x10400] =	vst v63  }
0x13d: {  	s10 =	sand.u32 $0x1FFFFFF0, s30;
	s9 =	sadd.s32 s3, s29;
	s31 =	spop (v2sf)  }
0x13e: {  	[tilespmem:s8], [sflag:$0x1] =	stream.linear.gather [hbm4b:s9+s1], $0x80, $0x38;
	[tilespmem:$0x10400] =	vst v63  }
0x13f: {  	s10 =	sadd.s32 s3, s10;
	s11 =	sand.u32 $0x1FFFFFF0, s31;
	s13 =	spop (v2sf)  }
0x140: {  	[tilespmem:s12], [sflag:$0x1] =	stream.linear.gather [hbm4b:s10+s1], $0x80, $0x38;
	[tilespmem:$0x10400] =	vst v63  }
0x141: {  	s8 =	sadd.s32 s3, s11;
	s9 =	sand.u32 $0x1FFFFFF0, s13;
	s14 =	spop (v2sf)  }
0x142: {  	[tilespmem:s7], [sflag:$0x1] =	stream.linear.gather [hbm4b:s8+s1], $0x80, $0x38;
	[tilespmem:$0x10400] =	vst v63  }
0x143: {  	s15 =	sand.u32 $0x1FFFFFF0, s14;
	s9 =	sadd.s32 s3, s9;
	s16 =	spop (v2sf)  }
0x144: {  	[tilespmem:s0], [sflag:$0x1] =	stream.linear.gather [hbm4b:s9+s1], $0x80, $0x38;
	[tilespmem:$0x10400] =	vst v63  }
0x145: {  	s17 =	sand.u32 $0x1FFFFFF0, s16;
	s19 =	spop (v2sf);
	s7 =	sadd.s32 s3, s15  }
0x146: {  	[tilespmem:s4], [sflag:$0x1] =	stream.linear.gather [hbm4b:s7+s1], $0x80, $0x38;
	[tilespmem:$0x10400] =	vst v63  }
0x147: {  	s26 =	sadd.s32 $0xB00, s25;
	s21 =	sand.u32 $0x1FFFFFF0, s19;
	s0 =	sadd.s32 s3, s17  }
0x148: {  	[tilespmem:s26], [sflag:$0x1] =	stream.linear.gather [hbm4b:s0+s1], $0x80, $0x38;
	[tilespmem:$0x10400] =	vst v63  }
0x149: {  	s29 =	sadd.s32 $0xB80, s25;
	s4 =	sadd.s32 s3, s21  }
0x14a: {  	[tilespmem:s29], [sflag:$0x1] =	stream.linear.gather [hbm4b:s4+s1], $0x80, $0x38;
	[tilespmem:$0x10400] =	vst v63  }
0x14b: {  	_ =	swait.ge [sflag:s22], $0x8000  }
0x14c: {  	[sflag:s22] =	ssyncset.done $0x0  }
0x14d: {  	s25 =	simm.s32 $0x0;
	s30 =	rddreg [dreg:$0x7];
	[sflag:s22] =	ssyncadd.s32 $0xFFFF8000  }
0x14e: {  	[hbm4b:s30+s25] =	stream.linear.scatter [tilespmem:s23], [sflag:$0x3], $0x8000, $0x38;
	[tilespmem:$0x10400] =	vst v63  }
0x14f: {  	_ =	swait.ge [sflag:s18], $0x8000  }
0x150: {  	[sflag:s18] =	ssyncset.done $0x0  }
0x151: {  	s31 =	sand.u32 $0xF0, s25;
	[sflag:s18] =	ssyncadd.s32 $0xFFFF8000  }
0x152: {  	v0 =	vld [tilespmem:s31+$0x300];
	_ =	sdelay $0x4  }
0x153: {  	v0 =	vshll.u32 v0, $0x4  }
0x154: {  	(v2sf) =	vpush v0, $0x0  }
0x155: {  	(v2sf) =	vpush v0, $0x2  }
0x156: {  	(v2sf) =	vpush v0, $0x1;
	_ =	sdelay $0x1  }
0x157: {  	(v2sf) =	vpush v0, $0x3  }
0x158: {  	(v2sf) =	vpush v0, $0x4;
	_ =	sdelay $0x2  }
0x159: {  	s28 =	simm.s32 $0x10;
	s26 =	simm.s32 $0x2000  }
.LBB2_8:
0x15a: {  	p0 =	sne.s32 s26, $0x1E000;
	(v2sf) =	vpush v0, $0x5;
	s0 =	smov.u32 s26;
	s26 =	sadd.s32 $0x2000, s26  }
0x15b: {  	s29 =	sshra.s32 s25, $0x2;
	s25 =	smov.u32 s0  }
0x15c: {  	s10 =	sadd.s32 $0x8480, s29;
	(v2sf) =	vpush v0, $0x6  }
0x15d: {  	s11 =	sadd.s32 $0x8400, s29  }
0x15e: {  	s30 =	sadd.s32 $0x8980, s29;
	s4 =	sadd.s32 $0x8A00, s29;
	s0 =	sadd.s32 $0x8A80, s29;
	(v2sf) =	vpush v0, $0x7  }
0x15f: {  	s8 =	sadd.s32 $0x8800, s29;
	s7 =	sadd.s32 $0x8880, s29;
	s31 =	sadd.s32 $0x8900, s29  }
0x160: {  	s12 =	sadd.s32 $0x8700, s29;
	s9 =	sadd.s32 $0x8780, s29;
	s13 =	spop (v2sf);
	(v2sf) =	vpush v0, $0x8  }
0x161: {  	s14 =	sadd.s32 $0x8500, s29;
	s13 =	sand.u32 $0x1FFFFFF0, s13;
	s15 =	spop (v2sf)  }
0x162: {  	s16 =	sadd.s32 $0x8680, s29;
	s13 =	sadd.s32 s3, s13;
	s17 =	spop (v2sf);
	(v2sf) =	vpush v0, $0x9  }
0x163: {  	[tilespmem:s11], [sflag:$0x2] =	stream.linear.gather [hbm4b:s13+s1], $0x80, $0x38;
	[tilespmem:$0x10400] =	vst v63  }
0x164: {  	s11 =	sand.u32 $0x1FFFFFF0, s17;
	s13 =	sand.u32 $0x1FFFFFF0, s15;
	s15 =	spop (v2sf);
	(v2sf) =	vpush v0, $0xA  }
0x165: {  	s17 =	sadd.s32 $0x8600, s29;
	s11 =	sadd.s32 s3, s11;
	s19 =	spop (v2sf)  }
0x166: {  	[tilespmem:s10], [sflag:$0x2] =	stream.linear.gather [hbm4b:s11+s1], $0x80, $0x38;
	(v2sf) =	vpush v0, $0xB;
	[tilespmem:$0x10400] =	vst v63  }
0x167: {  	s10 =	sadd.s32 s3, s13;
	s11 =	sand.u32 $0x1FFFFFF0, s15;
	s13 =	sand.u32 $0x1FFFFFF0, s19  }
0x168: {  	[tilespmem:s14], [sflag:$0x2] =	stream.linear.gather [hbm4b:s10+s1], $0x80, $0x38;
	(v2sf) =	vpush v0, $0xC;
	[tilespmem:$0x10400] =	vst v63  }
0x169: {  	s11 =	sadd.s32 s3, s11;
	s10 =	sadd.s32 $0x8580, s29;
	s14 =	spop (v2sf)  }
0x16a: {  	[tilespmem:s10], [sflag:$0x2] =	stream.linear.gather [hbm4b:s11+s1], $0x80, $0x38;
	(v2sf) =	vpush v0, $0xD;
	[tilespmem:$0x10400] =	vst v63  }
0x16b: {  	s10 =	sadd.s32 s3, s13;
	s11 =	sand.u32 $0x1FFFFFF0, s14;
	s13 =	spop (v2sf)  }
0x16c: {  	[tilespmem:s17], [sflag:$0x2] =	stream.linear.gather [hbm4b:s10+s1], $0x80, $0x38;
	(v2sf) =	vpush v0, $0xE;
	[tilespmem:$0x10400] =	vst v63  }
0x16d: {  	s10 =	sadd.s32 s3, s11;
	s11 =	sand.u32 $0x1FFFFFF0, s13;
	s13 =	spop (v2sf)  }
0x16e: {  	[tilespmem:s16], [sflag:$0x2] =	stream.linear.gather [hbm4b:s10+s1], $0x80, $0x38;
	(v2sf) =	vpush v0, $0xF;
	[tilespmem:$0x10400] =	vst v63  }
0x16f: {  	s10 =	sadd.s32 s3, s11;
	s11 =	sand.u32 $0x1FFFFFF0, s13;
	s13 =	spop (v2sf)  }
0x170: {  	[tilespmem:s12], [sflag:$0x2] =	stream.linear.gather [hbm4b:s10+s1], $0x80, $0x38;
	[tilespmem:$0x10400] =	vst v63  }
0x171: {  	s10 =	sadd.s32 s3, s11;
	s11 =	sand.u32 $0x1FFFFFF0, s13;
	s12 =	spop (v2sf)  }
0x172: {  	[tilespmem:s9], [sflag:$0x2] =	stream.linear.gather [hbm4b:s10+s1], $0x80, $0x38;
	[tilespmem:$0x10400] =	vst v63  }
0x173: {  	s9 =	sadd.s32 s3, s11;
	s10 =	sand.u32 $0x1FFFFFF0, s12;
	s11 =	spop (v2sf)  }
0x174: {  	[tilespmem:s8], [sflag:$0x2] =	stream.linear.gather [hbm4b:s9+s1], $0x80, $0x38;
	[tilespmem:$0x10400] =	vst v63  }
0x175: {  	s8 =	sadd.s32 s3, s10;
	s9 =	sand.u32 $0x1FFFFFF0, s11;
	s10 =	spop (v2sf)  }
0x176: {  	[tilespmem:s7], [sflag:$0x2] =	stream.linear.gather [hbm4b:s8+s1], $0x80, $0x38;
	[tilespmem:$0x10400] =	vst v63  }
0x177: {  	s7 =	sadd.s32 s3, s9;
	s8 =	sand.u32 $0x1FFFFFF0, s10;
	s9 =	spop (v2sf)  }
0x178: {  	[tilespmem:s31], [sflag:$0x2] =	stream.linear.gather [hbm4b:s7+s1], $0x80, $0x38;
	[tilespmem:$0x10400] =	vst v63  }
0x179: {  	s7 =	sadd.s32 s3, s8;
	s8 =	sand.u32 $0x1FFFFFF0, s9;
	s9 =	spop (v2sf)  }
0x17a: {  	[tilespmem:s30], [sflag:$0x2] =	stream.linear.gather [hbm4b:s7+s1], $0x80, $0x38;
	[tilespmem:$0x10400] =	vst v63  }
0x17b: {  	s7 =	sadd.s32 s3, s8;
	s8 =	sand.u32 $0x1FFFFFF0, s9;
	s9 =	spop (v2sf)  }
0x17c: {  	[tilespmem:s4], [sflag:$0x2] =	stream.linear.gather [hbm4b:s7+s1], $0x80, $0x38;
	[tilespmem:$0x10400] =	vst v63  }
0x17d: {  	s4 =	sadd.s32 s3, s8;
	s7 =	sand.u32 $0x1FFFFFF0, s9;
	s8 =	spop (v2sf)  }
0x17e: {  	[tilespmem:s0], [sflag:$0x2] =	stream.linear.gather [hbm4b:s4+s1], $0x80, $0x38;
	[tilespmem:$0x10400] =	vst v63  }
0x17f: {  	s0 =	sadd.s32 $0x8B00, s29;
	s4 =	sadd.s32 s3, s7;
	s7 =	sand.u32 $0x1FFFFFF0, s8  }
0x180: {  	[tilespmem:s0], [sflag:$0x2] =	stream.linear.gather [hbm4b:s4+s1], $0x80, $0x38;
	[tilespmem:$0x10400] =	vst v63  }
0x181: {  	s7 =	sadd.s32 s3, s7;
	s0 =	sand.u32 $0xF0, s28;
	s4 =	sadd.s32 $0x8B80, s29  }
0x182: {  	[tilespmem:s4], [sflag:$0x2] =	stream.linear.gather [hbm4b:s7+s1], $0x80, $0x38;
	[tilespmem:$0x10400] =	vst v63  }
0x183: {  	v0 =	vld [tilespmem:s0+$0x300];
	_ =	sdelay $0x4  }
0x184: {  	v0 =	vshll.u32 v0, $0x4  }
0x185: {  	(v2sf) =	vpush v0, $0x0  }
0x186: {  	(v2sf) =	vpush v0, $0x2  }
0x187: {  	(v2sf) =	vpush v0, $0x1;
	_ =	sdelay $0x1  }
.Ltmp3:
0x188: {  	(v2sf) =	vpush v0, $0x3;
	(pc) =	sbr.rel @p0 .LBB2_8-.Ltmp3, $2  }
0x189: {  	(v2sf) =	vpush v0, $0x4;
	_ =	sdelay $0x2  }
0x18a: {  	s28 =	sadd.s32 $0x10, s28  }
0x18b: {  	(v2sf) =	vpush v0, $0x5;
	_ =	sdelay $0x1  }
0x18c: {  	s0 =	sshra.s32 s25, $0x2;
	(v2sf) =	vpush v0, $0x6  }
0x18d: {  	s9 =	sadd.s32 $0x8480, s0;
	s10 =	sadd.s32 $0x8400, s0  }
0x18e: {  	s8 =	sadd.s32 $0x8980, s0;
	s7 =	sadd.s32 $0x8A00, s0;
	s4 =	sadd.s32 $0x8A80, s0;
	(v2sf) =	vpush v0, $0x7  }
0x18f: {  	s11 =	sadd.s32 $0x8800, s0;
	s12 =	sadd.s32 $0x8880, s0;
	s13 =	sadd.s32 $0x8900, s0  }
0x190: {  	s14 =	sadd.s32 $0x8700, s0;
	s15 =	sadd.s32 $0x8780, s0;
	s16 =	spop (v2sf);
	(v2sf) =	vpush v0, $0x8  }
0x191: {  	s17 =	sadd.s32 $0x8500, s0;
	s16 =	sand.u32 $0x1FFFFFF0, s16;
	s19 =	spop (v2sf)  }
0x192: {  	s21 =	sadd.s32 $0x8680, s0;
	s16 =	sadd.s32 s3, s16;
	s26 =	spop (v2sf);
	(v2sf) =	vpush v0, $0x9  }
0x193: {  	[tilespmem:s10], [sflag:$0x2] =	stream.linear.gather [hbm4b:s16+s1], $0x80, $0x38;
	[tilespmem:$0x10400] =	vst v63  }
0x194: {  	s25 =	sadd.s32 $0x8600, s0;
	s29 =	sand.u32 $0x1FFFFFF0, s26;
	s31 =	spop (v2sf);
	(v2sf) =	vpush v0, $0xA  }
0x195: {  	s30 =	sand.u32 $0x1FFFFFF0, s19;
	s10 =	sadd.s32 s3, s29;
	s26 =	spop (v2sf)  }
0x196: {  	[tilespmem:s9], [sflag:$0x2] =	stream.linear.gather [hbm4b:s10+s1], $0x80, $0x38;
	(v2sf) =	vpush v0, $0xB;
	[tilespmem:$0x10400] =	vst v63  }
0x197: {  	s19 =	sadd.s32 $0x8580, s0;
	s29 =	sadd.s32 s3, s30;
	s30 =	sand.u32 $0x1FFFFFF0, s31  }
0x198: {  	(v2sf) =	vpush v0, $0xC;
	[tilespmem:s17], [sflag:$0x2] =	stream.linear.gather [hbm4b:s29+s1], $0x80, $0x38;
	[tilespmem:$0x10400] =	vst v63  }
0x199: {  	s31 =	sand.u32 $0x1FFFFFF0, s26;
	s10 =	sadd.s32 s3, s30;
	s26 =	spop (v2sf)  }
0x19a: {  	[tilespmem:s19], [sflag:$0x2] =	stream.linear.gather [hbm4b:s10+s1], $0x80, $0x38;
	(v2sf) =	vpush v0, $0xD;
	[tilespmem:$0x10400] =	vst v63  }
0x19b: {  	s29 =	sadd.s32 s3, s31;
	s30 =	sand.u32 $0x1FFFFFF0, s26;
	s31 =	spop (v2sf)  }
0x19c: {  	(v2sf) =	vpush v0, $0xE;
	[tilespmem:s25], [sflag:$0x2] =	stream.linear.gather [hbm4b:s29+s1], $0x80, $0x38;
	[tilespmem:$0x10400] =	vst v63  }
0x19d: {  	s10 =	sadd.s32 s3, s30;
	s17 =	sand.u32 $0x1FFFFFF0, s31;
	s19 =	spop (v2sf)  }
0x19e: {  	(v2sf) =	vpush v0, $0xF;
	[tilespmem:s21], [sflag:$0x2] =	stream.linear.gather [hbm4b:s10+s1], $0x80, $0x38;
	[tilespmem:$0x10400] =	vst v63  }
0x19f: {  	s25 =	sand.u32 $0x1FFFFFF0, s19;
	s21 =	sadd.s32 s3, s17;
	s26 =	spop (v2sf)  }
0x1a0: {  	[tilespmem:s14], [sflag:$0x2] =	stream.linear.gather [hbm4b:s21+s1], $0x80, $0x38;
	[tilespmem:$0x10400] =	vst v63  }
0x1a1: {  	s29 =	sadd.s32 s3, s25;
	s30 =	sand.u32 $0x1FFFFFF0, s26;
	s31 =	spop (v2sf)  }
0x1a2: {  	[tilespmem:s15], [sflag:$0x2] =	stream.linear.gather [hbm4b:s29+s1], $0x80, $0x38;
	[tilespmem:$0x10400] =	vst v63  }
0x1a3: {  	s16 =	sadd.s32 s3, s30;
	s17 =	sand.u32 $0x1FFFFFF0, s31;
	s19 =	spop (v2sf)  }
0x1a4: {  	[tilespmem:s11], [sflag:$0x2] =	stream.linear.gather [hbm4b:s16+s1], $0x80, $0x38;
	[tilespmem:$0x10400] =	vst v63  }
0x1a5: {  	s21 =	sadd.s32 s3, s17;
	s25 =	sand.u32 $0x1FFFFFF0, s19;
	s26 =	spop (v2sf)  }
0x1a6: {  	[tilespmem:s12], [sflag:$0x2] =	stream.linear.gather [hbm4b:s21+s1], $0x80, $0x38;
	[tilespmem:$0x10400] =	vst v63  }
0x1a7: {  	s29 =	sadd.s32 s3, s25;
	s30 =	sand.u32 $0x1FFFFFF0, s26;
	s31 =	spop (v2sf)  }
0x1a8: {  	[tilespmem:s13], [sflag:$0x2] =	stream.linear.gather [hbm4b:s29+s1], $0x80, $0x38;
	[tilespmem:$0x10400] =	vst v63  }
0x1a9: {  	s10 =	sadd.s32 s3, s30;
	s11 =	sand.u32 $0x1FFFFFF0, s31;
	s12 =	spop (v2sf)  }
0x1aa: {  	[tilespmem:s8], [sflag:$0x2] =	stream.linear.gather [hbm4b:s10+s1], $0x80, $0x38;
	[tilespmem:$0x10400] =	vst v63  }
0x1ab: {  	s13 =	sadd.s32 s3, s11;
	s14 =	sand.u32 $0x1FFFFFF0, s12;
	s15 =	spop (v2sf)  }
0x1ac: {  	[tilespmem:s7], [sflag:$0x2] =	stream.linear.gather [hbm4b:s13+s1], $0x80, $0x38;
	[tilespmem:$0x10400] =	vst v63  }
0x1ad: {  	s16 =	sadd.s32 s3, s14;
	s17 =	sand.u32 $0x1FFFFFF0, s15;
	s19 =	spop (v2sf)  }
0x1ae: {  	[tilespmem:s4], [sflag:$0x2] =	stream.linear.gather [hbm4b:s16+s1], $0x80, $0x38;
	[tilespmem:$0x10400] =	vst v63  }
0x1af: {  	s21 =	sadd.s32 $0x8B00, s0;
	s25 =	sadd.s32 s3, s17;
	s26 =	sand.u32 $0x1FFFFFF0, s19  }
0x1b0: {  	[tilespmem:s21], [sflag:$0x2] =	stream.linear.gather [hbm4b:s25+s1], $0x80, $0x38;
	[tilespmem:$0x10400] =	vst v63  }
0x1b1: {  	s0 =	sadd.s32 $0x8B80, s0;
	s29 =	sadd.s32 s3, s26  }
0x1b2: {  	[tilespmem:s0], [sflag:$0x2] =	stream.linear.gather [hbm4b:s29+s1], $0x80, $0x38;
	[tilespmem:$0x10400] =	vst v63  }
0x1b3: {  	_ =	swait.ge [sflag:s20], $0x8000  }
0x1b4: {  	s31 =	simm.s32 $0x400;
	[sflag:s20] =	ssyncset.done $0x0  }
0x1b5: {  	s26 =	simm.s32 $0x0;
	s30 =	rddreg [dreg:$0x8];
	[sflag:s20] =	ssyncadd.s32 $0xFFFF8000  }
0x1b6: {  	[hbm4b:s30+s26] =	stream.linear.scatter [tilespmem:s31], [sflag:$0x3], $0x8000, $0x38;
	[tilespmem:$0x10400] =	vst v63  }
0x1b7: {  	_ =	swait.ge [sflag:s18], $0x8000  }
0x1b8: {  	[sflag:s18] =	ssyncset.done $0x0  }
0x1b9: {  	[sflag:s18] =	ssyncadd.s32 $0xFFFF8000  }
0x1ba: {  	v0 =	vld [tilespmem:s26+$0x0];
	_ =	sdelay $0x4  }
0x1bb: {  	v0 =	vshll.u32 v0, $0x4  }
0x1bc: {  	(v2sf) =	vpush v0, $0x0  }
0x1bd: {  	(v2sf) =	vpush v0, $0x1  }
0x1be: {  	(v2sf) =	vpush v0, $0x2;
	_ =	sdelay $0x1  }
0x1bf: {  	(v2sf) =	vpush v0, $0x4;
	_ =	sdelay $0x1  }
0x1c0: {  	(v2sf) =	vpush v0, $0x3  }
0x1c1: {  	(v2sf) =	vpush v0, $0x5  }
0x1c2: {  	s28 =	simm.s32 $0x2000;
	s25 =	simm.s32 $0x0;
	(v2sf) =	vpush v0, $0x6  }
.LBB2_10:
0x1c3: {  	p0 =	sne.s32 s28, $0x1E000  }
0x1c4: {  	s11 =	sadd.s32 $0x480, s25;
	s30 =	sadd.s32 $0x980, s25;
	s29 =	smov.u32 s28  }
0x1c5: {  	s28 =	sadd.s32 $0x2000, s28;
	s19 =	sadd.s32 $0x780, s25;
	s0 =	sadd.s32 $0xA00, s25;
	(v2sf) =	vpush v0, $0x7  }
0x1c6: {  	s10 =	sadd.s32 $0x680, s25;
	s8 =	sadd.s32 $0x800, s25;
	s4 =	sadd.s32 $0xA80, s25  }
0x1c7: {  	s12 =	sadd.s32 $0x400, s25;
	s13 =	sadd.s32 $0x600, s25;
	(v2sf) =	vpush v0, $0x8  }
0x1c8: {  	s14 =	sadd.s32 $0x700, s25;
	s26 =	sadd.s32 $0x10, s26  }
0x1c9: {  	s15 =	sadd.s32 $0x500, s25;
	s7 =	sadd.s32 $0x900, s25;
	s9 =	spop (v2sf);
	(v2sf) =	vpush v0, $0x9  }
0x1ca: {  	s16 =	sand.u32 $0x1FFFFFF0, s9;
	s9 =	sadd.s32 $0x880, s25;
	s17 =	spop (v2sf)  }
0x1cb: {  	s16 =	sadd.s32 s5, s16;
	s17 =	sand.u32 $0x1FFFFFF0, s17;
	s21 =	spop (v2sf);
	(v2sf) =	vpush v0, $0xA  }
0x1cc: {  	[tilespmem:s12], [sflag:$0x1] =	stream.linear.gather [hbm4b:s16+s1], $0x80, $0x38;
	[tilespmem:$0x10400] =	vst v63  }
0x1cd: {  	s12 =	sadd.s32 s5, s17;
	s16 =	sadd.s32 $0x580, s25;
	s17 =	spop (v2sf);
	(v2sf) =	vpush v0, $0xB  }
0x1ce: {  	[tilespmem:s11], [sflag:$0x1] =	stream.linear.gather [hbm4b:s12+s1], $0x80, $0x38;
	[tilespmem:$0x10400] =	vst v63  }
0x1cf: {  	s11 =	sand.u32 $0x1FFFFFF0, s21;
	s12 =	sand.u32 $0x1FFFFFF0, s17;
	s17 =	spop (v2sf);
	(v2sf) =	vpush v0, $0xC  }
0x1d0: {  	s11 =	sadd.s32 s5, s11;
	s17 =	sand.u32 $0x1FFFFFF0, s17;
	s21 =	spop (v2sf)  }
0x1d1: {  	[tilespmem:s15], [sflag:$0x1] =	stream.linear.gather [hbm4b:s11+s1], $0x80, $0x38;
	(v2sf) =	vpush v0, $0xD;
	[tilespmem:$0x10400] =	vst v63  }
0x1d2: {  	s11 =	sadd.s32 s5, s17;
	s15 =	sand.u32 $0x1FFFFFF0, s21;
	s17 =	spop (v2sf)  }
0x1d3: {  	[tilespmem:s16], [sflag:$0x1] =	stream.linear.gather [hbm4b:s11+s1], $0x80, $0x38;
	(v2sf) =	vpush v0, $0xE;
	[tilespmem:$0x10400] =	vst v63  }
0x1d4: {  	s11 =	sadd.s32 s5, s12;
	s12 =	sand.u32 $0x1FFFFFF0, s17;
	s16 =	spop (v2sf)  }
0x1d5: {  	[tilespmem:s13], [sflag:$0x1] =	stream.linear.gather [hbm4b:s11+s1], $0x80, $0x38;
	(v2sf) =	vpush v0, $0xF;
	[tilespmem:$0x10400] =	vst v63  }
0x1d6: {  	s11 =	sadd.s32 s5, s15;
	s13 =	sand.u32 $0x1FFFFFF0, s16;
	s15 =	spop (v2sf)  }
0x1d7: {  	[tilespmem:s10], [sflag:$0x1] =	stream.linear.gather [hbm4b:s11+s1], $0x80, $0x38;
	[tilespmem:$0x10400] =	vst v63  }
0x1d8: {  	s10 =	sadd.s32 s5, s12;
	s11 =	sand.u32 $0x1FFFFFF0, s15;
	s12 =	spop (v2sf)  }
0x1d9: {  	[tilespmem:s14], [sflag:$0x1] =	stream.linear.gather [hbm4b:s10+s1], $0x80, $0x38;
	[tilespmem:$0x10400] =	vst v63  }
0x1da: {  	s10 =	sadd.s32 s5, s13;
	s12 =	sand.u32 $0x1FFFFFF0, s12;
	s13 =	spop (v2sf)  }
0x1db: {  	[tilespmem:s19], [sflag:$0x1] =	stream.linear.gather [hbm4b:s10+s1], $0x80, $0x38;
	[tilespmem:$0x10400] =	vst v63  }
0x1dc: {  	s10 =	sadd.s32 s5, s11;
	s11 =	sand.u32 $0x1FFFFFF0, s13;
	s13 =	spop (v2sf)  }
0x1dd: {  	[tilespmem:s8], [sflag:$0x1] =	stream.linear.gather [hbm4b:s10+s1], $0x80, $0x38;
	[tilespmem:$0x10400] =	vst v63  }
0x1de: {  	s8 =	sadd.s32 s5, s12;
	s10 =	sand.u32 $0x1FFFFFF0, s13;
	s12 =	spop (v2sf)  }
0x1df: {  	[tilespmem:s9], [sflag:$0x1] =	stream.linear.gather [hbm4b:s8+s1], $0x80, $0x38;
	[tilespmem:$0x10400] =	vst v63  }
0x1e0: {  	s8 =	sadd.s32 s5, s11;
	s9 =	sand.u32 $0x1FFFFFF0, s12;
	s11 =	spop (v2sf)  }
0x1e1: {  	[tilespmem:s7], [sflag:$0x1] =	stream.linear.gather [hbm4b:s8+s1], $0x80, $0x38;
	[tilespmem:$0x10400] =	vst v63  }
0x1e2: {  	s7 =	sadd.s32 s5, s10;
	s8 =	sand.u32 $0x1FFFFFF0, s11;
	s10 =	spop (v2sf)  }
0x1e3: {  	[tilespmem:s30], [sflag:$0x1] =	stream.linear.gather [hbm4b:s7+s1], $0x80, $0x38;
	[tilespmem:$0x10400] =	vst v63  }
0x1e4: {  	s7 =	sadd.s32 s5, s9;
	s9 =	sand.u32 $0x1FFFFFF0, s10;
	s10 =	spop (v2sf)  }
0x1e5: {  	[tilespmem:s0], [sflag:$0x1] =	stream.linear.gather [hbm4b:s7+s1], $0x80, $0x38;
	[tilespmem:$0x10400] =	vst v63  }
0x1e6: {  	s0 =	sadd.s32 s5, s8;
	s7 =	sand.u32 $0x1FFFFFF0, s10  }
0x1e7: {  	[tilespmem:s4], [sflag:$0x1] =	stream.linear.gather [hbm4b:s0+s1], $0x80, $0x38;
	[tilespmem:$0x10400] =	vst v63  }
0x1e8: {  	s0 =	sadd.s32 $0xB00, s25;
	s4 =	sadd.s32 s5, s9  }
0x1e9: {  	[tilespmem:s0], [sflag:$0x1] =	stream.linear.gather [hbm4b:s4+s1], $0x80, $0x38;
	[tilespmem:$0x10400] =	vst v63  }
0x1ea: {  	s0 =	sadd.s32 $0xB80, s25;
	s4 =	sadd.s32 s5, s7  }
0x1eb: {  	[tilespmem:s0], [sflag:$0x1] =	stream.linear.gather [hbm4b:s4+s1], $0x80, $0x38;
	[tilespmem:$0x10400] =	vst v63  }
0x1ec: {  	v0 =	vld [tilespmem:s26+$0x0];
	_ =	sdelay $0x4  }
0x1ed: {  	v0 =	vshll.u32 v0, $0x4  }
0x1ee: {  	(v2sf) =	vpush v0, $0x0  }
0x1ef: {  	(v2sf) =	vpush v0, $0x1  }
0x1f0: {  	(v2sf) =	vpush v0, $0x2;
	_ =	sdelay $0x1  }
0x1f1: {  	(v2sf) =	vpush v0, $0x4  }
.Ltmp4:
0x1f2: {  	(pc) =	sbr.rel @p0 .LBB2_10-.Ltmp4, $3  }
0x1f3: {  	(v2sf) =	vpush v0, $0x3  }
0x1f4: {  	(v2sf) =	vpush v0, $0x5;
	_ =	sdelay $0x1  }
0x1f5: {  	s25 =	sshra.s32 s29, $0x2;
	(v2sf) =	vpush v0, $0x6  }
0x1f6: {  	_ =	sdelay $0x1  }
0x1f7: {  	s8 =	sadd.s32 $0x480, s25;
	s7 =	sadd.s32 $0x980, s25  }
0x1f8: {  	s9 =	sadd.s32 $0x780, s25;
	s0 =	sadd.s32 $0xA00, s25;
	(v2sf) =	vpush v0, $0x7;
	s10 =	sadd.s32 $0x680, s25  }
0x1f9: {  	s11 =	sadd.s32 $0x800, s25;
	s4 =	sadd.s32 $0xA80, s25;
	s12 =	sadd.s32 $0x400, s25  }
0x1fa: {  	s13 =	sadd.s32 $0x600, s25;
	s14 =	sadd.s32 $0x700, s25;
	(v2sf) =	vpush v0, $0x8;
	s15 =	spop (v2sf)  }
0x1fb: {  	s16 =	sadd.s32 $0x500, s25;
	s15 =	sand.u32 $0x1FFFFFF0, s15;
	s17 =	spop (v2sf)  }
0x1fc: {  	(v2sf) =	vpush v0, $0x9;
	s15 =	sadd.s32 s5, s15;
	s17 =	sand.u32 $0x1FFFFFF0, s17;
	s19 =	spop (v2sf)  }
0x1fd: {  	[tilespmem:s12], [sflag:$0x1] =	stream.linear.gather [hbm4b:s15+s1], $0x80, $0x38;
	[tilespmem:$0x10400] =	vst v63  }
0x1fe: {  	s21 =	sadd.s32 $0x580, s25;
	(v2sf) =	vpush v0, $0xA;
	s30 =	sadd.s32 s5, s17;
	s31 =	spop (v2sf)  }
0x1ff: {  	[tilespmem:s8], [sflag:$0x1] =	stream.linear.gather [hbm4b:s30+s1], $0x80, $0x38;
	[tilespmem:$0x10400] =	vst v63  }
0x200: {  	s12 =	sadd.s32 $0x900, s25;
	s26 =	sand.u32 $0x1FFFFFF0, s19;
	(v2sf) =	vpush v0, $0xB;
	s29 =	spop (v2sf)  }
0x201: {  	s15 =	sadd.s32 s5, s26;
	s8 =	sadd.s32 $0x880, s25;
	s19 =	sand.u32 $0x1FFFFFF0, s29  }
0x202: {  	(v2sf) =	vpush v0, $0xC;
	[tilespmem:s16], [sflag:$0x1] =	stream.linear.gather [hbm4b:s15+s1], $0x80, $0x38;
	[tilespmem:$0x10400] =	vst v63  }
0x203: {  	s30 =	sand.u32 $0x1FFFFFF0, s31;
	s31 =	spop (v2sf);
	s26 =	sadd.s32 s5, s19  }
0x204: {  	(v2sf) =	vpush v0, $0xD;
	[tilespmem:s21], [sflag:$0x1] =	stream.linear.gather [hbm4b:s26+s1], $0x80, $0x38;
	[tilespmem:$0x10400] =	vst v63  }
0x205: {  	s15 =	sadd.s32 s5, s30;
	s16 =	sand.u32 $0x1FFFFFF0, s31;
	s29 =	spop (v2sf)  }
0x206: {  	(v2sf) =	vpush v0, $0xE;
	[tilespmem:s13], [sflag:$0x1] =	stream.linear.gather [hbm4b:s15+s1], $0x80, $0x38;
	[tilespmem:$0x10400] =	vst v63  }
0x207: {  	s16 =	sadd.s32 s5, s16;
	s30 =	sand.u32 $0x1FFFFFF0, s29;
	s31 =	spop (v2sf)  }
0x208: {  	(v2sf) =	vpush v0, $0xF;
	[tilespmem:s10], [sflag:$0x1] =	stream.linear.gather [hbm4b:s16+s1], $0x80, $0x38;
	[tilespmem:$0x10400] =	vst v63  }
0x209: {  	s17 =	sand.u32 $0x1FFFFFF0, s31;
	s19 =	spop (v2sf);
	s13 =	sadd.s32 s5, s30  }
0x20a: {  	[tilespmem:s14], [sflag:$0x1] =	stream.linear.gather [hbm4b:s13+s1], $0x80, $0x38;
	[tilespmem:$0x10400] =	vst v63  }
0x20b: {  	s21 =	sand.u32 $0x1FFFFFF0, s19;
	s10 =	sadd.s32 s5, s17;
	s26 =	spop (v2sf)  }
0x20c: {  	[tilespmem:s9], [sflag:$0x1] =	stream.linear.gather [hbm4b:s10+s1], $0x80, $0x38;
	[tilespmem:$0x10400] =	vst v63  }
0x20d: {  	s13 =	sadd.s32 s5, s21;
	s29 =	sand.u32 $0x1FFFFFF0, s26;
	s30 =	spop (v2sf)  }
0x20e: {  	[tilespmem:s11], [sflag:$0x1] =	stream.linear.gather [hbm4b:s13+s1], $0x80, $0x38;
	[tilespmem:$0x10400] =	vst v63  }
0x20f: {  	s10 =	sand.u32 $0x1FFFFFF0, s30;
	s9 =	sadd.s32 s5, s29;
	s31 =	spop (v2sf)  }
0x210: {  	[tilespmem:s8], [sflag:$0x1] =	stream.linear.gather [hbm4b:s9+s1], $0x80, $0x38;
	[tilespmem:$0x10400] =	vst v63  }
0x211: {  	s10 =	sadd.s32 s5, s10;
	s11 =	sand.u32 $0x1FFFFFF0, s31;
	s13 =	spop (v2sf)  }
0x212: {  	[tilespmem:s12], [sflag:$0x1] =	stream.linear.gather [hbm4b:s10+s1], $0x80, $0x38;
	[tilespmem:$0x10400] =	vst v63  }
0x213: {  	s8 =	sadd.s32 s5, s11;
	s9 =	sand.u32 $0x1FFFFFF0, s13;
	s14 =	spop (v2sf)  }
0x214: {  	[tilespmem:s7], [sflag:$0x1] =	stream.linear.gather [hbm4b:s8+s1], $0x80, $0x38;
	[tilespmem:$0x10400] =	vst v63  }
0x215: {  	s15 =	sand.u32 $0x1FFFFFF0, s14;
	s9 =	sadd.s32 s5, s9;
	s16 =	spop (v2sf)  }
0x216: {  	[tilespmem:s0], [sflag:$0x1] =	stream.linear.gather [hbm4b:s9+s1], $0x80, $0x38;
	[tilespmem:$0x10400] =	vst v63  }
0x217: {  	s17 =	sand.u32 $0x1FFFFFF0, s16;
	s19 =	spop (v2sf);
	s7 =	sadd.s32 s5, s15  }
0x218: {  	[tilespmem:s4], [sflag:$0x1] =	stream.linear.gather [hbm4b:s7+s1], $0x80, $0x38;
	[tilespmem:$0x10400] =	vst v63  }
0x219: {  	s26 =	sadd.s32 $0xB00, s25;
	s21 =	sand.u32 $0x1FFFFFF0, s19;
	s0 =	sadd.s32 s5, s17  }
0x21a: {  	[tilespmem:s26], [sflag:$0x1] =	stream.linear.gather [hbm4b:s0+s1], $0x80, $0x38;
	[tilespmem:$0x10400] =	vst v63  }
0x21b: {  	s29 =	sadd.s32 $0xB80, s25;
	s4 =	sadd.s32 s5, s21  }
0x21c: {  	[tilespmem:s29], [sflag:$0x1] =	stream.linear.gather [hbm4b:s4+s1], $0x80, $0x38;
	[tilespmem:$0x10400] =	vst v63  }
0x21d: {  	_ =	swait.ge [sflag:s22], $0x8000  }
0x21e: {  	[sflag:s22] =	ssyncset.done $0x0  }
0x21f: {  	s25 =	simm.s32 $0x0;
	s30 =	rddreg [dreg:$0x9];
	[sflag:s22] =	ssyncadd.s32 $0xFFFF8000  }
0x220: {  	[hbm4b:s30+s25] =	stream.linear.scatter [tilespmem:s23], [sflag:$0x3], $0x8000, $0x38;
	[tilespmem:$0x10400] =	vst v63  }
0x221: {  	_ =	swait.ge [sflag:s18], $0x8000  }
0x222: {  	[sflag:s18] =	ssyncset.done $0x0  }
0x223: {  	s31 =	sand.u32 $0xF0, s25;
	[sflag:s18] =	ssyncadd.s32 $0xFFFF8000  }
0x224: {  	v0 =	vld [tilespmem:s31+$0x100];
	_ =	sdelay $0x4  }
0x225: {  	v0 =	vshll.u32 v0, $0x4  }
0x226: {  	(v2sf) =	vpush v0, $0x0  }
0x227: {  	(v2sf) =	vpush v0, $0x2  }
0x228: {  	(v2sf) =	vpush v0, $0x1;
	_ =	sdelay $0x1  }
0x229: {  	(v2sf) =	vpush v0, $0x3  }
0x22a: {  	(v2sf) =	vpush v0, $0x4;
	_ =	sdelay $0x2  }
0x22b: {  	s28 =	simm.s32 $0x10;
	s26 =	simm.s32 $0x2000  }
.LBB2_12:
0x22c: {  	p0 =	sne.s32 s26, $0x1E000;
	(v2sf) =	vpush v0, $0x5;
	s0 =	smov.u32 s26;
	s26 =	sadd.s32 $0x2000, s26  }
0x22d: {  	s29 =	sshra.s32 s25, $0x2;
	s25 =	smov.u32 s0  }
0x22e: {  	s10 =	sadd.s32 $0x8480, s29;
	(v2sf) =	vpush v0, $0x6  }
0x22f: {  	s11 =	sadd.s32 $0x8400, s29  }
0x230: {  	s30 =	sadd.s32 $0x8980, s29;
	s4 =	sadd.s32 $0x8A00, s29;
	s0 =	sadd.s32 $0x8A80, s29;
	(v2sf) =	vpush v0, $0x7  }
0x231: {  	s8 =	sadd.s32 $0x8800, s29;
	s7 =	sadd.s32 $0x8880, s29;
	s31 =	sadd.s32 $0x8900, s29  }
0x232: {  	s12 =	sadd.s32 $0x8700, s29;
	s9 =	sadd.s32 $0x8780, s29;
	s13 =	spop (v2sf);
	(v2sf) =	vpush v0, $0x8  }
0x233: {  	s14 =	sadd.s32 $0x8500, s29;
	s13 =	sand.u32 $0x1FFFFFF0, s13;
	s15 =	spop (v2sf)  }
0x234: {  	s16 =	sadd.s32 $0x8680, s29;
	s13 =	sadd.s32 s5, s13;
	s17 =	spop (v2sf);
	(v2sf) =	vpush v0, $0x9  }
0x235: {  	[tilespmem:s11], [sflag:$0x2] =	stream.linear.gather [hbm4b:s13+s1], $0x80, $0x38;
	[tilespmem:$0x10400] =	vst v63  }
0x236: {  	s11 =	sand.u32 $0x1FFFFFF0, s17;
	s13 =	sand.u32 $0x1FFFFFF0, s15;
	s15 =	spop (v2sf);
	(v2sf) =	vpush v0, $0xA  }
0x237: {  	s17 =	sadd.s32 $0x8600, s29;
	s11 =	sadd.s32 s5, s11;
	s19 =	spop (v2sf)  }
0x238: {  	[tilespmem:s10], [sflag:$0x2] =	stream.linear.gather [hbm4b:s11+s1], $0x80, $0x38;
	(v2sf) =	vpush v0, $0xB;
	[tilespmem:$0x10400] =	vst v63  }
0x239: {  	s10 =	sadd.s32 s5, s13;
	s11 =	sand.u32 $0x1FFFFFF0, s15;
	s13 =	sand.u32 $0x1FFFFFF0, s19  }
0x23a: {  	[tilespmem:s14], [sflag:$0x2] =	stream.linear.gather [hbm4b:s10+s1], $0x80, $0x38;
	(v2sf) =	vpush v0, $0xC;
	[tilespmem:$0x10400] =	vst v63  }
0x23b: {  	s11 =	sadd.s32 s5, s11;
	s10 =	sadd.s32 $0x8580, s29;
	s14 =	spop (v2sf)  }
0x23c: {  	[tilespmem:s10], [sflag:$0x2] =	stream.linear.gather [hbm4b:s11+s1], $0x80, $0x38;
	(v2sf) =	vpush v0, $0xD;
	[tilespmem:$0x10400] =	vst v63  }
0x23d: {  	s10 =	sadd.s32 s5, s13;
	s11 =	sand.u32 $0x1FFFFFF0, s14;
	s13 =	spop (v2sf)  }
0x23e: {  	[tilespmem:s17], [sflag:$0x2] =	stream.linear.gather [hbm4b:s10+s1], $0x80, $0x38;
	(v2sf) =	vpush v0, $0xE;
	[tilespmem:$0x10400] =	vst v63  }
0x23f: {  	s10 =	sadd.s32 s5, s11;
	s11 =	sand.u32 $0x1FFFFFF0, s13;
	s13 =	spop (v2sf)  }
0x240: {  	[tilespmem:s16], [sflag:$0x2] =	stream.linear.gather [hbm4b:s10+s1], $0x80, $0x38;
	(v2sf) =	vpush v0, $0xF;
	[tilespmem:$0x10400] =	vst v63  }
0x241: {  	s10 =	sadd.s32 s5, s11;
	s11 =	sand.u32 $0x1FFFFFF0, s13;
	s13 =	spop (v2sf)  }
0x242: {  	[tilespmem:s12], [sflag:$0x2] =	stream.linear.gather [hbm4b:s10+s1], $0x80, $0x38;
	[tilespmem:$0x10400] =	vst v63  }
0x243: {  	s10 =	sadd.s32 s5, s11;
	s11 =	sand.u32 $0x1FFFFFF0, s13;
	s12 =	spop (v2sf)  }
0x244: {  	[tilespmem:s9], [sflag:$0x2] =	stream.linear.gather [hbm4b:s10+s1], $0x80, $0x38;
	[tilespmem:$0x10400] =	vst v63  }
0x245: {  	s9 =	sadd.s32 s5, s11;
	s10 =	sand.u32 $0x1FFFFFF0, s12;
	s11 =	spop (v2sf)  }
0x246: {  	[tilespmem:s8], [sflag:$0x2] =	stream.linear.gather [hbm4b:s9+s1], $0x80, $0x38;
	[tilespmem:$0x10400] =	vst v63  }
0x247: {  	s8 =	sadd.s32 s5, s10;
	s9 =	sand.u32 $0x1FFFFFF0, s11;
	s10 =	spop (v2sf)  }
0x248: {  	[tilespmem:s7], [sflag:$0x2] =	stream.linear.gather [hbm4b:s8+s1], $0x80, $0x38;
	[tilespmem:$0x10400] =	vst v63  }
0x249: {  	s7 =	sadd.s32 s5, s9;
	s8 =	sand.u32 $0x1FFFFFF0, s10;
	s9 =	spop (v2sf)  }
0x24a: {  	[tilespmem:s31], [sflag:$0x2] =	stream.linear.gather [hbm4b:s7+s1], $0x80, $0x38;
	[tilespmem:$0x10400] =	vst v63  }
0x24b: {  	s7 =	sadd.s32 s5, s8;
	s8 =	sand.u32 $0x1FFFFFF0, s9;
	s9 =	spop (v2sf)  }
0x24c: {  	[tilespmem:s30], [sflag:$0x2] =	stream.linear.gather [hbm4b:s7+s1], $0x80, $0x38;
	[tilespmem:$0x10400] =	vst v63  }
0x24d: {  	s7 =	sadd.s32 s5, s8;
	s8 =	sand.u32 $0x1FFFFFF0, s9;
	s9 =	spop (v2sf)  }
0x24e: {  	[tilespmem:s4], [sflag:$0x2] =	stream.linear.gather [hbm4b:s7+s1], $0x80, $0x38;
	[tilespmem:$0x10400] =	vst v63  }
0x24f: {  	s4 =	sadd.s32 s5, s8;
	s7 =	sand.u32 $0x1FFFFFF0, s9;
	s8 =	spop (v2sf)  }
0x250: {  	[tilespmem:s0], [sflag:$0x2] =	stream.linear.gather [hbm4b:s4+s1], $0x80, $0x38;
	[tilespmem:$0x10400] =	vst v63  }
0x251: {  	s0 =	sadd.s32 $0x8B00, s29;
	s4 =	sadd.s32 s5, s7;
	s7 =	sand.u32 $0x1FFFFFF0, s8  }
0x252: {  	[tilespmem:s0], [sflag:$0x2] =	stream.linear.gather [hbm4b:s4+s1], $0x80, $0x38;
	[tilespmem:$0x10400] =	vst v63  }
0x253: {  	s7 =	sadd.s32 s5, s7;
	s0 =	sand.u32 $0xF0, s28;
	s4 =	sadd.s32 $0x8B80, s29  }
0x254: {  	[tilespmem:s4], [sflag:$0x2] =	stream.linear.gather [hbm4b:s7+s1], $0x80, $0x38;
	[tilespmem:$0x10400] =	vst v63  }
0x255: {  	v0 =	vld [tilespmem:s0+$0x100];
	_ =	sdelay $0x4  }
0x256: {  	v0 =	vshll.u32 v0, $0x4  }
0x257: {  	(v2sf) =	vpush v0, $0x0  }
0x258: {  	(v2sf) =	vpush v0, $0x2  }
0x259: {  	(v2sf) =	vpush v0, $0x1;
	_ =	sdelay $0x1  }
.Ltmp5:
0x25a: {  	(v2sf) =	vpush v0, $0x3;
	(pc) =	sbr.rel @p0 .LBB2_12-.Ltmp5, $2  }
0x25b: {  	(v2sf) =	vpush v0, $0x4;
	_ =	sdelay $0x2  }
0x25c: {  	s28 =	sadd.s32 $0x10, s28  }
0x25d: {  	(v2sf) =	vpush v0, $0x5;
	_ =	sdelay $0x1  }
0x25e: {  	s0 =	sshra.s32 s25, $0x2;
	(v2sf) =	vpush v0, $0x6  }
0x25f: {  	s9 =	sadd.s32 $0x8480, s0;
	s10 =	sadd.s32 $0x8400, s0  }
0x260: {  	s8 =	sadd.s32 $0x8980, s0;
	s7 =	sadd.s32 $0x8A00, s0;
	s4 =	sadd.s32 $0x8A80, s0;
	(v2sf) =	vpush v0, $0x7  }
0x261: {  	s11 =	sadd.s32 $0x8800, s0;
	s12 =	sadd.s32 $0x8880, s0;
	s13 =	sadd.s32 $0x8900, s0  }
0x262: {  	s14 =	sadd.s32 $0x8700, s0;
	s15 =	sadd.s32 $0x8780, s0;
	s16 =	spop (v2sf);
	(v2sf) =	vpush v0, $0x8  }
0x263: {  	s17 =	sadd.s32 $0x8500, s0;
	s16 =	sand.u32 $0x1FFFFFF0, s16;
	s19 =	spop (v2sf)  }
0x264: {  	s21 =	sadd.s32 $0x8680, s0;
	s16 =	sadd.s32 s5, s16;
	s26 =	spop (v2sf);
	(v2sf) =	vpush v0, $0x9  }
0x265: {  	[tilespmem:s10], [sflag:$0x2] =	stream.linear.gather [hbm4b:s16+s1], $0x80, $0x38;
	[tilespmem:$0x10400] =	vst v63  }
0x266: {  	s25 =	sadd.s32 $0x8600, s0;
	s29 =	sand.u32 $0x1FFFFFF0, s26;
	s31 =	spop (v2sf);
	(v2sf) =	vpush v0, $0xA  }
0x267: {  	s30 =	sand.u32 $0x1FFFFFF0, s19;
	s10 =	sadd.s32 s5, s29;
	s26 =	spop (v2sf)  }
0x268: {  	[tilespmem:s9], [sflag:$0x2] =	stream.linear.gather [hbm4b:s10+s1], $0x80, $0x38;
	(v2sf) =	vpush v0, $0xB;
	[tilespmem:$0x10400] =	vst v63  }
0x269: {  	s19 =	sadd.s32 $0x8580, s0;
	s29 =	sadd.s32 s5, s30;
	s30 =	sand.u32 $0x1FFFFFF0, s31  }
0x26a: {  	(v2sf) =	vpush v0, $0xC;
	[tilespmem:s17], [sflag:$0x2] =	stream.linear.gather [hbm4b:s29+s1], $0x80, $0x38;
	[tilespmem:$0x10400] =	vst v63  }
0x26b: {  	s31 =	sand.u32 $0x1FFFFFF0, s26;
	s10 =	sadd.s32 s5, s30;
	s26 =	spop (v2sf)  }
0x26c: {  	[tilespmem:s19], [sflag:$0x2] =	stream.linear.gather [hbm4b:s10+s1], $0x80, $0x38;
	(v2sf) =	vpush v0, $0xD;
	[tilespmem:$0x10400] =	vst v63  }
0x26d: {  	s29 =	sadd.s32 s5, s31;
	s30 =	sand.u32 $0x1FFFFFF0, s26;
	s31 =	spop (v2sf)  }
0x26e: {  	(v2sf) =	vpush v0, $0xE;
	[tilespmem:s25], [sflag:$0x2] =	stream.linear.gather [hbm4b:s29+s1], $0x80, $0x38;
	[tilespmem:$0x10400] =	vst v63  }
0x26f: {  	s10 =	sadd.s32 s5, s30;
	s17 =	sand.u32 $0x1FFFFFF0, s31;
	s19 =	spop (v2sf)  }
0x270: {  	(v2sf) =	vpush v0, $0xF;
	[tilespmem:s21], [sflag:$0x2] =	stream.linear.gather [hbm4b:s10+s1], $0x80, $0x38;
	[tilespmem:$0x10400] =	vst v63  }
0x271: {  	s25 =	sand.u32 $0x1FFFFFF0, s19;
	s21 =	sadd.s32 s5, s17;
	s26 =	spop (v2sf)  }
0x272: {  	[tilespmem:s14], [sflag:$0x2] =	stream.linear.gather [hbm4b:s21+s1], $0x80, $0x38;
	[tilespmem:$0x10400] =	vst v63  }
0x273: {  	s29 =	sadd.s32 s5, s25;
	s30 =	sand.u32 $0x1FFFFFF0, s26;
	s31 =	spop (v2sf)  }
0x274: {  	[tilespmem:s15], [sflag:$0x2] =	stream.linear.gather [hbm4b:s29+s1], $0x80, $0x38;
	[tilespmem:$0x10400] =	vst v63  }
0x275: {  	s10 =	sadd.s32 s5, s30;
	s14 =	sand.u32 $0x1FFFFFF0, s31;
	s15 =	spop (v2sf)  }
0x276: {  	[tilespmem:s11], [sflag:$0x2] =	stream.linear.gather [hbm4b:s10+s1], $0x80, $0x38;
	[tilespmem:$0x10400] =	vst v63  }
0x277: {  	s16 =	sadd.s32 s5, s14;
	s17 =	sand.u32 $0x1FFFFFF0, s15;
	s19 =	spop (v2sf)  }
0x278: {  	[tilespmem:s12], [sflag:$0x2] =	stream.linear.gather [hbm4b:s16+s1], $0x80, $0x38;
	[tilespmem:$0x10400] =	vst v63  }
0x279: {  	s21 =	sadd.s32 s5, s17;
	s25 =	sand.u32 $0x1FFFFFF0, s19;
	s26 =	spop (v2sf)  }
0x27a: {  	[tilespmem:s13], [sflag:$0x2] =	stream.linear.gather [hbm4b:s21+s1], $0x80, $0x38;
	[tilespmem:$0x10400] =	vst v63  }
0x27b: {  	s29 =	sadd.s32 s5, s25;
	s30 =	sand.u32 $0x1FFFFFF0, s26;
	s31 =	spop (v2sf)  }
0x27c: {  	[tilespmem:s8], [sflag:$0x2] =	stream.linear.gather [hbm4b:s29+s1], $0x80, $0x38;
	[tilespmem:$0x10400] =	vst v63  }
0x27d: {  	s12 =	sadd.s32 s5, s30;
	s13 =	sand.u32 $0x1FFFFFF0, s31;
	s14 =	spop (v2sf)  }
0x27e: {  	[tilespmem:s7], [sflag:$0x2] =	stream.linear.gather [hbm4b:s12+s1], $0x80, $0x38;
	[tilespmem:$0x10400] =	vst v63  }
0x27f: {  	s15 =	sadd.s32 s5, s13;
	s16 =	sand.u32 $0x1FFFFFF0, s14;
	s17 =	spop (v2sf)  }
0x280: {  	[tilespmem:s4], [sflag:$0x2] =	stream.linear.gather [hbm4b:s15+s1], $0x80, $0x38;
	[tilespmem:$0x10400] =	vst v63  }
0x281: {  	s19 =	sadd.s32 $0x8B00, s0;
	s21 =	sadd.s32 s5, s16;
	s25 =	sand.u32 $0x1FFFFFF0, s17  }
0x282: {  	[tilespmem:s19], [sflag:$0x2] =	stream.linear.gather [hbm4b:s21+s1], $0x80, $0x38;
	[tilespmem:$0x10400] =	vst v63  }
0x283: {  	s0 =	sadd.s32 $0x8B80, s0;
	s26 =	sadd.s32 s5, s25  }
0x284: {  	[tilespmem:s0], [sflag:$0x2] =	stream.linear.gather [hbm4b:s26+s1], $0x80, $0x38;
	[tilespmem:$0x10400] =	vst v63  }
0x285: {  	_ =	swait.ge [sflag:s20], $0x8000  }
0x286: {  	s29 =	simm.s32 $0x0;
	[sflag:s20] =	ssyncset.done $0x0  }
0x287: {  	s31 =	simm.s32 $0x400;
	s30 =	rddreg [dreg:$0xa];
	[sflag:s20] =	ssyncadd.s32 $0xFFFF8000  }
0x288: {  	[hbm4b:s30+s29] =	stream.linear.scatter [tilespmem:s31], [sflag:$0x3], $0x8000, $0x38;
	[tilespmem:$0x10400] =	vst v63  }
0x289: {  	_ =	swait.ge [sflag:s18], $0x8000  }
0x28a: {  	[sflag:s18] =	ssyncset.done $0x0  }
0x28b: {  	s26 =	simm.s32 $0x200;
	[sflag:s18] =	ssyncadd.s32 $0xFFFF8000  }
0x28c: {  	v0 =	vld [tilespmem:s26+$0x0];
	_ =	sdelay $0x4  }
0x28d: {  	v0 =	vshll.u32 v0, $0x4  }
0x28e: {  	(v2sf) =	vpush v0, $0x0  }
0x28f: {  	(v2sf) =	vpush v0, $0x1  }
0x290: {  	(v2sf) =	vpush v0, $0x2;
	_ =	sdelay $0x1  }
0x291: {  	(v2sf) =	vpush v0, $0x4;
	_ =	sdelay $0x1  }
0x292: {  	(v2sf) =	vpush v0, $0x3  }
0x293: {  	(v2sf) =	vpush v0, $0x5  }
0x294: {  	s28 =	simm.s32 $0x2000;
	s25 =	simm.s32 $0x0;
	(v2sf) =	vpush v0, $0x6  }
.LBB2_14:
0x295: {  	p0 =	sne.s32 s28, $0x1E000  }
0x296: {  	s11 =	sadd.s32 $0x480, s25;
	s30 =	sadd.s32 $0x980, s25;
	s29 =	smov.u32 s28  }
0x297: {  	s28 =	sadd.s32 $0x2000, s28;
	s19 =	sadd.s32 $0x780, s25;
	s0 =	sadd.s32 $0xA00, s25;
	(v2sf) =	vpush v0, $0x7  }
0x298: {  	s10 =	sadd.s32 $0x680, s25;
	s8 =	sadd.s32 $0x800, s25;
	s4 =	sadd.s32 $0xA80, s25  }
0x299: {  	s12 =	sadd.s32 $0x400, s25;
	s13 =	sadd.s32 $0x600, s25;
	(v2sf) =	vpush v0, $0x8  }
0x29a: {  	s14 =	sadd.s32 $0x700, s25;
	s26 =	sadd.s32 $0x10, s26  }
0x29b: {  	s15 =	sadd.s32 $0x500, s25;
	s7 =	sadd.s32 $0x900, s25;
	s9 =	spop (v2sf);
	(v2sf) =	vpush v0, $0x9  }
0x29c: {  	s16 =	sand.u32 $0x1FFFFFF0, s9;
	s9 =	sadd.s32 $0x880, s25;
	s17 =	spop (v2sf)  }
0x29d: {  	s16 =	sadd.s32 s6, s16;
	s17 =	sand.u32 $0x1FFFFFF0, s17;
	s21 =	spop (v2sf);
	(v2sf) =	vpush v0, $0xA  }
0x29e: {  	[tilespmem:s12], [sflag:$0x1] =	stream.linear.gather [hbm4b:s16+s1], $0x80, $0x38;
	[tilespmem:$0x10400] =	vst v63  }
0x29f: {  	s12 =	sadd.s32 s6, s17;
	s16 =	sadd.s32 $0x580, s25;
	s17 =	spop (v2sf);
	(v2sf) =	vpush v0, $0xB  }
0x2a0: {  	[tilespmem:s11], [sflag:$0x1] =	stream.linear.gather [hbm4b:s12+s1], $0x80, $0x38;
	[tilespmem:$0x10400] =	vst v63  }
0x2a1: {  	s11 =	sand.u32 $0x1FFFFFF0, s21;
	s12 =	sand.u32 $0x1FFFFFF0, s17;
	s17 =	spop (v2sf);
	(v2sf) =	vpush v0, $0xC  }
0x2a2: {  	s11 =	sadd.s32 s6, s11;
	s17 =	sand.u32 $0x1FFFFFF0, s17;
	s21 =	spop (v2sf)  }
0x2a3: {  	[tilespmem:s15], [sflag:$0x1] =	stream.linear.gather [hbm4b:s11+s1], $0x80, $0x38;
	(v2sf) =	vpush v0, $0xD;
	[tilespmem:$0x10400] =	vst v63  }
0x2a4: {  	s11 =	sadd.s32 s6, s17;
	s15 =	sand.u32 $0x1FFFFFF0, s21;
	s17 =	spop (v2sf)  }
0x2a5: {  	[tilespmem:s16], [sflag:$0x1] =	stream.linear.gather [hbm4b:s11+s1], $0x80, $0x38;
	(v2sf) =	vpush v0, $0xE;
	[tilespmem:$0x10400] =	vst v63  }
0x2a6: {  	s11 =	sadd.s32 s6, s12;
	s12 =	sand.u32 $0x1FFFFFF0, s17;
	s16 =	spop (v2sf)  }
0x2a7: {  	[tilespmem:s13], [sflag:$0x1] =	stream.linear.gather [hbm4b:s11+s1], $0x80, $0x38;
	(v2sf) =	vpush v0, $0xF;
	[tilespmem:$0x10400] =	vst v63  }
0x2a8: {  	s11 =	sadd.s32 s6, s15;
	s13 =	sand.u32 $0x1FFFFFF0, s16;
	s15 =	spop (v2sf)  }
0x2a9: {  	[tilespmem:s10], [sflag:$0x1] =	stream.linear.gather [hbm4b:s11+s1], $0x80, $0x38;
	[tilespmem:$0x10400] =	vst v63  }
0x2aa: {  	s10 =	sadd.s32 s6, s12;
	s11 =	sand.u32 $0x1FFFFFF0, s15;
	s12 =	spop (v2sf)  }
0x2ab: {  	[tilespmem:s14], [sflag:$0x1] =	stream.linear.gather [hbm4b:s10+s1], $0x80, $0x38;
	[tilespmem:$0x10400] =	vst v63  }
0x2ac: {  	s10 =	sadd.s32 s6, s13;
	s12 =	sand.u32 $0x1FFFFFF0, s12;
	s13 =	spop (v2sf)  }
0x2ad: {  	[tilespmem:s19], [sflag:$0x1] =	stream.linear.gather [hbm4b:s10+s1], $0x80, $0x38;
	[tilespmem:$0x10400] =	vst v63  }
0x2ae: {  	s10 =	sadd.s32 s6, s11;
	s11 =	sand.u32 $0x1FFFFFF0, s13;
	s13 =	spop (v2sf)  }
0x2af: {  	[tilespmem:s8], [sflag:$0x1] =	stream.linear.gather [hbm4b:s10+s1], $0x80, $0x38;
	[tilespmem:$0x10400] =	vst v63  }
0x2b0: {  	s8 =	sadd.s32 s6, s12;
	s10 =	sand.u32 $0x1FFFFFF0, s13;
	s12 =	spop (v2sf)  }
0x2b1: {  	[tilespmem:s9], [sflag:$0x1] =	stream.linear.gather [hbm4b:s8+s1], $0x80, $0x38;
	[tilespmem:$0x10400] =	vst v63  }
0x2b2: {  	s8 =	sadd.s32 s6, s11;
	s9 =	sand.u32 $0x1FFFFFF0, s12;
	s11 =	spop (v2sf)  }
0x2b3: {  	[tilespmem:s7], [sflag:$0x1] =	stream.linear.gather [hbm4b:s8+s1], $0x80, $0x38;
	[tilespmem:$0x10400] =	vst v63  }
0x2b4: {  	s7 =	sadd.s32 s6, s10;
	s8 =	sand.u32 $0x1FFFFFF0, s11;
	s10 =	spop (v2sf)  }
0x2b5: {  	[tilespmem:s30], [sflag:$0x1] =	stream.linear.gather [hbm4b:s7+s1], $0x80, $0x38;
	[tilespmem:$0x10400] =	vst v63  }
0x2b6: {  	s7 =	sadd.s32 s6, s9;
	s9 =	sand.u32 $0x1FFFFFF0, s10;
	s10 =	spop (v2sf)  }
0x2b7: {  	[tilespmem:s0], [sflag:$0x1] =	stream.linear.gather [hbm4b:s7+s1], $0x80, $0x38;
	[tilespmem:$0x10400] =	vst v63  }
0x2b8: {  	s0 =	sadd.s32 s6, s8;
	s7 =	sand.u32 $0x1FFFFFF0, s10  }
0x2b9: {  	[tilespmem:s4], [sflag:$0x1] =	stream.linear.gather [hbm4b:s0+s1], $0x80, $0x38;
	[tilespmem:$0x10400] =	vst v63  }
0x2ba: {  	s0 =	sadd.s32 $0xB00, s25;
	s4 =	sadd.s32 s6, s9  }
0x2bb: {  	[tilespmem:s0], [sflag:$0x1] =	stream.linear.gather [hbm4b:s4+s1], $0x80, $0x38;
	[tilespmem:$0x10400] =	vst v63  }
0x2bc: {  	s0 =	sadd.s32 $0xB80, s25;
	s4 =	sadd.s32 s6, s7  }
0x2bd: {  	[tilespmem:s0], [sflag:$0x1] =	stream.linear.gather [hbm4b:s4+s1], $0x80, $0x38;
	[tilespmem:$0x10400] =	vst v63  }
0x2be: {  	v0 =	vld [tilespmem:s26+$0x0];
	_ =	sdelay $0x4  }
0x2bf: {  	v0 =	vshll.u32 v0, $0x4  }
0x2c0: {  	(v2sf) =	vpush v0, $0x0  }
0x2c1: {  	(v2sf) =	vpush v0, $0x1  }
0x2c2: {  	(v2sf) =	vpush v0, $0x2;
	_ =	sdelay $0x1  }
0x2c3: {  	(v2sf) =	vpush v0, $0x4  }
.Ltmp6:
0x2c4: {  	(pc) =	sbr.rel @p0 .LBB2_14-.Ltmp6, $3  }
0x2c5: {  	(v2sf) =	vpush v0, $0x3  }
0x2c6: {  	(v2sf) =	vpush v0, $0x5;
	_ =	sdelay $0x1  }
0x2c7: {  	s25 =	sshra.s32 s29, $0x2;
	(v2sf) =	vpush v0, $0x6  }
0x2c8: {  	_ =	sdelay $0x1  }
0x2c9: {  	s8 =	sadd.s32 $0x480, s25;
	s7 =	sadd.s32 $0x980, s25  }
0x2ca: {  	s9 =	sadd.s32 $0x780, s25;
	s0 =	sadd.s32 $0xA00, s25;
	(v2sf) =	vpush v0, $0x7;
	s10 =	sadd.s32 $0x680, s25  }
0x2cb: {  	s11 =	sadd.s32 $0x800, s25;
	s4 =	sadd.s32 $0xA80, s25;
	s12 =	sadd.s32 $0x400, s25  }
0x2cc: {  	s13 =	sadd.s32 $0x600, s25;
	s14 =	sadd.s32 $0x700, s25;
	(v2sf) =	vpush v0, $0x8;
	s15 =	spop (v2sf)  }
0x2cd: {  	s16 =	sadd.s32 $0x500, s25;
	s15 =	sand.u32 $0x1FFFFFF0, s15;
	s17 =	spop (v2sf)  }
0x2ce: {  	(v2sf) =	vpush v0, $0x9;
	s15 =	sadd.s32 s6, s15;
	s17 =	sand.u32 $0x1FFFFFF0, s17;
	s19 =	spop (v2sf)  }
0x2cf: {  	[tilespmem:s12], [sflag:$0x1] =	stream.linear.gather [hbm4b:s15+s1], $0x80, $0x38;
	[tilespmem:$0x10400] =	vst v63  }
0x2d0: {  	s21 =	sadd.s32 $0x580, s25;
	(v2sf) =	vpush v0, $0xA;
	s30 =	sadd.s32 s6, s17;
	s31 =	spop (v2sf)  }
0x2d1: {  	[tilespmem:s8], [sflag:$0x1] =	stream.linear.gather [hbm4b:s30+s1], $0x80, $0x38;
	[tilespmem:$0x10400] =	vst v63  }
0x2d2: {  	s12 =	sadd.s32 $0x900, s25;
	s26 =	sand.u32 $0x1FFFFFF0, s19;
	(v2sf) =	vpush v0, $0xB;
	s29 =	spop (v2sf)  }
0x2d3: {  	s15 =	sadd.s32 s6, s26;
	s8 =	sadd.s32 $0x880, s25;
	s19 =	sand.u32 $0x1FFFFFF0, s29  }
0x2d4: {  	(v2sf) =	vpush v0, $0xC;
	[tilespmem:s16], [sflag:$0x1] =	stream.linear.gather [hbm4b:s15+s1], $0x80, $0x38;
	[tilespmem:$0x10400] =	vst v63  }
0x2d5: {  	s30 =	sand.u32 $0x1FFFFFF0, s31;
	s31 =	spop (v2sf);
	s26 =	sadd.s32 s6, s19  }
0x2d6: {  	(v2sf) =	vpush v0, $0xD;
	[tilespmem:s21], [sflag:$0x1] =	stream.linear.gather [hbm4b:s26+s1], $0x80, $0x38;
	[tilespmem:$0x10400] =	vst v63  }
0x2d7: {  	s15 =	sadd.s32 s6, s30;
	s16 =	sand.u32 $0x1FFFFFF0, s31;
	s29 =	spop (v2sf)  }
0x2d8: {  	(v2sf) =	vpush v0, $0xE;
	[tilespmem:s13], [sflag:$0x1] =	stream.linear.gather [hbm4b:s15+s1], $0x80, $0x38;
	[tilespmem:$0x10400] =	vst v63  }
0x2d9: {  	s16 =	sadd.s32 s6, s16;
	s30 =	sand.u32 $0x1FFFFFF0, s29;
	s31 =	spop (v2sf)  }
0x2da: {  	(v2sf) =	vpush v0, $0xF;
	[tilespmem:s10], [sflag:$0x1] =	stream.linear.gather [hbm4b:s16+s1], $0x80, $0x38;
	[tilespmem:$0x10400] =	vst v63  }
0x2db: {  	s17 =	sand.u32 $0x1FFFFFF0, s31;
	s19 =	spop (v2sf);
	s13 =	sadd.s32 s6, s30  }
0x2dc: {  	[tilespmem:s14], [sflag:$0x1] =	stream.linear.gather [hbm4b:s13+s1], $0x80, $0x38;
	[tilespmem:$0x10400] =	vst v63  }
0x2dd: {  	s21 =	sand.u32 $0x1FFFFFF0, s19;
	s10 =	sadd.s32 s6, s17;
	s26 =	spop (v2sf)  }
0x2de: {  	[tilespmem:s9], [sflag:$0x1] =	stream.linear.gather [hbm4b:s10+s1], $0x80, $0x38;
	[tilespmem:$0x10400] =	vst v63  }
0x2df: {  	s13 =	sadd.s32 s6, s21;
	s29 =	sand.u32 $0x1FFFFFF0, s26;
	s30 =	spop (v2sf)  }
0x2e0: {  	[tilespmem:s11], [sflag:$0x1] =	stream.linear.gather [hbm4b:s13+s1], $0x80, $0x38;
	[tilespmem:$0x10400] =	vst v63  }
0x2e1: {  	s10 =	sand.u32 $0x1FFFFFF0, s30;
	s9 =	sadd.s32 s6, s29;
	s31 =	spop (v2sf)  }
0x2e2: {  	[tilespmem:s8], [sflag:$0x1] =	stream.linear.gather [hbm4b:s9+s1], $0x80, $0x38;
	[tilespmem:$0x10400] =	vst v63  }
0x2e3: {  	s10 =	sadd.s32 s6, s10;
	s11 =	sand.u32 $0x1FFFFFF0, s31;
	s13 =	spop (v2sf)  }
0x2e4: {  	[tilespmem:s12], [sflag:$0x1] =	stream.linear.gather [hbm4b:s10+s1], $0x80, $0x38;
	[tilespmem:$0x10400] =	vst v63  }
0x2e5: {  	s8 =	sadd.s32 s6, s11;
	s9 =	sand.u32 $0x1FFFFFF0, s13;
	s14 =	spop (v2sf)  }
0x2e6: {  	[tilespmem:s7], [sflag:$0x1] =	stream.linear.gather [hbm4b:s8+s1], $0x80, $0x38;
	[tilespmem:$0x10400] =	vst v63  }
0x2e7: {  	s15 =	sand.u32 $0x1FFFFFF0, s14;
	s9 =	sadd.s32 s6, s9;
	s16 =	spop (v2sf)  }
0x2e8: {  	[tilespmem:s0], [sflag:$0x1] =	stream.linear.gather [hbm4b:s9+s1], $0x80, $0x38;
	[tilespmem:$0x10400] =	vst v63  }
0x2e9: {  	s17 =	sand.u32 $0x1FFFFFF0, s16;
	s19 =	spop (v2sf);
	s7 =	sadd.s32 s6, s15  }
0x2ea: {  	[tilespmem:s4], [sflag:$0x1] =	stream.linear.gather [hbm4b:s7+s1], $0x80, $0x38;
	[tilespmem:$0x10400] =	vst v63  }
0x2eb: {  	s26 =	sadd.s32 $0xB00, s25;
	s21 =	sand.u32 $0x1FFFFFF0, s19;
	s0 =	sadd.s32 s6, s17  }
0x2ec: {  	[tilespmem:s26], [sflag:$0x1] =	stream.linear.gather [hbm4b:s0+s1], $0x80, $0x38;
	[tilespmem:$0x10400] =	vst v63  }
0x2ed: {  	s29 =	sadd.s32 $0xB80, s25;
	s4 =	sadd.s32 s6, s21  }
0x2ee: {  	[tilespmem:s29], [sflag:$0x1] =	stream.linear.gather [hbm4b:s4+s1], $0x80, $0x38;
	[tilespmem:$0x10400] =	vst v63  }
0x2ef: {  	_ =	swait.ge [sflag:s22], $0x8000  }
0x2f0: {  	[sflag:s22] =	ssyncset.done $0x0  }
0x2f1: {  	s25 =	simm.s32 $0x0;
	s30 =	rddreg [dreg:$0xb];
	[sflag:s22] =	ssyncadd.s32 $0xFFFF8000  }
0x2f2: {  	[hbm4b:s30+s25] =	stream.linear.scatter [tilespmem:s23], [sflag:$0x3], $0x8000, $0x38;
	[tilespmem:$0x10400] =	vst v63  }
0x2f3: {  	_ =	swait.ge [sflag:s18], $0x8000  }
0x2f4: {  	[sflag:s18] =	ssyncset.done $0x0  }
0x2f5: {  	s31 =	sand.u32 $0xF0, s25;
	[sflag:s18] =	ssyncadd.s32 $0xFFFF8000  }
0x2f6: {  	v0 =	vld [tilespmem:s31+$0x300];
	_ =	sdelay $0x4  }
0x2f7: {  	v0 =	vshll.u32 v0, $0x4  }
0x2f8: {  	(v2sf) =	vpush v0, $0x0  }
0x2f9: {  	(v2sf) =	vpush v0, $0x2  }
0x2fa: {  	(v2sf) =	vpush v0, $0x1;
	_ =	sdelay $0x1  }
0x2fb: {  	(v2sf) =	vpush v0, $0x3  }
0x2fc: {  	(v2sf) =	vpush v0, $0x4;
	_ =	sdelay $0x2  }
0x2fd: {  	s28 =	simm.s32 $0x10;
	s26 =	simm.s32 $0x2000  }
.LBB2_16:
0x2fe: {  	p0 =	sne.s32 s26, $0x1E000;
	(v2sf) =	vpush v0, $0x5;
	s0 =	smov.u32 s26;
	s26 =	sadd.s32 $0x2000, s26  }
0x2ff: {  	s29 =	sshra.s32 s25, $0x2;
	s25 =	smov.u32 s0  }
0x300: {  	s10 =	sadd.s32 $0x8480, s29;
	(v2sf) =	vpush v0, $0x6  }
0x301: {  	s11 =	sadd.s32 $0x8400, s29  }
0x302: {  	s30 =	sadd.s32 $0x8980, s29;
	s4 =	sadd.s32 $0x8A00, s29;
	s0 =	sadd.s32 $0x8A80, s29;
	(v2sf) =	vpush v0, $0x7  }
0x303: {  	s8 =	sadd.s32 $0x8800, s29;
	s7 =	sadd.s32 $0x8880, s29;
	s31 =	sadd.s32 $0x8900, s29  }
0x304: {  	s12 =	sadd.s32 $0x8700, s29;
	s9 =	sadd.s32 $0x8780, s29;
	s13 =	spop (v2sf);
	(v2sf) =	vpush v0, $0x8  }
0x305: {  	s14 =	sadd.s32 $0x8500, s29;
	s13 =	sand.u32 $0x1FFFFFF0, s13;
	s15 =	spop (v2sf)  }
0x306: {  	s16 =	sadd.s32 $0x8680, s29;
	s13 =	sadd.s32 s6, s13;
	s17 =	spop (v2sf);
	(v2sf) =	vpush v0, $0x9  }
0x307: {  	[tilespmem:s11], [sflag:$0x2] =	stream.linear.gather [hbm4b:s13+s1], $0x80, $0x38;
	[tilespmem:$0x10400] =	vst v63  }
0x308: {  	s11 =	sand.u32 $0x1FFFFFF0, s17;
	s13 =	sand.u32 $0x1FFFFFF0, s15;
	s15 =	spop (v2sf);
	(v2sf) =	vpush v0, $0xA  }
0x309: {  	s17 =	sadd.s32 $0x8600, s29;
	s11 =	sadd.s32 s6, s11;
	s19 =	spop (v2sf)  }
0x30a: {  	[tilespmem:s10], [sflag:$0x2] =	stream.linear.gather [hbm4b:s11+s1], $0x80, $0x38;
	(v2sf) =	vpush v0, $0xB;
	[tilespmem:$0x10400] =	vst v63  }
0x30b: {  	s10 =	sadd.s32 s6, s13;
	s11 =	sand.u32 $0x1FFFFFF0, s15;
	s13 =	sand.u32 $0x1FFFFFF0, s19  }
0x30c: {  	[tilespmem:s14], [sflag:$0x2] =	stream.linear.gather [hbm4b:s10+s1], $0x80, $0x38;
	(v2sf) =	vpush v0, $0xC;
	[tilespmem:$0x10400] =	vst v63  }
0x30d: {  	s11 =	sadd.s32 s6, s11;
	s10 =	sadd.s32 $0x8580, s29;
	s14 =	spop (v2sf)  }
0x30e: {  	[tilespmem:s10], [sflag:$0x2] =	stream.linear.gather [hbm4b:s11+s1], $0x80, $0x38;
	(v2sf) =	vpush v0, $0xD;
	[tilespmem:$0x10400] =	vst v63  }
0x30f: {  	s10 =	sadd.s32 s6, s13;
	s11 =	sand.u32 $0x1FFFFFF0, s14;
	s13 =	spop (v2sf)  }
0x310: {  	[tilespmem:s17], [sflag:$0x2] =	stream.linear.gather [hbm4b:s10+s1], $0x80, $0x38;
	(v2sf) =	vpush v0, $0xE;
	[tilespmem:$0x10400] =	vst v63  }
0x311: {  	s10 =	sadd.s32 s6, s11;
	s11 =	sand.u32 $0x1FFFFFF0, s13;
	s13 =	spop (v2sf)  }
0x312: {  	[tilespmem:s16], [sflag:$0x2] =	stream.linear.gather [hbm4b:s10+s1], $0x80, $0x38;
	(v2sf) =	vpush v0, $0xF;
	[tilespmem:$0x10400] =	vst v63  }
0x313: {  	s10 =	sadd.s32 s6, s11;
	s11 =	sand.u32 $0x1FFFFFF0, s13;
	s13 =	spop (v2sf)  }
0x314: {  	[tilespmem:s12], [sflag:$0x2] =	stream.linear.gather [hbm4b:s10+s1], $0x80, $0x38;
	[tilespmem:$0x10400] =	vst v63  }
0x315: {  	s10 =	sadd.s32 s6, s11;
	s11 =	sand.u32 $0x1FFFFFF0, s13;
	s12 =	spop (v2sf)  }
0x316: {  	[tilespmem:s9], [sflag:$0x2] =	stream.linear.gather [hbm4b:s10+s1], $0x80, $0x38;
	[tilespmem:$0x10400] =	vst v63  }
0x317: {  	s9 =	sadd.s32 s6, s11;
	s10 =	sand.u32 $0x1FFFFFF0, s12;
	s11 =	spop (v2sf)  }
0x318: {  	[tilespmem:s8], [sflag:$0x2] =	stream.linear.gather [hbm4b:s9+s1], $0x80, $0x38;
	[tilespmem:$0x10400] =	vst v63  }
0x319: {  	s8 =	sadd.s32 s6, s10;
	s9 =	sand.u32 $0x1FFFFFF0, s11;
	s10 =	spop (v2sf)  }
0x31a: {  	[tilespmem:s7], [sflag:$0x2] =	stream.linear.gather [hbm4b:s8+s1], $0x80, $0x38;
	[tilespmem:$0x10400] =	vst v63  }
0x31b: {  	s7 =	sadd.s32 s6, s9;
	s8 =	sand.u32 $0x1FFFFFF0, s10;
	s9 =	spop (v2sf)  }
0x31c: {  	[tilespmem:s31], [sflag:$0x2] =	stream.linear.gather [hbm4b:s7+s1], $0x80, $0x38;
	[tilespmem:$0x10400] =	vst v63  }
0x31d: {  	s7 =	sadd.s32 s6, s8;
	s8 =	sand.u32 $0x1FFFFFF0, s9;
	s9 =	spop (v2sf)  }
0x31e: {  	[tilespmem:s30], [sflag:$0x2] =	stream.linear.gather [hbm4b:s7+s1], $0x80, $0x38;
	[tilespmem:$0x10400] =	vst v63  }
0x31f: {  	s7 =	sadd.s32 s6, s8;
	s8 =	sand.u32 $0x1FFFFFF0, s9;
	s9 =	spop (v2sf)  }
0x320: {  	[tilespmem:s4], [sflag:$0x2] =	stream.linear.gather [hbm4b:s7+s1], $0x80, $0x38;
	[tilespmem:$0x10400] =	vst v63  }
0x321: {  	s4 =	sadd.s32 s6, s8;
	s7 =	sand.u32 $0x1FFFFFF0, s9;
	s8 =	spop (v2sf)  }
0x322: {  	[tilespmem:s0], [sflag:$0x2] =	stream.linear.gather [hbm4b:s4+s1], $0x80, $0x38;
	[tilespmem:$0x10400] =	vst v63  }
0x323: {  	s0 =	sadd.s32 $0x8B00, s29;
	s4 =	sadd.s32 s6, s7;
	s7 =	sand.u32 $0x1FFFFFF0, s8  }
0x324: {  	[tilespmem:s0], [sflag:$0x2] =	stream.linear.gather [hbm4b:s4+s1], $0x80, $0x38;
	[tilespmem:$0x10400] =	vst v63  }
0x325: {  	s7 =	sadd.s32 s6, s7;
	s0 =	sand.u32 $0xF0, s28;
	s4 =	sadd.s32 $0x8B80, s29  }
0x326: {  	[tilespmem:s4], [sflag:$0x2] =	stream.linear.gather [hbm4b:s7+s1], $0x80, $0x38;
	[tilespmem:$0x10400] =	vst v63  }
0x327: {  	v0 =	vld [tilespmem:s0+$0x300];
	_ =	sdelay $0x4  }
0x328: {  	v0 =	vshll.u32 v0, $0x4  }
0x329: {  	(v2sf) =	vpush v0, $0x0  }
0x32a: {  	(v2sf) =	vpush v0, $0x2  }
0x32b: {  	(v2sf) =	vpush v0, $0x1;
	_ =	sdelay $0x1  }
.Ltmp7:
0x32c: {  	(v2sf) =	vpush v0, $0x3;
	(pc) =	sbr.rel @p0 .LBB2_16-.Ltmp7, $2  }
0x32d: {  	(v2sf) =	vpush v0, $0x4;
	_ =	sdelay $0x2  }
0x32e: {  	s28 =	sadd.s32 $0x10, s28  }
0x32f: {  	_ =	sdelay $0x5  }
0x330: {  	s4 =	spop (v2sf)  }
0x331: {  	s8 =	spop (v2sf);
	(v2sf) =	vpush v0, $0x5;
	_ =	sdelay $0x1  }
0x332: {  	s12 =	spop (v2sf);
	(v2sf) =	vpush v0, $0x6;
	_ =	sdelay $0x2  }
0x333: {  	s16 =	spop (v2sf);
	(v2sf) =	vpush v0, $0x7  }
0x334: {  	s0 =	sshra.s32 s25, $0x2;
	s4 =	sand.u32 $0x1FFFFFF0, s4  }
0x335: {  	s7 =	sadd.s32 $0x8400, s0;
	s4 =	sadd.s32 s6, s4  }
0x336: {  	[tilespmem:s7], [sflag:$0x2] =	stream.linear.gather [hbm4b:s4+s1], $0x80, $0x38;
	[tilespmem:$0x10400] =	vst v63  }
0x337: {  	s4 =	sand.u32 $0x1FFFFFF0, s12;
	s19 =	spop (v2sf);
	(v2sf) =	vpush v0, $0x8  }
0x338: {  	s13 =	sadd.s32 $0x8480, s0;
	s14 =	sand.u32 $0x1FFFFFF0, s8;
	s4 =	sadd.s32 s6, s4  }
0x339: {  	[tilespmem:s13], [sflag:$0x2] =	stream.linear.gather [hbm4b:s4+s1], $0x80, $0x38;
	[tilespmem:$0x10400] =	vst v63  }
0x33a: {  	s15 =	sadd.s32 $0x8500, s0;
	s4 =	sadd.s32 s6, s14  }
0x33b: {  	[tilespmem:s15], [sflag:$0x2] =	stream.linear.gather [hbm4b:s4+s1], $0x80, $0x38;
	[tilespmem:$0x10400] =	vst v63  }
0x33c: {  	s4 =	sand.u32 $0x1FFFFFF0, s16  }
0x33d: {  	s17 =	sadd.s32 $0x8580, s0;
	s4 =	sadd.s32 s6, s4;
	s25 =	spop (v2sf);
	(v2sf) =	vpush v0, $0x9  }
0x33e: {  	[tilespmem:s17], [sflag:$0x2] =	stream.linear.gather [hbm4b:s4+s1], $0x80, $0x38;
	[tilespmem:$0x10400] =	vst v63  }
0x33f: {  	s4 =	sand.u32 $0x1FFFFFF0, s19;
	s28 =	spop (v2sf);
	(v2sf) =	vpush v0, $0xA  }
0x340: {  	s21 =	sadd.s32 $0x8600, s0;
	s4 =	sadd.s32 s6, s4  }
0x341: {  	[tilespmem:s21], [sflag:$0x2] =	stream.linear.gather [hbm4b:s4+s1], $0x80, $0x38;
	[tilespmem:$0x10400] =	vst v63  }
0x342: {  	s4 =	sand.u32 $0x1FFFFFF0, s25;
	s30 =	spop (v2sf);
	(v2sf) =	vpush v0, $0xB  }
0x343: {  	s26 =	sadd.s32 $0x8680, s0;
	s4 =	sadd.s32 s6, s4  }
0x344: {  	[tilespmem:s26], [sflag:$0x2] =	stream.linear.gather [hbm4b:s4+s1], $0x80, $0x38;
	[tilespmem:$0x10400] =	vst v63  }
0x345: {  	s4 =	sand.u32 $0x1FFFFFF0, s28  }
0x346: {  	s29 =	sadd.s32 $0x8700, s0;
	s4 =	sadd.s32 s6, s4;
	s7 =	spop (v2sf)  }
0x347: {  	(v2sf) =	vpush v0, $0xC;
	[tilespmem:s29], [sflag:$0x2] =	stream.linear.gather [hbm4b:s4+s1], $0x80, $0x38;
	[tilespmem:$0x10400] =	vst v63  }
0x348: {  	s4 =	sand.u32 $0x1FFFFFF0, s30  }
0x349: {  	s31 =	sadd.s32 $0x8780, s0;
	s4 =	sadd.s32 s6, s4  }
0x34a: {  	[tilespmem:s31], [sflag:$0x2] =	stream.linear.gather [hbm4b:s4+s1], $0x80, $0x38;
	[tilespmem:$0x10400] =	vst v63  }
0x34b: {  	s4 =	sand.u32 $0x1FFFFFF0, s7  }
0x34c: {  	s8 =	sadd.s32 $0x8800, s0;
	s4 =	sadd.s32 s6, s4;
	s9 =	spop (v2sf);
	(v2sf) =	vpush v0, $0xD  }
0x34d: {  	[tilespmem:s8], [sflag:$0x2] =	stream.linear.gather [hbm4b:s4+s1], $0x80, $0x38;
	[tilespmem:$0x10400] =	vst v63  }
0x34e: {  	s4 =	sand.u32 $0x1FFFFFF0, s9;
	s11 =	spop (v2sf);
	(v2sf) =	vpush v0, $0xE  }
0x34f: {  	s10 =	sadd.s32 $0x8880, s0;
	s4 =	sadd.s32 s6, s4  }
0x350: {  	[tilespmem:s10], [sflag:$0x2] =	stream.linear.gather [hbm4b:s4+s1], $0x80, $0x38;
	[tilespmem:$0x10400] =	vst v63  }
0x351: {  	s13 =	spop (v2sf);
	(v2sf) =	vpush v0, $0xF  }
0x352: {  	s4 =	sand.u32 $0x1FFFFFF0, s11  }
0x353: {  	s12 =	sadd.s32 $0x8900, s0;
	s4 =	sadd.s32 s6, s4  }
0x354: {  	[tilespmem:s12], [sflag:$0x2] =	stream.linear.gather [hbm4b:s4+s1], $0x80, $0x38;
	[tilespmem:$0x10400] =	vst v63  }
0x355: {  	s4 =	sand.u32 $0x1FFFFFF0, s13  }
0x356: {  	s14 =	sadd.s32 $0x8980, s0;
	s15 =	spop (v2sf);
	s4 =	sadd.s32 s6, s4  }
0x357: {  	[tilespmem:s14], [sflag:$0x2] =	stream.linear.gather [hbm4b:s4+s1], $0x80, $0x38;
	[tilespmem:$0x10400] =	vst v63  }
0x358: {  	s4 =	sand.u32 $0x1FFFFFF0, s15  }
0x359: {  	s16 =	sadd.s32 $0x8A00, s0;
	s4 =	sadd.s32 s6, s4  }
0x35a: {  	[tilespmem:s16], [sflag:$0x2] =	stream.linear.gather [hbm4b:s4+s1], $0x80, $0x38;
	[tilespmem:$0x10400] =	vst v63  }
0x35b: {  	s17 =	spop (v2sf)  }
0x35c: {  	s4 =	sand.u32 $0x1FFFFFF0, s17  }
0x35d: {  	s19 =	sadd.s32 $0x8A80, s0;
	s21 =	spop (v2sf);
	s4 =	sadd.s32 s6, s4  }
0x35e: {  	[tilespmem:s19], [sflag:$0x2] =	stream.linear.gather [hbm4b:s4+s1], $0x80, $0x38;
	[tilespmem:$0x10400] =	vst v63  }
0x35f: {  	s4 =	sand.u32 $0x1FFFFFF0, s21  }
0x360: {  	s25 =	sadd.s32 $0x8B00, s0;
	s26 =	spop (v2sf);
	s4 =	sadd.s32 s6, s4  }
0x361: {  	[tilespmem:s25], [sflag:$0x2] =	stream.linear.gather [hbm4b:s4+s1], $0x80, $0x38;
	[tilespmem:$0x10400] =	vst v63  }
0x362: {  	s4 =	sand.u32 $0x1FFFFFF0, s26  }
0x363: {  	s0 =	sadd.s32 $0x8B80, s0;
	s4 =	sadd.s32 s6, s4  }
0x364: {  	[tilespmem:s0], [sflag:$0x2] =	stream.linear.gather [hbm4b:s4+s1], $0x80, $0x38;
	[tilespmem:$0x10400] =	vst v63  }
0x365: {  	_ =	swait.ge [sflag:s20], $0x8000  }
0x366: {  	[sflag:s20] =	ssyncset.done $0x0  }
0x367: {  	s29 =	simm.s32 $0x400;
	s28 =	rddreg [dreg:$0xc];
	[sflag:s20] =	ssyncadd.s32 $0xFFFF8000  }
0x368: {  	[hbm4b:s28+s1] =	stream.linear.scatter [tilespmem:s29], [sflag:$0x3], $0x8000, $0x38;
	[tilespmem:$0x10400] =	vst v63  }
0x369: {  	_ =	swait.ge [sflag:s18], $0x8000  }
0x36a: {  	[sflag:s18] =	ssyncset.done $0x0  }
0x36b: {  	[sflag:s18] =	ssyncadd.s32 $0xFFFF8000  }
0x36c: {  	_ =	swait.ge [sflag:s22], $0x8000  }
0x36d: {  	[sflag:s22] =	ssyncset.done $0x0  }
0x36e: {  	s30 =	rddreg [dreg:$0xd];
	[sflag:s22] =	ssyncadd.s32 $0xFFFF8000  }
0x36f: {  	[hbm4b:s30+s1] =	stream.linear.scatter [tilespmem:s23], [sflag:$0x3], $0x8000, $0x38;
	[tilespmem:$0x10400] =	vst v63  }
0x370: {  	_ =	swait.ge [sflag:s18], $0x8000  }
0x371: {  	s24 =	sadd.s32 $0x1, s24;
	s31 =	rddreg [dreg:$0xe]  }
0x372: {  	p0 =	sne.s32 s24, s31  }
.Ltmp8:
0x373: {  	_ = 	snop;
	(pc) =	sbr.rel @p0 .LBB2_1-.Ltmp8, $3  }
0x374: {  	_ =	sdelay $0x1  }
0x375: {  	[sflag:s18] =	ssyncset.done $0x0  }
0x376: {  	[sflag:s18] =	ssyncadd.s32 $0xFFFF8000  }
0x377: {  	_ =	sfence.sel $0x180000  }
0x378: {  	[bflag:$0x0] =	sbarrier.arrive $0xFFFF  }
0x379: {  	_ =	strace $0x90000047  }
0x37a: {  	s0 =	stileid.u32;
	[bflag:$0x2] =	sbarrier.arrive $0xFFFF  }
0x37b: {  	p0 =	sne.s32 s0, $0x0;
	s0 =	rddreg [dreg:$0x3]  }
0x37c: {  	s0 =	sadd.s32 @!p0 $0x100000, s0  }
0x37d: {  	[sflag:s0] =	ssyncadd.tile.s32 @!p0 $0x1;
	_ =	shalt  }
.Lfunc_end2:
_tile_overlayer_lowered:
.L_overlay_start_2:
0x37e: {  	(tag) =	ssettag $0x2  }
0x37f: {  	s0 =	rddreg [dreg:$0x0];
	s2 =	stileid.u32  }
0x380: {  	s1 =	rddreg [dreg:$0x1];
	p0 =	sne.s32 s2, $0x0  }
0x381: {  	s3 =	rddreg [dreg:$0x2];
	[bflag:$0x3] =	sbarrier.arrive $0xFFFF;
	s2 =	simm.s32 @!p0 $0x1C03  }
0x382: {  	[timem:s3], [sflag:s2] =	dma.local @!p0 [hbm:s0], s1  }
0x383: {  	s0 =	simm.s32 @!p0 $0x3  }
0x384: {  	_ =	swait.ge @!p0 [sflag:s0], s1  }
0x385: {  	s1 =	ssub.s32 @!p0 $0x0, s1;
	[sflag:s0] =	ssyncset.done @!p0 $0x0  }
0x386: {  	[sflag:s0] =	ssyncadd.s32 @!p0 s1  }
0x387: {  	[bflag:$0x3] =	sbarrier.arrive $0xFFFF  }
0x388: {  	_ =	shalt  }

</sc_bundles>
